<compile_context>
chip_gen: v7x
topology: tpu7x:2x2x1
jax: 0.10.2.dev20260603
libtpu: 0.0.44.dev20260713+nightly
codegen_flags: <defaults>
</compile_context>

<pallas_src>
import functools

import jax
import jax.numpy as jnp
from jax import lax
from jax.experimental import pallas as pl
from jax.experimental.pallas import tpu as pltpu
from jax.experimental.pallas import tpu_sc as plsc

N = 10000
E = 320000
KS = (2000, 1000, 500)
F32 = jnp.float32

NC, NS = 2, 16
NW = NC * NS
EPT = E // NW
CH = 80
NCHUNK = EPT // CH


def _dot(a, b):
    return jnp.dot(a, b, preferred_element_type=F32)



def _sc_mesh():
    return plsc.VectorSubcoreMesh(core_axis_name="c", subcore_axis_name="s")


def _sc_indeg(dst, ones_rows, zeros_acc):

    @functools.partial(
        pl.kernel,
        mesh=_sc_mesh(),
        compiler_params=pltpu.CompilerParams(use_tc_tiling_on_sc=False),
        out_type=jax.ShapeDtypeStruct((NC, N, 8), F32),
        scratch_types=[
            pltpu.VMEM((CH,), jnp.int32),
            pltpu.VMEM((CH, 8), F32),
            pltpu.VMEM_SHARED((N, 8), F32),
        ],
    )
    def k(dst_hbm, ones_hbm, zero_hbm, out_hbm, dst_v, ones_v, acc_sh):
        cid = lax.axis_index("c")
        sid = lax.axis_index("s")

        @pl.when(sid == 0)
        def _():
            pltpu.sync_copy(zero_hbm, acc_sh)

        pltpu.sync_copy(ones_hbm, ones_v)
        plsc.subcore_barrier()
        base = (sid * NC + cid) * EPT

        def body(j, carry):
            pltpu.sync_copy(dst_hbm.at[pl.ds(base + j * CH, CH)], dst_v)
            pltpu.sync_copy(ones_v, acc_sh.at[dst_v], add=True)
            return carry

        lax.fori_loop(0, NCHUNK, body, 0)
        plsc.subcore_barrier()

        @pl.when(sid == 0)
        def _():
            pltpu.sync_copy(acc_sh, out_hbm.at[cid])

    return k(dst, ones_rows, zeros_acc)


def _sc_msg(t, src, dst, zeros_acc):

    @functools.partial(
        pl.kernel,
        mesh=_sc_mesh(),
        compiler_params=pltpu.CompilerParams(use_tc_tiling_on_sc=False),
        out_type=jax.ShapeDtypeStruct((NC, N, 64), F32),
        scratch_types=[
            pltpu.VMEM((CH,), jnp.int32),
            pltpu.VMEM((CH,), jnp.int32),
            pltpu.VMEM((CH, 64), F32),
            pltpu.VMEM_SHARED((N, 64), F32),
            pltpu.SemaphoreType.DMA,
        ],
    )
    def k(t_hbm, src_hbm, dst_hbm, zero_hbm, out_hbm,
          src_v, dst_v, rows_v, acc_sh, sem):
        cid = lax.axis_index("c")
        sid = lax.axis_index("s")

        @pl.when(sid == 0)
        def _():
            pltpu.sync_copy(zero_hbm, acc_sh)

        plsc.subcore_barrier()
        base = (sid * NC + cid) * EPT

        def body(j, carry):
            off = base + j * CH
            pltpu.sync_copy(src_hbm.at[pl.ds(off, CH)], src_v)
            pltpu.sync_copy(dst_hbm.at[pl.ds(off, CH)], dst_v)
            pltpu.async_copy(t_hbm.at[src_v], rows_v, sem).wait()
            pltpu.sync_copy(rows_v, acc_sh.at[dst_v], add=True)
            return carry

        lax.fori_loop(0, NCHUNK, body, 0)
        plsc.subcore_barrier()

        @pl.when(sid == 0)
        def _():
            pltpu.sync_copy(acc_sh, out_hbm.at[cid])

    return k(t, src, dst, zeros_acc)



def _indeg_of(ind_ref):
    return ind_ref[0, :, 0:1] + ind_ref[1, :, 0:1]


def _xw_scale_body(x_ref, w_ref, ind_ref, t_ref):
    dis = jax.lax.rsqrt(_indeg_of(ind_ref) + 2.0)
    t_ref[...] = _dot(x_ref[...], w_ref[...]) * dis


def _lvl0_post_body(m_ref, t_ref, ind_ref, b_ref, pw_ref, x_ref, s_ref):
    dis = jax.lax.rsqrt(_indeg_of(ind_ref) + 2.0)
    m = m_ref[0] + m_ref[1]
    h = (m + 2.0 * t_ref[...]) * dis + b_ref[...][None, :]
    x0 = jnp.maximum(h, 0.0)
    x_ref[...] = x0
    pw = pw_ref[...]
    inv_norm = jax.lax.rsqrt(jnp.sum(pw * pw))
    s_ref[...] = jnp.tanh(_dot(x0, pw[:, None]) * inv_norm)


def _lvl0_final_body(m_ref, t_ref, ind_ref, b_ref, o_ref):
    dis = jax.lax.rsqrt(_indeg_of(ind_ref) + 2.0)
    m = m_ref[0] + m_ref[1]
    h = (m + 2.0 * t_ref[...]) * dis + b_ref[...][None, :]
    mx = jnp.max(h, axis=1, keepdims=True)
    lse = mx + jnp.log(jnp.sum(jnp.exp(h - mx), axis=1, keepdims=True))
    o_ref[...] = h - lse


def _gcn_dense_score_body(a_ref, x_ref, w_ref, b_ref, pw_ref, o_ref, s_ref):
    A = a_ref[...]
    deg = jnp.sum(A, axis=1, keepdims=True) + 2.0
    dis = jax.lax.rsqrt(deg)
    yn = _dot(x_ref[...], w_ref[...]) * dis
    h = (_dot(A, yn) + 2.0 * yn) * dis + b_ref[...][None, :]
    xo = jnp.maximum(h, 0.0)
    o_ref[...] = xo
    pw = pw_ref[...]
    inv_norm = jax.lax.rsqrt(jnp.sum(pw * pw))
    s_ref[...] = jnp.tanh(_dot(xo, pw[:, None]) * inv_norm)


def _gcn_dense_body(a_ref, x_ref, w_ref, b_ref, o_ref, *, relu):
    A = a_ref[...]
    deg = jnp.sum(A, axis=1, keepdims=True) + 2.0
    dis = jax.lax.rsqrt(deg)
    yn = _dot(x_ref[...], w_ref[...]) * dis
    h = (_dot(A, yn) + 2.0 * yn) * dis + b_ref[...][None, :]
    o_ref[...] = jnp.maximum(h, 0.0) if relu else h


def _augmm_body(r_ref, c_ref, o_ref, *, mb):
    m = pl.program_id(0)
    k = pl.program_id(1)

    @pl.when(k == 0)
    def _():
        o_ref[...] = jnp.zeros_like(o_ref)

    o_ref[...] += _dot(r_ref[...], c_ref[...])

    @pl.when(k == pl.num_programs(1) - 1)
    def _():
        bm, n = o_ref.shape
        ii = jax.lax.broadcasted_iota(jnp.int32, (bm, n), 0) + m * mb
        jj = jax.lax.broadcasted_iota(jnp.int32, (bm, n), 1)
        o_ref[...] = jnp.where(ii == jj, 0.0, o_ref[...])


def _augmm_t_body(r_ref, ct_ref, o_ref):
    out = jax.lax.dot_general(
        r_ref[...], ct_ref[...], (((1,), (1,)), ((), ())),
        preferred_element_type=F32)
    n = out.shape[0]
    ii = jax.lax.broadcasted_iota(jnp.int32, (n, n), 0)
    jj = jax.lax.broadcasted_iota(jnp.int32, (n, n), 1)
    o_ref[...] = jnp.where(ii == jj, 0.0, out)


def _transpose_body(a_ref, o_ref):
    o_ref[...] = a_ref[...].T



def _xw_scale(x, w, ind):
    n = x.shape[0]
    return pl.pallas_call(
        _xw_scale_body,
        out_shape=jax.ShapeDtypeStruct((n, w.shape[1]), F32),
    )(x, w, ind)


def _lvl0_post(m, t, ind, b, pw):
    n = t.shape[0]
    return pl.pallas_call(
        _lvl0_post_body,
        out_shape=(
            jax.ShapeDtypeStruct((n, t.shape[1]), F32),
            jax.ShapeDtypeStruct((n, 1), F32),
        ),
    )(m, t, ind, b, pw)


def _lvl0_final(m, t, ind, b):
    n = t.shape[0]
    return pl.pallas_call(
        _lvl0_final_body,
        out_shape=jax.ShapeDtypeStruct((n, t.shape[1]), F32),
    )(m, t, ind, b)


def _gcn_dense_score(A, x, w, b, pw):
    n = A.shape[0]
    return pl.pallas_call(
        _gcn_dense_score_body,
        out_shape=(
            jax.ShapeDtypeStruct((n, w.shape[1]), F32),
            jax.ShapeDtypeStruct((n, 1), F32),
        ),
    )(A, x, w, b, pw)


def _gcn_dense(A, x, w, b, relu):
    n = A.shape[0]
    return pl.pallas_call(
        functools.partial(_gcn_dense_body, relu=relu),
        out_shape=jax.ShapeDtypeStruct((n, w.shape[1]), F32),
    )(A, x, w, b)


def _aug_matmul(R, C, mb, bk):
    k_new, kdim = R.shape
    return pl.pallas_call(
        functools.partial(_augmm_body, mb=mb),
        grid=(k_new // mb, kdim // bk),
        in_specs=[
            pl.BlockSpec((mb, bk), lambda m, k: (m, k)),
            pl.BlockSpec((bk, k_new), lambda m, k: (k, 0)),
        ],
        out_specs=pl.BlockSpec((mb, k_new), lambda m, k: (m, 0)),
        out_shape=jax.ShapeDtypeStruct((k_new, k_new), F32),
    )(R, C)


def _aug_matmul_t(R, Ct):
    k_new = R.shape[0]
    return pl.pallas_call(
        _augmm_t_body,
        out_shape=jax.ShapeDtypeStruct((k_new, k_new), F32),
    )(R, Ct)


def _transpose(A):
    n = A.shape[0]
    return pl.pallas_call(
        _transpose_body,
        out_shape=jax.ShapeDtypeStruct((n, n), F32),
    )(A)


def kernel(x, edge_index, W0, b0, W1, b1, W2, b2, W3, b3,
           pw1, pw2, pw3, U0, ub0, U1, ub1, U2, ub2):
    src = jnp.asarray(edge_index[0], jnp.int32)
    dst = jnp.asarray(edge_index[1], jnp.int32)

    ones_rows = jnp.ones((CH, 8), F32)
    zeros8 = jnp.zeros((N, 8), F32)
    zeros64 = jnp.zeros((N, 64), F32)

    ind = _sc_indeg(dst, ones_rows, zeros8)

    t0 = _xw_scale(x, W0, ind)
    m0 = _sc_msg(t0, src, dst, zeros64)
    x0, s1 = _lvl0_post(m0, t0, ind, b0, pw1)
    s1 = s1[:, 0]

    k1 = KS[0]
    vals1, perm1 = jax.lax.top_k(s1, k1)
    arange1 = jnp.arange(k1, dtype=jnp.int32)
    inv1 = jnp.full((N,), k1, jnp.int32).at[perm1].set(arange1)

    kpad = ((N + 2047) // 2048) * 2048
    src_ext = jnp.concatenate([src, perm1])
    dst_ext = jnp.concatenate([dst, perm1])
    ones_ext = jnp.ones((E + k1,), F32)
    rows = jnp.zeros((k1, kpad), F32).at[inv1[dst_ext], src_ext].add(
        ones_ext, mode="drop")
    cols = jnp.zeros((kpad, k1), F32).at[dst_ext, inv1[src_ext]].add(
        ones_ext, mode="drop")
    A1 = _aug_matmul(rows, cols, mb=k1 // 2, bk=512)

    x1p = x0[perm1] * vals1[:, None]
    x1, s2 = _gcn_dense_score(A1, x1p, W1, b1, pw2)
    s2 = s2[:, 0]

    k2 = KS[1]
    vals2, perm2 = jax.lax.top_k(s2, k2)
    arange2 = jnp.arange(k2, dtype=jnp.int32)
    A1t = _transpose(A1)
    rows2 = A1[perm2].at[arange2, perm2].add(1.0)
    cols2t = A1t[perm2].at[arange2, perm2].add(1.0)
    A2 = _aug_matmul_t(rows2, cols2t)
    x2p = x1[perm2] * vals2[:, None]
    x2, s3 = _gcn_dense_score(A2, x2p, W2, b2, pw3)
    s3 = s3[:, 0]

    k3 = KS[2]
    vals3, perm3 = jax.lax.top_k(s3, k3)
    arange3 = jnp.arange(k3, dtype=jnp.int32)
    A2t = _transpose(A2)
    rows3 = A2[perm3].at[arange3, perm3].add(1.0)
    cols3t = A2t[perm3].at[arange3, perm3].add(1.0)
    A3 = _aug_matmul_t(rows3, cols3t)
    x3p = x2[perm3] * vals3[:, None]
    x3 = _gcn_dense(A3, x3p, W3, b3, relu=True)

    xu2 = x2.at[perm3].add(x3)
    h2 = _gcn_dense(A2, xu2, U0, ub0, relu=True)
    xu1 = x1.at[perm2].add(h2)
    h1 = _gcn_dense(A1, xu1, U1, ub1, relu=True)
    xu0 = x0.at[perm1].add(h1)

    tf = _xw_scale(xu0, U2, ind)
    mf = _sc_msg(tf, src, dst, zeros64)
    return _lvl0_final(mf, tf, ind, ub2)

# --- scband reference (transcript-rebuilt; emitter-appended) ---
"""Pipeline reference for scband-gunet-4990751998612 (READ-ONLY COPY).

The authoritative reference and input builder live on the scoring server;
editing this copy changes nothing except your own understanding.
"""

import jax, jax.numpy as jnp
import numpy as np

N = 10000
E = 320000
D_IN = 128
H = 64
OUT = 64
KS = (2000, 1000, 500)


def gcn(x, A, W, b):
    # GCNConv with improved=True (self-loop weight 2.0), symmetric normalization
    n = A.shape[0]
    A_hat = A + 2.0 * jnp.eye(n, dtype=A.dtype)
    deg = A_hat.sum(axis=1)
    dis = jnp.where(deg > 0, 1.0 / jnp.sqrt(deg), 0.0)
    A_norm = A_hat * dis[:, None] * dis[None, :]
    return A_norm @ (x @ W) + b


def augment(A):
    # augment_adj: add self loops (w=1), A2 = A_aug @ A_aug (spspmm), remove self loops
    n = A.shape[0]
    A_aug = A + jnp.eye(n, dtype=A.dtype)
    A2 = A_aug @ A_aug
    return A2 * (1.0 - jnp.eye(n, dtype=A.dtype))


def topk_pool(x, A, pw, k):
    score = jnp.tanh((x @ pw) / jnp.linalg.norm(pw))
    vals, perm = jax.lax.top_k(score, k)
    x_new = x[perm] * vals[:, None]
    A_new = A[perm][:, perm]
    return x_new, A_new, perm


def setup_inputs(seed: int = 0):
    key = jax.random.key(seed)
    ks = jax.random.split(key, 20)

    def g(k, shape):
        return jax.random.normal(k, shape, dtype=jnp.float32) * (1.0 / np.sqrt(shape[0]))

    inp = {}
    inp["x"] = jax.random.normal(ks[0], (N, D_IN), dtype=jnp.float32)
    inp["edge_index"] = jax.random.randint(ks[1], (2, E), 0, N, dtype=jnp.int32)
    inp["W0"] = g(ks[2], (D_IN, H)); inp["b0"] = jnp.zeros((H,), jnp.float32)
    inp["W1"] = g(ks[3], (H, H)); inp["b1"] = jnp.zeros((H,), jnp.float32)
    inp["W2"] = g(ks[4], (H, H)); inp["b2"] = jnp.zeros((H,), jnp.float32)
    inp["W3"] = g(ks[5], (H, H)); inp["b3"] = jnp.zeros((H,), jnp.float32)
    inp["pw1"] = g(ks[6], (H,))
    inp["pw2"] = g(ks[7], (H,))
    inp["pw3"] = g(ks[8], (H,))
    inp["U0"] = g(ks[9], (H, H)); inp["ub0"] = jnp.zeros((H,), jnp.float32)
    inp["U1"] = g(ks[10], (H, H)); inp["ub1"] = jnp.zeros((H,), jnp.float32)
    inp["U2"] = g(ks[11], (H, OUT)); inp["ub2"] = jnp.zeros((OUT,), jnp.float32)
    return inp


def reference(x, edge_index, W0, b0, W1, b1, W2, b2, W3, b3, pw1, pw2, pw3, U0, ub0, U1, ub1, U2, ub2):
    # eval mode: dropout_edge(p=0.2) and F.dropout(p=0.92) are no-ops
    A = jnp.zeros((N, N), jnp.float32).at[edge_index[1], edge_index[0]].add(1.0)
    x = jax.nn.relu(gcn(x, A, W0, b0))
    xs = [x]
    As = [A]
    perms = []
    downW = ((W1, b1), (W2, b2), (W3, b3))
    pws = (pw1, pw2, pw3)
    for i in range(3):
        A = augment(A)
        x, A, perm = topk_pool(x, A, pws[i], KS[i])
        x = jax.nn.relu(gcn(x, A, downW[i][0], downW[i][1]))
        if i < 2:
            xs.append(x)
            As.append(A)
        perms.append(perm)
    upW = ((U0, ub0), (U1, ub1), (U2, ub2))
    for i in range(3):
        j = 2 - i
        up = jnp.zeros_like(xs[j]).at[perms[j]].set(x)
        x = xs[j] + up  # sum_res=True
        x = gcn(x, As[j], upW[i][0], upW[i][1])
        if i < 2:
            x = jax.nn.relu(x)
    return jax.nn.log_softmax(x, axis=1)

if __name__ == "__main__":
    import jax
    _d = setup_inputs()
    print(jax.jit(kernel)(*tuple(_d.values())))

</pallas_src>

<mosaic_0001>
#map = affine_map<(d0, d1) -> (0, 0)>
#map1 = affine_map<(d0, d1) -> (0)>
#map2 = affine_map<(d0, d1) -> (0, 0, 0)>
module attributes {stable_mosaic.version = 14 : i64} {
  func.func @k(%arg0: i32, %arg1: i32, %arg2: memref<10000x64xf32, #tpu.memory_space<hbm>>, %arg3: memref<320000xi32, #tpu.memory_space<hbm>>, %arg4: memref<320000xi32, #tpu.memory_space<hbm>>, %arg5: memref<10000x64xf32, #tpu.memory_space<hbm>>, %arg6: memref<2x10000x64xf32, #tpu.memory_space<hbm>>, %arg7: memref<80xi32, #tpu.memory_space<vmem>>, %arg8: memref<80xi32, #tpu.memory_space<vmem>>, %arg9: memref<80x64xf32, #tpu.memory_space<vmem>>, %arg10: memref<10000x64xf32, #tpu.memory_space<vmem_shared>>, %arg11: memref<!tpu.dma_semaphore, #tpu.memory_space<semaphore_mem>>) attributes {dimension_semantics = [#tpu.dimension_semantics<core_parallel>, #tpu.dimension_semantics<subcore_parallel>], iteration_bounds = array<i64: 2, 16>, scalar_prefetch = 0 : i64, scratch_operands = 5 : i64, tpu.core_type = #tpu.core_type<sc_vector_subcore>, window_params = [{transform_indices = #map}, {transform_indices = #map1}, {transform_indices = #map1}, {transform_indices = #map}, {transform_indices = #map2}]} {
    %eq3A = arith.constant 0 : i32
    %eq3A_0 = arith.cmpi eq, %arg1, %eq3A : i32
    %convert_element_type3A = arith.extui %eq3A_0 : i1 to i32
    %cond3A = arith.constant 0 : i32
    %cond3A_1 = arith.cmpi ne, %convert_element_type3A, %cond3A : i32
    scf.if %cond3A_1 {
      "tpu.region"() ({
        %run_scoped3A = tpu.sem_alloc : memref<!tpu.dma_semaphore, #tpu.memory_space<semaphore_mem>>
        tpu.enqueue_dma source(%arg5 : memref<10000x64xf32, #tpu.memory_space<hbm>>) target(%arg10 : memref<10000x64xf32, #tpu.memory_space<vmem_shared>>) target_semaphore(%run_scoped3A : memref<!tpu.dma_semaphore, #tpu.memory_space<semaphore_mem>>)
        tpu.wait_dma2 semaphore(%run_scoped3A : memref<!tpu.dma_semaphore, #tpu.memory_space<semaphore_mem>>) src(%arg5 : memref<10000x64xf32, #tpu.memory_space<hbm>>) dst(%arg10 : memref<10000x64xf32, #tpu.memory_space<vmem_shared>>)
        tpu.yield
      }) : () -> ()
    } else {
    }
    %barrier3A = arith.constant 0 : index
    tpu.barrier barrier_id(%barrier3A)
    %mul3A = arith.constant 2 : i32
    %mul3A_2 = arith.muli %arg1, %mul3A : i32
    %add3A = arith.addi %mul3A_2, %arg0 : i32
    %mul3A_3 = arith.constant 10000 : i32
    %mul3A_4 = arith.muli %add3A, %mul3A_3 : i32
    %scan3A = arith.constant 0 : i32
    %scan3A_5 = arith.constant 0 : i32
    %scan3A_6 = arith.constant 125 : i32
    %scan3A_7 = arith.addi %scan3A_5, %scan3A_6 : i32
    %scan3A_8 = arith.constant 1 : i32
    scf.for %scan3A_16 = %scan3A_5 to %scan3A_7 step %scan3A_8  : i32 {
      %mul3A_17 = arith.constant 80 : i32
      %mul3A_18 = arith.muli %scan3A_16, %mul3A_17 : i32
      %add3A_19 = arith.addi %mul3A_4, %mul3A_18 : i32
      "tpu.region"() ({
        %run_scoped3A = tpu.sem_alloc : memref<!tpu.dma_semaphore, #tpu.memory_space<semaphore_mem>>
        %dma_start3A_24 = tpu.memref_slice %arg3[%add3A_19] : memref<320000xi32, #tpu.memory_space<hbm>> -> memref<80xi32, #tpu.memory_space<hbm>>
        %dma_start3A_25 = tpu.memref_slice %arg3[%add3A_19] : memref<320000xi32, #tpu.memory_space<hbm>> -> memref<80xi32, #tpu.memory_space<hbm>>
        tpu.enqueue_dma source(%dma_start3A_25 : memref<80xi32, #tpu.memory_space<hbm>>) target(%arg7 : memref<80xi32, #tpu.memory_space<vmem>>) target_semaphore(%run_scoped3A : memref<!tpu.dma_semaphore, #tpu.memory_space<semaphore_mem>>)
        %dma_wait3A_26 = tpu.memref_slice %arg3[%add3A_19] : memref<320000xi32, #tpu.memory_space<hbm>> -> memref<80xi32, #tpu.memory_space<hbm>>
        %dma_wait3A_27 = tpu.memref_slice %arg3[%add3A_19] : memref<320000xi32, #tpu.memory_space<hbm>> -> memref<80xi32, #tpu.memory_space<hbm>>
        tpu.wait_dma2 semaphore(%run_scoped3A : memref<!tpu.dma_semaphore, #tpu.memory_space<semaphore_mem>>) src(%dma_wait3A_27 : memref<80xi32, #tpu.memory_space<hbm>>) dst(%arg7 : memref<80xi32, #tpu.memory_space<vmem>>)
        tpu.yield
      }) : () -> ()
      "tpu.region"() ({
        %run_scoped3A = tpu.sem_alloc : memref<!tpu.dma_semaphore, #tpu.memory_space<semaphore_mem>>
        %dma_start3A_24 = tpu.memref_slice %arg4[%add3A_19] : memref<320000xi32, #tpu.memory_space<hbm>> -> memref<80xi32, #tpu.memory_space<hbm>>
        %dma_start3A_25 = tpu.memref_slice %arg4[%add3A_19] : memref<320000xi32, #tpu.memory_space<hbm>> -> memref<80xi32, #tpu.memory_space<hbm>>
        tpu.enqueue_dma source(%dma_start3A_25 : memref<80xi32, #tpu.memory_space<hbm>>) target(%arg8 : memref<80xi32, #tpu.memory_space<vmem>>) target_semaphore(%run_scoped3A : memref<!tpu.dma_semaphore, #tpu.memory_space<semaphore_mem>>)
        %dma_wait3A_26 = tpu.memref_slice %arg4[%add3A_19] : memref<320000xi32, #tpu.memory_space<hbm>> -> memref<80xi32, #tpu.memory_space<hbm>>
        %dma_wait3A_27 = tpu.memref_slice %arg4[%add3A_19] : memref<320000xi32, #tpu.memory_space<hbm>> -> memref<80xi32, #tpu.memory_space<hbm>>
        tpu.wait_dma2 semaphore(%run_scoped3A : memref<!tpu.dma_semaphore, #tpu.memory_space<semaphore_mem>>) src(%dma_wait3A_27 : memref<80xi32, #tpu.memory_space<hbm>>) dst(%arg8 : memref<80xi32, #tpu.memory_space<vmem>>)
        tpu.yield
      }) : () -> ()
      %dma_start3A = arith.constant 0 : i32
      %dma_start3A_20 = arith.constant 0 : i32
      %dma_start3A_21 = tpu.memref_slice %arg2[%dma_start3A, %dma_start3A_20] : memref<10000x64xf32, #tpu.memory_space<hbm>> -> memref<10000x64xf32, #tpu.memory_space<hbm>>
      tpu.enqueue_indirect_dma source(%dma_start3A_21 : memref<10000x64xf32, #tpu.memory_space<hbm>>) target(%arg9 : memref<80x64xf32, #tpu.memory_space<vmem>>) offsets(%arg7 : memref<80xi32, #tpu.memory_space<vmem>>) semaphore(%arg11 : memref<!tpu.dma_semaphore, #tpu.memory_space<semaphore_mem>>)
      %dma_wait3A = arith.constant 0 : i32
      %dma_wait3A_22 = arith.constant 0 : i32
      %dma_wait3A_23 = tpu.memref_slice %arg2[%dma_wait3A, %dma_wait3A_22] : memref<10000x64xf32, #tpu.memory_space<hbm>> -> memref<10000x64xf32, #tpu.memory_space<hbm>>
      tpu.wait_indirect_dma semaphore(%arg11 : memref<!tpu.dma_semaphore, #tpu.memory_space<semaphore_mem>>) src(%dma_wait3A_23 : memref<10000x64xf32, #tpu.memory_space<hbm>>) dst(%arg9 : memref<80x64xf32, #tpu.memory_space<vmem>>)
      "tpu.region"() ({
        %run_scoped3A = tpu.sem_alloc : memref<!tpu.dma_semaphore, #tpu.memory_space<semaphore_mem>>
        %dma_start3A_24 = arith.constant 0 : i32
        %dma_start3A_25 = arith.constant 0 : i32
        %dma_start3A_26 = tpu.memref_slice %arg10[%dma_start3A_24, %dma_start3A_25] : memref<10000x64xf32, #tpu.memory_space<vmem_shared>> -> memref<10000x64xf32, #tpu.memory_space<vmem_shared>>
        tpu.enqueue_indirect_dma source(%arg9 : memref<80x64xf32, #tpu.memory_space<vmem>>) target(%dma_start3A_26 : memref<10000x64xf32, #tpu.memory_space<vmem_shared>>) offsets(%arg8 : memref<80xi32, #tpu.memory_space<vmem>>) semaphore(%run_scoped3A : memref<!tpu.dma_semaphore, #tpu.memory_space<semaphore_mem>>) {add = true}
        %dma_wait3A_27 = arith.constant 0 : i32
        %dma_wait3A_28 = arith.constant 0 : i32
        %dma_wait3A_29 = tpu.memref_slice %arg10[%dma_wait3A_27, %dma_wait3A_28] : memref<10000x64xf32, #tpu.memory_space<vmem_shared>> -> memref<10000x64xf32, #tpu.memory_space<vmem_shared>>
        tpu.wait_indirect_dma semaphore(%run_scoped3A : memref<!tpu.dma_semaphore, #tpu.memory_space<semaphore_mem>>) src(%arg9 : memref<80x64xf32, #tpu.memory_space<vmem>>) dst(%dma_wait3A_29 : memref<10000x64xf32, #tpu.memory_space<vmem_shared>>)
        tpu.yield
      }) : () -> ()
    }
    %scan3A_9 = arith.constant 125 : i32
    %barrier3A_10 = arith.constant 0 : index
    tpu.barrier barrier_id(%barrier3A_10)
    %eq3A_11 = arith.constant 0 : i32
    %eq3A_12 = arith.cmpi eq, %arg1, %eq3A_11 : i32
    %convert_element_type3A_13 = arith.extui %eq3A_12 : i1 to i32
    %cond3A_14 = arith.constant 0 : i32
    %cond3A_15 = arith.cmpi ne, %convert_element_type3A_13, %cond3A_14 : i32
    scf.if %cond3A_15 {
      "tpu.region"() ({
        %run_scoped3A = tpu.sem_alloc : memref<!tpu.dma_semaphore, #tpu.memory_space<semaphore_mem>>
        %dma_start3A = arith.constant 0 : i32
        %dma_start3A_16 = arith.constant 0 : i32
        %dma_start3A_17 = tpu.memref_slice %arg6[%arg0, %dma_start3A, %dma_start3A_16] : memref<2x10000x64xf32, #tpu.memory_space<hbm>> -> memref<1x10000x64xf32, #tpu.memory_space<hbm>>
        %dma_start3A_18 = tpu.memref_squeeze %dma_start3A_17 : memref<1x10000x64xf32, #tpu.memory_space<hbm>> -> memref<10000x64xf32, #tpu.memory_space<hbm>>
        tpu.enqueue_dma source(%arg10 : memref<10000x64xf32, #tpu.memory_space<vmem_shared>>) target(%dma_start3A_18 : memref<10000x64xf32, #tpu.memory_space<hbm>>) target_semaphore(%run_scoped3A : memref<!tpu.dma_semaphore, #tpu.memory_space<semaphore_mem>>)
        %dma_wait3A = arith.constant 0 : i32
        %dma_wait3A_19 = arith.constant 0 : i32
        %dma_wait3A_20 = tpu.memref_slice %arg6[%arg0, %dma_wait3A, %dma_wait3A_19] : memref<2x10000x64xf32, #tpu.memory_space<hbm>> -> memref<1x10000x64xf32, #tpu.memory_space<hbm>>
        %dma_wait3A_21 = tpu.memref_squeeze %dma_wait3A_20 : memref<1x10000x64xf32, #tpu.memory_space<hbm>> -> memref<10000x64xf32, #tpu.memory_space<hbm>>
        tpu.wait_dma2 semaphore(%run_scoped3A : memref<!tpu.dma_semaphore, #tpu.memory_space<semaphore_mem>>) src(%arg10 : memref<10000x64xf32, #tpu.memory_space<vmem_shared>>) dst(%dma_wait3A_21 : memref<10000x64xf32, #tpu.memory_space<hbm>>)
        tpu.yield
      }) : () -> ()
    } else {
    }
    return
  }
}

#map = affine_map<(d0, d1) -> (0)>
#map1 = affine_map<(d0, d1) -> (0, 0)>
#map2 = affine_map<(d0, d1) -> (0, 0, 0)>
module attributes {stable_mosaic.version = 14 : i64} {
  func.func @k(%arg0: i32, %arg1: i32, %arg2: memref<320000xi32, #tpu.memory_space<hbm>>, %arg3: memref<80x8xf32, #tpu.memory_space<hbm>>, %arg4: memref<10000x8xf32, #tpu.memory_space<hbm>>, %arg5: memref<2x10000x8xf32, #tpu.memory_space<hbm>>, %arg6: memref<80xi32, #tpu.memory_space<vmem>>, %arg7: memref<80x8xf32, #tpu.memory_space<vmem>>, %arg8: memref<10000x8xf32, #tpu.memory_space<vmem_shared>>) attributes {dimension_semantics = [#tpu.dimension_semantics<core_parallel>, #tpu.dimension_semantics<subcore_parallel>], iteration_bounds = array<i64: 2, 16>, scalar_prefetch = 0 : i64, scratch_operands = 3 : i64, tpu.core_type = #tpu.core_type<sc_vector_subcore>, window_params = [{transform_indices = #map}, {transform_indices = #map1}, {transform_indices = #map1}, {transform_indices = #map2}]} {
    %eq3A = arith.constant 0 : i32
    %eq3A_0 = arith.cmpi eq, %arg1, %eq3A : i32
    %convert_element_type3A = arith.extui %eq3A_0 : i1 to i32
    %cond3A = arith.constant 0 : i32
    %cond3A_1 = arith.cmpi ne, %convert_element_type3A, %cond3A : i32
    scf.if %cond3A_1 {
      "tpu.region"() ({
        %run_scoped3A = tpu.sem_alloc : memref<!tpu.dma_semaphore, #tpu.memory_space<semaphore_mem>>
        tpu.enqueue_dma source(%arg4 : memref<10000x8xf32, #tpu.memory_space<hbm>>) target(%arg8 : memref<10000x8xf32, #tpu.memory_space<vmem_shared>>) target_semaphore(%run_scoped3A : memref<!tpu.dma_semaphore, #tpu.memory_space<semaphore_mem>>)
        tpu.wait_dma2 semaphore(%run_scoped3A : memref<!tpu.dma_semaphore, #tpu.memory_space<semaphore_mem>>) src(%arg4 : memref<10000x8xf32, #tpu.memory_space<hbm>>) dst(%arg8 : memref<10000x8xf32, #tpu.memory_space<vmem_shared>>)
        tpu.yield
      }) : () -> ()
    } else {
    }
    "tpu.region"() ({
      %run_scoped3A = tpu.sem_alloc : memref<!tpu.dma_semaphore, #tpu.memory_space<semaphore_mem>>
      tpu.enqueue_dma source(%arg3 : memref<80x8xf32, #tpu.memory_space<hbm>>) target(%arg7 : memref<80x8xf32, #tpu.memory_space<vmem>>) target_semaphore(%run_scoped3A : memref<!tpu.dma_semaphore, #tpu.memory_space<semaphore_mem>>)
      tpu.wait_dma2 semaphore(%run_scoped3A : memref<!tpu.dma_semaphore, #tpu.memory_space<semaphore_mem>>) src(%arg3 : memref<80x8xf32, #tpu.memory_space<hbm>>) dst(%arg7 : memref<80x8xf32, #tpu.memory_space<vmem>>)
      tpu.yield
    }) : () -> ()
    %barrier3A = arith.constant 0 : index
    tpu.barrier barrier_id(%barrier3A)
    %mul3A = arith.constant 2 : i32
    %mul3A_2 = arith.muli %arg1, %mul3A : i32
    %add3A = arith.addi %mul3A_2, %arg0 : i32
    %mul3A_3 = arith.constant 10000 : i32
    %mul3A_4 = arith.muli %add3A, %mul3A_3 : i32
    %scan3A = arith.constant 0 : i32
    %scan3A_5 = arith.constant 0 : i32
    %scan3A_6 = arith.constant 125 : i32
    %scan3A_7 = arith.addi %scan3A_5, %scan3A_6 : i32
    %scan3A_8 = arith.constant 1 : i32
    scf.for %scan3A_16 = %scan3A_5 to %scan3A_7 step %scan3A_8  : i32 {
      %mul3A_17 = arith.constant 80 : i32
      %mul3A_18 = arith.muli %scan3A_16, %mul3A_17 : i32
      %add3A_19 = arith.addi %mul3A_4, %mul3A_18 : i32
      "tpu.region"() ({
        %run_scoped3A = tpu.sem_alloc : memref<!tpu.dma_semaphore, #tpu.memory_space<semaphore_mem>>
        %dma_start3A = tpu.memref_slice %arg2[%add3A_19] : memref<320000xi32, #tpu.memory_space<hbm>> -> memref<80xi32, #tpu.memory_space<hbm>>
        %dma_start3A_20 = tpu.memref_slice %arg2[%add3A_19] : memref<320000xi32, #tpu.memory_space<hbm>> -> memref<80xi32, #tpu.memory_space<hbm>>
        tpu.enqueue_dma source(%dma_start3A_20 : memref<80xi32, #tpu.memory_space<hbm>>) target(%arg6 : memref<80xi32, #tpu.memory_space<vmem>>) target_semaphore(%run_scoped3A : memref<!tpu.dma_semaphore, #tpu.memory_space<semaphore_mem>>)
        %dma_wait3A = tpu.memref_slice %arg2[%add3A_19] : memref<320000xi32, #tpu.memory_space<hbm>> -> memref<80xi32, #tpu.memory_space<hbm>>
        %dma_wait3A_21 = tpu.memref_slice %arg2[%add3A_19] : memref<320000xi32, #tpu.memory_space<hbm>> -> memref<80xi32, #tpu.memory_space<hbm>>
        tpu.wait_dma2 semaphore(%run_scoped3A : memref<!tpu.dma_semaphore, #tpu.memory_space<semaphore_mem>>) src(%dma_wait3A_21 : memref<80xi32, #tpu.memory_space<hbm>>) dst(%arg6 : memref<80xi32, #tpu.memory_space<vmem>>)
        tpu.yield
      }) : () -> ()
      "tpu.region"() ({
        %run_scoped3A = tpu.sem_alloc : memref<!tpu.dma_semaphore, #tpu.memory_space<semaphore_mem>>
        %dma_start3A = arith.constant 0 : i32
        %dma_start3A_20 = arith.constant 0 : i32
        %dma_start3A_21 = tpu.memref_slice %arg8[%dma_start3A, %dma_start3A_20] : memref<10000x8xf32, #tpu.memory_space<vmem_shared>> -> memref<10000x8xf32, #tpu.memory_space<vmem_shared>>
        tpu.enqueue_indirect_dma source(%arg7 : memref<80x8xf32, #tpu.memory_space<vmem>>) target(%dma_start3A_21 : memref<10000x8xf32, #tpu.memory_space<vmem_shared>>) offsets(%arg6 : memref<80xi32, #tpu.memory_space<vmem>>) semaphore(%run_scoped3A : memref<!tpu.dma_semaphore, #tpu.memory_space<semaphore_mem>>) {add = true}
        %dma_wait3A = arith.constant 0 : i32
        %dma_wait3A_22 = arith.constant 0 : i32
        %dma_wait3A_23 = tpu.memref_slice %arg8[%dma_wait3A, %dma_wait3A_22] : memref<10000x8xf32, #tpu.memory_space<vmem_shared>> -> memref<10000x8xf32, #tpu.memory_space<vmem_shared>>
        tpu.wait_indirect_dma semaphore(%run_scoped3A : memref<!tpu.dma_semaphore, #tpu.memory_space<semaphore_mem>>) src(%arg7 : memref<80x8xf32, #tpu.memory_space<vmem>>) dst(%dma_wait3A_23 : memref<10000x8xf32, #tpu.memory_space<vmem_shared>>)
        tpu.yield
      }) : () -> ()
    }
    %scan3A_9 = arith.constant 125 : i32
    %barrier3A_10 = arith.constant 0 : index
    tpu.barrier barrier_id(%barrier3A_10)
    %eq3A_11 = arith.constant 0 : i32
    %eq3A_12 = arith.cmpi eq, %arg1, %eq3A_11 : i32
    %convert_element_type3A_13 = arith.extui %eq3A_12 : i1 to i32
    %cond3A_14 = arith.constant 0 : i32
    %cond3A_15 = arith.cmpi ne, %convert_element_type3A_13, %cond3A_14 : i32
    scf.if %cond3A_15 {
      "tpu.region"() ({
        %run_scoped3A = tpu.sem_alloc : memref<!tpu.dma_semaphore, #tpu.memory_space<semaphore_mem>>
        %dma_start3A = arith.constant 0 : i32
        %dma_start3A_16 = arith.constant 0 : i32
        %dma_start3A_17 = tpu.memref_slice %arg5[%arg0, %dma_start3A, %dma_start3A_16] : memref<2x10000x8xf32, #tpu.memory_space<hbm>> -> memref<1x10000x8xf32, #tpu.memory_space<hbm>>
        %dma_start3A_18 = tpu.memref_squeeze %dma_start3A_17 : memref<1x10000x8xf32, #tpu.memory_space<hbm>> -> memref<10000x8xf32, #tpu.memory_space<hbm>>
        tpu.enqueue_dma source(%arg8 : memref<10000x8xf32, #tpu.memory_space<vmem_shared>>) target(%dma_start3A_18 : memref<10000x8xf32, #tpu.memory_space<hbm>>) target_semaphore(%run_scoped3A : memref<!tpu.dma_semaphore, #tpu.memory_space<semaphore_mem>>)
        %dma_wait3A = arith.constant 0 : i32
        %dma_wait3A_19 = arith.constant 0 : i32
        %dma_wait3A_20 = tpu.memref_slice %arg5[%arg0, %dma_wait3A, %dma_wait3A_19] : memref<2x10000x8xf32, #tpu.memory_space<hbm>> -> memref<1x10000x8xf32, #tpu.memory_space<hbm>>
        %dma_wait3A_21 = tpu.memref_squeeze %dma_wait3A_20 : memref<1x10000x8xf32, #tpu.memory_space<hbm>> -> memref<10000x8xf32, #tpu.memory_space<hbm>>
        tpu.wait_dma2 semaphore(%run_scoped3A : memref<!tpu.dma_semaphore, #tpu.memory_space<semaphore_mem>>) src(%arg8 : memref<10000x8xf32, #tpu.memory_space<vmem_shared>>) dst(%dma_wait3A_21 : memref<10000x8xf32, #tpu.memory_space<hbm>>)
        tpu.yield
      }) : () -> ()
    } else {
    }
    return
  }
}

#map = affine_map<(d0, d1) -> (0, 0)>
#map1 = affine_map<(d0, d1) -> (0)>
#map2 = affine_map<(d0, d1) -> (0, 0, 0)>
module attributes {stable_mosaic.version = 14 : i64} {
  func.func @k(%arg0: i32, %arg1: i32, %arg2: memref<10000x64xf32, #tpu.memory_space<hbm>>, %arg3: memref<320000xi32, #tpu.memory_space<hbm>>, %arg4: memref<320000xi32, #tpu.memory_space<hbm>>, %arg5: memref<10000x64xf32, #tpu.memory_space<hbm>>, %arg6: memref<2x10000x64xf32, #tpu.memory_space<hbm>>, %arg7: memref<80xi32, #tpu.memory_space<vmem>>, %arg8: memref<80xi32, #tpu.memory_space<vmem>>, %arg9: memref<80x64xf32, #tpu.memory_space<vmem>>, %arg10: memref<10000x64xf32, #tpu.memory_space<vmem_shared>>, %arg11: memref<!tpu.dma_semaphore, #tpu.memory_space<semaphore_mem>>) attributes {dimension_semantics = [#tpu.dimension_semantics<core_parallel>, #tpu.dimension_semantics<subcore_parallel>], iteration_bounds = array<i64: 2, 16>, scalar_prefetch = 0 : i64, scratch_operands = 5 : i64, tpu.core_type = #tpu.core_type<sc_vector_subcore>, window_params = [{transform_indices = #map}, {transform_indices = #map1}, {transform_indices = #map1}, {transform_indices = #map}, {transform_indices = #map2}]} {
    %eq3A = arith.constant 0 : i32
    %eq3A_0 = arith.cmpi eq, %arg1, %eq3A : i32
    %convert_element_type3A = arith.extui %eq3A_0 : i1 to i32
    %cond3A = arith.constant 0 : i32
    %cond3A_1 = arith.cmpi ne, %convert_element_type3A, %cond3A : i32
    scf.if %cond3A_1 {
      "tpu.region"() ({
        %run_scoped3A = tpu.sem_alloc : memref<!tpu.dma_semaphore, #tpu.memory_space<semaphore_mem>>
        tpu.enqueue_dma source(%arg5 : memref<10000x64xf32, #tpu.memory_space<hbm>>) target(%arg10 : memref<10000x64xf32, #tpu.memory_space<vmem_shared>>) target_semaphore(%run_scoped3A : memref<!tpu.dma_semaphore, #tpu.memory_space<semaphore_mem>>)
        tpu.wait_dma2 semaphore(%run_scoped3A : memref<!tpu.dma_semaphore, #tpu.memory_space<semaphore_mem>>) src(%arg5 : memref<10000x64xf32, #tpu.memory_space<hbm>>) dst(%arg10 : memref<10000x64xf32, #tpu.memory_space<vmem_shared>>)
        tpu.yield
      }) : () -> ()
    } else {
    }
    %barrier3A = arith.constant 0 : index
    tpu.barrier barrier_id(%barrier3A)
    %mul3A = arith.constant 2 : i32
    %mul3A_2 = arith.muli %arg1, %mul3A : i32
    %add3A = arith.addi %mul3A_2, %arg0 : i32
    %mul3A_3 = arith.constant 10000 : i32
    %mul3A_4 = arith.muli %add3A, %mul3A_3 : i32
    %scan3A = arith.constant 0 : i32
    %scan3A_5 = arith.constant 0 : i32
    %scan3A_6 = arith.constant 125 : i32
    %scan3A_7 = arith.addi %scan3A_5, %scan3A_6 : i32
    %scan3A_8 = arith.constant 1 : i32
    scf.for %scan3A_16 = %scan3A_5 to %scan3A_7 step %scan3A_8  : i32 {
      %mul3A_17 = arith.constant 80 : i32
      %mul3A_18 = arith.muli %scan3A_16, %mul3A_17 : i32
      %add3A_19 = arith.addi %mul3A_4, %mul3A_18 : i32
      "tpu.region"() ({
        %run_scoped3A = tpu.sem_alloc : memref<!tpu.dma_semaphore, #tpu.memory_space<semaphore_mem>>
        %dma_start3A_24 = tpu.memref_slice %arg3[%add3A_19] : memref<320000xi32, #tpu.memory_space<hbm>> -> memref<80xi32, #tpu.memory_space<hbm>>
        %dma_start3A_25 = tpu.memref_slice %arg3[%add3A_19] : memref<320000xi32, #tpu.memory_space<hbm>> -> memref<80xi32, #tpu.memory_space<hbm>>
        tpu.enqueue_dma source(%dma_start3A_25 : memref<80xi32, #tpu.memory_space<hbm>>) target(%arg7 : memref<80xi32, #tpu.memory_space<vmem>>) target_semaphore(%run_scoped3A : memref<!tpu.dma_semaphore, #tpu.memory_space<semaphore_mem>>)
        %dma_wait3A_26 = tpu.memref_slice %arg3[%add3A_19] : memref<320000xi32, #tpu.memory_space<hbm>> -> memref<80xi32, #tpu.memory_space<hbm>>
        %dma_wait3A_27 = tpu.memref_slice %arg3[%add3A_19] : memref<320000xi32, #tpu.memory_space<hbm>> -> memref<80xi32, #tpu.memory_space<hbm>>
        tpu.wait_dma2 semaphore(%run_scoped3A : memref<!tpu.dma_semaphore, #tpu.memory_space<semaphore_mem>>) src(%dma_wait3A_27 : memref<80xi32, #tpu.memory_space<hbm>>) dst(%arg7 : memref<80xi32, #tpu.memory_space<vmem>>)
        tpu.yield
      }) : () -> ()
      "tpu.region"() ({
        %run_scoped3A = tpu.sem_alloc : memref<!tpu.dma_semaphore, #tpu.memory_space<semaphore_mem>>
        %dma_start3A_24 = tpu.memref_slice %arg4[%add3A_19] : memref<320000xi32, #tpu.memory_space<hbm>> -> memref<80xi32, #tpu.memory_space<hbm>>
        %dma_start3A_25 = tpu.memref_slice %arg4[%add3A_19] : memref<320000xi32, #tpu.memory_space<hbm>> -> memref<80xi32, #tpu.memory_space<hbm>>
        tpu.enqueue_dma source(%dma_start3A_25 : memref<80xi32, #tpu.memory_space<hbm>>) target(%arg8 : memref<80xi32, #tpu.memory_space<vmem>>) target_semaphore(%run_scoped3A : memref<!tpu.dma_semaphore, #tpu.memory_space<semaphore_mem>>)
        %dma_wait3A_26 = tpu.memref_slice %arg4[%add3A_19] : memref<320000xi32, #tpu.memory_space<hbm>> -> memref<80xi32, #tpu.memory_space<hbm>>
        %dma_wait3A_27 = tpu.memref_slice %arg4[%add3A_19] : memref<320000xi32, #tpu.memory_space<hbm>> -> memref<80xi32, #tpu.memory_space<hbm>>
        tpu.wait_dma2 semaphore(%run_scoped3A : memref<!tpu.dma_semaphore, #tpu.memory_space<semaphore_mem>>) src(%dma_wait3A_27 : memref<80xi32, #tpu.memory_space<hbm>>) dst(%arg8 : memref<80xi32, #tpu.memory_space<vmem>>)
        tpu.yield
      }) : () -> ()
      %dma_start3A = arith.constant 0 : i32
      %dma_start3A_20 = arith.constant 0 : i32
      %dma_start3A_21 = tpu.memref_slice %arg2[%dma_start3A, %dma_start3A_20] : memref<10000x64xf32, #tpu.memory_space<hbm>> -> memref<10000x64xf32, #tpu.memory_space<hbm>>
      tpu.enqueue_indirect_dma source(%dma_start3A_21 : memref<10000x64xf32, #tpu.memory_space<hbm>>) target(%arg9 : memref<80x64xf32, #tpu.memory_space<vmem>>) offsets(%arg7 : memref<80xi32, #tpu.memory_space<vmem>>) semaphore(%arg11 : memref<!tpu.dma_semaphore, #tpu.memory_space<semaphore_mem>>)
      %dma_wait3A = arith.constant 0 : i32
      %dma_wait3A_22 = arith.constant 0 : i32
      %dma_wait3A_23 = tpu.memref_slice %arg2[%dma_wait3A, %dma_wait3A_22] : memref<10000x64xf32, #tpu.memory_space<hbm>> -> memref<10000x64xf32, #tpu.memory_space<hbm>>
      tpu.wait_indirect_dma semaphore(%arg11 : memref<!tpu.dma_semaphore, #tpu.memory_space<semaphore_mem>>) src(%dma_wait3A_23 : memref<10000x64xf32, #tpu.memory_space<hbm>>) dst(%arg9 : memref<80x64xf32, #tpu.memory_space<vmem>>)
      "tpu.region"() ({
        %run_scoped3A = tpu.sem_alloc : memref<!tpu.dma_semaphore, #tpu.memory_space<semaphore_mem>>
        %dma_start3A_24 = arith.constant 0 : i32
        %dma_start3A_25 = arith.constant 0 : i32
        %dma_start3A_26 = tpu.memref_slice %arg10[%dma_start3A_24, %dma_start3A_25] : memref<10000x64xf32, #tpu.memory_space<vmem_shared>> -> memref<10000x64xf32, #tpu.memory_space<vmem_shared>>
        tpu.enqueue_indirect_dma source(%arg9 : memref<80x64xf32, #tpu.memory_space<vmem>>) target(%dma_start3A_26 : memref<10000x64xf32, #tpu.memory_space<vmem_shared>>) offsets(%arg8 : memref<80xi32, #tpu.memory_space<vmem>>) semaphore(%run_scoped3A : memref<!tpu.dma_semaphore, #tpu.memory_space<semaphore_mem>>) {add = true}
        %dma_wait3A_27 = arith.constant 0 : i32
        %dma_wait3A_28 = arith.constant 0 : i32
        %dma_wait3A_29 = tpu.memref_slice %arg10[%dma_wait3A_27, %dma_wait3A_28] : memref<10000x64xf32, #tpu.memory_space<vmem_shared>> -> memref<10000x64xf32, #tpu.memory_space<vmem_shared>>
        tpu.wait_indirect_dma semaphore(%run_scoped3A : memref<!tpu.dma_semaphore, #tpu.memory_space<semaphore_mem>>) src(%arg9 : memref<80x64xf32, #tpu.memory_space<vmem>>) dst(%dma_wait3A_29 : memref<10000x64xf32, #tpu.memory_space<vmem_shared>>)
        tpu.yield
      }) : () -> ()
    }
    %scan3A_9 = arith.constant 125 : i32
    %barrier3A_10 = arith.constant 0 : index
    tpu.barrier barrier_id(%barrier3A_10)
    %eq3A_11 = arith.constant 0 : i32
    %eq3A_12 = arith.cmpi eq, %arg1, %eq3A_11 : i32
    %convert_element_type3A_13 = arith.extui %eq3A_12 : i1 to i32
    %cond3A_14 = arith.constant 0 : i32
    %cond3A_15 = arith.cmpi ne, %convert_element_type3A_13, %cond3A_14 : i32
    scf.if %cond3A_15 {
      "tpu.region"() ({
        %run_scoped3A = tpu.sem_alloc : memref<!tpu.dma_semaphore, #tpu.memory_space<semaphore_mem>>
        %dma_start3A = arith.constant 0 : i32
        %dma_start3A_16 = arith.constant 0 : i32
        %dma_start3A_17 = tpu.memref_slice %arg6[%arg0, %dma_start3A, %dma_start3A_16] : memref<2x10000x64xf32, #tpu.memory_space<hbm>> -> memref<1x10000x64xf32, #tpu.memory_space<hbm>>
        %dma_start3A_18 = tpu.memref_squeeze %dma_start3A_17 : memref<1x10000x64xf32, #tpu.memory_space<hbm>> -> memref<10000x64xf32, #tpu.memory_space<hbm>>
        tpu.enqueue_dma source(%arg10 : memref<10000x64xf32, #tpu.memory_space<vmem_shared>>) target(%dma_start3A_18 : memref<10000x64xf32, #tpu.memory_space<hbm>>) target_semaphore(%run_scoped3A : memref<!tpu.dma_semaphore, #tpu.memory_space<semaphore_mem>>)
        %dma_wait3A = arith.constant 0 : i32
        %dma_wait3A_19 = arith.constant 0 : i32
        %dma_wait3A_20 = tpu.memref_slice %arg6[%arg0, %dma_wait3A, %dma_wait3A_19] : memref<2x10000x64xf32, #tpu.memory_space<hbm>> -> memref<1x10000x64xf32, #tpu.memory_space<hbm>>
        %dma_wait3A_21 = tpu.memref_squeeze %dma_wait3A_20 : memref<1x10000x64xf32, #tpu.memory_space<hbm>> -> memref<10000x64xf32, #tpu.memory_space<hbm>>
        tpu.wait_dma2 semaphore(%run_scoped3A : memref<!tpu.dma_semaphore, #tpu.memory_space<semaphore_mem>>) src(%arg10 : memref<10000x64xf32, #tpu.memory_space<vmem_shared>>) dst(%dma_wait3A_21 : memref<10000x64xf32, #tpu.memory_space<hbm>>)
        tpu.yield
      }) : () -> ()
    } else {
    }
    return
  }
}

module attributes {stable_mosaic.version = 14 : i64} {
  func.func @_xw_scale_body(%arg0: memref<10000x128xf32, #tpu.memory_space<vmem>>, %arg1: memref<128x64xf32, #tpu.memory_space<vmem>>, %arg2: memref<2x10000x8xf32, #tpu.memory_space<vmem>>, %arg3: memref<10000x64xf32, #tpu.memory_space<vmem>>) attributes {dimension_semantics = [], scalar_prefetch = 0 : i64, scratch_operands = 0 : i64, tpu.core_type = #tpu.core_type<tc>} {
    %get3A = arith.constant 0 : index
    %get3A_0 = arith.constant 0 : index
    %get3A_1 = arith.constant 0 : index
    %get3A_2 = vector.load %arg2[%get3A, %get3A_0, %get3A_1] : memref<2x10000x8xf32, #tpu.memory_space<vmem>>, vector<1x10000x1xf32>
    %get3A_3 = vector.shape_cast %get3A_2 : vector<1x10000x1xf32> to vector<10000x1xf32>
    %get3A_4 = arith.constant 1 : index
    %get3A_5 = arith.constant 0 : index
    %get3A_6 = arith.constant 0 : index
    %get3A_7 = vector.load %arg2[%get3A_4, %get3A_5, %get3A_6] : memref<2x10000x8xf32, #tpu.memory_space<vmem>>, vector<1x10000x1xf32>
    %get3A_8 = vector.shape_cast %get3A_7 : vector<1x10000x1xf32> to vector<10000x1xf32>
    %add3A = arith.addf %get3A_3, %get3A_8 : vector<10000x1xf32>
    %add3A_9 = arith.constant 2.000000e+00 : f32
    %add3A_10 = vector.broadcast %add3A_9 : f32 to vector<10000x1xf32>
    %add3A_11 = arith.addf %add3A, %add3A_10 : vector<10000x1xf32>
    %rsqrt3A = math.rsqrt %add3A_11 : vector<10000x1xf32>
    %get3A_12 = arith.constant 0 : index
    %get3A_13 = arith.constant 0 : index
    %get3A_14 = vector.load %arg0[%get3A_12, %get3A_13] : memref<10000x128xf32, #tpu.memory_space<vmem>>, vector<10000x128xf32>
    %get3A_15 = arith.constant 0 : index
    %get3A_16 = arith.constant 0 : index
    %get3A_17 = vector.load %arg1[%get3A_15, %get3A_16] : memref<128x64xf32, #tpu.memory_space<vmem>>, vector<128x64xf32>
    %dot_general3A = arith.constant dense<0.000000e+00> : vector<10000x64xf32>
    %dot_general3A_18 = tpu.matmul %get3A_14, %get3A_17, %dot_general3A {dimension_numbers = #tpu.dot_dimension_numbers<[1], [0], [0], [1], [0, 0, 1, 1], [], []>, transpose_lhs_hint = false} : vector<10000x128xf32>, vector<128x64xf32>, vector<10000x64xf32> -> vector<10000x64xf32>
    %mul3A = vector.broadcast %rsqrt3A : vector<10000x1xf32> to vector<10000x64xf32>
    %mul3A_19 = arith.mulf %dot_general3A_18, %mul3A : vector<10000x64xf32>
    %swap3A = arith.constant 0 : index
    %swap3A_20 = arith.constant 0 : index
    %swap3A_21 = vector.load %arg3[%swap3A, %swap3A_20] : memref<10000x64xf32, #tpu.memory_space<vmem>>, vector<10000x64xf32>
    tpu.vector_store %arg3[%swap3A, %swap3A_20], %mul3A_19 {strides = array<i32>} : memref<10000x64xf32, #tpu.memory_space<vmem>>, vector<10000x64xf32>,
    return
  }
}

module attributes {stable_mosaic.version = 14 : i64} {
  func.func @_lvl0_post_body(%arg0: memref<2x10000x64xf32, #tpu.memory_space<vmem>>, %arg1: memref<10000x64xf32, #tpu.memory_space<vmem>>, %arg2: memref<2x10000x8xf32, #tpu.memory_space<vmem>>, %arg3: memref<64xf32, #tpu.memory_space<vmem>>, %arg4: memref<64xf32, #tpu.memory_space<vmem>>, %arg5: memref<10000x64xf32, #tpu.memory_space<vmem>>, %arg6: memref<10000x1xf32, #tpu.memory_space<vmem>>) attributes {dimension_semantics = [], scalar_prefetch = 0 : i64, scratch_operands = 0 : i64, tpu.core_type = #tpu.core_type<tc>} {
    %get3A = arith.constant 0 : index
    %get3A_0 = arith.constant 0 : index
    %get3A_1 = arith.constant 0 : index
    %get3A_2 = vector.load %arg2[%get3A, %get3A_0, %get3A_1] : memref<2x10000x8xf32, #tpu.memory_space<vmem>>, vector<1x10000x1xf32>
    %get3A_3 = vector.shape_cast %get3A_2 : vector<1x10000x1xf32> to vector<10000x1xf32>
    %get3A_4 = arith.constant 1 : index
    %get3A_5 = arith.constant 0 : index
    %get3A_6 = arith.constant 0 : index
    %get3A_7 = vector.load %arg2[%get3A_4, %get3A_5, %get3A_6] : memref<2x10000x8xf32, #tpu.memory_space<vmem>>, vector<1x10000x1xf32>
    %get3A_8 = vector.shape_cast %get3A_7 : vector<1x10000x1xf32> to vector<10000x1xf32>
    %add3A = arith.addf %get3A_3, %get3A_8 : vector<10000x1xf32>
    %add3A_9 = arith.constant 2.000000e+00 : f32
    %add3A_10 = vector.broadcast %add3A_9 : f32 to vector<10000x1xf32>
    %add3A_11 = arith.addf %add3A, %add3A_10 : vector<10000x1xf32>
    %rsqrt3A = math.rsqrt %add3A_11 : vector<10000x1xf32>
    %get3A_12 = arith.constant 0 : index
    %get3A_13 = arith.constant 0 : index
    %get3A_14 = arith.constant 0 : index
    %get3A_15 = vector.load %arg0[%get3A_12, %get3A_13, %get3A_14] : memref<2x10000x64xf32, #tpu.memory_space<vmem>>, vector<1x10000x64xf32>
    %get3A_16 = vector.shape_cast %get3A_15 : vector<1x10000x64xf32> to vector<10000x64xf32>
    %get3A_17 = arith.constant 1 : index
    %get3A_18 = arith.constant 0 : index
    %get3A_19 = arith.constant 0 : index
    %get3A_20 = vector.load %arg0[%get3A_17, %get3A_18, %get3A_19] : memref<2x10000x64xf32, #tpu.memory_space<vmem>>, vector<1x10000x64xf32>
    %get3A_21 = vector.shape_cast %get3A_20 : vector<1x10000x64xf32> to vector<10000x64xf32>
    %add3A_22 = arith.addf %get3A_16, %get3A_21 : vector<10000x64xf32>
    %get3A_23 = arith.constant 0 : index
    %get3A_24 = arith.constant 0 : index
    %get3A_25 = vector.load %arg1[%get3A_23, %get3A_24] : memref<10000x64xf32, #tpu.memory_space<vmem>>, vector<10000x64xf32>
    %mul3A = arith.constant 2.000000e+00 : f32
    %mul3A_26 = vector.broadcast %mul3A : f32 to vector<10000x64xf32>
    %mul3A_27 = arith.mulf %mul3A_26, %get3A_25 : vector<10000x64xf32>
    %add3A_28 = arith.addf %add3A_22, %mul3A_27 : vector<10000x64xf32>
    %mul3A_29 = vector.broadcast %rsqrt3A : vector<10000x1xf32> to vector<10000x64xf32>
    %mul3A_30 = arith.mulf %add3A_28, %mul3A_29 : vector<10000x64xf32>
    %get3A_31 = arith.constant 0 : index
    %get3A_32 = vector.load %arg3[%get3A_31] : memref<64xf32, #tpu.memory_space<vmem>>, vector<64xf32>
    %broadcast_in_dim3A = vector.shape_cast %get3A_32 : vector<64xf32> to vector<1x64xf32>
    %add3A_33 = vector.broadcast %broadcast_in_dim3A : vector<1x64xf32> to vector<10000x64xf32>
    %add3A_34 = arith.addf %mul3A_30, %add3A_33 : vector<10000x64xf32>
    %max3A = arith.constant 0.000000e+00 : f32
    %max3A_35 = vector.broadcast %max3A : f32 to vector<10000x64xf32>
    %max3A_36 = arith.maximumf %add3A_34, %max3A_35 : vector<10000x64xf32>
    %swap3A = arith.constant 0 : index
    %swap3A_37 = arith.constant 0 : index
    %swap3A_38 = vector.load %arg5[%swap3A, %swap3A_37] : memref<10000x64xf32, #tpu.memory_space<vmem>>, vector<10000x64xf32>
    tpu.vector_store %arg5[%swap3A, %swap3A_37], %max3A_36 {strides = array<i32>} : memref<10000x64xf32, #tpu.memory_space<vmem>>, vector<10000x64xf32>,
    %get3A_39 = arith.constant 0 : index
    %get3A_40 = vector.load %arg4[%get3A_39] : memref<64xf32, #tpu.memory_space<vmem>>, vector<64xf32>
    %mul3A_41 = arith.mulf %get3A_40, %get3A_40 : vector<64xf32>
    %reduce_sum3A = vector.shape_cast %mul3A_41 : vector<64xf32> to vector<1x64xf32>
    %reduce_sum3A_42 = arith.constant dense<0.000000e+00> : vector<1xf32>
    %reduce_sum3A_43 = vector.multi_reduction <add>, %reduce_sum3A, %reduce_sum3A_42 [1] : vector<1x64xf32> to vector<1xf32>
    %reduce_sum3A_44 = vector.shape_cast %reduce_sum3A_43 : vector<1xf32> to vector<1x1xf32>
    %reduce_sum3A_45 = vector.extract %reduce_sum3A_44[0, 0] : f32 from vector<1x1xf32>
    %rsqrt3A_46 = math.rsqrt %reduce_sum3A_45 : f32
    %broadcast_in_dim3A_47 = vector.shape_cast %get3A_40 : vector<64xf32> to vector<64x1xf32>
    %dot_general3A = arith.constant dense<0.000000e+00> : vector<10000x1xf32>
    %dot_general3A_48 = tpu.matmul %max3A_36, %broadcast_in_dim3A_47, %dot_general3A {dimension_numbers = #tpu.dot_dimension_numbers<[1], [0], [0], [1], [0, 0, 1, 1], [], []>, transpose_lhs_hint = false} : vector<10000x64xf32>, vector<64x1xf32>, vector<10000x1xf32> -> vector<10000x1xf32>
    %mul3A_49 = vector.broadcast %rsqrt3A_46 : f32 to vector<10000x1xf32>
    %mul3A_50 = arith.mulf %dot_general3A_48, %mul3A_49 : vector<10000x1xf32>
    %tanh3A = math.tanh %mul3A_50 : vector<10000x1xf32>
    %swap3A_51 = arith.constant 0 : index
    %swap3A_52 = arith.constant 0 : index
    %swap3A_53 = vector.load %arg6[%swap3A_51, %swap3A_52] : memref<10000x1xf32, #tpu.memory_space<vmem>>, vector<10000x1xf32>
    tpu.vector_store %arg6[%swap3A_51, %swap3A_52], %tanh3A {strides = array<i32>} : memref<10000x1xf32, #tpu.memory_space<vmem>>, vector<10000x1xf32>,
    return
  }
}

module attributes {stable_mosaic.version = 14 : i64} {
  func.func @_augmm_body(%arg0: i32, %arg1: i32, %arg2: memref<1000x512xf32, #tpu.memory_space<vmem>>, %arg3: memref<512x2000xf32, #tpu.memory_space<vmem>>, %arg4: memref<1000x2000xf32, #tpu.memory_space<vmem>>) attributes {dimension_semantics = [#tpu.dimension_semantics<arbitrary>, #tpu.dimension_semantics<arbitrary>], iteration_bounds = array<i64: 2, 20>, scalar_prefetch = 0 : i64, scratch_operands = 0 : i64, tpu.core_type = #tpu.core_type<tc>, window_params = [{transform_indices = @transform_0, window_bounds = array<i64: 1000, 512>}, {transform_indices = @transform_1, window_bounds = array<i64: 512, 2000>}, {transform_indices = @transform_2, window_bounds = array<i64: 1000, 2000>}]} {
    %eq3A = arith.constant 0 : i32
    %eq3A_0 = arith.cmpi eq, %arg1, %eq3A : i32
    %convert_element_type3A = arith.extui %eq3A_0 : i1 to i32
    %cond3A = arith.constant 0 : i32
    %cond3A_1 = arith.cmpi ne, %convert_element_type3A, %cond3A : i32
    scf.if %cond3A_1 {
      %broadcast_in_dim3A = arith.constant 0.000000e+00 : f32
      %broadcast_in_dim3A_18 = vector.broadcast %broadcast_in_dim3A : f32 to vector<1000x2000xf32>
      %swap3A_19 = arith.constant 0 : index
      %swap3A_20 = arith.constant 0 : index
      %swap3A_21 = vector.load %arg4[%swap3A_19, %swap3A_20] : memref<1000x2000xf32, #tpu.memory_space<vmem>>, vector<1000x2000xf32>
      tpu.vector_store %arg4[%swap3A_19, %swap3A_20], %broadcast_in_dim3A_18 {strides = array<i32>} : memref<1000x2000xf32, #tpu.memory_space<vmem>>, vector<1000x2000xf32>,
    } else {
    }
    %get3A = arith.constant 0 : index
    %get3A_2 = arith.constant 0 : index
    %get3A_3 = vector.load %arg4[%get3A, %get3A_2] : memref<1000x2000xf32, #tpu.memory_space<vmem>>, vector<1000x2000xf32>
    %get3A_4 = arith.constant 0 : index
    %get3A_5 = arith.constant 0 : index
    %get3A_6 = vector.load %arg2[%get3A_4, %get3A_5] : memref<1000x512xf32, #tpu.memory_space<vmem>>, vector<1000x512xf32>
    %get3A_7 = arith.constant 0 : index
    %get3A_8 = arith.constant 0 : index
    %get3A_9 = vector.load %arg3[%get3A_7, %get3A_8] : memref<512x2000xf32, #tpu.memory_space<vmem>>, vector<512x2000xf32>
    %dot_general3A = arith.constant dense<0.000000e+00> : vector<1000x2000xf32>
    %dot_general3A_10 = tpu.matmul %get3A_6, %get3A_9, %dot_general3A {dimension_numbers = #tpu.dot_dimension_numbers<[1], [0], [0], [1], [0, 0, 1, 1], [], []>, transpose_lhs_hint = false} : vector<1000x512xf32>, vector<512x2000xf32>, vector<1000x2000xf32> -> vector<1000x2000xf32>
    %add3A = arith.addf %get3A_3, %dot_general3A_10 : vector<1000x2000xf32>
    %swap3A = arith.constant 0 : index
    %swap3A_11 = arith.constant 0 : index
    %swap3A_12 = vector.load %arg4[%swap3A, %swap3A_11] : memref<1000x2000xf32, #tpu.memory_space<vmem>>, vector<1000x2000xf32>
    tpu.vector_store %arg4[%swap3A, %swap3A_11], %add3A {strides = array<i32>} : memref<1000x2000xf32, #tpu.memory_space<vmem>>, vector<1000x2000xf32>,
    %eq3A_13 = arith.constant 19 : i32
    %eq3A_14 = arith.cmpi eq, %arg1, %eq3A_13 : i32
    %convert_element_type3A_15 = arith.extui %eq3A_14 : i1 to i32
    %cond3A_16 = arith.constant 0 : i32
    %cond3A_17 = arith.cmpi ne, %convert_element_type3A_15, %cond3A_16 : i32
    scf.if %cond3A_17 {
      %iota3A = tpu.iota {dimensions = array<i32: 0>} : vector<1000x2000xi32>
      %mul3A = arith.constant 1000 : i32
      %mul3A_18 = arith.muli %arg0, %mul3A : i32
      %add3A_19 = vector.broadcast %mul3A_18 : i32 to vector<1000x2000xi32>
      %add3A_20 = arith.addi %iota3A, %add3A_19 : vector<1000x2000xi32>
      %iota3A_21 = tpu.iota {dimensions = array<i32: 1>} : vector<1000x2000xi32>
      %eq3A_22 = arith.cmpi eq, %add3A_20, %iota3A_21 : vector<1000x2000xi32>
      %get3A_23 = arith.constant 0 : index
      %get3A_24 = arith.constant 0 : index
      %get3A_25 = vector.load %arg4[%get3A_23, %get3A_24] : memref<1000x2000xf32, #tpu.memory_space<vmem>>, vector<1000x2000xf32>
      %jit3A = arith.constant 0.000000e+00 : f32
      %broadcast_in_dim3A = vector.broadcast %jit3A : f32 to vector<1000x2000xf32>
      %select_n3A = arith.select %eq3A_22, %broadcast_in_dim3A, %get3A_25 : vector<1000x2000xi1>, vector<1000x2000xf32>
      %swap3A_26 = arith.constant 0 : index
      %swap3A_27 = arith.constant 0 : index
      %swap3A_28 = vector.load %arg4[%swap3A_26, %swap3A_27] : memref<1000x2000xf32, #tpu.memory_space<vmem>>, vector<1000x2000xf32>
      tpu.vector_store %arg4[%swap3A_26, %swap3A_27], %select_n3A {strides = array<i32>} : memref<1000x2000xf32, #tpu.memory_space<vmem>>, vector<1000x2000xf32>,
    } else {
    }
    return
  }
  func.func @transform_0(%arg0: i32, %arg1: i32) -> (i32, i32) {
    %c0_i32 = arith.constant 0 : i32
    return %arg0, %arg1 : i32, i32
  }
  func.func @transform_1(%arg0: i32, %arg1: i32) -> (i32, i32) {
    %c0_i32 = arith.constant 0 : i32
    %c0_i32_0 = arith.constant 0 : i32
    return %arg1, %c0_i32 : i32, i32
  }
  func.func @transform_2(%arg0: i32, %arg1: i32) -> (i32, i32) {
    %c0_i32 = arith.constant 0 : i32
    %c0_i32_0 = arith.constant 0 : i32
    return %arg0, %c0_i32 : i32, i32
  }
}

module attributes {stable_mosaic.version = 14 : i64} {
  func.func @_transpose_body(%arg0: memref<2000x2000xf32, #tpu.memory_space<vmem>>, %arg1: memref<2000x2000xf32, #tpu.memory_space<vmem>>) attributes {dimension_semantics = [], scalar_prefetch = 0 : i64, scratch_operands = 0 : i64, tpu.core_type = #tpu.core_type<tc>} {
    %get3A = arith.constant 0 : index
    %get3A_0 = arith.constant 0 : index
    %get3A_1 = vector.load %arg0[%get3A, %get3A_0] : memref<2000x2000xf32, #tpu.memory_space<vmem>>, vector<2000x2000xf32>
    %transpose3A = tpu.transpose %get3A_1, [1, 0] : vector<2000x2000xf32> -> vector<2000x2000xf32>
    %swap3A = arith.constant 0 : index
    %swap3A_2 = arith.constant 0 : index
    %swap3A_3 = vector.load %arg1[%swap3A, %swap3A_2] : memref<2000x2000xf32, #tpu.memory_space<vmem>>, vector<2000x2000xf32>
    tpu.vector_store %arg1[%swap3A, %swap3A_2], %transpose3A {strides = array<i32>} : memref<2000x2000xf32, #tpu.memory_space<vmem>>, vector<2000x2000xf32>,
    return
  }
}

module attributes {stable_mosaic.version = 14 : i64} {
  func.func @_gcn_dense_score_body(%arg0: memref<2000x2000xf32, #tpu.memory_space<vmem>>, %arg1: memref<2000x64xf32, #tpu.memory_space<vmem>>, %arg2: memref<64x64xf32, #tpu.memory_space<vmem>>, %arg3: memref<64xf32, #tpu.memory_space<vmem>>, %arg4: memref<64xf32, #tpu.memory_space<vmem>>, %arg5: memref<2000x64xf32, #tpu.memory_space<vmem>>, %arg6: memref<2000x1xf32, #tpu.memory_space<vmem>>) attributes {dimension_semantics = [], scalar_prefetch = 0 : i64, scratch_operands = 0 : i64, tpu.core_type = #tpu.core_type<tc>} {
    %get3A = arith.constant 0 : index
    %get3A_0 = arith.constant 0 : index
    %get3A_1 = vector.load %arg0[%get3A, %get3A_0] : memref<2000x2000xf32, #tpu.memory_space<vmem>>, vector<2000x2000xf32>
    %reduce_sum3A = arith.constant dense<0.000000e+00> : vector<2000xf32>
    %reduce_sum3A_2 = vector.multi_reduction <add>, %get3A_1, %reduce_sum3A [1] : vector<2000x2000xf32> to vector<2000xf32>
    %broadcast_in_dim3A = vector.shape_cast %reduce_sum3A_2 : vector<2000xf32> to vector<2000x1xf32>
    %add3A = arith.constant 2.000000e+00 : f32
    %add3A_3 = vector.broadcast %add3A : f32 to vector<2000x1xf32>
    %add3A_4 = arith.addf %broadcast_in_dim3A, %add3A_3 : vector<2000x1xf32>
    %rsqrt3A = math.rsqrt %add3A_4 : vector<2000x1xf32>
    %get3A_5 = arith.constant 0 : index
    %get3A_6 = arith.constant 0 : index
    %get3A_7 = vector.load %arg1[%get3A_5, %get3A_6] : memref<2000x64xf32, #tpu.memory_space<vmem>>, vector<2000x64xf32>
    %get3A_8 = arith.constant 0 : index
    %get3A_9 = arith.constant 0 : index
    %get3A_10 = vector.load %arg2[%get3A_8, %get3A_9] : memref<64x64xf32, #tpu.memory_space<vmem>>, vector<64x64xf32>
    %dot_general3A = arith.constant dense<0.000000e+00> : vector<2000x64xf32>
    %dot_general3A_11 = tpu.matmul %get3A_7, %get3A_10, %dot_general3A {dimension_numbers = #tpu.dot_dimension_numbers<[1], [0], [0], [1], [0, 0, 1, 1], [], []>, transpose_lhs_hint = false} : vector<2000x64xf32>, vector<64x64xf32>, vector<2000x64xf32> -> vector<2000x64xf32>
    %mul3A = vector.broadcast %rsqrt3A : vector<2000x1xf32> to vector<2000x64xf32>
    %mul3A_12 = arith.mulf %dot_general3A_11, %mul3A : vector<2000x64xf32>
    %dot_general3A_13 = arith.constant dense<0.000000e+00> : vector<2000x64xf32>
    %dot_general3A_14 = tpu.matmul %get3A_1, %mul3A_12, %dot_general3A_13 {dimension_numbers = #tpu.dot_dimension_numbers<[1], [0], [0], [1], [0, 0, 1, 1], [], []>, transpose_lhs_hint = false} : vector<2000x2000xf32>, vector<2000x64xf32>, vector<2000x64xf32> -> vector<2000x64xf32>
    %mul3A_15 = arith.constant 2.000000e+00 : f32
    %mul3A_16 = vector.broadcast %mul3A_15 : f32 to vector<2000x64xf32>
    %mul3A_17 = arith.mulf %mul3A_16, %mul3A_12 : vector<2000x64xf32>
    %add3A_18 = arith.addf %dot_general3A_14, %mul3A_17 : vector<2000x64xf32>
    %mul3A_19 = vector.broadcast %rsqrt3A : vector<2000x1xf32> to vector<2000x64xf32>
    %mul3A_20 = arith.mulf %add3A_18, %mul3A_19 : vector<2000x64xf32>
    %get3A_21 = arith.constant 0 : index
    %get3A_22 = vector.load %arg3[%get3A_21] : memref<64xf32, #tpu.memory_space<vmem>>, vector<64xf32>
    %broadcast_in_dim3A_23 = vector.shape_cast %get3A_22 : vector<64xf32> to vector<1x64xf32>
    %add3A_24 = vector.broadcast %broadcast_in_dim3A_23 : vector<1x64xf32> to vector<2000x64xf32>
    %add3A_25 = arith.addf %mul3A_20, %add3A_24 : vector<2000x64xf32>
    %max3A = arith.constant 0.000000e+00 : f32
    %max3A_26 = vector.broadcast %max3A : f32 to vector<2000x64xf32>
    %max3A_27 = arith.maximumf %add3A_25, %max3A_26 : vector<2000x64xf32>
    %swap3A = arith.constant 0 : index
    %swap3A_28 = arith.constant 0 : index
    %swap3A_29 = vector.load %arg5[%swap3A, %swap3A_28] : memref<2000x64xf32, #tpu.memory_space<vmem>>, vector<2000x64xf32>
    tpu.vector_store %arg5[%swap3A, %swap3A_28], %max3A_27 {strides = array<i32>} : memref<2000x64xf32, #tpu.memory_space<vmem>>, vector<2000x64xf32>,
    %get3A_30 = arith.constant 0 : index
    %get3A_31 = vector.load %arg4[%get3A_30] : memref<64xf32, #tpu.memory_space<vmem>>, vector<64xf32>
    %mul3A_32 = arith.mulf %get3A_31, %get3A_31 : vector<64xf32>
    %reduce_sum3A_33 = vector.shape_cast %mul3A_32 : vector<64xf32> to vector<1x64xf32>
    %reduce_sum3A_34 = arith.constant dense<0.000000e+00> : vector<1xf32>
    %reduce_sum3A_35 = vector.multi_reduction <add>, %reduce_sum3A_33, %reduce_sum3A_34 [1] : vector<1x64xf32> to vector<1xf32>
    %reduce_sum3A_36 = vector.shape_cast %reduce_sum3A_35 : vector<1xf32> to vector<1x1xf32>
    %reduce_sum3A_37 = vector.extract %reduce_sum3A_36[0, 0] : f32 from vector<1x1xf32>
    %rsqrt3A_38 = math.rsqrt %reduce_sum3A_37 : f32
    %broadcast_in_dim3A_39 = vector.shape_cast %get3A_31 : vector<64xf32> to vector<64x1xf32>
    %dot_general3A_40 = arith.constant dense<0.000000e+00> : vector<2000x1xf32>
    %dot_general3A_41 = tpu.matmul %max3A_27, %broadcast_in_dim3A_39, %dot_general3A_40 {dimension_numbers = #tpu.dot_dimension_numbers<[1], [0], [0], [1], [0, 0, 1, 1], [], []>, transpose_lhs_hint = false} : vector<2000x64xf32>, vector<64x1xf32>, vector<2000x1xf32> -> vector<2000x1xf32>
    %mul3A_42 = vector.broadcast %rsqrt3A_38 : f32 to vector<2000x1xf32>
    %mul3A_43 = arith.mulf %dot_general3A_41, %mul3A_42 : vector<2000x1xf32>
    %tanh3A = math.tanh %mul3A_43 : vector<2000x1xf32>
    %swap3A_44 = arith.constant 0 : index
    %swap3A_45 = arith.constant 0 : index
    %swap3A_46 = vector.load %arg6[%swap3A_44, %swap3A_45] : memref<2000x1xf32, #tpu.memory_space<vmem>>, vector<2000x1xf32>
    tpu.vector_store %arg6[%swap3A_44, %swap3A_45], %tanh3A {strides = array<i32>} : memref<2000x1xf32, #tpu.memory_space<vmem>>, vector<2000x1xf32>,
    return
  }
}

module attributes {stable_mosaic.version = 14 : i64} {
  func.func @_augmm_t_body(%arg0: memref<1000x2000xf32, #tpu.memory_space<vmem>>, %arg1: memref<1000x2000xf32, #tpu.memory_space<vmem>>, %arg2: memref<1000x1000xf32, #tpu.memory_space<vmem>>) attributes {dimension_semantics = [], scalar_prefetch = 0 : i64, scratch_operands = 0 : i64, tpu.core_type = #tpu.core_type<tc>} {
    %get3A = arith.constant 0 : index
    %get3A_0 = arith.constant 0 : index
    %get3A_1 = vector.load %arg0[%get3A, %get3A_0] : memref<1000x2000xf32, #tpu.memory_space<vmem>>, vector<1000x2000xf32>
    %get3A_2 = arith.constant 0 : index
    %get3A_3 = arith.constant 0 : index
    %get3A_4 = vector.load %arg1[%get3A_2, %get3A_3] : memref<1000x2000xf32, #tpu.memory_space<vmem>>, vector<1000x2000xf32>
    %dot_general3A = arith.constant dense<0.000000e+00> : vector<1000x1000xf32>
    %dot_general3A_5 = tpu.matmul %get3A_1, %get3A_4, %dot_general3A {dimension_numbers = #tpu.dot_dimension_numbers<[1], [1], [0], [0], [0, 0, 1, 0], [], []>, transpose_lhs_hint = false} : vector<1000x2000xf32>, vector<1000x2000xf32>, vector<1000x1000xf32> -> vector<1000x1000xf32>
    %iota3A = tpu.iota {dimensions = array<i32: 0>} : vector<1000x1000xi32>
    %iota3A_6 = tpu.iota {dimensions = array<i32: 1>} : vector<1000x1000xi32>
    %eq3A = arith.cmpi eq, %iota3A, %iota3A_6 : vector<1000x1000xi32>
    %jit3A = arith.constant 0.000000e+00 : f32
    %broadcast_in_dim3A = vector.broadcast %jit3A : f32 to vector<1000x1000xf32>
    %select_n3A = arith.select %eq3A, %broadcast_in_dim3A, %dot_general3A_5 : vector<1000x1000xi1>, vector<1000x1000xf32>
    %swap3A = arith.constant 0 : index
    %swap3A_7 = arith.constant 0 : index
    %swap3A_8 = vector.load %arg2[%swap3A, %swap3A_7] : memref<1000x1000xf32, #tpu.memory_space<vmem>>, vector<1000x1000xf32>
    tpu.vector_store %arg2[%swap3A, %swap3A_7], %select_n3A {strides = array<i32>} : memref<1000x1000xf32, #tpu.memory_space<vmem>>, vector<1000x1000xf32>,
    return
  }
}

module attributes {stable_mosaic.version = 14 : i64} {
  func.func @_transpose_body(%arg0: memref<1000x1000xf32, #tpu.memory_space<vmem>>, %arg1: memref<1000x1000xf32, #tpu.memory_space<vmem>>) attributes {dimension_semantics = [], scalar_prefetch = 0 : i64, scratch_operands = 0 : i64, tpu.core_type = #tpu.core_type<tc>} {
    %get3A = arith.constant 0 : index
    %get3A_0 = arith.constant 0 : index
    %get3A_1 = vector.load %arg0[%get3A, %get3A_0] : memref<1000x1000xf32, #tpu.memory_space<vmem>>, vector<1000x1000xf32>
    %transpose3A = tpu.transpose %get3A_1, [1, 0] : vector<1000x1000xf32> -> vector<1000x1000xf32>
    %swap3A = arith.constant 0 : index
    %swap3A_2 = arith.constant 0 : index
    %swap3A_3 = vector.load %arg1[%swap3A, %swap3A_2] : memref<1000x1000xf32, #tpu.memory_space<vmem>>, vector<1000x1000xf32>
    tpu.vector_store %arg1[%swap3A, %swap3A_2], %transpose3A {strides = array<i32>} : memref<1000x1000xf32, #tpu.memory_space<vmem>>, vector<1000x1000xf32>,
    return
  }
}

module attributes {stable_mosaic.version = 14 : i64} {
  func.func @_gcn_dense_score_body(%arg0: memref<1000x1000xf32, #tpu.memory_space<vmem>>, %arg1: memref<1000x64xf32, #tpu.memory_space<vmem>>, %arg2: memref<64x64xf32, #tpu.memory_space<vmem>>, %arg3: memref<64xf32, #tpu.memory_space<vmem>>, %arg4: memref<64xf32, #tpu.memory_space<vmem>>, %arg5: memref<1000x64xf32, #tpu.memory_space<vmem>>, %arg6: memref<1000x1xf32, #tpu.memory_space<vmem>>) attributes {dimension_semantics = [], scalar_prefetch = 0 : i64, scratch_operands = 0 : i64, tpu.core_type = #tpu.core_type<tc>} {
    %get3A = arith.constant 0 : index
    %get3A_0 = arith.constant 0 : index
    %get3A_1 = vector.load %arg0[%get3A, %get3A_0] : memref<1000x1000xf32, #tpu.memory_space<vmem>>, vector<1000x1000xf32>
    %reduce_sum3A = arith.constant dense<0.000000e+00> : vector<1000xf32>
    %reduce_sum3A_2 = vector.multi_reduction <add>, %get3A_1, %reduce_sum3A [1] : vector<1000x1000xf32> to vector<1000xf32>
    %broadcast_in_dim3A = vector.shape_cast %reduce_sum3A_2 : vector<1000xf32> to vector<1000x1xf32>
    %add3A = arith.constant 2.000000e+00 : f32
    %add3A_3 = vector.broadcast %add3A : f32 to vector<1000x1xf32>
    %add3A_4 = arith.addf %broadcast_in_dim3A, %add3A_3 : vector<1000x1xf32>
    %rsqrt3A = math.rsqrt %add3A_4 : vector<1000x1xf32>
    %get3A_5 = arith.constant 0 : index
    %get3A_6 = arith.constant 0 : index
    %get3A_7 = vector.load %arg1[%get3A_5, %get3A_6] : memref<1000x64xf32, #tpu.memory_space<vmem>>, vector<1000x64xf32>
    %get3A_8 = arith.constant 0 : index
    %get3A_9 = arith.constant 0 : index
    %get3A_10 = vector.load %arg2[%get3A_8, %get3A_9] : memref<64x64xf32, #tpu.memory_space<vmem>>, vector<64x64xf32>
    %dot_general3A = arith.constant dense<0.000000e+00> : vector<1000x64xf32>
    %dot_general3A_11 = tpu.matmul %get3A_7, %get3A_10, %dot_general3A {dimension_numbers = #tpu.dot_dimension_numbers<[1], [0], [0], [1], [0, 0, 1, 1], [], []>, transpose_lhs_hint = false} : vector<1000x64xf32>, vector<64x64xf32>, vector<1000x64xf32> -> vector<1000x64xf32>
    %mul3A = vector.broadcast %rsqrt3A : vector<1000x1xf32> to vector<1000x64xf32>
    %mul3A_12 = arith.mulf %dot_general3A_11, %mul3A : vector<1000x64xf32>
    %dot_general3A_13 = arith.constant dense<0.000000e+00> : vector<1000x64xf32>
    %dot_general3A_14 = tpu.matmul %get3A_1, %mul3A_12, %dot_general3A_13 {dimension_numbers = #tpu.dot_dimension_numbers<[1], [0], [0], [1], [0, 0, 1, 1], [], []>, transpose_lhs_hint = false} : vector<1000x1000xf32>, vector<1000x64xf32>, vector<1000x64xf32> -> vector<1000x64xf32>
    %mul3A_15 = arith.constant 2.000000e+00 : f32
    %mul3A_16 = vector.broadcast %mul3A_15 : f32 to vector<1000x64xf32>
    %mul3A_17 = arith.mulf %mul3A_16, %mul3A_12 : vector<1000x64xf32>
    %add3A_18 = arith.addf %dot_general3A_14, %mul3A_17 : vector<1000x64xf32>
    %mul3A_19 = vector.broadcast %rsqrt3A : vector<1000x1xf32> to vector<1000x64xf32>
    %mul3A_20 = arith.mulf %add3A_18, %mul3A_19 : vector<1000x64xf32>
    %get3A_21 = arith.constant 0 : index
    %get3A_22 = vector.load %arg3[%get3A_21] : memref<64xf32, #tpu.memory_space<vmem>>, vector<64xf32>
    %broadcast_in_dim3A_23 = vector.shape_cast %get3A_22 : vector<64xf32> to vector<1x64xf32>
    %add3A_24 = vector.broadcast %broadcast_in_dim3A_23 : vector<1x64xf32> to vector<1000x64xf32>
    %add3A_25 = arith.addf %mul3A_20, %add3A_24 : vector<1000x64xf32>
    %max3A = arith.constant 0.000000e+00 : f32
    %max3A_26 = vector.broadcast %max3A : f32 to vector<1000x64xf32>
    %max3A_27 = arith.maximumf %add3A_25, %max3A_26 : vector<1000x64xf32>
    %swap3A = arith.constant 0 : index
    %swap3A_28 = arith.constant 0 : index
    %swap3A_29 = vector.load %arg5[%swap3A, %swap3A_28] : memref<1000x64xf32, #tpu.memory_space<vmem>>, vector<1000x64xf32>
    tpu.vector_store %arg5[%swap3A, %swap3A_28], %max3A_27 {strides = array<i32>} : memref<1000x64xf32, #tpu.memory_space<vmem>>, vector<1000x64xf32>,
    %get3A_30 = arith.constant 0 : index
    %get3A_31 = vector.load %arg4[%get3A_30] : memref<64xf32, #tpu.memory_space<vmem>>, vector<64xf32>
    %mul3A_32 = arith.mulf %get3A_31, %get3A_31 : vector<64xf32>
    %reduce_sum3A_33 = vector.shape_cast %mul3A_32 : vector<64xf32> to vector<1x64xf32>
    %reduce_sum3A_34 = arith.constant dense<0.000000e+00> : vector<1xf32>
    %reduce_sum3A_35 = vector.multi_reduction <add>, %reduce_sum3A_33, %reduce_sum3A_34 [1] : vector<1x64xf32> to vector<1xf32>
    %reduce_sum3A_36 = vector.shape_cast %reduce_sum3A_35 : vector<1xf32> to vector<1x1xf32>
    %reduce_sum3A_37 = vector.extract %reduce_sum3A_36[0, 0] : f32 from vector<1x1xf32>
    %rsqrt3A_38 = math.rsqrt %reduce_sum3A_37 : f32
    %broadcast_in_dim3A_39 = vector.shape_cast %get3A_31 : vector<64xf32> to vector<64x1xf32>
    %dot_general3A_40 = arith.constant dense<0.000000e+00> : vector<1000x1xf32>
    %dot_general3A_41 = tpu.matmul %max3A_27, %broadcast_in_dim3A_39, %dot_general3A_40 {dimension_numbers = #tpu.dot_dimension_numbers<[1], [0], [0], [1], [0, 0, 1, 1], [], []>, transpose_lhs_hint = false} : vector<1000x64xf32>, vector<64x1xf32>, vector<1000x1xf32> -> vector<1000x1xf32>
    %mul3A_42 = vector.broadcast %rsqrt3A_38 : f32 to vector<1000x1xf32>
    %mul3A_43 = arith.mulf %dot_general3A_41, %mul3A_42 : vector<1000x1xf32>
    %tanh3A = math.tanh %mul3A_43 : vector<1000x1xf32>
    %swap3A_44 = arith.constant 0 : index
    %swap3A_45 = arith.constant 0 : index
    %swap3A_46 = vector.load %arg6[%swap3A_44, %swap3A_45] : memref<1000x1xf32, #tpu.memory_space<vmem>>, vector<1000x1xf32>
    tpu.vector_store %arg6[%swap3A_44, %swap3A_45], %tanh3A {strides = array<i32>} : memref<1000x1xf32, #tpu.memory_space<vmem>>, vector<1000x1xf32>,
    return
  }
}

module attributes {stable_mosaic.version = 14 : i64} {
  func.func @_augmm_t_body(%arg0: memref<500x1000xf32, #tpu.memory_space<vmem>>, %arg1: memref<500x1000xf32, #tpu.memory_space<vmem>>, %arg2: memref<500x500xf32, #tpu.memory_space<vmem>>) attributes {dimension_semantics = [], scalar_prefetch = 0 : i64, scratch_operands = 0 : i64, tpu.core_type = #tpu.core_type<tc>} {
    %get3A = arith.constant 0 : index
    %get3A_0 = arith.constant 0 : index
    %get3A_1 = vector.load %arg0[%get3A, %get3A_0] : memref<500x1000xf32, #tpu.memory_space<vmem>>, vector<500x1000xf32>
    %get3A_2 = arith.constant 0 : index
    %get3A_3 = arith.constant 0 : index
    %get3A_4 = vector.load %arg1[%get3A_2, %get3A_3] : memref<500x1000xf32, #tpu.memory_space<vmem>>, vector<500x1000xf32>
    %dot_general3A = arith.constant dense<0.000000e+00> : vector<500x500xf32>
    %dot_general3A_5 = tpu.matmul %get3A_1, %get3A_4, %dot_general3A {dimension_numbers = #tpu.dot_dimension_numbers<[1], [1], [0], [0], [0, 0, 1, 0], [], []>, transpose_lhs_hint = false} : vector<500x1000xf32>, vector<500x1000xf32>, vector<500x500xf32> -> vector<500x500xf32>
    %iota3A = tpu.iota {dimensions = array<i32: 0>} : vector<500x500xi32>
    %iota3A_6 = tpu.iota {dimensions = array<i32: 1>} : vector<500x500xi32>
    %eq3A = arith.cmpi eq, %iota3A, %iota3A_6 : vector<500x500xi32>
    %jit3A = arith.constant 0.000000e+00 : f32
    %broadcast_in_dim3A = vector.broadcast %jit3A : f32 to vector<500x500xf32>
    %select_n3A = arith.select %eq3A, %broadcast_in_dim3A, %dot_general3A_5 : vector<500x500xi1>, vector<500x500xf32>
    %swap3A = arith.constant 0 : index
    %swap3A_7 = arith.constant 0 : index
    %swap3A_8 = vector.load %arg2[%swap3A, %swap3A_7] : memref<500x500xf32, #tpu.memory_space<vmem>>, vector<500x500xf32>
    tpu.vector_store %arg2[%swap3A, %swap3A_7], %select_n3A {strides = array<i32>} : memref<500x500xf32, #tpu.memory_space<vmem>>, vector<500x500xf32>,
    return
  }
}

module attributes {stable_mosaic.version = 14 : i64} {
  func.func @_gcn_dense_body(%arg0: memref<500x500xf32, #tpu.memory_space<vmem>>, %arg1: memref<500x64xf32, #tpu.memory_space<vmem>>, %arg2: memref<64x64xf32, #tpu.memory_space<vmem>>, %arg3: memref<64xf32, #tpu.memory_space<vmem>>, %arg4: memref<500x64xf32, #tpu.memory_space<vmem>>) attributes {dimension_semantics = [], scalar_prefetch = 0 : i64, scratch_operands = 0 : i64, tpu.core_type = #tpu.core_type<tc>} {
    %get3A = arith.constant 0 : index
    %get3A_0 = arith.constant 0 : index
    %get3A_1 = vector.load %arg0[%get3A, %get3A_0] : memref<500x500xf32, #tpu.memory_space<vmem>>, vector<500x500xf32>
    %reduce_sum3A = arith.constant dense<0.000000e+00> : vector<500xf32>
    %reduce_sum3A_2 = vector.multi_reduction <add>, %get3A_1, %reduce_sum3A [1] : vector<500x500xf32> to vector<500xf32>
    %broadcast_in_dim3A = vector.shape_cast %reduce_sum3A_2 : vector<500xf32> to vector<500x1xf32>
    %add3A = arith.constant 2.000000e+00 : f32
    %add3A_3 = vector.broadcast %add3A : f32 to vector<500x1xf32>
    %add3A_4 = arith.addf %broadcast_in_dim3A, %add3A_3 : vector<500x1xf32>
    %rsqrt3A = math.rsqrt %add3A_4 : vector<500x1xf32>
    %get3A_5 = arith.constant 0 : index
    %get3A_6 = arith.constant 0 : index
    %get3A_7 = vector.load %arg1[%get3A_5, %get3A_6] : memref<500x64xf32, #tpu.memory_space<vmem>>, vector<500x64xf32>
    %get3A_8 = arith.constant 0 : index
    %get3A_9 = arith.constant 0 : index
    %get3A_10 = vector.load %arg2[%get3A_8, %get3A_9] : memref<64x64xf32, #tpu.memory_space<vmem>>, vector<64x64xf32>
    %dot_general3A = arith.constant dense<0.000000e+00> : vector<500x64xf32>
    %dot_general3A_11 = tpu.matmul %get3A_7, %get3A_10, %dot_general3A {dimension_numbers = #tpu.dot_dimension_numbers<[1], [0], [0], [1], [0, 0, 1, 1], [], []>, transpose_lhs_hint = false} : vector<500x64xf32>, vector<64x64xf32>, vector<500x64xf32> -> vector<500x64xf32>
    %mul3A = vector.broadcast %rsqrt3A : vector<500x1xf32> to vector<500x64xf32>
    %mul3A_12 = arith.mulf %dot_general3A_11, %mul3A : vector<500x64xf32>
    %dot_general3A_13 = arith.constant dense<0.000000e+00> : vector<500x64xf32>
    %dot_general3A_14 = tpu.matmul %get3A_1, %mul3A_12, %dot_general3A_13 {dimension_numbers = #tpu.dot_dimension_numbers<[1], [0], [0], [1], [0, 0, 1, 1], [], []>, transpose_lhs_hint = false} : vector<500x500xf32>, vector<500x64xf32>, vector<500x64xf32> -> vector<500x64xf32>
    %mul3A_15 = arith.constant 2.000000e+00 : f32
    %mul3A_16 = vector.broadcast %mul3A_15 : f32 to vector<500x64xf32>
    %mul3A_17 = arith.mulf %mul3A_16, %mul3A_12 : vector<500x64xf32>
    %add3A_18 = arith.addf %dot_general3A_14, %mul3A_17 : vector<500x64xf32>
    %mul3A_19 = vector.broadcast %rsqrt3A : vector<500x1xf32> to vector<500x64xf32>
    %mul3A_20 = arith.mulf %add3A_18, %mul3A_19 : vector<500x64xf32>
    %get3A_21 = arith.constant 0 : index
    %get3A_22 = vector.load %arg3[%get3A_21] : memref<64xf32, #tpu.memory_space<vmem>>, vector<64xf32>
    %broadcast_in_dim3A_23 = vector.shape_cast %get3A_22 : vector<64xf32> to vector<1x64xf32>
    %add3A_24 = vector.broadcast %broadcast_in_dim3A_23 : vector<1x64xf32> to vector<500x64xf32>
    %add3A_25 = arith.addf %mul3A_20, %add3A_24 : vector<500x64xf32>
    %max3A = arith.constant 0.000000e+00 : f32
    %max3A_26 = vector.broadcast %max3A : f32 to vector<500x64xf32>
    %max3A_27 = arith.maximumf %add3A_25, %max3A_26 : vector<500x64xf32>
    %swap3A = arith.constant 0 : index
    %swap3A_28 = arith.constant 0 : index
    %swap3A_29 = vector.load %arg4[%swap3A, %swap3A_28] : memref<500x64xf32, #tpu.memory_space<vmem>>, vector<500x64xf32>
    tpu.vector_store %arg4[%swap3A, %swap3A_28], %max3A_27 {strides = array<i32>} : memref<500x64xf32, #tpu.memory_space<vmem>>, vector<500x64xf32>,
    return
  }
}

module attributes {stable_mosaic.version = 14 : i64} {
  func.func @_gcn_dense_body(%arg0: memref<1000x1000xf32, #tpu.memory_space<vmem>>, %arg1: memref<1000x64xf32, #tpu.memory_space<vmem>>, %arg2: memref<64x64xf32, #tpu.memory_space<vmem>>, %arg3: memref<64xf32, #tpu.memory_space<vmem>>, %arg4: memref<1000x64xf32, #tpu.memory_space<vmem>>) attributes {dimension_semantics = [], scalar_prefetch = 0 : i64, scratch_operands = 0 : i64, tpu.core_type = #tpu.core_type<tc>} {
    %get3A = arith.constant 0 : index
    %get3A_0 = arith.constant 0 : index
    %get3A_1 = vector.load %arg0[%get3A, %get3A_0] : memref<1000x1000xf32, #tpu.memory_space<vmem>>, vector<1000x1000xf32>
    %reduce_sum3A = arith.constant dense<0.000000e+00> : vector<1000xf32>
    %reduce_sum3A_2 = vector.multi_reduction <add>, %get3A_1, %reduce_sum3A [1] : vector<1000x1000xf32> to vector<1000xf32>
    %broadcast_in_dim3A = vector.shape_cast %reduce_sum3A_2 : vector<1000xf32> to vector<1000x1xf32>
    %add3A = arith.constant 2.000000e+00 : f32
    %add3A_3 = vector.broadcast %add3A : f32 to vector<1000x1xf32>
    %add3A_4 = arith.addf %broadcast_in_dim3A, %add3A_3 : vector<1000x1xf32>
    %rsqrt3A = math.rsqrt %add3A_4 : vector<1000x1xf32>
    %get3A_5 = arith.constant 0 : index
    %get3A_6 = arith.constant 0 : index
    %get3A_7 = vector.load %arg1[%get3A_5, %get3A_6] : memref<1000x64xf32, #tpu.memory_space<vmem>>, vector<1000x64xf32>
    %get3A_8 = arith.constant 0 : index
    %get3A_9 = arith.constant 0 : index
    %get3A_10 = vector.load %arg2[%get3A_8, %get3A_9] : memref<64x64xf32, #tpu.memory_space<vmem>>, vector<64x64xf32>
    %dot_general3A = arith.constant dense<0.000000e+00> : vector<1000x64xf32>
    %dot_general3A_11 = tpu.matmul %get3A_7, %get3A_10, %dot_general3A {dimension_numbers = #tpu.dot_dimension_numbers<[1], [0], [0], [1], [0, 0, 1, 1], [], []>, transpose_lhs_hint = false} : vector<1000x64xf32>, vector<64x64xf32>, vector<1000x64xf32> -> vector<1000x64xf32>
    %mul3A = vector.broadcast %rsqrt3A : vector<1000x1xf32> to vector<1000x64xf32>
    %mul3A_12 = arith.mulf %dot_general3A_11, %mul3A : vector<1000x64xf32>
    %dot_general3A_13 = arith.constant dense<0.000000e+00> : vector<1000x64xf32>
    %dot_general3A_14 = tpu.matmul %get3A_1, %mul3A_12, %dot_general3A_13 {dimension_numbers = #tpu.dot_dimension_numbers<[1], [0], [0], [1], [0, 0, 1, 1], [], []>, transpose_lhs_hint = false} : vector<1000x1000xf32>, vector<1000x64xf32>, vector<1000x64xf32> -> vector<1000x64xf32>
    %mul3A_15 = arith.constant 2.000000e+00 : f32
    %mul3A_16 = vector.broadcast %mul3A_15 : f32 to vector<1000x64xf32>
    %mul3A_17 = arith.mulf %mul3A_16, %mul3A_12 : vector<1000x64xf32>
    %add3A_18 = arith.addf %dot_general3A_14, %mul3A_17 : vector<1000x64xf32>
    %mul3A_19 = vector.broadcast %rsqrt3A : vector<1000x1xf32> to vector<1000x64xf32>
    %mul3A_20 = arith.mulf %add3A_18, %mul3A_19 : vector<1000x64xf32>
    %get3A_21 = arith.constant 0 : index
    %get3A_22 = vector.load %arg3[%get3A_21] : memref<64xf32, #tpu.memory_space<vmem>>, vector<64xf32>
    %broadcast_in_dim3A_23 = vector.shape_cast %get3A_22 : vector<64xf32> to vector<1x64xf32>
    %add3A_24 = vector.broadcast %broadcast_in_dim3A_23 : vector<1x64xf32> to vector<1000x64xf32>
    %add3A_25 = arith.addf %mul3A_20, %add3A_24 : vector<1000x64xf32>
    %max3A = arith.constant 0.000000e+00 : f32
    %max3A_26 = vector.broadcast %max3A : f32 to vector<1000x64xf32>
    %max3A_27 = arith.maximumf %add3A_25, %max3A_26 : vector<1000x64xf32>
    %swap3A = arith.constant 0 : index
    %swap3A_28 = arith.constant 0 : index
    %swap3A_29 = vector.load %arg4[%swap3A, %swap3A_28] : memref<1000x64xf32, #tpu.memory_space<vmem>>, vector<1000x64xf32>
    tpu.vector_store %arg4[%swap3A, %swap3A_28], %max3A_27 {strides = array<i32>} : memref<1000x64xf32, #tpu.memory_space<vmem>>, vector<1000x64xf32>,
    return
  }
}

module attributes {stable_mosaic.version = 14 : i64} {
  func.func @_gcn_dense_body(%arg0: memref<2000x2000xf32, #tpu.memory_space<vmem>>, %arg1: memref<2000x64xf32, #tpu.memory_space<vmem>>, %arg2: memref<64x64xf32, #tpu.memory_space<vmem>>, %arg3: memref<64xf32, #tpu.memory_space<vmem>>, %arg4: memref<2000x64xf32, #tpu.memory_space<vmem>>) attributes {dimension_semantics = [], scalar_prefetch = 0 : i64, scratch_operands = 0 : i64, tpu.core_type = #tpu.core_type<tc>} {
    %get3A = arith.constant 0 : index
    %get3A_0 = arith.constant 0 : index
    %get3A_1 = vector.load %arg0[%get3A, %get3A_0] : memref<2000x2000xf32, #tpu.memory_space<vmem>>, vector<2000x2000xf32>
    %reduce_sum3A = arith.constant dense<0.000000e+00> : vector<2000xf32>
    %reduce_sum3A_2 = vector.multi_reduction <add>, %get3A_1, %reduce_sum3A [1] : vector<2000x2000xf32> to vector<2000xf32>
    %broadcast_in_dim3A = vector.shape_cast %reduce_sum3A_2 : vector<2000xf32> to vector<2000x1xf32>
    %add3A = arith.constant 2.000000e+00 : f32
    %add3A_3 = vector.broadcast %add3A : f32 to vector<2000x1xf32>
    %add3A_4 = arith.addf %broadcast_in_dim3A, %add3A_3 : vector<2000x1xf32>
    %rsqrt3A = math.rsqrt %add3A_4 : vector<2000x1xf32>
    %get3A_5 = arith.constant 0 : index
    %get3A_6 = arith.constant 0 : index
    %get3A_7 = vector.load %arg1[%get3A_5, %get3A_6] : memref<2000x64xf32, #tpu.memory_space<vmem>>, vector<2000x64xf32>
    %get3A_8 = arith.constant 0 : index
    %get3A_9 = arith.constant 0 : index
    %get3A_10 = vector.load %arg2[%get3A_8, %get3A_9] : memref<64x64xf32, #tpu.memory_space<vmem>>, vector<64x64xf32>
    %dot_general3A = arith.constant dense<0.000000e+00> : vector<2000x64xf32>
    %dot_general3A_11 = tpu.matmul %get3A_7, %get3A_10, %dot_general3A {dimension_numbers = #tpu.dot_dimension_numbers<[1], [0], [0], [1], [0, 0, 1, 1], [], []>, transpose_lhs_hint = false} : vector<2000x64xf32>, vector<64x64xf32>, vector<2000x64xf32> -> vector<2000x64xf32>
    %mul3A = vector.broadcast %rsqrt3A : vector<2000x1xf32> to vector<2000x64xf32>
    %mul3A_12 = arith.mulf %dot_general3A_11, %mul3A : vector<2000x64xf32>
    %dot_general3A_13 = arith.constant dense<0.000000e+00> : vector<2000x64xf32>
    %dot_general3A_14 = tpu.matmul %get3A_1, %mul3A_12, %dot_general3A_13 {dimension_numbers = #tpu.dot_dimension_numbers<[1], [0], [0], [1], [0, 0, 1, 1], [], []>, transpose_lhs_hint = false} : vector<2000x2000xf32>, vector<2000x64xf32>, vector<2000x64xf32> -> vector<2000x64xf32>
    %mul3A_15 = arith.constant 2.000000e+00 : f32
    %mul3A_16 = vector.broadcast %mul3A_15 : f32 to vector<2000x64xf32>
    %mul3A_17 = arith.mulf %mul3A_16, %mul3A_12 : vector<2000x64xf32>
    %add3A_18 = arith.addf %dot_general3A_14, %mul3A_17 : vector<2000x64xf32>
    %mul3A_19 = vector.broadcast %rsqrt3A : vector<2000x1xf32> to vector<2000x64xf32>
    %mul3A_20 = arith.mulf %add3A_18, %mul3A_19 : vector<2000x64xf32>
    %get3A_21 = arith.constant 0 : index
    %get3A_22 = vector.load %arg3[%get3A_21] : memref<64xf32, #tpu.memory_space<vmem>>, vector<64xf32>
    %broadcast_in_dim3A_23 = vector.shape_cast %get3A_22 : vector<64xf32> to vector<1x64xf32>
    %add3A_24 = vector.broadcast %broadcast_in_dim3A_23 : vector<1x64xf32> to vector<2000x64xf32>
    %add3A_25 = arith.addf %mul3A_20, %add3A_24 : vector<2000x64xf32>
    %max3A = arith.constant 0.000000e+00 : f32
    %max3A_26 = vector.broadcast %max3A : f32 to vector<2000x64xf32>
    %max3A_27 = arith.maximumf %add3A_25, %max3A_26 : vector<2000x64xf32>
    %swap3A = arith.constant 0 : index
    %swap3A_28 = arith.constant 0 : index
    %swap3A_29 = vector.load %arg4[%swap3A, %swap3A_28] : memref<2000x64xf32, #tpu.memory_space<vmem>>, vector<2000x64xf32>
    tpu.vector_store %arg4[%swap3A, %swap3A_28], %max3A_27 {strides = array<i32>} : memref<2000x64xf32, #tpu.memory_space<vmem>>, vector<2000x64xf32>,
    return
  }
}

module attributes {stable_mosaic.version = 14 : i64} {
  func.func @_xw_scale_body(%arg0: memref<10000x64xf32, #tpu.memory_space<vmem>>, %arg1: memref<64x64xf32, #tpu.memory_space<vmem>>, %arg2: memref<2x10000x8xf32, #tpu.memory_space<vmem>>, %arg3: memref<10000x64xf32, #tpu.memory_space<vmem>>) attributes {dimension_semantics = [], scalar_prefetch = 0 : i64, scratch_operands = 0 : i64, tpu.core_type = #tpu.core_type<tc>} {
    %get3A = arith.constant 0 : index
    %get3A_0 = arith.constant 0 : index
    %get3A_1 = arith.constant 0 : index
    %get3A_2 = vector.load %arg2[%get3A, %get3A_0, %get3A_1] : memref<2x10000x8xf32, #tpu.memory_space<vmem>>, vector<1x10000x1xf32>
    %get3A_3 = vector.shape_cast %get3A_2 : vector<1x10000x1xf32> to vector<10000x1xf32>
    %get3A_4 = arith.constant 1 : index
    %get3A_5 = arith.constant 0 : index
    %get3A_6 = arith.constant 0 : index
    %get3A_7 = vector.load %arg2[%get3A_4, %get3A_5, %get3A_6] : memref<2x10000x8xf32, #tpu.memory_space<vmem>>, vector<1x10000x1xf32>
    %get3A_8 = vector.shape_cast %get3A_7 : vector<1x10000x1xf32> to vector<10000x1xf32>
    %add3A = arith.addf %get3A_3, %get3A_8 : vector<10000x1xf32>
    %add3A_9 = arith.constant 2.000000e+00 : f32
    %add3A_10 = vector.broadcast %add3A_9 : f32 to vector<10000x1xf32>
    %add3A_11 = arith.addf %add3A, %add3A_10 : vector<10000x1xf32>
    %rsqrt3A = math.rsqrt %add3A_11 : vector<10000x1xf32>
    %get3A_12 = arith.constant 0 : index
    %get3A_13 = arith.constant 0 : index
    %get3A_14 = vector.load %arg0[%get3A_12, %get3A_13] : memref<10000x64xf32, #tpu.memory_space<vmem>>, vector<10000x64xf32>
    %get3A_15 = arith.constant 0 : index
    %get3A_16 = arith.constant 0 : index
    %get3A_17 = vector.load %arg1[%get3A_15, %get3A_16] : memref<64x64xf32, #tpu.memory_space<vmem>>, vector<64x64xf32>
    %dot_general3A = arith.constant dense<0.000000e+00> : vector<10000x64xf32>
    %dot_general3A_18 = tpu.matmul %get3A_14, %get3A_17, %dot_general3A {dimension_numbers = #tpu.dot_dimension_numbers<[1], [0], [0], [1], [0, 0, 1, 1], [], []>, transpose_lhs_hint = false} : vector<10000x64xf32>, vector<64x64xf32>, vector<10000x64xf32> -> vector<10000x64xf32>
    %mul3A = vector.broadcast %rsqrt3A : vector<10000x1xf32> to vector<10000x64xf32>
    %mul3A_19 = arith.mulf %dot_general3A_18, %mul3A : vector<10000x64xf32>
    %swap3A = arith.constant 0 : index
    %swap3A_20 = arith.constant 0 : index
    %swap3A_21 = vector.load %arg3[%swap3A, %swap3A_20] : memref<10000x64xf32, #tpu.memory_space<vmem>>, vector<10000x64xf32>
    tpu.vector_store %arg3[%swap3A, %swap3A_20], %mul3A_19 {strides = array<i32>} : memref<10000x64xf32, #tpu.memory_space<vmem>>, vector<10000x64xf32>,
    return
  }
}

module attributes {stable_mosaic.version = 14 : i64} {
  func.func @_lvl0_final_body(%arg0: memref<2x10000x64xf32, #tpu.memory_space<vmem>>, %arg1: memref<10000x64xf32, #tpu.memory_space<vmem>>, %arg2: memref<2x10000x8xf32, #tpu.memory_space<vmem>>, %arg3: memref<64xf32, #tpu.memory_space<vmem>>, %arg4: memref<10000x64xf32, #tpu.memory_space<vmem>>) attributes {dimension_semantics = [], scalar_prefetch = 0 : i64, scratch_operands = 0 : i64, tpu.core_type = #tpu.core_type<tc>} {
    %get3A = arith.constant 0 : index
    %get3A_0 = arith.constant 0 : index
    %get3A_1 = arith.constant 0 : index
    %get3A_2 = vector.load %arg2[%get3A, %get3A_0, %get3A_1] : memref<2x10000x8xf32, #tpu.memory_space<vmem>>, vector<1x10000x1xf32>
    %get3A_3 = vector.shape_cast %get3A_2 : vector<1x10000x1xf32> to vector<10000x1xf32>
    %get3A_4 = arith.constant 1 : index
    %get3A_5 = arith.constant 0 : index
    %get3A_6 = arith.constant 0 : index
    %get3A_7 = vector.load %arg2[%get3A_4, %get3A_5, %get3A_6] : memref<2x10000x8xf32, #tpu.memory_space<vmem>>, vector<1x10000x1xf32>
    %get3A_8 = vector.shape_cast %get3A_7 : vector<1x10000x1xf32> to vector<10000x1xf32>
    %add3A = arith.addf %get3A_3, %get3A_8 : vector<10000x1xf32>
    %add3A_9 = arith.constant 2.000000e+00 : f32
    %add3A_10 = vector.broadcast %add3A_9 : f32 to vector<10000x1xf32>
    %add3A_11 = arith.addf %add3A, %add3A_10 : vector<10000x1xf32>
    %rsqrt3A = math.rsqrt %add3A_11 : vector<10000x1xf32>
    %get3A_12 = arith.constant 0 : index
    %get3A_13 = arith.constant 0 : index
    %get3A_14 = arith.constant 0 : index
    %get3A_15 = vector.load %arg0[%get3A_12, %get3A_13, %get3A_14] : memref<2x10000x64xf32, #tpu.memory_space<vmem>>, vector<1x10000x64xf32>
    %get3A_16 = vector.shape_cast %get3A_15 : vector<1x10000x64xf32> to vector<10000x64xf32>
    %get3A_17 = arith.constant 1 : index
    %get3A_18 = arith.constant 0 : index
    %get3A_19 = arith.constant 0 : index
    %get3A_20 = vector.load %arg0[%get3A_17, %get3A_18, %get3A_19] : memref<2x10000x64xf32, #tpu.memory_space<vmem>>, vector<1x10000x64xf32>
    %get3A_21 = vector.shape_cast %get3A_20 : vector<1x10000x64xf32> to vector<10000x64xf32>
    %add3A_22 = arith.addf %get3A_16, %get3A_21 : vector<10000x64xf32>
    %get3A_23 = arith.constant 0 : index
    %get3A_24 = arith.constant 0 : index
    %get3A_25 = vector.load %arg1[%get3A_23, %get3A_24] : memref<10000x64xf32, #tpu.memory_space<vmem>>, vector<10000x64xf32>
    %mul3A = arith.constant 2.000000e+00 : f32
    %mul3A_26 = vector.broadcast %mul3A : f32 to vector<10000x64xf32>
    %mul3A_27 = arith.mulf %mul3A_26, %get3A_25 : vector<10000x64xf32>
    %add3A_28 = arith.addf %add3A_22, %mul3A_27 : vector<10000x64xf32>
    %mul3A_29 = vector.broadcast %rsqrt3A : vector<10000x1xf32> to vector<10000x64xf32>
    %mul3A_30 = arith.mulf %add3A_28, %mul3A_29 : vector<10000x64xf32>
    %get3A_31 = arith.constant 0 : index
    %get3A_32 = vector.load %arg3[%get3A_31] : memref<64xf32, #tpu.memory_space<vmem>>, vector<64xf32>
    %broadcast_in_dim3A = vector.shape_cast %get3A_32 : vector<64xf32> to vector<1x64xf32>
    %add3A_33 = vector.broadcast %broadcast_in_dim3A : vector<1x64xf32> to vector<10000x64xf32>
    %add3A_34 = arith.addf %mul3A_30, %add3A_33 : vector<10000x64xf32>
    %reduce_max3A = arith.constant dense<0xFF800000> : vector<10000xf32>
    %reduce_max3A_35 = vector.multi_reduction <maximumf>, %add3A_34, %reduce_max3A [1] : vector<10000x64xf32> to vector<10000xf32>
    %broadcast_in_dim3A_36 = vector.shape_cast %reduce_max3A_35 : vector<10000xf32> to vector<10000x1xf32>
    %sub3A = vector.broadcast %broadcast_in_dim3A_36 : vector<10000x1xf32> to vector<10000x64xf32>
    %sub3A_37 = arith.subf %add3A_34, %sub3A : vector<10000x64xf32>
    %exp3A = math.exp %sub3A_37 : vector<10000x64xf32>
    %reduce_sum3A = arith.constant dense<0.000000e+00> : vector<10000xf32>
    %reduce_sum3A_38 = vector.multi_reduction <add>, %exp3A, %reduce_sum3A [1] : vector<10000x64xf32> to vector<10000xf32>
    %broadcast_in_dim3A_39 = vector.shape_cast %reduce_sum3A_38 : vector<10000xf32> to vector<10000x1xf32>
    %log3A = math.log %broadcast_in_dim3A_39 : vector<10000x1xf32>
    %add3A_40 = arith.addf %broadcast_in_dim3A_36, %log3A : vector<10000x1xf32>
    %sub3A_41 = vector.broadcast %add3A_40 : vector<10000x1xf32> to vector<10000x64xf32>
    %sub3A_42 = arith.subf %add3A_34, %sub3A_41 : vector<10000x64xf32>
    %swap3A = arith.constant 0 : index
    %swap3A_43 = arith.constant 0 : index
    %swap3A_44 = vector.load %arg4[%swap3A, %swap3A_43] : memref<10000x64xf32, #tpu.memory_space<vmem>>, vector<10000x64xf32>
    tpu.vector_store %arg4[%swap3A, %swap3A_43], %sub3A_42 {strides = array<i32>} : memref<10000x64xf32, #tpu.memory_space<vmem>>, vector<10000x64xf32>,
    return
  }
}

</mosaic_0001>

<sc_bundles>
// kernel: gather_offload_async_start
scs
__scs_entry_jumppad:
0x0: {  	(pc) =	sbr.rel $0x88, $3  }
0x1: {  	(tag) =	ssettag $0x0;
	lr =	simm.s32 $0x1  }
0x2: {  	[smem:$0x3F8E] =	sst lr;
	_ =	strace $0xD0000000  }
0x3: {  	_ = 	snop  }
0x4: {  	_ = 	snop  }
0x5: {  	_ = 	snop  }
0x6: {  	_ = 	snop  }
0x7: {  	_ = 	snop  }
__scs_overlays_trampoline_lowered:
0x8: {  	[smem:$0x3F9D] =	sst s0  }
0x9: {  	[smem:$0x3F9E] =	sst s1  }
0xa: {  	[smem:$0x3F9F] =	sst s2  }
0xb: {  	[smem:$0x3FA0] =	sst s3  }
0xc: {  	[smem:$0x3FA1] =	sst s4  }
0xd: {  	[smem:$0x3FA2] =	sst s5  }
0xe: {  	[smem:$0x3FA3] =	sst s6  }
0xf: {  	[smem:$0x3FA4] =	sst s7  }
0x10: {  	[smem:$0x3FA5] =	sst s8  }
0x11: {  	[smem:$0x3FA6] =	sst s9;
	s0 =	simm.s32 @!p0 $0x0  }
0x12: {  	s1 =	sld [smem:$0x3F8C];
	s0 =	simm.s32 @p0 $0x1  }
0x13: {  	[smem:$0x3FA7] =	sst s0;
	s0 =	simm.s32 @!p1 $0x0  }
0x14: {  	s2 =	sld [smem:$0x3F8B];
	s0 =	simm.s32 @p1 $0x1  }
0x15: {  	[smem:$0x3FA8] =	sst s0;
	s0 =	simm.s32 @!p2 $0x0  }
0x16: {  	s3 =	sld [smem:$0x3FDB];
	s0 =	simm.s32 @p2 $0x1  }
0x17: {  	s4 =	simm.s32 $0x1BF5;
	[smem:$0x3FAA] =	sst s0  }
0x18: {  	s0 =	sld [smem:$0x3F8D];
	_ =	swait.ge [sflag:s4], $0x0  }
0x19: {  	s7 =	sld [smem:$0x3F8E]  }
0x1a: {  	s8 =	sadd.s32 $0xFFFFE003, lr  }
0x1b: {  	s9 =	sadd.s32 $0xFFFFFEF7, lr;
	s5 =	simm.s32 $0xFFFFFFFF;
	p2 =	slt.u32 s8, $0xFFFFF086  }
0x1c: {  	p1 =	slt.u32 s9, $0xF7A;
	s5 =	simm.s32 @!p2 $0x0  }
0x1d: {  	s5 =	simm.s32 @p1 $0x1;
	p0 =	seq.s32 s7, s2  }
0x1e: {  	s7 =	smul.u32 @!p0 $0xF7A, s2;
	p2 =	seq.s32 @!p0 s5, $0x0  }
0x1f: {  	s9 =	smul.u32 $0xF7A, s1;
	s8 =	simm.s32 @!p0 $0x1BF5;
	p2 =	por !p2, p0  }
0x20: {  	[sflag:s8] =	ssyncset.s32 @!p0 $0xFFFFF086;
	s6 =	sadd.s32 @!p0 s3, s7;
	s7 =	simm.s32 @!p0 $0x108  }
0x21: {  	s3 =	sadd.s32 s3, s9;
	s6 =	sadd.s32 @!p0 $0x88, s6;
	s7 =	simm.s32 @p2 $0x1082  }
0x22: {  	[simem:s7], [sflag:s8] =	dma.local @!p0 [hbm:s6], $0xF7A  }
0x23: {  	s9 =	sor.u32 $0xD0000000, s2;
	s6 =	simm.s32 $0x108;
	_ =	swait.ge @!p0 [sflag:s8], $0x0  }
0x24: {  	s3 =	sadd.s32 $0x88, s3;
	s6 =	simm.s32 @!p1 $0x1082;
	[sflag:s4] =	ssyncset.s32 $0xFFFFF086  }
0x25: {  	[simem:s6], [sflag:s4] =	dma.local [hbm:s3], $0xF7A  }
0x26: {  	[smem:$0x3F8E] =	sst s1;
	(tag) =	ssettag s2;
	_ =	strace s9  }
0x27: {  	s1 =	sld [smem:$0x3F9E]  }
0x28: {  	s2 =	sld [smem:$0x3F9F]  }
0x29: {  	s4 =	sld [smem:$0x3FA1]  }
0x2a: {  	p0 =	seq.s32 s5, $0x0;
	s5 =	sld [smem:$0x3FA2]  }
0x2b: {  	s6 =	sld [smem:$0x3FA3]  }
0x2c: {  	s7 =	sld [smem:$0x3FA4]  }
0x2d: {  	s3 =	simm.s32 $0x108;
	s8 =	sld [smem:$0x3FA5]  }
0x2e: {  	s3 =	simm.s32 @!p0 $0x1082;
	s9 =	sld [smem:$0x3FA6]  }
0x2f: {  	lr =	sadd.s32 s0, s3;
	s0 =	sld [smem:$0x3F9D]  }
0x30: {  	s3 =	sld [smem:$0x3FA0]  }
0x31: {  	[smem:$0x3FA9] =	sst s10  }
0x32: {  	s10 =	sld [smem:$0x3FA7];
	_ =	sdelay $0x3  }
0x33: {  	p0 =	seq.s32 s10, $0x1;
	s10 =	sld [smem:$0x3FA9];
	_ =	sdelay $0x3  }
0x34: {  	[smem:$0x3FA9] =	sst s10  }
0x35: {  	s10 =	sld [smem:$0x3FA8];
	_ =	sdelay $0x3  }
0x36: {  	p1 =	seq.s32 s10, $0x1;
	s10 =	sld [smem:$0x3FA9];
	_ =	sdelay $0x3  }
0x37: {  	[smem:$0x3FA9] =	sst s10  }
0x38: {  	s10 =	sld [smem:$0x3FAA]  }
0x39: {  	_ = 	snop;
	(pc) =	sbr.ind lr, $3  }
0x3a: {  	_ = 	snop  }
0x3b: {  	_ = 	snop  }
0x3c: {  	p2 =	seq.s32 s10, $0x1;
	s10 =	sld [smem:$0x3FA9]  }
0x3d: {  	_ =	shalt  }
0x3e: {  	_ =	shalt  }
0x3f: {  	_ =	shalt  }
0x40: {  	_ =	shalt  }
0x41: {  	_ =	shalt  }
0x42: {  	_ =	shalt  }
0x43: {  	_ =	shalt  }
0x44: {  	_ =	shalt  }
0x45: {  	_ =	shalt  }
0x46: {  	_ =	shalt  }
0x47: {  	_ =	shalt  }
0x48: {  	_ =	shalt  }
0x49: {  	_ =	shalt  }
0x4a: {  	_ =	shalt  }
0x4b: {  	_ =	shalt  }
0x4c: {  	_ =	shalt  }
0x4d: {  	_ =	shalt  }
0x4e: {  	_ =	shalt  }
0x4f: {  	_ =	shalt  }
0x50: {  	_ =	shalt  }
0x51: {  	_ =	shalt  }
0x52: {  	_ =	shalt  }
0x53: {  	_ =	shalt  }
0x54: {  	_ =	shalt  }
0x55: {  	_ =	shalt  }
0x56: {  	_ =	shalt  }
0x57: {  	_ =	shalt  }
0x58: {  	_ =	shalt  }
0x59: {  	_ =	shalt  }
0x5a: {  	_ =	shalt  }
0x5b: {  	_ =	shalt  }
0x5c: {  	_ =	shalt  }
0x5d: {  	_ =	shalt  }
0x5e: {  	_ =	shalt  }
0x5f: {  	_ =	shalt  }
0x60: {  	_ =	shalt  }
0x61: {  	_ =	shalt  }
0x62: {  	_ =	shalt  }
0x63: {  	_ =	shalt  }
0x64: {  	_ =	shalt  }
0x65: {  	_ =	shalt  }
0x66: {  	_ =	shalt  }
0x67: {  	_ =	shalt  }
0x68: {  	_ =	shalt  }
0x69: {  	_ =	shalt  }
0x6a: {  	_ =	shalt  }
0x6b: {  	_ =	shalt  }
0x6c: {  	_ =	shalt  }
0x6d: {  	_ =	shalt  }
0x6e: {  	_ =	shalt  }
0x6f: {  	_ =	shalt  }
0x70: {  	_ =	shalt  }
0x71: {  	_ =	shalt  }
0x72: {  	_ =	shalt  }
0x73: {  	_ =	shalt  }
0x74: {  	_ =	shalt  }
0x75: {  	_ =	shalt  }
0x76: {  	_ =	shalt  }
0x77: {  	_ =	shalt  }
0x78: {  	_ =	shalt  }
0x79: {  	_ =	shalt  }
0x7a: {  	_ =	shalt  }
0x7b: {  	_ =	shalt  }
0x7c: {  	_ =	shalt  }
0x7d: {  	_ =	shalt  }
0x7e: {  	_ =	shalt  }
0x7f: {  	_ =	shalt  }
0x80: {  	_ =	shalt  }
0x81: {  	_ =	shalt  }
0x82: {  	_ =	shalt  }
0x83: {  	_ =	shalt  }
0x84: {  	_ =	shalt  }
0x85: {  	_ =	shalt  }
0x86: {  	_ =	shalt  }
0x87: {  	_ =	shalt  }
.Lfunc_end0:
.L_simem_size_0:
called_computation.6_lowered:
.L_overlay_start_0:
0x88: {  	s0 =	sld [smem:$0x3FD9]  }
0x89: {  	s1 =	sld [smem:$0x3FFE];
	_ =	sdelay $0x3  }
0x8a: {  	s0 =	sadd.s32 s1, s0  }
0x8b: {  	[smem:$0x3FB5] =	sst s0  }
0x8c: {  	_ = 	snop  }
0x8d: {  	(tm) =	ssettm $0x1  }
0x8e: {  	s15 =	sld [smem:$0x3FFB];
	_ =	sdelay $0x3  }
0x8f: {  	_ =	strace s15  }
0x90: {  	s0 =	sld [smem:$0x3FFC];
	_ =	sdelay $0x3  }
0x91: {  	_ =	strace s0  }
0x92: {  	s0 =	sld [smem:$0x3FFD];
	_ =	sdelay $0x3  }
0x93: {  	_ =	strace s0  }
0x94: {  	_ =	strace $0x8FFFFFFF  }
0x95: {  	s16 =	sld [smem:$0x3FDB];
	_ =	sdelay $0x1  }
0x96: {  	s17 =	simm.s32 $_scs_section_size  }
0x97: {  	s2 =	simm.s32 $_size__tile_overlayer_lowered;
	s3 =	simm.s32 $_tile_overlayer_lowered  }
0x98: {  	s20 =	simm.s32 $0x1BFF;
	s19 =	sshll.u32 s3, $0x1;
	s0 =	sadd.s32 s17, s16  }
0x99: {  	s4 =	simm.s32 $0x0;
	s18 =	sshll.u32 s2, $0x1;
	s2 =	sadd.s32 s19, s0  }
0x9a: {  	[timem:s4], [sflag:s20] =	dma.local [hbm:s2], s18  }
0x9b: {  	_ =	swait.ge [sflag:s20], s18  }
0x9c: {  	s1 =	ssub.s32 $0x0, s18;
	[sflag:s20] =	ssyncset.done $0x0  }
0x9d: {  	[sflag:s20] =	ssyncadd.s32 s1;
	_ =	sdelay $0x1  }
0x9e: {  	s21 =	simm.s32 $0x1B8B  }
0x9f: {  	_ =	swait.ge [sflag:s21], $0x1  }
0xa0: {  	[sflag:s21] =	ssyncset.done $0x0  }
0xa1: {  	s23 =	simm.s32 $0x1B8E;
	s22 =	sld [smem:$0x3FFE];
	[sflag:s21] =	ssyncadd.s32 $0xFFFFFFFF  }
0xa2: {  	s24 =	simm.s32 $execute0_lowered;
	[smem:$0x3FD2] =	sst s23  }
0xa3: {  	s2 =	sshll.u32 s24, $0x1;
	_ =	strace $0x80000058;
	[dreg:$0x1] =	wrdreg $0xFFFFFFFF  }
0xa4: {  	s25 =	simm.s32 $_size_execute0_lowered;
	s0 =	sadd.s32 s0, s2;
	[dreg:$0x0] =	wrdreg $0x0  }
0xa5: {  	s2 =	sshll.u32 s25, $0x1;
	[dreg:$0x2] =	wrdreg s0  }
0xa6: {  	[dreg:$0x3] =	wrdreg s2  }
0xa7: {  	[dreg:$0x4] =	wrdreg $0xC0  }
0xa8: {  	_ =	task [dreg:s4], $0x5FFFF  }
0xa9: {  	[dreg:$0x1] =	wrdreg $0xFFFFFFFF  }
0xaa: {  	[dreg:$0x0] =	wrdreg $0x60  }
0xab: {  	[dreg:$0x2] =	wrdreg s22  }
0xac: {  	[dreg:$0x3] =	wrdreg $0xB  }
0xad: {  	_ =	task.clear_ibuf [dreg:s4], $0x4FFFF;
	_ =	strace $0x90000058  }
0xae: {  	s26 =	simm.s32 $0xB;
	_ =	strace $0x8000005A  }
0xaf: {  	_ =	swait.ge [sflag:s26], $0x1  }
0xb0: {  	[sflag:s26] =	ssyncadd.s32 $0xFFFFFFFF  }
0xb1: {  	_ =	strace $0x9000005A  }
0xb2: {  	_ =	sfence  }
0xb3: {  	s28 =	sld [smem:$0x0];
	_ =	sdelay $0x1  }
0xb4: {  	s29 =	srdreg.scid  }
0xb5: {  	s30 =	sshll.u32 s29, $0xD;
	s31 =	sshrl.u32 s29, $0x2  }
0xb6: {  	s1 =	sand.u32 $0x1, s29;
	s2 =	sand.u32 $0x4000, s30;
	s0 =	sadd.s32 s31, s28  }
0xb7: {  	s1 =	sor.u32 s2, s1;
	s0 =	sshll.u32 s0, $0x11  }
0xb8: {  	s0 =	sor.u32 s0, s1  }
0xb9: {  	s0 =	sadd.s32 $0x8F2B, s0  }
0xba: {  	[sflag:s0] =	ssyncadd.remote.s32 $0x1  }
0xbb: {  	_ =	sfence.sel $0xFFFF  }
0xbc: {  	[dreg:$0x0] =	wrdreg $0xFFFFFFFF;
	(pc) =	sbr.abs _section_cstart, $3  }
0xbd: {  	[dreg:$0x1] =	wrdreg $0xFFFFFFFF  }
0xbe: {  	_ =	task.clear_ibuf [dreg:s4], $0x2FFFF;
	_ =	strace $0x9FFFFFFF  }
0xbf: {  	(tm) =	ssettm $0x7FFFFFFF  }
tec
execute0_lowered:
.L_overlay_start_1:
0x0: {  	(tag) =	ssettag $0x1  }
0x1: {  	s0 =	stileid.u32  }
0x2: {  	s1 =	smin.u32 s0, $0x9  }
0x3: {  	s1 =	sadd.s32 s0, s1  }
0x4: {  	p0 =	slt.u32 s0, $0x9;
	s2 =	smul.u32 $0x50, s1;
	s1 =	simm.s32 $0xA0  }
0x5: {  	s1 =	simm.s32 @!p0 $0x50  }
0x6: {  	s1 =	sadd.s32 s1, s2  }
0x7: {  	s3 =	smin.u32 s1, $0x7D0  }
0x8: {  	s7 =	ssub.s32 s3, s2  }
0x9: {  	p0 =	sgt.s32 s7, $0x0  }
0xa: {  	s7 =	simm.s32 @!p0 $0x0  }
0xb: {  	s4 =	smul.u32 $0xCCCD, s7  }
0xc: {  	s9 =	rddreg [dreg:$0x0];
	s6 =	simm.s32 $0x1;
	s11 =	simm.s32 $0x3  }
0xd: {  	s13 =	simm.s32 $0x0;
	s12 =	simm.s32 $0x0;
	s8 =	sshrl.u32 s4, $0x16  }
0xe: {  	s1 =	rddreg [dreg:$0x1];
	_ =	strace $0x80000059;
	s10 =	smul.u32 $0x50, s8  }
.Ltmp0:
0xf: {  	s5 =	sadd.s32 $0x59F400, s9;
	[sflag:s6] =	ssyncpa.u1 $0x0;
	(pc) =	sbr.rel .LBB2_1-.Ltmp0, $4  }
0x10: {  	s4 =	sadd.s32 $0x75800, s9;
	p0 =	sne.s32 s7, s10;
	s10 =	simm.s32 $0x1  }
0x11: {  	s9 =	sadd.s32 $0x59F600, s9;
	s7 =	simm.s32 $0x2;
	s10 =	simm.s32 @!p0 $0x0  }
0x12: {  	[sflag:s7] =	ssyncpa.u1 $0x0;
	p0 =	por $0x0, $0x0;
	s8 =	sadd.s32 s8, s10  }
0x13: {  	vm0 =	vmmov $0xff;
	vm1 =	vcmask $0x3F20;
	[sflag:s11] =	ssyncpa.u1 $0x0;
	s11 =	smov.u32 s2;
	s10 =	sadd.s32 $0x1, s8  }
.LBB2_6:
0x14: {  	[hbm:s17] =	stream.linear.scatter [tilespmem:s14], [sflag:$0x3], $0x400, $0x38;
	[tilespmem:$0x50A0] =	vst v63  }
.LBB2_7:
0x15: {  	s13 =	sadd.s32 $0x50, s11  }
0x16: {  	s15 =	smov.u32 s2;
	p2 =	slt.s32 s13, s3  }
0x17: {  	s15 =	smov.u32 @p2 s13;
	p2 =	sne.s32 s12, s10  }
.Ltmp1:
0x18: {  	p1 =	slt.u32 s12, $0x2;
	(pc) =	sbr.rel @!p2 .LBB2_8-.Ltmp1, $4  }
0x19: {  	s14 =	simm.s32 @!p1 $0x3  }
0x1a: {  	s16 =	sadd.s32 $0x1, s12;
	_ =	swait.ge @!p1 [sflag:s14], $0x2800  }
0x1b: {  	p0 =	por !p0, !p0;
	s13 =	smov.u32 s11;
	[sflag:s14] =	ssyncset.done @!p1 $0x0  }
0x1c: {  	s12 =	smov.u32 s16;
	s11 =	smov.u32 s15;
	[sflag:s14] =	ssyncadd.s32 @!p1 $0xFFFFD800  }
.LBB2_1:
0x1d: {  	p1 =	sge.u32 s12, s8  }
0x1e: {  	s14 =	sxor.u32 @!p1 $0xFFFFFFFF, s12  }
0x1f: {  	s14 =	sand.u32 @!p1 $0x1, s14  }
0x20: {  	s14 =	smul.u32 @!p1 $0x140, s14  }
0x21: {  	s31 =	sadd.s32 $0xFFFFFFFF, s12;
	s15 =	sshrl.u32 @!p1 s11, $0x3  }
0x22: {  	s16 =	sand.u32 @!p1 $0x7, s11;
	s15 =	sadd.s32 @!p1 s5, s15;
	s14 =	sshrl.u32 @!p1 s14, $0x2  }
0x23: {  	[tilespmem:s14], [sflag:$0x2] =	stream.linear.gather @!p1 [hbm4b:s15+s16], $0x50, $0x38;
	[tilespmem:$0x50A0] =	vst v63  }
0x24: {  	p1 =	sge.u32 s31, s8  }
.Ltmp2:
0x25: {  	_ = 	snop;
	(pc) =	sbr.rel @p1 .LBB2_7-.Ltmp2, $1  }
0x26: {  	_ =	sdelay $0x3  }
0x27: {  	s14 =	simm.s32 $0x1  }
0x28: {  	s14 =	simm.s32 @!p0 $0x0  }
0x29: {  	s15 =	smul.u32 $0x140, s14  }
0x2a: {  	_ =	swait.ge [sflag:s7], $0x50  }
0x2b: {  	[sflag:s7] =	ssyncset.done $0x0;
	s16 =	sshrl.u32 s15, $0x2  }
0x2c: {  	[sflag:s7] =	ssyncadd.s32 $0xFFFFFFB0;
	s15 =	sadd.s32 $0x0, s16  }
0x2d: {  	v0 =	vld.msk [tilespmem:s15+$0x0 ss:$0x1], $0xffff;
	_ =	sdelay $0x4  }
0x2e: {  	vm2 =	vgt.s32 v0, $0x0  }
0x2f: {  	v0 =	vnsel vm2, $0x0, v0  }
0x30: {  	v0 =	vmin.u32 v0, $0x270F  }
0x31: {  	v0 =	vshll.u32 v0, $0x4  }
0x32: {  	s14 =	smul.u32 $0xA000, s14;
	_ =	sdelay $0x1  }
0x33: {  	s14 =	sshrl.u32 s14, $0x2  }
0x34: {  	s14 =	sor.u32 $0xA0, s14  }
0x35: {  	[tilespmem:s14], [sflag:$0x1] =	stream.indirect_vreg.gather [hbm:s4], $0x80, v0, vm0, $0x38;
	[tilespmem:$0x50A0] =	vst v63  }
0x36: {  	s17 =	sadd.s32 $0x10, s16;
	s15 =	sadd.s32 $0x400, s14  }
0x37: {  	[tilespmem:s15], [sflag:$0x1] =	stream.indirect_vreg.gather [hbm:s4], $0x80, v0, vm1, $0x38;
	[tilespmem:$0x50A0] =	vst v63  }
0x38: {  	s18 =	simm.s32 $0x80;
	v0 =	vld.msk [tilespmem:s17+$0x0 ss:$0x1], $0xffff;
	s17 =	smov.u32 s14  }
.LBB2_3:
0x39: {  	p1 =	sne.s32 s18, $0x100;
	_ =	sdelay $0x4  }
0x3a: {  	vm2 =	vgt.s32 v0, $0x0  }
0x3b: {  	v0 =	vnsel vm2, $0x0, v0  }
0x3c: {  	v0 =	vmin.u32 v0, $0x270F  }
0x3d: {  	v0 =	vshll.u32 v0, $0x4;
	_ =	sdelay $0x3  }
.Ltmp3:
0x3e: {  	s19 =	sshra.s32 s18, $0x2;
	s17 =	sadd.s32 $0x800, s17;
	(pc) =	sbr.rel @p1 .LBB2_3-.Ltmp3, $4  }
0x3f: {  	[tilespmem:s17], [sflag:$0x1] =	stream.indirect_vreg.gather [hbm:s4], $0x80, v0, vm0, $0x38;
	[tilespmem:$0x50A0] =	vst v63  }
0x40: {  	s19 =	sadd.s32 s19, s16;
	s20 =	sadd.s32 $0x400, s17  }
0x41: {  	[tilespmem:s20], [sflag:$0x1] =	stream.indirect_vreg.gather [hbm:s4], $0x80, v0, vm1, $0x38;
	[tilespmem:$0x50A0] =	vst v63  }
0x42: {  	s18 =	sadd.s32 $0x40, s18;
	v0 =	vld.msk [tilespmem:s19+$0x0 ss:$0x1], $0xffff  }
0x43: {  	_ =	sdelay $0x3  }
0x44: {  	vm2 =	vgt.s32 v0, $0x0  }
0x45: {  	v0 =	vnsel vm2, $0x0, v0  }
0x46: {  	v0 =	vmin.u32 v0, $0x270F  }
0x47: {  	v0 =	vshll.u32 v0, $0x4;
	_ =	sdelay $0x3  }
0x48: {  	s16 =	sadd.s32 $0x800, s17  }
0x49: {  	[tilespmem:s16], [sflag:$0x1] =	stream.indirect_vreg.gather [hbm:s4], $0x80, v0, vm0, $0x38;
	[tilespmem:$0x50A0] =	vst v63  }
0x4a: {  	s16 =	sadd.s32 $0x400, s16  }
0x4b: {  	[tilespmem:s16], [sflag:$0x1] =	stream.indirect_vreg.gather [hbm:s4], $0x80, v0, vm1, $0x38;
	[tilespmem:$0x50A0] =	vst v63  }
0x4c: {  	s13 =	sshll.u32 s13, $0x4;
	_ =	swait.ge [sflag:s6], $0x2800  }
0x4d: {  	s13 =	sadd.s32 s13, s9;
	[sflag:s6] =	ssyncset.done $0x0  }
0x4e: {  	s17 =	sadd.s32 $0x0, s13;
	s16 =	simm.s32 $0x80;
	[sflag:s6] =	ssyncadd.s32 $0xFFFFD800  }
.LBB2_5:
0x4f: {  	[hbm:s17] =	stream.linear.scatter [tilespmem:s14], [sflag:$0x3], $0x400, $0x38;
	[tilespmem:$0x50A0] =	vst v63  }
0x50: {  	s17 =	smov.u32 s16;
	s14 =	smov.u32 s15;
	p1 =	sne.s32 s16, $0x480  }
.Ltmp4:
0x51: {  	s16 =	sadd.s32 $0x80, s16;
	(pc) =	sbr.rel @p1 .LBB2_5-.Ltmp4, $2  }
0x52: {  	_ =	sdelay $0x2  }
0x53: {  	s15 =	sadd.s32 $0x400, s15;
	s17 =	sadd.s32 s17, s13  }
.Ltmp5:
0x54: {  	_ = 	snop;
	(pc) =	sbr.rel .LBB2_6-.Ltmp5, $1  }
0x55: {  	_ =	sdelay $0x3  }
.LBB2_8:
0x56: {  	_ =	sfence.sel $0x180000  }
0x57: {  	s2 =	simm.s32 $0x2;
	[bflag:$0x0] =	sbarrier.arrive $0xFFFF  }
0x58: {  	s30 =	simm.s32 $0x3;
	[sflag:s2] =	ssyncpa.u1 $0x1  }
0x59: {  	s31 =	simm.s32 $0x1;
	[sflag:s30] =	ssyncpa.u1 $0x1  }
0x5a: {  	[sflag:s31] =	ssyncpa.u1 $0x1  }
0x5b: {  	p0 =	sne.s32 s0, $0x0;
	_ =	strace $0x90000059  }
0x5c: {  	s0 =	sadd.s32 @!p0 $0x100000, s1;
	[bflag:$0x2] =	sbarrier.arrive $0xFFFF  }
0x5d: {  	[sflag:s0] =	ssyncadd.tile.s32 @!p0 $0x1;
	_ =	shalt  }
.Lfunc_end2:
_tile_overlayer_lowered:
.L_overlay_start_2:
0x5e: {  	(tag) =	ssettag $0x2  }
0x5f: {  	s0 =	rddreg [dreg:$0x0];
	s2 =	stileid.u32  }
0x60: {  	s1 =	rddreg [dreg:$0x1];
	p0 =	sne.s32 s2, $0x0  }
0x61: {  	s3 =	rddreg [dreg:$0x2];
	[bflag:$0x3] =	sbarrier.arrive $0xFFFF;
	s2 =	simm.s32 @!p0 $0x1C01  }
0x62: {  	[timem:s3], [sflag:s2] =	dma.local @!p0 [hbm:s0], s1  }
0x63: {  	s0 =	simm.s32 @!p0 $0x1  }
0x64: {  	_ =	swait.ge @!p0 [sflag:s0], s1  }
0x65: {  	s1 =	ssub.s32 @!p0 $0x0, s1;
	[sflag:s0] =	ssyncset.done @!p0 $0x0  }
0x66: {  	[sflag:s0] =	ssyncadd.s32 @!p0 s1  }
0x67: {  	[bflag:$0x3] =	sbarrier.arrive $0xFFFF  }
0x68: {  	_ =	shalt  }

// kernel: kernel.19.cloned.1.call-start
scs
__scs_entry_jumppad:
0x0: {  	(pc) =	sbr.rel $0x88, $3  }
0x1: {  	(tag) =	ssettag $0x0;
	lr =	simm.s32 $0x1  }
0x2: {  	[smem:$0x3F8E] =	sst lr;
	_ =	strace $0xD0000000  }
0x3: {  	_ = 	snop  }
0x4: {  	_ = 	snop  }
0x5: {  	_ = 	snop  }
0x6: {  	_ = 	snop  }
0x7: {  	_ = 	snop  }
__scs_overlays_trampoline_lowered:
0x8: {  	[smem:$0x3F9D] =	sst s0  }
0x9: {  	[smem:$0x3F9E] =	sst s1  }
0xa: {  	[smem:$0x3F9F] =	sst s2  }
0xb: {  	[smem:$0x3FA0] =	sst s3  }
0xc: {  	[smem:$0x3FA1] =	sst s4  }
0xd: {  	[smem:$0x3FA2] =	sst s5  }
0xe: {  	[smem:$0x3FA3] =	sst s6  }
0xf: {  	[smem:$0x3FA4] =	sst s7  }
0x10: {  	[smem:$0x3FA5] =	sst s8  }
0x11: {  	[smem:$0x3FA6] =	sst s9;
	s0 =	simm.s32 @!p0 $0x0  }
0x12: {  	s1 =	sld [smem:$0x3F8C];
	s0 =	simm.s32 @p0 $0x1  }
0x13: {  	[smem:$0x3FA7] =	sst s0;
	s0 =	simm.s32 @!p1 $0x0  }
0x14: {  	s2 =	sld [smem:$0x3F8B];
	s0 =	simm.s32 @p1 $0x1  }
0x15: {  	[smem:$0x3FA8] =	sst s0;
	s0 =	simm.s32 @!p2 $0x0  }
0x16: {  	s3 =	sld [smem:$0x3FDB];
	s0 =	simm.s32 @p2 $0x1  }
0x17: {  	s4 =	simm.s32 $0x1BF5;
	[smem:$0x3FAA] =	sst s0  }
0x18: {  	s0 =	sld [smem:$0x3F8D];
	_ =	swait.ge [sflag:s4], $0x0  }
0x19: {  	s7 =	sld [smem:$0x3F8E]  }
0x1a: {  	s8 =	sadd.s32 $0xFFFFE003, lr  }
0x1b: {  	s9 =	sadd.s32 $0xFFFFFEF7, lr;
	s5 =	simm.s32 $0xFFFFFFFF;
	p2 =	slt.u32 s8, $0xFFFFF086  }
0x1c: {  	p1 =	slt.u32 s9, $0xF7A;
	s5 =	simm.s32 @!p2 $0x0  }
0x1d: {  	s5 =	simm.s32 @p1 $0x1;
	p0 =	seq.s32 s7, s2  }
0x1e: {  	s7 =	smul.u32 @!p0 $0xF7A, s2;
	p2 =	seq.s32 @!p0 s5, $0x0  }
0x1f: {  	s9 =	smul.u32 $0xF7A, s1;
	s8 =	simm.s32 @!p0 $0x1BF5;
	p2 =	por !p2, p0  }
0x20: {  	[sflag:s8] =	ssyncset.s32 @!p0 $0xFFFFF086;
	s6 =	sadd.s32 @!p0 s3, s7;
	s7 =	simm.s32 @!p0 $0x108  }
0x21: {  	s3 =	sadd.s32 s3, s9;
	s6 =	sadd.s32 @!p0 $0x88, s6;
	s7 =	simm.s32 @p2 $0x1082  }
0x22: {  	[simem:s7], [sflag:s8] =	dma.local @!p0 [hbm:s6], $0xF7A  }
0x23: {  	s9 =	sor.u32 $0xD0000000, s2;
	s6 =	simm.s32 $0x108;
	_ =	swait.ge @!p0 [sflag:s8], $0x0  }
0x24: {  	s3 =	sadd.s32 $0x88, s3;
	s6 =	simm.s32 @!p1 $0x1082;
	[sflag:s4] =	ssyncset.s32 $0xFFFFF086  }
0x25: {  	[simem:s6], [sflag:s4] =	dma.local [hbm:s3], $0xF7A  }
0x26: {  	[smem:$0x3F8E] =	sst s1;
	(tag) =	ssettag s2;
	_ =	strace s9  }
0x27: {  	s1 =	sld [smem:$0x3F9E]  }
0x28: {  	s2 =	sld [smem:$0x3F9F]  }
0x29: {  	s4 =	sld [smem:$0x3FA1]  }
0x2a: {  	p0 =	seq.s32 s5, $0x0;
	s5 =	sld [smem:$0x3FA2]  }
0x2b: {  	s6 =	sld [smem:$0x3FA3]  }
0x2c: {  	s7 =	sld [smem:$0x3FA4]  }
0x2d: {  	s3 =	simm.s32 $0x108;
	s8 =	sld [smem:$0x3FA5]  }
0x2e: {  	s3 =	simm.s32 @!p0 $0x1082;
	s9 =	sld [smem:$0x3FA6]  }
0x2f: {  	lr =	sadd.s32 s0, s3;
	s0 =	sld [smem:$0x3F9D]  }
0x30: {  	s3 =	sld [smem:$0x3FA0]  }
0x31: {  	[smem:$0x3FA9] =	sst s10  }
0x32: {  	s10 =	sld [smem:$0x3FA7];
	_ =	sdelay $0x3  }
0x33: {  	p0 =	seq.s32 s10, $0x1;
	s10 =	sld [smem:$0x3FA9];
	_ =	sdelay $0x3  }
0x34: {  	[smem:$0x3FA9] =	sst s10  }
0x35: {  	s10 =	sld [smem:$0x3FA8];
	_ =	sdelay $0x3  }
0x36: {  	p1 =	seq.s32 s10, $0x1;
	s10 =	sld [smem:$0x3FA9];
	_ =	sdelay $0x3  }
0x37: {  	[smem:$0x3FA9] =	sst s10  }
0x38: {  	s10 =	sld [smem:$0x3FAA]  }
0x39: {  	_ = 	snop;
	(pc) =	sbr.ind lr, $3  }
0x3a: {  	_ = 	snop  }
0x3b: {  	_ = 	snop  }
0x3c: {  	p2 =	seq.s32 s10, $0x1;
	s10 =	sld [smem:$0x3FA9]  }
0x3d: {  	_ =	shalt  }
0x3e: {  	_ =	shalt  }
0x3f: {  	_ =	shalt  }
0x40: {  	_ =	shalt  }
0x41: {  	_ =	shalt  }
0x42: {  	_ =	shalt  }
0x43: {  	_ =	shalt  }
0x44: {  	_ =	shalt  }
0x45: {  	_ =	shalt  }
0x46: {  	_ =	shalt  }
0x47: {  	_ =	shalt  }
0x48: {  	_ =	shalt  }
0x49: {  	_ =	shalt  }
0x4a: {  	_ =	shalt  }
0x4b: {  	_ =	shalt  }
0x4c: {  	_ =	shalt  }
0x4d: {  	_ =	shalt  }
0x4e: {  	_ =	shalt  }
0x4f: {  	_ =	shalt  }
0x50: {  	_ =	shalt  }
0x51: {  	_ =	shalt  }
0x52: {  	_ =	shalt  }
0x53: {  	_ =	shalt  }
0x54: {  	_ =	shalt  }
0x55: {  	_ =	shalt  }
0x56: {  	_ =	shalt  }
0x57: {  	_ =	shalt  }
0x58: {  	_ =	shalt  }
0x59: {  	_ =	shalt  }
0x5a: {  	_ =	shalt  }
0x5b: {  	_ =	shalt  }
0x5c: {  	_ =	shalt  }
0x5d: {  	_ =	shalt  }
0x5e: {  	_ =	shalt  }
0x5f: {  	_ =	shalt  }
0x60: {  	_ =	shalt  }
0x61: {  	_ =	shalt  }
0x62: {  	_ =	shalt  }
0x63: {  	_ =	shalt  }
0x64: {  	_ =	shalt  }
0x65: {  	_ =	shalt  }
0x66: {  	_ =	shalt  }
0x67: {  	_ =	shalt  }
0x68: {  	_ =	shalt  }
0x69: {  	_ =	shalt  }
0x6a: {  	_ =	shalt  }
0x6b: {  	_ =	shalt  }
0x6c: {  	_ =	shalt  }
0x6d: {  	_ =	shalt  }
0x6e: {  	_ =	shalt  }
0x6f: {  	_ =	shalt  }
0x70: {  	_ =	shalt  }
0x71: {  	_ =	shalt  }
0x72: {  	_ =	shalt  }
0x73: {  	_ =	shalt  }
0x74: {  	_ =	shalt  }
0x75: {  	_ =	shalt  }
0x76: {  	_ =	shalt  }
0x77: {  	_ =	shalt  }
0x78: {  	_ =	shalt  }
0x79: {  	_ =	shalt  }
0x7a: {  	_ =	shalt  }
0x7b: {  	_ =	shalt  }
0x7c: {  	_ =	shalt  }
0x7d: {  	_ =	shalt  }
0x7e: {  	_ =	shalt  }
0x7f: {  	_ =	shalt  }
0x80: {  	_ =	shalt  }
0x81: {  	_ =	shalt  }
0x82: {  	_ =	shalt  }
0x83: {  	_ =	shalt  }
0x84: {  	_ =	shalt  }
0x85: {  	_ =	shalt  }
0x86: {  	_ =	shalt  }
0x87: {  	_ =	shalt  }
.Lfunc_end0:
.L_simem_size_0:
called_computation.7_lowered:
.L_overlay_start_0:
0x88: {  	s2 =	sld [smem:$0x3FD9]  }
0x89: {  	s3 =	sld [smem:$0x3FFE];
	_ =	sdelay $0x1  }
0x8a: {  	s1 =	srdreg.scid  }
0x8b: {  	s0 =	sand.u32 $0x1, s1  }
0x8c: {  	s17 =	sshll.u32 s0, $0xA;
	s2 =	sadd.s32 s3, s2  }
0x8d: {  	s2 =	sadd.s32 s2, s17  }
0x8e: {  	[smem:$0x3FB5] =	sst s2  }
0x8f: {  	_ = 	snop  }
0x90: {  	s2 =	sld [smem:$0x3FD0];
	(tm) =	ssettm $0x1  }
0x91: {  	s18 =	sld [smem:$0x3FFB];
	_ =	sdelay $0x3  }
0x92: {  	_ =	strace s18  }
0x93: {  	s3 =	sld [smem:$0x3FFC];
	_ =	sdelay $0x3  }
0x94: {  	_ =	strace s3  }
0x95: {  	s3 =	sld [smem:$0x3FFD];
	_ =	sdelay $0x3  }
0x96: {  	_ =	strace s3  }
0x97: {  	_ =	strace $0x8FFFFFFF  }
0x98: {  	s19 =	sld [smem:$0x3FDB];
	_ =	sdelay $0x1  }
0x99: {  	s4 =	simm.s32 $_scs_section_size  }
0x9a: {  	s5 =	simm.s32 $_size__tile_overlayer_lowered;
	s6 =	simm.s32 $_tile_overlayer_lowered  }
0x9b: {  	s22 =	simm.s32 $0x1BFF;
	s21 =	sshll.u32 s6, $0x1;
	s3 =	sadd.s32 s4, s19  }
0x9c: {  	s7 =	simm.s32 $0x0;
	s20 =	sshll.u32 s5, $0x1;
	s5 =	sadd.s32 s21, s3  }
0x9d: {  	[timem:s7], [sflag:s22] =	dma.local [hbm:s5], s20  }
0x9e: {  	_ =	swait.ge [sflag:s22], s20  }
0x9f: {  	s4 =	ssub.s32 $0x0, s20;
	[sflag:s22] =	ssyncset.done $0x0  }
0xa0: {  	[sflag:s22] =	ssyncadd.s32 s4;
	_ =	sdelay $0x1  }
0xa1: {  	s23 =	simm.s32 $0x1B8B  }
0xa2: {  	_ =	swait.ge [sflag:s23], $0x1  }
0xa3: {  	[sflag:s23] =	ssyncset.done $0x0  }
0xa4: {  	s25 =	simm.s32 $0x1B8E;
	s24 =	sld [smem:$0x3FFE];
	[sflag:s23] =	ssyncadd.s32 $0xFFFFFFFF  }
0xa5: {  	s26 =	simm.s32 $execute0_lowered;
	[smem:$0x3FD2] =	sst s25  }
0xa6: {  	s5 =	sshll.u32 s26, $0x1;
	_ =	strace $0x80000046;
	[dreg:$0x1] =	wrdreg $0xFFFFFFFF  }
0xa7: {  	s28 =	simm.s32 $_size_execute0_lowered;
	s3 =	sadd.s32 s3, s5;
	[dreg:$0x0] =	wrdreg $0x0  }
0xa8: {  	s5 =	sshll.u32 s28, $0x1;
	[dreg:$0x2] =	wrdreg s3  }
0xa9: {  	[dreg:$0x3] =	wrdreg s5  }
0xaa: {  	[dreg:$0x4] =	wrdreg $0xC0  }
0xab: {  	_ =	task [dreg:s7], $0x5FFFF  }
0xac: {  	[dreg:$0x1] =	wrdreg $0xFFFFFFFF  }
0xad: {  	[dreg:$0x0] =	wrdreg $0x60  }
0xae: {  	[dreg:$0x2] =	wrdreg s24  }
0xaf: {  	[dreg:$0x3] =	wrdreg s2  }
0xb0: {  	[dreg:$0x4] =	wrdreg $0x2D00  }
0xb1: {  	[dreg:$0x5] =	wrdreg $0x9  }
0xb2: {  	_ =	task.clear_ibuf [dreg:s7], $0x6FFFF;
	_ =	strace $0x90000046  }
0xb3: {  	s29 =	simm.s32 $0x9;
	_ =	strace $0x80000048  }
0xb4: {  	_ =	swait.ge [sflag:s29], $0x1  }
0xb5: {  	[sflag:s29] =	ssyncadd.s32 $0xFFFFFFFF  }
0xb6: {  	_ =	strace $0x90000048  }
0xb7: {  	_ =	sfence  }
0xb8: {  	s30 =	sld [smem:$0x0];
	_ =	sdelay $0x2  }
0xb9: {  	s31 =	sshll.u32 s1, $0xD;
	s1 =	sshrl.u32 s1, $0x2  }
0xba: {  	s3 =	sand.u32 $0x4000, s31;
	s1 =	sadd.s32 s1, s30  }
0xbb: {  	s0 =	sor.u32 s3, s0;
	s1 =	sshll.u32 s1, $0x11  }
0xbc: {  	s0 =	sor.u32 s1, s0  }
0xbd: {  	s0 =	sadd.s32 $0x8F2B, s0  }
0xbe: {  	[sflag:s0] =	ssyncadd.remote.s32 $0x1  }
0xbf: {  	_ =	sfence.sel $0xFFFF  }
0xc0: {  	[dreg:$0x0] =	wrdreg $0xFFFFFFFF;
	(pc) =	sbr.abs _section_cstart, $3  }
0xc1: {  	[dreg:$0x1] =	wrdreg $0xFFFFFFFF  }
0xc2: {  	_ =	task.clear_ibuf [dreg:s7], $0x2FFFF;
	_ =	strace $0x9FFFFFFF  }
0xc3: {  	(tm) =	ssettm $0x7FFFFFFF  }
tec
execute0_lowered:
.L_overlay_start_1:
0x0: {  	(tag) =	ssettag $0x1  }
0x1: {  	s0 =	srdreg.scid;
	s4 =	rddreg [dreg:$0x0]  }
0x2: {  	s6 =	stileid.u32;
	s7 =	rddreg [dreg:$0x1]  }
0x3: {  	s1 =	rddreg [dreg:$0x2];
	s2 =	simm.s32 $0x0;
	s11 =	simm.s32 $0x0  }
0x4: {  	s3 =	sand.u32 $0x1, s0;
	s8 =	smul.u32 $0x4E20, s6;
	s0 =	rddreg [dreg:$0x3]  }
0x5: {  	[smem:$0x7FF] =	sst s2;
	s5 =	smul.u32 $0x2710, s3;
	s9 =	ssub.s32 $0x2, s3  }
0x6: {  	p0 =	sne.s32 s6, $0x0;
	_ =	strace $0x80000047;
	s10 =	sshrl.u32 s9, $0x1  }
0x7: {  	s3 =	sadd.s32 $0x13C00, s4;
	s8 =	sadd.s32 s5, s8;
	s9 =	ssub.s32 s9, s10  }
0x8: {  	s5 =	sadd.s32 s7, s5;
	s10 =	simm.s32 $0x1;
	s8 =	sshrl.u32 s8, $0x3  }
0x9: {  	s6 =	smax.u32 s9, $0x1;
	s9 =	simm.s32 $0x50;
	s8 =	sadd.s32 s8, s4  }
0xa: {  	s4 =	sadd.s32 $0x13E00, s4;
	s7 =	sadd.s32 $0x9E00, s8;
	s8 =	sshrl.u32 @!p0 s1, $0x3  }
.LBB2_1:
0xb: {  	s12 =	simm.s32 @!p0 $0x1C01  }
0xc: {  	[spmem:s8], [sflag:s12] =	dma.local @!p0 [hbm:s4], $0x2710  }
0xd: {  	s12 =	simm.s32 @!p0 $0x1  }
0xe: {  	_ =	swait.ge @!p0 [sflag:s12], $0x2710  }
0xf: {  	[sflag:s12] =	ssyncset.done @!p0 $0x0  }
0x10: {  	[sflag:s12] =	ssyncadd.s32 @!p0 $0xFFFFD8F0  }
0x11: {  	[tilespmem:s9], [sflag:$0x1] =	stream.linear.gather [hbm4b:s3+s2], $0x280, $0x38;
	[tilespmem:$0x1658] =	vst v63  }
0x12: {  	_ =	swait.ge [sflag:s10], $0x280  }
0x13: {  	[sflag:s10] =	ssyncset.done $0x0  }
0x14: {  	[sflag:s10] =	ssyncadd.s32 $0xFFFFFD80  }
0x15: {  	s31 =	sadd.s32 $0x0, s7;
	[bflag:$0x0] =	sbarrier.arrive $0xFFFF  }
0x16: {  	[tilespmem:s2], [sflag:$0x1] =	stream.linear.gather [hbm4b:s31+s2], $0x50, $0x38;
	[tilespmem:$0x1658] =	vst v63  }
0x17: {  	_ =	swait.ge [sflag:s10], $0x50  }
0x18: {  	[sflag:s10] =	ssyncset.done $0x0  }
0x19: {  	[sflag:s10] =	ssyncadd.s32 $0xFFFFFFB0  }
0x1a: {  	[spmem:s1] =	stream.indirect.scatter.add.f32 [tilespmem:s9], [sflag:$0x1], $0x8, s2, s9, $0xb8;
	[tilespmem:$0x1658] =	vst v63  }
0x1b: {  	_ =	swait.ge [sflag:s10], $0x280  }
0x1c: {  	s13 =	simm.s32 $0x14;
	s12 =	simm.s32 $0xA;
	[sflag:s10] =	ssyncset.done $0x0  }
.LBB2_2:
0x1d: {  	s14 =	sadd.s32 s12, s7  }
0x1e: {  	[sflag:s10] =	ssyncadd.s32 $0xFFFFFD80;
	s12 =	smov.u32 s13;
	s15 =	sadd.s32 $0xA, s13  }
0x1f: {  	[tilespmem:s2], [sflag:$0x1] =	stream.linear.gather [hbm4b:s14+s2], $0x50, $0x38;
	[tilespmem:$0x1658] =	vst v63  }
0x20: {  	p1 =	sne.s32 s13, $0x4D8;
	_ =	swait.ge [sflag:s10], $0x50  }
.Ltmp0:
0x21: {  	[sflag:s10] =	ssyncset.done $0x0;
	(pc) =	sbr.rel @p1 .LBB2_2-.Ltmp0, $4  }
0x22: {  	[sflag:s10] =	ssyncadd.s32 $0xFFFFFFB0  }
0x23: {  	[spmem:s1] =	stream.indirect.scatter.add.f32 [tilespmem:s9], [sflag:$0x1], $0x8, s2, s9, $0xb8;
	[tilespmem:$0x1658] =	vst v63  }
0x24: {  	_ =	swait.ge [sflag:s10], $0x280  }
0x25: {  	s13 =	smov.u32 s15;
	[sflag:s10] =	ssyncset.done $0x0  }
0x26: {  	s12 =	sadd.s32 s12, s7;
	[sflag:s10] =	ssyncadd.s32 $0xFFFFFD80  }
0x27: {  	[tilespmem:s2], [sflag:$0x1] =	stream.linear.gather [hbm4b:s12+s2], $0x50, $0x38;
	[tilespmem:$0x1658] =	vst v63  }
0x28: {  	_ =	swait.ge [sflag:s10], $0x50  }
0x29: {  	[sflag:s10] =	ssyncset.done $0x0  }
0x2a: {  	[sflag:s10] =	ssyncadd.s32 $0xFFFFFFB0  }
0x2b: {  	[spmem:s1] =	stream.indirect.scatter.add.f32 [tilespmem:s9], [sflag:$0x1], $0x8, s2, s9, $0xb8;
	[tilespmem:$0x1658] =	vst v63  }
0x2c: {  	_ =	swait.ge [sflag:s10], $0x280  }
0x2d: {  	[sflag:s10] =	ssyncset.done $0x0  }
0x2e: {  	s11 =	sadd.s32 $0x1, s11;
	[sflag:s10] =	ssyncadd.s32 $0xFFFFFD80  }
0x2f: {  	s12 =	simm.s32 @!p0 $0x1C01;
	p1 =	sne.s32 s11, s6;
	[bflag:$0x0] =	sbarrier.arrive $0xFFFF  }
0x30: {  	[hbm:s5], [sflag:s12] =	dma.local @!p0 [spmem:s8], $0x2710  }
.Ltmp1:
0x31: {  	_ = 	snop;
	(pc) =	sbr.rel @p1 .LBB2_1-.Ltmp1, $4  }
0x32: {  	s12 =	simm.s32 @!p0 $0x1  }
0x33: {  	_ =	swait.ge @!p0 [sflag:s12], $0x2710  }
0x34: {  	[sflag:s12] =	ssyncset.done @!p0 $0x0  }
0x35: {  	[sflag:s12] =	ssyncadd.s32 @!p0 $0xFFFFD8F0  }
0x36: {  	_ =	sfence.sel $0x180000  }
0x37: {  	[bflag:$0x0] =	sbarrier.arrive $0xFFFF  }
0x38: {  	_ =	strace $0x90000047  }
0x39: {  	s0 =	sadd.s32 @!p0 $0x100000, s0;
	[bflag:$0x2] =	sbarrier.arrive $0xFFFF  }
0x3a: {  	[sflag:s0] =	ssyncadd.tile.s32 @!p0 $0x1;
	_ =	shalt  }
.Lfunc_end2:
_tile_overlayer_lowered:
.L_overlay_start_2:
0x3b: {  	(tag) =	ssettag $0x2  }
0x3c: {  	s0 =	rddreg [dreg:$0x0];
	s2 =	stileid.u32  }
0x3d: {  	s1 =	rddreg [dreg:$0x1];
	p0 =	sne.s32 s2, $0x0  }
0x3e: {  	s3 =	rddreg [dreg:$0x2];
	[bflag:$0x3] =	sbarrier.arrive $0xFFFF;
	s2 =	simm.s32 @!p0 $0x1C01  }
0x3f: {  	[timem:s3], [sflag:s2] =	dma.local @!p0 [hbm:s0], s1  }
0x40: {  	s0 =	simm.s32 @!p0 $0x1  }
0x41: {  	_ =	swait.ge @!p0 [sflag:s0], s1  }
0x42: {  	s1 =	ssub.s32 @!p0 $0x0, s1;
	[sflag:s0] =	ssyncset.done @!p0 $0x0  }
0x43: {  	[sflag:s0] =	ssyncadd.s32 @!p0 s1  }
0x44: {  	[bflag:$0x3] =	sbarrier.arrive $0xFFFF  }
0x45: {  	_ =	shalt  }

// kernel: kernel.22.cloned.1.call-start
scs
__scs_entry_jumppad:
0x0: {  	(pc) =	sbr.rel $0x88, $3  }
0x1: {  	(tag) =	ssettag $0x0;
	lr =	simm.s32 $0x1  }
0x2: {  	[smem:$0x3F8E] =	sst lr;
	_ =	strace $0xD0000000  }
0x3: {  	_ = 	snop  }
0x4: {  	_ = 	snop  }
0x5: {  	_ = 	snop  }
0x6: {  	_ = 	snop  }
0x7: {  	_ = 	snop  }
__scs_overlays_trampoline_lowered:
0x8: {  	[smem:$0x3F9D] =	sst s0  }
0x9: {  	[smem:$0x3F9E] =	sst s1  }
0xa: {  	[smem:$0x3F9F] =	sst s2  }
0xb: {  	[smem:$0x3FA0] =	sst s3  }
0xc: {  	[smem:$0x3FA1] =	sst s4  }
0xd: {  	[smem:$0x3FA2] =	sst s5  }
0xe: {  	[smem:$0x3FA3] =	sst s6  }
0xf: {  	[smem:$0x3FA4] =	sst s7  }
0x10: {  	[smem:$0x3FA5] =	sst s8  }
0x11: {  	[smem:$0x3FA6] =	sst s9;
	s0 =	simm.s32 @!p0 $0x0  }
0x12: {  	s1 =	sld [smem:$0x3F8C];
	s0 =	simm.s32 @p0 $0x1  }
0x13: {  	[smem:$0x3FA7] =	sst s0;
	s0 =	simm.s32 @!p1 $0x0  }
0x14: {  	s2 =	sld [smem:$0x3F8B];
	s0 =	simm.s32 @p1 $0x1  }
0x15: {  	[smem:$0x3FA8] =	sst s0;
	s0 =	simm.s32 @!p2 $0x0  }
0x16: {  	s3 =	sld [smem:$0x3FDB];
	s0 =	simm.s32 @p2 $0x1  }
0x17: {  	s4 =	simm.s32 $0x1BF5;
	[smem:$0x3FAA] =	sst s0  }
0x18: {  	s0 =	sld [smem:$0x3F8D];
	_ =	swait.ge [sflag:s4], $0x0  }
0x19: {  	s7 =	sld [smem:$0x3F8E]  }
0x1a: {  	s8 =	sadd.s32 $0xFFFFE003, lr  }
0x1b: {  	s9 =	sadd.s32 $0xFFFFFEF7, lr;
	s5 =	simm.s32 $0xFFFFFFFF;
	p2 =	slt.u32 s8, $0xFFFFF086  }
0x1c: {  	p1 =	slt.u32 s9, $0xF7A;
	s5 =	simm.s32 @!p2 $0x0  }
0x1d: {  	s5 =	simm.s32 @p1 $0x1;
	p0 =	seq.s32 s7, s2  }
0x1e: {  	s7 =	smul.u32 @!p0 $0xF7A, s2;
	p2 =	seq.s32 @!p0 s5, $0x0  }
0x1f: {  	s9 =	smul.u32 $0xF7A, s1;
	s8 =	simm.s32 @!p0 $0x1BF5;
	p2 =	por !p2, p0  }
0x20: {  	[sflag:s8] =	ssyncset.s32 @!p0 $0xFFFFF086;
	s6 =	sadd.s32 @!p0 s3, s7;
	s7 =	simm.s32 @!p0 $0x108  }
0x21: {  	s3 =	sadd.s32 s3, s9;
	s6 =	sadd.s32 @!p0 $0x88, s6;
	s7 =	simm.s32 @p2 $0x1082  }
0x22: {  	[simem:s7], [sflag:s8] =	dma.local @!p0 [hbm:s6], $0xF7A  }
0x23: {  	s9 =	sor.u32 $0xD0000000, s2;
	s6 =	simm.s32 $0x108;
	_ =	swait.ge @!p0 [sflag:s8], $0x0  }
0x24: {  	s3 =	sadd.s32 $0x88, s3;
	s6 =	simm.s32 @!p1 $0x1082;
	[sflag:s4] =	ssyncset.s32 $0xFFFFF086  }
0x25: {  	[simem:s6], [sflag:s4] =	dma.local [hbm:s3], $0xF7A  }
0x26: {  	[smem:$0x3F8E] =	sst s1;
	(tag) =	ssettag s2;
	_ =	strace s9  }
0x27: {  	s1 =	sld [smem:$0x3F9E]  }
0x28: {  	s2 =	sld [smem:$0x3F9F]  }
0x29: {  	s4 =	sld [smem:$0x3FA1]  }
0x2a: {  	p0 =	seq.s32 s5, $0x0;
	s5 =	sld [smem:$0x3FA2]  }
0x2b: {  	s6 =	sld [smem:$0x3FA3]  }
0x2c: {  	s7 =	sld [smem:$0x3FA4]  }
0x2d: {  	s3 =	simm.s32 $0x108;
	s8 =	sld [smem:$0x3FA5]  }
0x2e: {  	s3 =	simm.s32 @!p0 $0x1082;
	s9 =	sld [smem:$0x3FA6]  }
0x2f: {  	lr =	sadd.s32 s0, s3;
	s0 =	sld [smem:$0x3F9D]  }
0x30: {  	s3 =	sld [smem:$0x3FA0]  }
0x31: {  	[smem:$0x3FA9] =	sst s10  }
0x32: {  	s10 =	sld [smem:$0x3FA7];
	_ =	sdelay $0x3  }
0x33: {  	p0 =	seq.s32 s10, $0x1;
	s10 =	sld [smem:$0x3FA9];
	_ =	sdelay $0x3  }
0x34: {  	[smem:$0x3FA9] =	sst s10  }
0x35: {  	s10 =	sld [smem:$0x3FA8];
	_ =	sdelay $0x3  }
0x36: {  	p1 =	seq.s32 s10, $0x1;
	s10 =	sld [smem:$0x3FA9];
	_ =	sdelay $0x3  }
0x37: {  	[smem:$0x3FA9] =	sst s10  }
0x38: {  	s10 =	sld [smem:$0x3FAA]  }
0x39: {  	_ = 	snop;
	(pc) =	sbr.ind lr, $3  }
0x3a: {  	_ = 	snop  }
0x3b: {  	_ = 	snop  }
0x3c: {  	p2 =	seq.s32 s10, $0x1;
	s10 =	sld [smem:$0x3FA9]  }
0x3d: {  	_ =	shalt  }
0x3e: {  	_ =	shalt  }
0x3f: {  	_ =	shalt  }
0x40: {  	_ =	shalt  }
0x41: {  	_ =	shalt  }
0x42: {  	_ =	shalt  }
0x43: {  	_ =	shalt  }
0x44: {  	_ =	shalt  }
0x45: {  	_ =	shalt  }
0x46: {  	_ =	shalt  }
0x47: {  	_ =	shalt  }
0x48: {  	_ =	shalt  }
0x49: {  	_ =	shalt  }
0x4a: {  	_ =	shalt  }
0x4b: {  	_ =	shalt  }
0x4c: {  	_ =	shalt  }
0x4d: {  	_ =	shalt  }
0x4e: {  	_ =	shalt  }
0x4f: {  	_ =	shalt  }
0x50: {  	_ =	shalt  }
0x51: {  	_ =	shalt  }
0x52: {  	_ =	shalt  }
0x53: {  	_ =	shalt  }
0x54: {  	_ =	shalt  }
0x55: {  	_ =	shalt  }
0x56: {  	_ =	shalt  }
0x57: {  	_ =	shalt  }
0x58: {  	_ =	shalt  }
0x59: {  	_ =	shalt  }
0x5a: {  	_ =	shalt  }
0x5b: {  	_ =	shalt  }
0x5c: {  	_ =	shalt  }
0x5d: {  	_ =	shalt  }
0x5e: {  	_ =	shalt  }
0x5f: {  	_ =	shalt  }
0x60: {  	_ =	shalt  }
0x61: {  	_ =	shalt  }
0x62: {  	_ =	shalt  }
0x63: {  	_ =	shalt  }
0x64: {  	_ =	shalt  }
0x65: {  	_ =	shalt  }
0x66: {  	_ =	shalt  }
0x67: {  	_ =	shalt  }
0x68: {  	_ =	shalt  }
0x69: {  	_ =	shalt  }
0x6a: {  	_ =	shalt  }
0x6b: {  	_ =	shalt  }
0x6c: {  	_ =	shalt  }
0x6d: {  	_ =	shalt  }
0x6e: {  	_ =	shalt  }
0x6f: {  	_ =	shalt  }
0x70: {  	_ =	shalt  }
0x71: {  	_ =	shalt  }
0x72: {  	_ =	shalt  }
0x73: {  	_ =	shalt  }
0x74: {  	_ =	shalt  }
0x75: {  	_ =	shalt  }
0x76: {  	_ =	shalt  }
0x77: {  	_ =	shalt  }
0x78: {  	_ =	shalt  }
0x79: {  	_ =	shalt  }
0x7a: {  	_ =	shalt  }
0x7b: {  	_ =	shalt  }
0x7c: {  	_ =	shalt  }
0x7d: {  	_ =	shalt  }
0x7e: {  	_ =	shalt  }
0x7f: {  	_ =	shalt  }
0x80: {  	_ =	shalt  }
0x81: {  	_ =	shalt  }
0x82: {  	_ =	shalt  }
0x83: {  	_ =	shalt  }
0x84: {  	_ =	shalt  }
0x85: {  	_ =	shalt  }
0x86: {  	_ =	shalt  }
0x87: {  	_ =	shalt  }
.Lfunc_end0:
.L_simem_size_0:
called_computation.8_lowered:
.L_overlay_start_0:
0x88: {  	s2 =	sld [smem:$0x3FD9]  }
0x89: {  	s3 =	sld [smem:$0x3FFE];
	_ =	sdelay $0x1  }
0x8a: {  	s1 =	srdreg.scid  }
0x8b: {  	s0 =	sand.u32 $0x1, s1  }
0x8c: {  	s17 =	sshll.u32 s0, $0xA;
	s2 =	sadd.s32 s3, s2  }
0x8d: {  	s2 =	sadd.s32 s2, s17  }
0x8e: {  	[smem:$0x3FB5] =	sst s2  }
0x8f: {  	_ = 	snop  }
0x90: {  	s2 =	sld [smem:$0x3FD0];
	(tm) =	ssettm $0x1  }
0x91: {  	s18 =	sld [smem:$0x3FFB];
	_ =	sdelay $0x3  }
0x92: {  	_ =	strace s18  }
0x93: {  	s3 =	sld [smem:$0x3FFC];
	_ =	sdelay $0x3  }
0x94: {  	_ =	strace s3  }
0x95: {  	s3 =	sld [smem:$0x3FFD];
	_ =	sdelay $0x3  }
0x96: {  	_ =	strace s3  }
0x97: {  	_ =	strace $0x8FFFFFFF  }
0x98: {  	s19 =	sld [smem:$0x3FDB];
	_ =	sdelay $0x1  }
0x99: {  	s4 =	simm.s32 $_scs_section_size  }
0x9a: {  	s5 =	simm.s32 $_size__tile_overlayer_lowered;
	s6 =	simm.s32 $_tile_overlayer_lowered  }
0x9b: {  	s22 =	simm.s32 $0x1BFF;
	s21 =	sshll.u32 s6, $0x1;
	s3 =	sadd.s32 s4, s19  }
0x9c: {  	s7 =	simm.s32 $0x0;
	s20 =	sshll.u32 s5, $0x1;
	s5 =	sadd.s32 s21, s3  }
0x9d: {  	[timem:s7], [sflag:s22] =	dma.local [hbm:s5], s20  }
0x9e: {  	_ =	swait.ge [sflag:s22], s20  }
0x9f: {  	s4 =	ssub.s32 $0x0, s20;
	[sflag:s22] =	ssyncset.done $0x0  }
0xa0: {  	[sflag:s22] =	ssyncadd.s32 s4;
	_ =	sdelay $0x1  }
0xa1: {  	s23 =	simm.s32 $0x1B8B  }
0xa2: {  	_ =	swait.ge [sflag:s23], $0x1  }
0xa3: {  	[sflag:s23] =	ssyncset.done $0x0  }
0xa4: {  	s25 =	simm.s32 $0x1B8E;
	s24 =	sld [smem:$0x3FFE];
	[sflag:s23] =	ssyncadd.s32 $0xFFFFFFFF  }
0xa5: {  	s26 =	simm.s32 $execute0_lowered;
	[smem:$0x3FD2] =	sst s25  }
0xa6: {  	s5 =	sshll.u32 s26, $0x1;
	_ =	strace $0x80000049;
	[dreg:$0x1] =	wrdreg $0xFFFFFFFF  }
0xa7: {  	s28 =	simm.s32 $_size_execute0_lowered;
	s3 =	sadd.s32 s3, s5;
	[dreg:$0x0] =	wrdreg $0x0  }
0xa8: {  	s5 =	sshll.u32 s28, $0x1;
	[dreg:$0x2] =	wrdreg s3  }
0xa9: {  	[dreg:$0x3] =	wrdreg s5  }
0xaa: {  	[dreg:$0x4] =	wrdreg $0xC0  }
0xab: {  	_ =	task [dreg:s7], $0x5FFFF  }
0xac: {  	[dreg:$0x1] =	wrdreg $0xFFFFFFFF  }
0xad: {  	[dreg:$0x0] =	wrdreg $0x60  }
0xae: {  	[dreg:$0x2] =	wrdreg s2  }
0xaf: {  	[dreg:$0x3] =	wrdreg s24  }
0xb0: {  	[dreg:$0x4] =	wrdreg $0x14A00  }
0xb1: {  	[dreg:$0x5] =	wrdreg $0x9  }
0xb2: {  	_ =	task.clear_ibuf [dreg:s7], $0x6FFFF;
	_ =	strace $0x90000049  }
0xb3: {  	s29 =	simm.s32 $0x9;
	_ =	strace $0x8000004B  }
0xb4: {  	_ =	swait.ge [sflag:s29], $0x1  }
0xb5: {  	[sflag:s29] =	ssyncadd.s32 $0xFFFFFFFF  }
0xb6: {  	_ =	strace $0x9000004B  }
0xb7: {  	_ =	sfence  }
0xb8: {  	s30 =	sld [smem:$0x0];
	_ =	sdelay $0x2  }
0xb9: {  	s31 =	sshll.u32 s1, $0xD;
	s1 =	sshrl.u32 s1, $0x2  }
0xba: {  	s3 =	sand.u32 $0x4000, s31;
	s1 =	sadd.s32 s1, s30  }
0xbb: {  	s0 =	sor.u32 s3, s0;
	s1 =	sshll.u32 s1, $0x11  }
0xbc: {  	s0 =	sor.u32 s1, s0  }
0xbd: {  	s0 =	sadd.s32 $0x8F2B, s0  }
0xbe: {  	[sflag:s0] =	ssyncadd.remote.s32 $0x1  }
0xbf: {  	_ =	sfence.sel $0xFFFF  }
0xc0: {  	[dreg:$0x0] =	wrdreg $0xFFFFFFFF;
	(pc) =	sbr.abs _section_cstart, $3  }
0xc1: {  	[dreg:$0x1] =	wrdreg $0xFFFFFFFF  }
0xc2: {  	_ =	task.clear_ibuf [dreg:s7], $0x2FFFF;
	_ =	strace $0x9FFFFFFF  }
0xc3: {  	(tm) =	ssettm $0x7FFFFFFF  }
tec
execute0_lowered:
.L_overlay_start_1:
0x0: {  	(tag) =	ssettag $0x1  }
0x1: {  	s1 =	rddreg [dreg:$0x0]  }
0x2: {  	s6 =	rddreg [dreg:$0x1]  }
0x3: {  	s2 =	rddreg [dreg:$0x2]  }
0x4: {  	s0 =	rddreg [dreg:$0x3]  }
0x5: {  	s4 =	srdreg.scid;
	s9 =	stileid.u32;
	s3 =	simm.s32 $0x0  }
0x6: {  	s11 =	simm.s32 $0x50;
	s12 =	simm.s32 $0xA0;
	s13 =	simm.s32 $0x1  }
0x7: {  	s14 =	simm.s32 $0x0;
	s5 =	sand.u32 $0x1, s4;
	s7 =	smul.u32 $0x4E20, s9  }
0x8: {  	[smem:$0x7FF] =	sst s3;
	s4 =	sadd.s32 $0x61E00, s6;
	s8 =	smul.u32 $0x2710, s5  }
0x9: {  	p0 =	sne.s32 s9, $0x0;
	_ =	strace $0x8000004A;
	s10 =	smul.u32 $0x13880, s5  }
0xa: {  	s5 =	ssub.s32 $0x2, s5;
	s9 =	sshrl.u32 @!p0 s2, $0x3;
	s7 =	sadd.s32 s8, s7  }
0xb: {  	s31 =	sshrl.u32 s5, $0x1;
	s30 =	sadd.s32 s10, s6;
	s7 =	sshrl.u32 s7, $0x3  }
0xc: {  	s10 =	ssub.s32 s5, s31;
	s5 =	sadd.s32 $0x75800, s30;
	s6 =	sadd.s32 s7, s6  }
0xd: {  	s7 =	smax.u32 s10, $0x1;
	s10 =	simm.s32 $0x2;
	s8 =	sadd.s32 $0x9E00, s6  }
.LBB2_1:
0xe: {  	s15 =	simm.s32 @!p0 $0x1C02  }
0xf: {  	[spmem:s9], [sflag:s15] =	dma.local @!p0 [hbm:s4], $0x13880  }
0x10: {  	s15 =	simm.s32 @!p0 $0x2  }
0x11: {  	_ =	swait.ge @!p0 [sflag:s15], $0x13880  }
0x12: {  	[sflag:s15] =	ssyncset.done @!p0 $0x0  }
0x13: {  	[sflag:s15] =	ssyncadd.s32 @!p0 $0xFFFEC780  }
0x14: {  	s30 =	sadd.s32 $0x0, s6;
	[bflag:$0x0] =	sbarrier.arrive $0xFFFF  }
0x15: {  	[tilespmem:s3], [sflag:$0x2] =	stream.linear.gather [hbm4b:s30+s3], $0x50, $0x38;
	[tilespmem:$0xB0E0] =	vst v63  }
0x16: {  	_ =	swait.ge [sflag:s10], $0x50  }
0x17: {  	[sflag:s10] =	ssyncset.done $0x0  }
0x18: {  	s31 =	sadd.s32 $0x0, s8;
	[sflag:s10] =	ssyncadd.s32 $0xFFFFFFB0  }
0x19: {  	[tilespmem:s11], [sflag:$0x2] =	stream.linear.gather [hbm4b:s31+s3], $0x50, $0x38;
	[tilespmem:$0xB0E0] =	vst v63  }
0x1a: {  	_ =	swait.ge [sflag:s10], $0x50  }
0x1b: {  	[sflag:s10] =	ssyncset.done $0x0  }
0x1c: {  	[sflag:s10] =	ssyncadd.s32 $0xFFFFFFB0  }
0x1d: {  	[tilespmem:s12], [sflag:$0x1] =	stream.indirect.gather [hbm4b:s1+s11], $0x40, s3, s11, $0xb8;
	[tilespmem:$0xB0E0] =	vst v63  }
0x1e: {  	_ =	swait.ge [sflag:s13], $0x1400  }
0x1f: {  	[sflag:s13] =	ssyncset.done $0x0  }
0x20: {  	[sflag:s13] =	ssyncadd.s32 $0xFFFFEC00  }
0x21: {  	[spmem:s2] =	stream.indirect.scatter.add.f32 [tilespmem:s12], [sflag:$0x2], $0x40, s11, s11, $0xb8;
	[tilespmem:$0xB0E0] =	vst v63  }
0x22: {  	_ =	swait.ge [sflag:s10], $0x1400  }
0x23: {  	s16 =	simm.s32 $0x14;
	s15 =	simm.s32 $0xA;
	[sflag:s10] =	ssyncset.done $0x0  }
.LBB2_2:
0x24: {  	s17 =	sadd.s32 s15, s6  }
0x25: {  	[sflag:s10] =	ssyncadd.s32 $0xFFFFEC00;
	s18 =	smov.u32 s16;
	s19 =	sadd.s32 $0xA, s16  }
0x26: {  	[tilespmem:s3], [sflag:$0x2] =	stream.linear.gather [hbm4b:s17+s3], $0x50, $0x38;
	[tilespmem:$0xB0E0] =	vst v63  }
0x27: {  	p1 =	sne.s32 s16, $0x4D8;
	_ =	swait.ge [sflag:s10], $0x50  }
0x28: {  	[sflag:s10] =	ssyncset.done $0x0  }
0x29: {  	s16 =	sadd.s32 s15, s8;
	s15 =	smov.u32 s18;
	[sflag:s10] =	ssyncadd.s32 $0xFFFFFFB0  }
0x2a: {  	[tilespmem:s11], [sflag:$0x2] =	stream.linear.gather [hbm4b:s16+s3], $0x50, $0x38;
	[tilespmem:$0xB0E0] =	vst v63  }
0x2b: {  	_ =	swait.ge [sflag:s10], $0x50  }
0x2c: {  	[sflag:s10] =	ssyncset.done $0x0  }
0x2d: {  	[sflag:s10] =	ssyncadd.s32 $0xFFFFFFB0  }
0x2e: {  	[tilespmem:s12], [sflag:$0x1] =	stream.indirect.gather [hbm4b:s1+s11], $0x40, s3, s11, $0xb8;
	[tilespmem:$0xB0E0] =	vst v63  }
0x2f: {  	_ =	swait.ge [sflag:s13], $0x1400  }
.Ltmp0:
0x30: {  	[sflag:s13] =	ssyncset.done $0x0;
	(pc) =	sbr.rel @p1 .LBB2_2-.Ltmp0, $4  }
0x31: {  	[sflag:s13] =	ssyncadd.s32 $0xFFFFEC00  }
0x32: {  	[spmem:s2] =	stream.indirect.scatter.add.f32 [tilespmem:s12], [sflag:$0x2], $0x40, s11, s11, $0xb8;
	[tilespmem:$0xB0E0] =	vst v63  }
0x33: {  	_ =	swait.ge [sflag:s10], $0x1400  }
0x34: {  	s16 =	smov.u32 s19;
	[sflag:s10] =	ssyncset.done $0x0  }
0x35: {  	s16 =	sadd.s32 s15, s6;
	[sflag:s10] =	ssyncadd.s32 $0xFFFFEC00  }
0x36: {  	[tilespmem:s3], [sflag:$0x2] =	stream.linear.gather [hbm4b:s16+s3], $0x50, $0x38;
	[tilespmem:$0xB0E0] =	vst v63  }
0x37: {  	_ =	swait.ge [sflag:s10], $0x50  }
0x38: {  	[sflag:s10] =	ssyncset.done $0x0  }
0x39: {  	s31 =	sadd.s32 s15, s8;
	[sflag:s10] =	ssyncadd.s32 $0xFFFFFFB0  }
0x3a: {  	[tilespmem:s11], [sflag:$0x2] =	stream.linear.gather [hbm4b:s31+s3], $0x50, $0x38;
	[tilespmem:$0xB0E0] =	vst v63  }
0x3b: {  	_ =	swait.ge [sflag:s10], $0x50  }
0x3c: {  	[sflag:s10] =	ssyncset.done $0x0  }
0x3d: {  	[sflag:s10] =	ssyncadd.s32 $0xFFFFFFB0  }
0x3e: {  	[tilespmem:s12], [sflag:$0x1] =	stream.indirect.gather [hbm4b:s1+s11], $0x40, s3, s11, $0xb8;
	[tilespmem:$0xB0E0] =	vst v63  }
0x3f: {  	_ =	swait.ge [sflag:s13], $0x1400  }
0x40: {  	[sflag:s13] =	ssyncset.done $0x0  }
0x41: {  	[sflag:s13] =	ssyncadd.s32 $0xFFFFEC00  }
0x42: {  	[spmem:s2] =	stream.indirect.scatter.add.f32 [tilespmem:s12], [sflag:$0x2], $0x40, s11, s11, $0xb8;
	[tilespmem:$0xB0E0] =	vst v63  }
0x43: {  	_ =	swait.ge [sflag:s10], $0x1400  }
0x44: {  	[sflag:s10] =	ssyncset.done $0x0  }
0x45: {  	s14 =	sadd.s32 $0x1, s14;
	[sflag:s10] =	ssyncadd.s32 $0xFFFFEC00  }
0x46: {  	s15 =	simm.s32 @!p0 $0x1C02;
	p1 =	sne.s32 s14, s7;
	[bflag:$0x0] =	sbarrier.arrive $0xFFFF  }
0x47: {  	[hbm:s5], [sflag:s15] =	dma.local @!p0 [spmem:s9], $0x13880  }
.Ltmp1:
0x48: {  	_ = 	snop;
	(pc) =	sbr.rel @p1 .LBB2_1-.Ltmp1, $4  }
0x49: {  	s15 =	simm.s32 @!p0 $0x2  }
0x4a: {  	_ =	swait.ge @!p0 [sflag:s15], $0x13880  }
0x4b: {  	[sflag:s15] =	ssyncset.done @!p0 $0x0  }
0x4c: {  	[sflag:s15] =	ssyncadd.s32 @!p0 $0xFFFEC780  }
0x4d: {  	_ =	sfence.sel $0x180000  }
0x4e: {  	[bflag:$0x0] =	sbarrier.arrive $0xFFFF  }
0x4f: {  	_ =	strace $0x9000004A  }
0x50: {  	s0 =	sadd.s32 @!p0 $0x100000, s0;
	[bflag:$0x2] =	sbarrier.arrive $0xFFFF  }
0x51: {  	[sflag:s0] =	ssyncadd.tile.s32 @!p0 $0x1;
	_ =	shalt  }
.Lfunc_end2:
_tile_overlayer_lowered:
.L_overlay_start_2:
0x52: {  	(tag) =	ssettag $0x2  }
0x53: {  	s0 =	rddreg [dreg:$0x0];
	s2 =	stileid.u32  }
0x54: {  	s1 =	rddreg [dreg:$0x1];
	p0 =	sne.s32 s2, $0x0  }
0x55: {  	s3 =	rddreg [dreg:$0x2];
	[bflag:$0x3] =	sbarrier.arrive $0xFFFF;
	s2 =	simm.s32 @!p0 $0x1C02  }
0x56: {  	[timem:s3], [sflag:s2] =	dma.local @!p0 [hbm:s0], s1  }
0x57: {  	s0 =	simm.s32 @!p0 $0x2  }
0x58: {  	_ =	swait.ge @!p0 [sflag:s0], s1  }
0x59: {  	s1 =	ssub.s32 @!p0 $0x0, s1;
	[sflag:s0] =	ssyncset.done @!p0 $0x0  }
0x5a: {  	[sflag:s0] =	ssyncadd.s32 @!p0 s1  }
0x5b: {  	[bflag:$0x3] =	sbarrier.arrive $0xFFFF  }
0x5c: {  	_ =	shalt  }

// kernel: kernel.25.cloned.1.call-start
scs
__scs_entry_jumppad:
0x0: {  	(pc) =	sbr.rel $0x88, $3  }
0x1: {  	(tag) =	ssettag $0x0;
	lr =	simm.s32 $0x1  }
0x2: {  	[smem:$0x3F8E] =	sst lr;
	_ =	strace $0xD0000000  }
0x3: {  	_ = 	snop  }
0x4: {  	_ = 	snop  }
0x5: {  	_ = 	snop  }
0x6: {  	_ = 	snop  }
0x7: {  	_ = 	snop  }
__scs_overlays_trampoline_lowered:
0x8: {  	[smem:$0x3F9D] =	sst s0  }
0x9: {  	[smem:$0x3F9E] =	sst s1  }
0xa: {  	[smem:$0x3F9F] =	sst s2  }
0xb: {  	[smem:$0x3FA0] =	sst s3  }
0xc: {  	[smem:$0x3FA1] =	sst s4  }
0xd: {  	[smem:$0x3FA2] =	sst s5  }
0xe: {  	[smem:$0x3FA3] =	sst s6  }
0xf: {  	[smem:$0x3FA4] =	sst s7  }
0x10: {  	[smem:$0x3FA5] =	sst s8  }
0x11: {  	[smem:$0x3FA6] =	sst s9;
	s0 =	simm.s32 @!p0 $0x0  }
0x12: {  	s1 =	sld [smem:$0x3F8C];
	s0 =	simm.s32 @p0 $0x1  }
0x13: {  	[smem:$0x3FA7] =	sst s0;
	s0 =	simm.s32 @!p1 $0x0  }
0x14: {  	s2 =	sld [smem:$0x3F8B];
	s0 =	simm.s32 @p1 $0x1  }
0x15: {  	[smem:$0x3FA8] =	sst s0;
	s0 =	simm.s32 @!p2 $0x0  }
0x16: {  	s3 =	sld [smem:$0x3FDB];
	s0 =	simm.s32 @p2 $0x1  }
0x17: {  	s4 =	simm.s32 $0x1BF5;
	[smem:$0x3FAA] =	sst s0  }
0x18: {  	s0 =	sld [smem:$0x3F8D];
	_ =	swait.ge [sflag:s4], $0x0  }
0x19: {  	s7 =	sld [smem:$0x3F8E]  }
0x1a: {  	s8 =	sadd.s32 $0xFFFFE003, lr  }
0x1b: {  	s9 =	sadd.s32 $0xFFFFFEF7, lr;
	s5 =	simm.s32 $0xFFFFFFFF;
	p2 =	slt.u32 s8, $0xFFFFF086  }
0x1c: {  	p1 =	slt.u32 s9, $0xF7A;
	s5 =	simm.s32 @!p2 $0x0  }
0x1d: {  	s5 =	simm.s32 @p1 $0x1;
	p0 =	seq.s32 s7, s2  }
0x1e: {  	s7 =	smul.u32 @!p0 $0xF7A, s2;
	p2 =	seq.s32 @!p0 s5, $0x0  }
0x1f: {  	s9 =	smul.u32 $0xF7A, s1;
	s8 =	simm.s32 @!p0 $0x1BF5;
	p2 =	por !p2, p0  }
0x20: {  	[sflag:s8] =	ssyncset.s32 @!p0 $0xFFFFF086;
	s6 =	sadd.s32 @!p0 s3, s7;
	s7 =	simm.s32 @!p0 $0x108  }
0x21: {  	s3 =	sadd.s32 s3, s9;
	s6 =	sadd.s32 @!p0 $0x88, s6;
	s7 =	simm.s32 @p2 $0x1082  }
0x22: {  	[simem:s7], [sflag:s8] =	dma.local @!p0 [hbm:s6], $0xF7A  }
0x23: {  	s9 =	sor.u32 $0xD0000000, s2;
	s6 =	simm.s32 $0x108;
	_ =	swait.ge @!p0 [sflag:s8], $0x0  }
0x24: {  	s3 =	sadd.s32 $0x88, s3;
	s6 =	simm.s32 @!p1 $0x1082;
	[sflag:s4] =	ssyncset.s32 $0xFFFFF086  }
0x25: {  	[simem:s6], [sflag:s4] =	dma.local [hbm:s3], $0xF7A  }
0x26: {  	[smem:$0x3F8E] =	sst s1;
	(tag) =	ssettag s2;
	_ =	strace s9  }
0x27: {  	s1 =	sld [smem:$0x3F9E]  }
0x28: {  	s2 =	sld [smem:$0x3F9F]  }
0x29: {  	s4 =	sld [smem:$0x3FA1]  }
0x2a: {  	p0 =	seq.s32 s5, $0x0;
	s5 =	sld [smem:$0x3FA2]  }
0x2b: {  	s6 =	sld [smem:$0x3FA3]  }
0x2c: {  	s7 =	sld [smem:$0x3FA4]  }
0x2d: {  	s3 =	simm.s32 $0x108;
	s8 =	sld [smem:$0x3FA5]  }
0x2e: {  	s3 =	simm.s32 @!p0 $0x1082;
	s9 =	sld [smem:$0x3FA6]  }
0x2f: {  	lr =	sadd.s32 s0, s3;
	s0 =	sld [smem:$0x3F9D]  }
0x30: {  	s3 =	sld [smem:$0x3FA0]  }
0x31: {  	[smem:$0x3FA9] =	sst s10  }
0x32: {  	s10 =	sld [smem:$0x3FA7];
	_ =	sdelay $0x3  }
0x33: {  	p0 =	seq.s32 s10, $0x1;
	s10 =	sld [smem:$0x3FA9];
	_ =	sdelay $0x3  }
0x34: {  	[smem:$0x3FA9] =	sst s10  }
0x35: {  	s10 =	sld [smem:$0x3FA8];
	_ =	sdelay $0x3  }
0x36: {  	p1 =	seq.s32 s10, $0x1;
	s10 =	sld [smem:$0x3FA9];
	_ =	sdelay $0x3  }
0x37: {  	[smem:$0x3FA9] =	sst s10  }
0x38: {  	s10 =	sld [smem:$0x3FAA]  }
0x39: {  	_ = 	snop;
	(pc) =	sbr.ind lr, $3  }
0x3a: {  	_ = 	snop  }
0x3b: {  	_ = 	snop  }
0x3c: {  	p2 =	seq.s32 s10, $0x1;
	s10 =	sld [smem:$0x3FA9]  }
0x3d: {  	_ =	shalt  }
0x3e: {  	_ =	shalt  }
0x3f: {  	_ =	shalt  }
0x40: {  	_ =	shalt  }
0x41: {  	_ =	shalt  }
0x42: {  	_ =	shalt  }
0x43: {  	_ =	shalt  }
0x44: {  	_ =	shalt  }
0x45: {  	_ =	shalt  }
0x46: {  	_ =	shalt  }
0x47: {  	_ =	shalt  }
0x48: {  	_ =	shalt  }
0x49: {  	_ =	shalt  }
0x4a: {  	_ =	shalt  }
0x4b: {  	_ =	shalt  }
0x4c: {  	_ =	shalt  }
0x4d: {  	_ =	shalt  }
0x4e: {  	_ =	shalt  }
0x4f: {  	_ =	shalt  }
0x50: {  	_ =	shalt  }
0x51: {  	_ =	shalt  }
0x52: {  	_ =	shalt  }
0x53: {  	_ =	shalt  }
0x54: {  	_ =	shalt  }
0x55: {  	_ =	shalt  }
0x56: {  	_ =	shalt  }
0x57: {  	_ =	shalt  }
0x58: {  	_ =	shalt  }
0x59: {  	_ =	shalt  }
0x5a: {  	_ =	shalt  }
0x5b: {  	_ =	shalt  }
0x5c: {  	_ =	shalt  }
0x5d: {  	_ =	shalt  }
0x5e: {  	_ =	shalt  }
0x5f: {  	_ =	shalt  }
0x60: {  	_ =	shalt  }
0x61: {  	_ =	shalt  }
0x62: {  	_ =	shalt  }
0x63: {  	_ =	shalt  }
0x64: {  	_ =	shalt  }
0x65: {  	_ =	shalt  }
0x66: {  	_ =	shalt  }
0x67: {  	_ =	shalt  }
0x68: {  	_ =	shalt  }
0x69: {  	_ =	shalt  }
0x6a: {  	_ =	shalt  }
0x6b: {  	_ =	shalt  }
0x6c: {  	_ =	shalt  }
0x6d: {  	_ =	shalt  }
0x6e: {  	_ =	shalt  }
0x6f: {  	_ =	shalt  }
0x70: {  	_ =	shalt  }
0x71: {  	_ =	shalt  }
0x72: {  	_ =	shalt  }
0x73: {  	_ =	shalt  }
0x74: {  	_ =	shalt  }
0x75: {  	_ =	shalt  }
0x76: {  	_ =	shalt  }
0x77: {  	_ =	shalt  }
0x78: {  	_ =	shalt  }
0x79: {  	_ =	shalt  }
0x7a: {  	_ =	shalt  }
0x7b: {  	_ =	shalt  }
0x7c: {  	_ =	shalt  }
0x7d: {  	_ =	shalt  }
0x7e: {  	_ =	shalt  }
0x7f: {  	_ =	shalt  }
0x80: {  	_ =	shalt  }
0x81: {  	_ =	shalt  }
0x82: {  	_ =	shalt  }
0x83: {  	_ =	shalt  }
0x84: {  	_ =	shalt  }
0x85: {  	_ =	shalt  }
0x86: {  	_ =	shalt  }
0x87: {  	_ =	shalt  }
.Lfunc_end0:
.L_simem_size_0:
called_computation.9_lowered:
.L_overlay_start_0:
0x88: {  	s2 =	sld [smem:$0x3FD9]  }
0x89: {  	s3 =	sld [smem:$0x3FFE];
	_ =	sdelay $0x1  }
0x8a: {  	s1 =	srdreg.scid  }
0x8b: {  	s0 =	sand.u32 $0x1, s1  }
0x8c: {  	s17 =	sshll.u32 s0, $0xA;
	s2 =	sadd.s32 s3, s2  }
0x8d: {  	s2 =	sadd.s32 s2, s17  }
0x8e: {  	[smem:$0x3FB5] =	sst s2  }
0x8f: {  	_ = 	snop  }
0x90: {  	s2 =	sld [smem:$0x3FD0];
	(tm) =	ssettm $0x1  }
0x91: {  	s18 =	sld [smem:$0x3FFB];
	_ =	sdelay $0x3  }
0x92: {  	_ =	strace s18  }
0x93: {  	s3 =	sld [smem:$0x3FFC];
	_ =	sdelay $0x3  }
0x94: {  	_ =	strace s3  }
0x95: {  	s3 =	sld [smem:$0x3FFD];
	_ =	sdelay $0x3  }
0x96: {  	_ =	strace s3  }
0x97: {  	_ =	strace $0x8FFFFFFF  }
0x98: {  	s19 =	sld [smem:$0x3FDB];
	_ =	sdelay $0x1  }
0x99: {  	s4 =	simm.s32 $_scs_section_size  }
0x9a: {  	s5 =	simm.s32 $_size__tile_overlayer_lowered;
	s6 =	simm.s32 $_tile_overlayer_lowered  }
0x9b: {  	s22 =	simm.s32 $0x1BFF;
	s21 =	sshll.u32 s6, $0x1;
	s3 =	sadd.s32 s4, s19  }
0x9c: {  	s7 =	simm.s32 $0x0;
	s20 =	sshll.u32 s5, $0x1;
	s5 =	sadd.s32 s21, s3  }
0x9d: {  	[timem:s7], [sflag:s22] =	dma.local [hbm:s5], s20  }
0x9e: {  	_ =	swait.ge [sflag:s22], s20  }
0x9f: {  	s4 =	ssub.s32 $0x0, s20;
	[sflag:s22] =	ssyncset.done $0x0  }
0xa0: {  	[sflag:s22] =	ssyncadd.s32 s4;
	_ =	sdelay $0x1  }
0xa1: {  	s23 =	simm.s32 $0x1B8B  }
0xa2: {  	_ =	swait.ge [sflag:s23], $0x1  }
0xa3: {  	[sflag:s23] =	ssyncset.done $0x0  }
0xa4: {  	s25 =	simm.s32 $0x1B8E;
	s24 =	sld [smem:$0x3FFE];
	[sflag:s23] =	ssyncadd.s32 $0xFFFFFFFF  }
0xa5: {  	s26 =	simm.s32 $execute0_lowered;
	[smem:$0x3FD2] =	sst s25  }
0xa6: {  	s5 =	sshll.u32 s26, $0x1;
	_ =	strace $0x80000067;
	[dreg:$0x1] =	wrdreg $0xFFFFFFFF  }
0xa7: {  	s28 =	simm.s32 $_size_execute0_lowered;
	s3 =	sadd.s32 s3, s5;
	[dreg:$0x0] =	wrdreg $0x0  }
0xa8: {  	s5 =	sshll.u32 s28, $0x1;
	[dreg:$0x2] =	wrdreg s3  }
0xa9: {  	[dreg:$0x3] =	wrdreg s5  }
0xaa: {  	[dreg:$0x4] =	wrdreg $0xC0  }
0xab: {  	_ =	task [dreg:s7], $0x5FFFF  }
0xac: {  	[dreg:$0x1] =	wrdreg $0xFFFFFFFF  }
0xad: {  	[dreg:$0x0] =	wrdreg $0x60  }
0xae: {  	[dreg:$0x2] =	wrdreg s2  }
0xaf: {  	[dreg:$0x3] =	wrdreg s24  }
0xb0: {  	[dreg:$0x4] =	wrdreg $0x14A00  }
0xb1: {  	[dreg:$0x5] =	wrdreg $0x9  }
0xb2: {  	_ =	task.clear_ibuf [dreg:s7], $0x6FFFF;
	_ =	strace $0x90000067  }
0xb3: {  	s29 =	simm.s32 $0x9;
	_ =	strace $0x80000069  }
0xb4: {  	_ =	swait.ge [sflag:s29], $0x1  }
0xb5: {  	[sflag:s29] =	ssyncadd.s32 $0xFFFFFFFF  }
0xb6: {  	_ =	strace $0x90000069  }
0xb7: {  	_ =	sfence  }
0xb8: {  	s30 =	sld [smem:$0x0];
	_ =	sdelay $0x2  }
0xb9: {  	s31 =	sshll.u32 s1, $0xD;
	s1 =	sshrl.u32 s1, $0x2  }
0xba: {  	s3 =	sand.u32 $0x4000, s31;
	s1 =	sadd.s32 s1, s30  }
0xbb: {  	s0 =	sor.u32 s3, s0;
	s1 =	sshll.u32 s1, $0x11  }
0xbc: {  	s0 =	sor.u32 s1, s0  }
0xbd: {  	s0 =	sadd.s32 $0x8F2B, s0  }
0xbe: {  	[sflag:s0] =	ssyncadd.remote.s32 $0x1  }
0xbf: {  	_ =	sfence.sel $0xFFFF  }
0xc0: {  	[dreg:$0x0] =	wrdreg $0xFFFFFFFF;
	(pc) =	sbr.abs _section_cstart, $3  }
0xc1: {  	[dreg:$0x1] =	wrdreg $0xFFFFFFFF  }
0xc2: {  	_ =	task.clear_ibuf [dreg:s7], $0x2FFFF;
	_ =	strace $0x9FFFFFFF  }
0xc3: {  	(tm) =	ssettm $0x7FFFFFFF  }
tec
execute0_lowered:
.L_overlay_start_1:
0x0: {  	(tag) =	ssettag $0x1  }
0x1: {  	s1 =	rddreg [dreg:$0x0]  }
0x2: {  	s6 =	rddreg [dreg:$0x1]  }
0x3: {  	s2 =	rddreg [dreg:$0x2]  }
0x4: {  	s0 =	rddreg [dreg:$0x3]  }
0x5: {  	s4 =	srdreg.scid;
	s9 =	stileid.u32;
	s3 =	simm.s32 $0x0  }
0x6: {  	s11 =	simm.s32 $0x50;
	s12 =	simm.s32 $0xA0;
	s13 =	simm.s32 $0x1  }
0x7: {  	s14 =	simm.s32 $0x0;
	s5 =	sand.u32 $0x1, s4;
	s7 =	smul.u32 $0x4E20, s9  }
0x8: {  	[smem:$0x7FF] =	sst s3;
	s4 =	sadd.s32 $0x61E00, s6;
	s8 =	smul.u32 $0x2710, s5  }
0x9: {  	p0 =	sne.s32 s9, $0x0;
	_ =	strace $0x80000068;
	s10 =	smul.u32 $0x13880, s5  }
0xa: {  	s5 =	ssub.s32 $0x2, s5;
	s9 =	sshrl.u32 @!p0 s2, $0x3;
	s7 =	sadd.s32 s8, s7  }
0xb: {  	s31 =	sshrl.u32 s5, $0x1;
	s30 =	sadd.s32 s10, s6;
	s7 =	sshrl.u32 s7, $0x3  }
0xc: {  	s10 =	ssub.s32 s5, s31;
	s5 =	sadd.s32 $0x9CA00, s30;
	s6 =	sadd.s32 s7, s6  }
0xd: {  	s7 =	smax.u32 s10, $0x1;
	s10 =	simm.s32 $0x2;
	s8 =	sadd.s32 $0x9E00, s6  }
.LBB2_1:
0xe: {  	s15 =	simm.s32 @!p0 $0x1C02  }
0xf: {  	[spmem:s9], [sflag:s15] =	dma.local @!p0 [hbm:s4], $0x13880  }
0x10: {  	s15 =	simm.s32 @!p0 $0x2  }
0x11: {  	_ =	swait.ge @!p0 [sflag:s15], $0x13880  }
0x12: {  	[sflag:s15] =	ssyncset.done @!p0 $0x0  }
0x13: {  	[sflag:s15] =	ssyncadd.s32 @!p0 $0xFFFEC780  }
0x14: {  	s30 =	sadd.s32 $0x0, s6;
	[bflag:$0x0] =	sbarrier.arrive $0xFFFF  }
0x15: {  	[tilespmem:s3], [sflag:$0x2] =	stream.linear.gather [hbm4b:s30+s3], $0x50, $0x38;
	[tilespmem:$0xB0E0] =	vst v63  }
0x16: {  	_ =	swait.ge [sflag:s10], $0x50  }
0x17: {  	[sflag:s10] =	ssyncset.done $0x0  }
0x18: {  	s31 =	sadd.s32 $0x0, s8;
	[sflag:s10] =	ssyncadd.s32 $0xFFFFFFB0  }
0x19: {  	[tilespmem:s11], [sflag:$0x2] =	stream.linear.gather [hbm4b:s31+s3], $0x50, $0x38;
	[tilespmem:$0xB0E0] =	vst v63  }
0x1a: {  	_ =	swait.ge [sflag:s10], $0x50  }
0x1b: {  	[sflag:s10] =	ssyncset.done $0x0  }
0x1c: {  	[sflag:s10] =	ssyncadd.s32 $0xFFFFFFB0  }
0x1d: {  	[tilespmem:s12], [sflag:$0x1] =	stream.indirect.gather [hbm4b:s1+s11], $0x40, s3, s11, $0xb8;
	[tilespmem:$0xB0E0] =	vst v63  }
0x1e: {  	_ =	swait.ge [sflag:s13], $0x1400  }
0x1f: {  	[sflag:s13] =	ssyncset.done $0x0  }
0x20: {  	[sflag:s13] =	ssyncadd.s32 $0xFFFFEC00  }
0x21: {  	[spmem:s2] =	stream.indirect.scatter.add.f32 [tilespmem:s12], [sflag:$0x2], $0x40, s11, s11, $0xb8;
	[tilespmem:$0xB0E0] =	vst v63  }
0x22: {  	_ =	swait.ge [sflag:s10], $0x1400  }
0x23: {  	s16 =	simm.s32 $0x14;
	s15 =	simm.s32 $0xA;
	[sflag:s10] =	ssyncset.done $0x0  }
.LBB2_2:
0x24: {  	s17 =	sadd.s32 s15, s6  }
0x25: {  	[sflag:s10] =	ssyncadd.s32 $0xFFFFEC00;
	s18 =	smov.u32 s16;
	s19 =	sadd.s32 $0xA, s16  }
0x26: {  	[tilespmem:s3], [sflag:$0x2] =	stream.linear.gather [hbm4b:s17+s3], $0x50, $0x38;
	[tilespmem:$0xB0E0] =	vst v63  }
0x27: {  	p1 =	sne.s32 s16, $0x4D8;
	_ =	swait.ge [sflag:s10], $0x50  }
0x28: {  	[sflag:s10] =	ssyncset.done $0x0  }
0x29: {  	s16 =	sadd.s32 s15, s8;
	s15 =	smov.u32 s18;
	[sflag:s10] =	ssyncadd.s32 $0xFFFFFFB0  }
0x2a: {  	[tilespmem:s11], [sflag:$0x2] =	stream.linear.gather [hbm4b:s16+s3], $0x50, $0x38;
	[tilespmem:$0xB0E0] =	vst v63  }
0x2b: {  	_ =	swait.ge [sflag:s10], $0x50  }
0x2c: {  	[sflag:s10] =	ssyncset.done $0x0  }
0x2d: {  	[sflag:s10] =	ssyncadd.s32 $0xFFFFFFB0  }
0x2e: {  	[tilespmem:s12], [sflag:$0x1] =	stream.indirect.gather [hbm4b:s1+s11], $0x40, s3, s11, $0xb8;
	[tilespmem:$0xB0E0] =	vst v63  }
0x2f: {  	_ =	swait.ge [sflag:s13], $0x1400  }
.Ltmp0:
0x30: {  	[sflag:s13] =	ssyncset.done $0x0;
	(pc) =	sbr.rel @p1 .LBB2_2-.Ltmp0, $4  }
0x31: {  	[sflag:s13] =	ssyncadd.s32 $0xFFFFEC00  }
0x32: {  	[spmem:s2] =	stream.indirect.scatter.add.f32 [tilespmem:s12], [sflag:$0x2], $0x40, s11, s11, $0xb8;
	[tilespmem:$0xB0E0] =	vst v63  }
0x33: {  	_ =	swait.ge [sflag:s10], $0x1400  }
0x34: {  	s16 =	smov.u32 s19;
	[sflag:s10] =	ssyncset.done $0x0  }
0x35: {  	s16 =	sadd.s32 s15, s6;
	[sflag:s10] =	ssyncadd.s32 $0xFFFFEC00  }
0x36: {  	[tilespmem:s3], [sflag:$0x2] =	stream.linear.gather [hbm4b:s16+s3], $0x50, $0x38;
	[tilespmem:$0xB0E0] =	vst v63  }
0x37: {  	_ =	swait.ge [sflag:s10], $0x50  }
0x38: {  	[sflag:s10] =	ssyncset.done $0x0  }
0x39: {  	s31 =	sadd.s32 s15, s8;
	[sflag:s10] =	ssyncadd.s32 $0xFFFFFFB0  }
0x3a: {  	[tilespmem:s11], [sflag:$0x2] =	stream.linear.gather [hbm4b:s31+s3], $0x50, $0x38;
	[tilespmem:$0xB0E0] =	vst v63  }
0x3b: {  	_ =	swait.ge [sflag:s10], $0x50  }
0x3c: {  	[sflag:s10] =	ssyncset.done $0x0  }
0x3d: {  	[sflag:s10] =	ssyncadd.s32 $0xFFFFFFB0  }
0x3e: {  	[tilespmem:s12], [sflag:$0x1] =	stream.indirect.gather [hbm4b:s1+s11], $0x40, s3, s11, $0xb8;
	[tilespmem:$0xB0E0] =	vst v63  }
0x3f: {  	_ =	swait.ge [sflag:s13], $0x1400  }
0x40: {  	[sflag:s13] =	ssyncset.done $0x0  }
0x41: {  	[sflag:s13] =	ssyncadd.s32 $0xFFFFEC00  }
0x42: {  	[spmem:s2] =	stream.indirect.scatter.add.f32 [tilespmem:s12], [sflag:$0x2], $0x40, s11, s11, $0xb8;
	[tilespmem:$0xB0E0] =	vst v63  }
0x43: {  	_ =	swait.ge [sflag:s10], $0x1400  }
0x44: {  	[sflag:s10] =	ssyncset.done $0x0  }
0x45: {  	s14 =	sadd.s32 $0x1, s14;
	[sflag:s10] =	ssyncadd.s32 $0xFFFFEC00  }
0x46: {  	s15 =	simm.s32 @!p0 $0x1C02;
	p1 =	sne.s32 s14, s7;
	[bflag:$0x0] =	sbarrier.arrive $0xFFFF  }
0x47: {  	[hbm:s5], [sflag:s15] =	dma.local @!p0 [spmem:s9], $0x13880  }
.Ltmp1:
0x48: {  	_ = 	snop;
	(pc) =	sbr.rel @p1 .LBB2_1-.Ltmp1, $4  }
0x49: {  	s15 =	simm.s32 @!p0 $0x2  }
0x4a: {  	_ =	swait.ge @!p0 [sflag:s15], $0x13880  }
0x4b: {  	[sflag:s15] =	ssyncset.done @!p0 $0x0  }
0x4c: {  	[sflag:s15] =	ssyncadd.s32 @!p0 $0xFFFEC780  }
0x4d: {  	_ =	sfence.sel $0x180000  }
0x4e: {  	[bflag:$0x0] =	sbarrier.arrive $0xFFFF  }
0x4f: {  	_ =	strace $0x90000068  }
0x50: {  	s0 =	sadd.s32 @!p0 $0x100000, s0;
	[bflag:$0x2] =	sbarrier.arrive $0xFFFF  }
0x51: {  	[sflag:s0] =	ssyncadd.tile.s32 @!p0 $0x1;
	_ =	shalt  }
.Lfunc_end2:
_tile_overlayer_lowered:
.L_overlay_start_2:
0x52: {  	(tag) =	ssettag $0x2  }
0x53: {  	s0 =	rddreg [dreg:$0x0];
	s2 =	stileid.u32  }
0x54: {  	s1 =	rddreg [dreg:$0x1];
	p0 =	sne.s32 s2, $0x0  }
0x55: {  	s3 =	rddreg [dreg:$0x2];
	[bflag:$0x3] =	sbarrier.arrive $0xFFFF;
	s2 =	simm.s32 @!p0 $0x1C02  }
0x56: {  	[timem:s3], [sflag:s2] =	dma.local @!p0 [hbm:s0], s1  }
0x57: {  	s0 =	simm.s32 @!p0 $0x2  }
0x58: {  	_ =	swait.ge @!p0 [sflag:s0], s1  }
0x59: {  	s1 =	ssub.s32 @!p0 $0x0, s1;
	[sflag:s0] =	ssyncset.done @!p0 $0x0  }
0x5a: {  	[sflag:s0] =	ssyncadd.s32 @!p0 s1  }
0x5b: {  	[bflag:$0x3] =	sbarrier.arrive $0xFFFF  }
0x5c: {  	_ =	shalt  }

// kernel: scatter_offload_async_start.1
scs
__scs_entry_jumppad:
0x0: {  	(pc) =	sbr.rel $0x88, $3  }
0x1: {  	(tag) =	ssettag $0x0;
	lr =	simm.s32 $0x1  }
0x2: {  	[smem:$0x3F8E] =	sst lr;
	_ =	strace $0xD0000000  }
0x3: {  	_ = 	snop  }
0x4: {  	_ = 	snop  }
0x5: {  	_ = 	snop  }
0x6: {  	_ = 	snop  }
0x7: {  	_ = 	snop  }
__scs_overlays_trampoline_lowered:
0x8: {  	[smem:$0x3F9D] =	sst s0  }
0x9: {  	[smem:$0x3F9E] =	sst s1  }
0xa: {  	[smem:$0x3F9F] =	sst s2  }
0xb: {  	[smem:$0x3FA0] =	sst s3  }
0xc: {  	[smem:$0x3FA1] =	sst s4  }
0xd: {  	[smem:$0x3FA2] =	sst s5  }
0xe: {  	[smem:$0x3FA3] =	sst s6  }
0xf: {  	[smem:$0x3FA4] =	sst s7  }
0x10: {  	[smem:$0x3FA5] =	sst s8  }
0x11: {  	[smem:$0x3FA6] =	sst s9;
	s0 =	simm.s32 @!p0 $0x0  }
0x12: {  	s1 =	sld [smem:$0x3F8C];
	s0 =	simm.s32 @p0 $0x1  }
0x13: {  	[smem:$0x3FA7] =	sst s0;
	s0 =	simm.s32 @!p1 $0x0  }
0x14: {  	s2 =	sld [smem:$0x3F8B];
	s0 =	simm.s32 @p1 $0x1  }
0x15: {  	[smem:$0x3FA8] =	sst s0;
	s0 =	simm.s32 @!p2 $0x0  }
0x16: {  	s3 =	sld [smem:$0x3FDB];
	s0 =	simm.s32 @p2 $0x1  }
0x17: {  	s4 =	simm.s32 $0x1BF5;
	[smem:$0x3FAA] =	sst s0  }
0x18: {  	s0 =	sld [smem:$0x3F8D];
	_ =	swait.ge [sflag:s4], $0x0  }
0x19: {  	s7 =	sld [smem:$0x3F8E]  }
0x1a: {  	s8 =	sadd.s32 $0xFFFFE003, lr  }
0x1b: {  	s9 =	sadd.s32 $0xFFFFFEF7, lr;
	s5 =	simm.s32 $0xFFFFFFFF;
	p2 =	slt.u32 s8, $0xFFFFF086  }
0x1c: {  	p1 =	slt.u32 s9, $0xF7A;
	s5 =	simm.s32 @!p2 $0x0  }
0x1d: {  	s5 =	simm.s32 @p1 $0x1;
	p0 =	seq.s32 s7, s2  }
0x1e: {  	s7 =	smul.u32 @!p0 $0xF7A, s2;
	p2 =	seq.s32 @!p0 s5, $0x0  }
0x1f: {  	s9 =	smul.u32 $0xF7A, s1;
	s8 =	simm.s32 @!p0 $0x1BF5;
	p2 =	por !p2, p0  }
0x20: {  	[sflag:s8] =	ssyncset.s32 @!p0 $0xFFFFF086;
	s6 =	sadd.s32 @!p0 s3, s7;
	s7 =	simm.s32 @!p0 $0x108  }
0x21: {  	s3 =	sadd.s32 s3, s9;
	s6 =	sadd.s32 @!p0 $0x88, s6;
	s7 =	simm.s32 @p2 $0x1082  }
0x22: {  	[simem:s7], [sflag:s8] =	dma.local @!p0 [hbm:s6], $0xF7A  }
0x23: {  	s9 =	sor.u32 $0xD0000000, s2;
	s6 =	simm.s32 $0x108;
	_ =	swait.ge @!p0 [sflag:s8], $0x0  }
0x24: {  	s3 =	sadd.s32 $0x88, s3;
	s6 =	simm.s32 @!p1 $0x1082;
	[sflag:s4] =	ssyncset.s32 $0xFFFFF086  }
0x25: {  	[simem:s6], [sflag:s4] =	dma.local [hbm:s3], $0xF7A  }
0x26: {  	[smem:$0x3F8E] =	sst s1;
	(tag) =	ssettag s2;
	_ =	strace s9  }
0x27: {  	s1 =	sld [smem:$0x3F9E]  }
0x28: {  	s2 =	sld [smem:$0x3F9F]  }
0x29: {  	s4 =	sld [smem:$0x3FA1]  }
0x2a: {  	p0 =	seq.s32 s5, $0x0;
	s5 =	sld [smem:$0x3FA2]  }
0x2b: {  	s6 =	sld [smem:$0x3FA3]  }
0x2c: {  	s7 =	sld [smem:$0x3FA4]  }
0x2d: {  	s3 =	simm.s32 $0x108;
	s8 =	sld [smem:$0x3FA5]  }
0x2e: {  	s3 =	simm.s32 @!p0 $0x1082;
	s9 =	sld [smem:$0x3FA6]  }
0x2f: {  	lr =	sadd.s32 s0, s3;
	s0 =	sld [smem:$0x3F9D]  }
0x30: {  	s3 =	sld [smem:$0x3FA0]  }
0x31: {  	[smem:$0x3FA9] =	sst s10  }
0x32: {  	s10 =	sld [smem:$0x3FA7];
	_ =	sdelay $0x3  }
0x33: {  	p0 =	seq.s32 s10, $0x1;
	s10 =	sld [smem:$0x3FA9];
	_ =	sdelay $0x3  }
0x34: {  	[smem:$0x3FA9] =	sst s10  }
0x35: {  	s10 =	sld [smem:$0x3FA8];
	_ =	sdelay $0x3  }
0x36: {  	p1 =	seq.s32 s10, $0x1;
	s10 =	sld [smem:$0x3FA9];
	_ =	sdelay $0x3  }
0x37: {  	[smem:$0x3FA9] =	sst s10  }
0x38: {  	s10 =	sld [smem:$0x3FAA]  }
0x39: {  	_ = 	snop;
	(pc) =	sbr.ind lr, $3  }
0x3a: {  	_ = 	snop  }
0x3b: {  	_ = 	snop  }
0x3c: {  	p2 =	seq.s32 s10, $0x1;
	s10 =	sld [smem:$0x3FA9]  }
0x3d: {  	_ =	shalt  }
0x3e: {  	_ =	shalt  }
0x3f: {  	_ =	shalt  }
0x40: {  	_ =	shalt  }
0x41: {  	_ =	shalt  }
0x42: {  	_ =	shalt  }
0x43: {  	_ =	shalt  }
0x44: {  	_ =	shalt  }
0x45: {  	_ =	shalt  }
0x46: {  	_ =	shalt  }
0x47: {  	_ =	shalt  }
0x48: {  	_ =	shalt  }
0x49: {  	_ =	shalt  }
0x4a: {  	_ =	shalt  }
0x4b: {  	_ =	shalt  }
0x4c: {  	_ =	shalt  }
0x4d: {  	_ =	shalt  }
0x4e: {  	_ =	shalt  }
0x4f: {  	_ =	shalt  }
0x50: {  	_ =	shalt  }
0x51: {  	_ =	shalt  }
0x52: {  	_ =	shalt  }
0x53: {  	_ =	shalt  }
0x54: {  	_ =	shalt  }
0x55: {  	_ =	shalt  }
0x56: {  	_ =	shalt  }
0x57: {  	_ =	shalt  }
0x58: {  	_ =	shalt  }
0x59: {  	_ =	shalt  }
0x5a: {  	_ =	shalt  }
0x5b: {  	_ =	shalt  }
0x5c: {  	_ =	shalt  }
0x5d: {  	_ =	shalt  }
0x5e: {  	_ =	shalt  }
0x5f: {  	_ =	shalt  }
0x60: {  	_ =	shalt  }
0x61: {  	_ =	shalt  }
0x62: {  	_ =	shalt  }
0x63: {  	_ =	shalt  }
0x64: {  	_ =	shalt  }
0x65: {  	_ =	shalt  }
0x66: {  	_ =	shalt  }
0x67: {  	_ =	shalt  }
0x68: {  	_ =	shalt  }
0x69: {  	_ =	shalt  }
0x6a: {  	_ =	shalt  }
0x6b: {  	_ =	shalt  }
0x6c: {  	_ =	shalt  }
0x6d: {  	_ =	shalt  }
0x6e: {  	_ =	shalt  }
0x6f: {  	_ =	shalt  }
0x70: {  	_ =	shalt  }
0x71: {  	_ =	shalt  }
0x72: {  	_ =	shalt  }
0x73: {  	_ =	shalt  }
0x74: {  	_ =	shalt  }
0x75: {  	_ =	shalt  }
0x76: {  	_ =	shalt  }
0x77: {  	_ =	shalt  }
0x78: {  	_ =	shalt  }
0x79: {  	_ =	shalt  }
0x7a: {  	_ =	shalt  }
0x7b: {  	_ =	shalt  }
0x7c: {  	_ =	shalt  }
0x7d: {  	_ =	shalt  }
0x7e: {  	_ =	shalt  }
0x7f: {  	_ =	shalt  }
0x80: {  	_ =	shalt  }
0x81: {  	_ =	shalt  }
0x82: {  	_ =	shalt  }
0x83: {  	_ =	shalt  }
0x84: {  	_ =	shalt  }
0x85: {  	_ =	shalt  }
0x86: {  	_ =	shalt  }
0x87: {  	_ =	shalt  }
.Lfunc_end0:
.L_simem_size_0:
called_computation.1_lowered:
.L_overlay_start_0:
0x88: {  	s0 =	sld [smem:$0x3FD9]  }
0x89: {  	s1 =	sld [smem:$0x3FFE];
	_ =	sdelay $0x3  }
0x8a: {  	s0 =	sadd.s32 s1, s0  }
0x8b: {  	[smem:$0x3FB5] =	sst s0  }
0x8c: {  	_ = 	snop  }
0x8d: {  	s0 =	sld [smem:$0x3FD0];
	(tm) =	ssettm $0x1  }
0x8e: {  	s16 =	sld [smem:$0x3FFB];
	_ =	sdelay $0x3  }
0x8f: {  	_ =	strace s16  }
0x90: {  	s1 =	sld [smem:$0x3FFC];
	_ =	sdelay $0x3  }
0x91: {  	_ =	strace s1  }
0x92: {  	s1 =	sld [smem:$0x3FFD];
	_ =	sdelay $0x3  }
0x93: {  	_ =	strace s1  }
0x94: {  	_ =	strace $0x8FFFFFFF  }
0x95: {  	s17 =	sld [smem:$0x3FDB];
	_ =	sdelay $0x1  }
0x96: {  	s2 =	simm.s32 $_scs_section_size  }
0x97: {  	s3 =	simm.s32 $_size__tile_overlayer_lowered;
	s4 =	simm.s32 $_tile_overlayer_lowered  }
0x98: {  	s20 =	simm.s32 $0x1BFF;
	s19 =	sshll.u32 s4, $0x1;
	s1 =	sadd.s32 s2, s17  }
0x99: {  	s5 =	simm.s32 $0x0;
	s18 =	sshll.u32 s3, $0x1;
	s3 =	sadd.s32 s19, s1  }
0x9a: {  	[timem:s5], [sflag:s20] =	dma.local [hbm:s3], s18  }
0x9b: {  	_ =	swait.ge [sflag:s20], s18  }
0x9c: {  	s2 =	ssub.s32 $0x0, s18;
	[sflag:s20] =	ssyncset.done $0x0  }
0x9d: {  	[sflag:s20] =	ssyncadd.s32 s2;
	_ =	sdelay $0x1  }
0x9e: {  	s21 =	simm.s32 $0x1B8B  }
0x9f: {  	_ =	swait.ge [sflag:s21], $0x1  }
0xa0: {  	[sflag:s21] =	ssyncset.done $0x0  }
0xa1: {  	s23 =	simm.s32 $0x1B8E;
	s22 =	sld [smem:$0x3FFE];
	[sflag:s21] =	ssyncadd.s32 $0xFFFFFFFF  }
0xa2: {  	s24 =	simm.s32 $execute0_lowered;
	[smem:$0x3FD2] =	sst s23  }
0xa3: {  	s3 =	sshll.u32 s24, $0x1;
	_ =	strace $0x80000061;
	[dreg:$0x1] =	wrdreg $0xFFFFFFFF  }
0xa4: {  	s25 =	simm.s32 $_size_execute0_lowered;
	s1 =	sadd.s32 s1, s3;
	[dreg:$0x0] =	wrdreg $0x0  }
0xa5: {  	s3 =	sshll.u32 s25, $0x1;
	[dreg:$0x2] =	wrdreg s1  }
0xa6: {  	[dreg:$0x3] =	wrdreg s3  }
0xa7: {  	[dreg:$0x4] =	wrdreg $0xC0  }
0xa8: {  	_ =	task [dreg:s5], $0x5FFFF  }
0xa9: {  	[dreg:$0x1] =	wrdreg $0xFFFFFFFF  }
0xaa: {  	[dreg:$0x0] =	wrdreg $0x60  }
0xab: {  	[dreg:$0x2] =	wrdreg s0  }
0xac: {  	[dreg:$0x3] =	wrdreg s22  }
0xad: {  	[dreg:$0x4] =	wrdreg $0x9  }
0xae: {  	_ =	task.clear_ibuf [dreg:s5], $0x5FFFF;
	_ =	strace $0x90000061  }
0xaf: {  	s26 =	simm.s32 $0x9;
	_ =	strace $0x80000063  }
0xb0: {  	_ =	swait.ge [sflag:s26], $0x1  }
0xb1: {  	[sflag:s26] =	ssyncadd.s32 $0xFFFFFFFF  }
0xb2: {  	_ =	strace $0x90000063  }
0xb3: {  	_ =	sfence  }
0xb4: {  	s28 =	sld [smem:$0x0];
	_ =	sdelay $0x1  }
0xb5: {  	s29 =	srdreg.scid  }
0xb6: {  	s30 =	sshll.u32 s29, $0xD;
	s31 =	sshrl.u32 s29, $0x2  }
0xb7: {  	s2 =	sand.u32 $0x4000, s30;
	s1 =	sand.u32 $0x1, s29;
	s0 =	sadd.s32 s31, s28  }
0xb8: {  	s1 =	sor.u32 s2, s1;
	s0 =	sshll.u32 s0, $0x11  }
0xb9: {  	s0 =	sor.u32 s0, s1  }
0xba: {  	s0 =	sadd.s32 $0x8F2B, s0  }
0xbb: {  	[sflag:s0] =	ssyncadd.remote.s32 $0x1  }
0xbc: {  	_ =	sfence.sel $0xFFFF  }
0xbd: {  	[dreg:$0x0] =	wrdreg $0xFFFFFFFF;
	(pc) =	sbr.abs _section_cstart, $3  }
0xbe: {  	[dreg:$0x1] =	wrdreg $0xFFFFFFFF  }
0xbf: {  	_ =	task.clear_ibuf [dreg:s5], $0x2FFFF;
	_ =	strace $0x9FFFFFFF  }
0xc0: {  	(tm) =	ssettm $0x7FFFFFFF  }
0xc1: {  	_ =	shalt  }
tec
execute0_lowered:
.L_overlay_start_1:
0x0: {  	(tag) =	ssettag $0x1  }
0x1: {  	s1 =	rddreg [dreg:$0x0]  }
0x2: {  	s0 =	rddreg [dreg:$0x1];
	_ =	strace $0x80000062;
	s2 =	simm.s32 $0x1  }
0x3: {  	s8 =	simm.s32 $0x88;
	v0 =	vimm.s32 $0x0;
	[sflag:s2] =	ssyncpa.u1 $0x0  }
0x4: {  	[tilespmem:s8+$0x30] =	vst v0  }
0x5: {  	s3 =	sadd.s32 $0x9CE00, s0;
	[tilespmem:s8+$0x20] =	vst v0  }
0x6: {  	s4 =	sadd.s32 $0x11A200, s0;
	s5 =	sadd.s32 $0x120200, s0;
	s0 =	simm.s32 $0x40;
	[tilespmem:s8+$0x10] =	vst v0  }
.LBB2_1:
0x7: {  	s0 =	sadd.s32 $0x40, s0  }
0x8: {  	[tilespmem:s8+$0x0] =	vst v0;
	s8 =	sadd.s32 $0x40, s8;
	p0 =	slt.u32 s0, $0xC40  }
.Ltmp0:
0x9: {  	(pc) =	sbr.rel @p0 .LBB2_1-.Ltmp0, $4  }
0xa: {  	_ = 	snop  }
0xb: {  	[tilespmem:s8+$0x30] =	vst v0  }
0xc: {  	[tilespmem:s8+$0x20] =	vst v0  }
0xd: {  	[tilespmem:s8+$0x10] =	vst v0  }
0xe: {  	s9 =	stileid.u32  }
0xf: {  	s0 =	smin.u32 s9, $0x5  }
0x10: {  	s0 =	sadd.s32 s9, s0  }
0x11: {  	p0 =	slt.u32 s9, $0x5;
	s6 =	smul.u32 $0x30, s0;
	s0 =	simm.s32 $0x60  }
0x12: {  	s0 =	simm.s32 @!p0 $0x30  }
0x13: {  	s0 =	sadd.s32 s0, s6  }
0x14: {  	s7 =	smin.u32 s0, $0x3E8  }
0x15: {  	s0 =	ssub.s32 s7, s6  }
0x16: {  	p0 =	sgt.s32 s0, $0x0  }
0x17: {  	s0 =	simm.s32 @!p0 $0x0  }
0x18: {  	s29 =	simm.s32 $0x2;
	s10 =	simm.s32 $0x7;
	s2 =	smul.u32 $0xAAAB, s0  }
0x19: {  	s31 =	simm.s32 $0x8;
	s11 =	simm.s32 $0x1;
	s15 =	simm.s32 $0x0  }
0x1a: {  	p1 =	por $0x0, $0x0;
	s16 =	simm.s32 $0xA;
	s2 =	sshrl.u32 s2, $0x15  }
0x1b: {  	s20 =	simm.s32 $0x0;
	s17 =	simm.s32 $0x0;
	s30 =	smul.u32 $0x30, s2  }
.Ltmp1:
0x1c: {  	[tilespmem:s8+$0x0] =	vst v0;
	v0 =	vimm.s32 $0xFFFFFFFF;
	s19 =	simm.s32 $0x0;
	[sflag:s29] =	ssyncpa.u1 $0x0;
	(pc) =	sbr.rel .LBB2_3-.Ltmp1, $4  }
0x1d: {  	[tilespmem:$0x1908] =	vst v0;
	[sflag:s10] =	ssyncpa.u1 $0x0;
	p0 =	sne.s32 s0, s30;
	s0 =	simm.s32 $0x1  }
0x1e: {  	s10 =	simm.s32 $0x9;
	[sflag:s31] =	ssyncpa.u1 $0x0;
	s0 =	simm.s32 @!p0 $0x0  }
0x1f: {  	s13 =	sshll.u32 s9, $0x7;
	[sflag:s10] =	ssyncpa.u1 $0x0;
	s12 =	sadd.s32 s2, s0  }
0x20: {  	v0 =	vlaneseq.u32;
	s18 =	smov.u32 s6;
	p0 =	por $0x1, $0x1;
	s14 =	sadd.s32 $0x1, s12  }
.LBB2_24:
0x21: {  	s0 =	sshrl.u32 s29, $0x2  }
.LBB2_26:
0x22: {  	_ =	swait.ge [sflag:s16], s0  }
0x23: {  	s31 =	ssub.s32 $0x0, s0;
	v1 =	vmov s23;
	vm0 =	veq.s32 v0, $0x0;
	[sflag:s16] =	ssyncset.done $0x0  }
0x24: {  	vm15 =	veq.s32 v0, $0x2;
	v1 =	vsel vm0, s28, v1;
	[sflag:s16] =	ssyncadd.s32 s31  }
0x25: {  	v1 =	vsel vm15, s20, v1;
	[sflag:s16] =	ssyncpa.u1 $0x1  }
0x26: {  	[tilespmem:$0x1908] =	vst v1  }
.LBB2_27:
0x27: {  	s0 =	sadd.s32 $0x30, s18  }
0x28: {  	s2 =	smov.u32 s6;
	p2 =	slt.s32 s0, s7  }
0x29: {  	s2 =	smov.u32 @p2 s0;
	p2 =	sne.s32 s19, s14  }
.Ltmp2:
0x2a: {  	_ = 	snop;
	(pc) =	sbr.rel @!p2 .LBB2_28-.Ltmp2, $4  }
0x2b: {  	_ = 	snop  }
0x2c: {  	s20 =	smov.u32 s17  }
0x2d: {  	s31 =	sadd.s32 $0x1, s19;
	s17 =	smov.u32 s18;
	p0 =	por !p0, !p0  }
0x2e: {  	p1 =	por !p1, !p1;
	s19 =	smov.u32 s31;
	s18 =	smov.u32 s2  }
.LBB2_3:
0x2f: {  	p2 =	sge.u32 s19, s12  }
0x30: {  	s0 =	smulhi.u32 @!p2 $0xAAAAAAAB, s19  }
0x31: {  	s2 =	smov.u32 s18;
	p3 =	sgt.s32 @!p2 s18, $0x3B8  }
0x32: {  	s8 =	sshra.s32 @!p2 s18, $0x1F;
	p3 =	por !p3, p2;
	s0 =	sshrl.u32 @!p2 s0, $0x1  }
0x33: {  	s8 =	sand.u32 @!p2 s8, s18;
	s2 =	simm.s32 @p3 $0x3B8;
	s0 =	smul.u32 @!p2 $0x3, s0  }
0x34: {  	s2 =	ssub.s32 @!p2 s2, s8  }
0x35: {  	s22 =	sadd.s32 $0xFFFFFFFF, s19;
	s2 =	sadd.s32 @!p2 $0xFFFFFC48, s2;
	s0 =	ssub.s32 @!p2 s19, s0  }
0x36: {  	s8 =	sshll.u32 @!p2 s2, $0x2;
	p3 =	sgt.s32 @!p2 s2, $0x2F;
	s0 =	smul.u32 @!p2 $0xC0, s0  }
0x37: {  	s21 =	sand.u32 @!p2 $0x7, s18;
	s2 =	ssub.s32 @!p2 $0xC0, s8;
	p3 =	por !p3, p2  }
0x38: {  	s8 =	sshrl.u32 @!p2 s18, $0x3;
	s2 =	sshrl.u32 @!p2 s2, $0x2;
	s0 =	sshrl.u32 @!p2 s0, $0x2  }
0x39: {  	s8 =	sadd.s32 @!p2 s5, s8;
	s2 =	simm.s32 @!p3 $0x0;
	s0 =	sadd.s32 @!p2 $0x2138, s0  }
0x3a: {  	[tilespmem:s0], [sflag:$0x8] =	stream.linear.gather @!p2 [hbm4b:s8+s21], s2, $0x38;
	[tilespmem:$0x5228] =	vst v63  }
0x3b: {  	p2 =	sge.u32 s22, s12  }
0x3c: {  	p3 =	sgt.s32 @!p2 s17, $0x3B8  }
0x3d: {  	s0 =	smov.u32 s17;
	s2 =	sshra.s32 @!p2 s17, $0x1F;
	p3 =	por !p3, p2  }
0x3e: {  	s2 =	sand.u32 @!p2 s2, s17;
	s0 =	simm.s32 @p3 $0x3B8  }
0x3f: {  	s0 =	ssub.s32 @!p2 s0, s2  }
0x40: {  	s0 =	sadd.s32 @!p2 $0xFFFFFC48, s0  }
0x41: {  	s2 =	sshll.u32 @!p2 s0, $0x2  }
0x42: {  	p3 =	sgt.s32 @!p2 s0, $0x2F;
	s0 =	ssub.s32 @!p2 $0xC0, s2  }
0x43: {  	p3 =	por !p3, p2;
	s0 =	sshrl.u32 @!p2 s0, $0x2  }
0x44: {  	s8 =	simm.s32 @!p2 $0x8;
	s2 =	sand.u32 @!p2 $0x1, s22;
	s0 =	simm.s32 @!p3 $0x0  }
0x45: {  	s2 =	smul.u32 @!p2 $0xC0, s2;
	_ =	swait.ge @!p2 [sflag:s8], s0  }
0x46: {  	s21 =	ssub.s32 @!p2 $0x0, s0;
	[sflag:s8] =	ssyncset.done @!p2 $0x0  }
0x47: {  	s2 =	sshrl.u32 @!p2 s2, $0x2;
	[sflag:s8] =	ssyncadd.s32 @!p2 s21;
	s8 =	sshrl.u32 @!p2 s17, $0x3  }
0x48: {  	s2 =	sor.u32 @!p2 $0x21C8, s2;
	s21 =	sand.u32 @!p2 $0x7, s17;
	s8 =	sadd.s32 @!p2 s3, s8  }
0x49: {  	[tilespmem:s2], [sflag:$0x9] =	stream.linear.gather @!p2 [hbm4b:s8+s21], s0, $0x38;
	[tilespmem:$0x5228] =	vst v63  }
0x4a: {  	s21 =	ssub.s32 @!p2 $0x3E8, s17  }
0x4b: {  	p3 =	slt.s32 @!p2 s21, $0x1  }
0x4c: {  	p3 =	por p2, p3  }
.Ltmp3:
0x4d: {  	_ = 	snop;
	(pc) =	sbr.rel @p3 .LBB2_9-.Ltmp3, $1  }
0x4e: {  	_ =	sdelay $0x3  }
0x4f: {  	s0 =	smulhi.u32 $0xAAAAAAAB, s22;
	_ =	sdelay $0x1  }
0x50: {  	s0 =	sshrl.u32 s0, $0x1  }
0x51: {  	s0 =	smul.u32 $0x3, s0;
	_ =	sdelay $0x1  }
0x52: {  	s0 =	ssub.s32 s22, s0  }
0x53: {  	s2 =	simm.s32 $0x1;
	s0 =	smul.u32 $0xC0, s0  }
.Ltmp4:
0x54: {  	s2 =	simm.s32 @!p0 $0x0;
	(pc) =	sbr.rel .LBB2_6-.Ltmp4, $4  }
0x55: {  	s2 =	smul.u32 $0x6000, s2  }
0x56: {  	p3 =	slt.s32 @!p2 s21, $0x30;
	s0 =	sshrl.u32 s0, $0x2  }
0x57: {  	p2 =	por !p3, p2;
	s2 =	sshrl.u32 s2, $0x2;
	s0 =	sadd.s32 $0x2138, s0  }
0x58: {  	s23 =	simm.s32 $0x0;
	s21 =	simm.s32 @p2 $0x30;
	s22 =	sor.u32 $0x2228, s2;
	v1 =	vmov s0  }
.LBB2_5:
0x59: {  	p2 =	sge.s32 s23, s21  }
.Ltmp5:
0x5a: {  	_ = 	snop;
	(pc) =	sbr.rel @p2 .LBB2_9-.Ltmp5, $2  }
0x5b: {  	_ =	sdelay $0x2  }
0x5c: {  	s22 =	sadd.s32 $0x800, s22  }
.LBB2_6:
0x5d: {  	p2 =	sle.s32 s21, s23  }
.Ltmp6:
0x5e: {  	_ = 	snop;
	(pc) =	sbr.rel @p2 .LBB2_5-.Ltmp6, $2  }
0x5f: {  	_ =	sdelay $0x2  }
0x60: {  	s24 =	smov.u32 s23;
	s23 =	sadd.s32 $0x10, s23  }
0x61: {  	s0 =	ssub.s32 s21, s24  }
0x62: {  	p2 =	slt.s32 s0, $0x10  }
0x63: {  	s0 =	simm.s32 @!p2 $0x10  }
0x64: {  	v2 =	vmov s0  }
0x65: {  	vm0 =	vgt.s32 v2, v0;
	_ =	sdelay $0x5  }
0x66: {  	v2 =	vld.idx.msk [tilespmem:v1+s24+$0x0 ss:$0x1], vm0;
	_ =	sdelay $0x2  }
0x67: {  	p2 =	slt.s32 s23, s21;
	s0 =	smov.u32 s21  }
0x68: {  	s2 =	smov.u32 s22;
	s25 =	simm.s32 $0x0;
	s0 =	smov.u32 @p2 s23  }
.LBB2_8:
0x69: {  	(v2sf) =	vpush v2, s25;
	_ =	sdelay $0xc  }
0x6a: {  	s25 =	sadd.s32 $0x1, s25  }
0x6b: {  	s31 =	sadd.s32 s25, s24  }
0x6c: {  	p2 =	slt.s32 s31, s0;
	s8 =	spop (v2sf)  }
.Ltmp7:
0x6d: {  	s8 =	sshll.u32 s8, $0x4;
	(pc) =	sbr.rel @p2 .LBB2_8-.Ltmp7, $4  }
0x6e: {  	s8 =	sand.u32 $0x1FFFFFF0, s8  }
0x6f: {  	s8 =	sadd.s32 s4, s8  }
0x70: {  	[tilespmem:s2], [sflag:$0x7] =	stream.linear.gather [hbm4b:s8+s15], $0x40, $0x38;
	[tilespmem:$0x5228] =	vst v63  }
0x71: {  	s2 =	sadd.s32 $0x80, s2  }
.Ltmp8:
0x72: {  	_ = 	snop;
	(pc) =	sbr.rel .LBB2_5-.Ltmp8, $1  }
0x73: {  	_ =	sdelay $0x3  }
.LBB2_9:
0x74: {  	p2 =	slt.u32 s19, $0x2  }
.Ltmp9:
0x75: {  	_ = 	snop;
	(pc) =	sbr.rel @p2 .LBB2_27-.Ltmp9, $1  }
0x76: {  	_ =	sdelay $0x3  }
0x77: {  	p2 =	sgt.s32 s20, $0x3B8;
	s0 =	smov.u32 s20  }
0x78: {  	s2 =	sshra.s32 s20, $0x1F;
	s8 =	ssub.s32 $0x3E8, s20;
	s0 =	simm.s32 @!p2 $0x3B8  }
0x79: {  	s2 =	sand.u32 s2, s20;
	p2 =	slt.s32 s8, $0x30;
	s21 =	smov.u32 s8  }
0x7a: {  	s0 =	ssub.s32 s0, s2;
	s21 =	simm.s32 @!p2 $0x30  }
0x7b: {  	s0 =	sadd.s32 $0xFFFFFC48, s0;
	s26 =	sshll.u32 s21, $0x6  }
0x7c: {  	s9 =	simm.s32 $0x7;
	s29 =	sshll.u32 s0, $0x2;
	s2 =	sand.u32 $0x3FFFFFC0, s26  }
0x7d: {  	p2 =	sgt.s32 s0, $0x2F;
	s30 =	ssub.s32 $0xC0, s29;
	_ =	swait.ge [sflag:s9], s2  }
0x7e: {  	s2 =	ssub.s32 $0x0, s2;
	[sflag:s9] =	ssyncset.done $0x0;
	s0 =	sshrl.u32 s30, $0x2  }
0x7f: {  	[sflag:s9] =	ssyncadd.s32 s2;
	s0 =	simm.s32 @p2 $0x0  }
0x80: {  	_ =	swait.ge [sflag:s10], s0  }
0x81: {  	s0 =	ssub.s32 $0x0, s0;
	[sflag:s10] =	ssyncset.done $0x0  }
0x82: {  	[sflag:s10] =	ssyncadd.s32 s0  }
0x83: {  	v1 =	vld [tilespmem:$0x1908];
	_ =	sdelay $0x4  }
0x84: {  	(v2sf) =	vpush v1, $0x0  }
0x85: {  	(v2sf) =	vpush v1, $0x1  }
0x86: {  	(v2sf) =	vpush v1, $0x2;
	_ =	sdelay $0x3  }
0x87: {  	s0 =	sadd.s32 $0x30, s20  }
0x88: {  	p2 =	slt.s32 s7, s0  }
0x89: {  	s0 =	smov.u32 @p2 s7;
	p2 =	sgt.s32 s8, $0x0  }
0x8a: {  	s21 =	ssub.s32 s0, s20;
	s8 =	simm.s32 @!p2 $0x0  }
0x8b: {  	p2 =	slt.s32 s8, s21  }
0x8c: {  	s21 =	smov.u32 @p2 s8  }
0x8d: {  	s24 =	simm.s32 $0x1;
	p2 =	slt.s32 s21, $0x1  }
.Ltmp10:
0x8e: {  	s24 =	simm.s32 @!p1 $0x0;
	(pc) =	sbr.rel @p2 .LBB2_14-.Ltmp10, $4  }
0x8f: {  	s31 =	smul.u32 $0xC0, s24  }
0x90: {  	s25 =	spop (v2sf)  }
0x91: {  	s0 =	sshrl.u32 s31, $0x2;
	s28 =	spop (v2sf)  }
0x92: {  	s22 =	sor.u32 $0x21C8, s0;
	s20 =	spop (v2sf)  }
0x93: {  	s0 =	smin.u32 s21, $0x10  }
0x94: {  	v1 =	vmov s0  }
0x95: {  	p3 =	sgt.s32 s21, $0x10;
	vm1 =	vgt.u32 v1, v0  }
.Ltmp11:
0x96: {  	_ = 	snop;
	(pc) =	sbr.rel @!p3 .LBB2_13-.Ltmp11, $2  }
0x97: {  	_ =	sdelay $0x2  }
0x98: {  	s26 =	simm.s32 $0x10;
	s29 =	sadd.s32 $0xFFFFFFF0, s21;
	s23 =	smov.u32 s22;
	vm0 =	vmmov vm1  }
.LBB2_12:
0x99: {  	s0 =	smin.u32 s29, $0x10;
	s26 =	sadd.s32 $0x10, s26;
	v1 =	vld.msk [tilespmem:s23+$0x0 ss:$0x1], vm1  }
0x9a: {  	v2 =	vmov s0;
	p3 =	slt.s32 s26, s21  }
0x9b: {  	vm1 =	vgt.u32 v2, v0  }
.Ltmp12:
0x9c: {  	(pc) =	sbr.rel @p3 .LBB2_12-.Ltmp12, $3  }
0x9d: {  	_ =	sdelay $0x1  }
0x9e: {  	v1 =	vshll.u32 v1, $0x4  }
0x9f: {  	s29 =	sadd.s32 $0xFFFFFFF0, s29;
	[tilespmem:s23+$0x0] =	vst.msk vm0, v1;
	s23 =	sadd.s32 $0x10, s23;
	vm0 =	vmmov vm1  }
.LBB2_13:
0xa0: {  	_ =	sdelay $0x4  }
0xa1: {  	v1 =	vld.msk [tilespmem:s23+$0x0 ss:$0x1], vm1;
	_ =	sdelay $0x4  }
0xa2: {  	v1 =	vshll.u32 v1, $0x4  }
0xa3: {  	[tilespmem:s23+$0x0] =	vst.msk vm0, v1  }
.LBB2_14:
0xa4: {  	s0 =	sand.u32 $0x1, s19  }
0xa5: {  	s0 =	smul.u32 $0x30, s0  }
0xa6: {  	p3 =	sne.s32 s28, $0xFFFFFFFF  }
0xa7: {  	v1 =	vld.msk @!p3 [tilespmem:s0+$0x21C8], $0x1;
	_ =	sdelay $0x4  }
0xa8: {  	(v2sf) =	vpush @!p3 v1, $0x0;
	_ =	sdelay $0xc  }
.Ltmp13:
0xa9: {  	_ = 	snop;
	(pc) =	sbr.rel @p2 .LBB2_25-.Ltmp13, $4  }
0xaa: {  	_ = 	snop  }
0xab: {  	s26 =	spop @!p3 (v2sf)  }
0xac: {  	s20 =	simm.s32 @!p3 $0x0;
	s23 =	smov.u32 s26  }
0xad: {  	[sflag:s16] =	ssyncpa.u1 $0x0;
	s26 =	smov.u32 @p3 s25;
	s23 =	smov.u32 @p3 s28  }
0xae: {  	v1 =	vld.msk [tilespmem:s22+$0x0], $0x1;
	_ =	sdelay $0x4  }
0xaf: {  	(v2sf) =	vpush v1, $0x0;
	_ =	sdelay $0xe  }
0xb0: {  	s0 =	smul.u32 $0x6000, s24;
	s30 =	spop (v2sf)  }
0xb1: {  	p2 =	seq.s32 s26, s30  }
0xb2: {  	s28 =	sadd.s32 $0xFFFFFFFF, s21;
	s0 =	sshrl.u32 s0, $0x2;
	p3 =	sgt.s32 @!p2 s26, $0x0  }
0xb3: {  	s24 =	sor.u32 $0x2248, s0;
	s0 =	smov.u32 s26;
	p3 =	por !p3, p2  }
0xb4: {  	s0 =	simm.s32 @p3 $0x0;
	p3 =	sne.s32 s28, $0x0  }
.Ltmp14:
0xb5: {  	_ = 	snop;
	(pc) =	sbr.rel @!p3 .LBB2_17-.Ltmp14, $4  }
0xb6: {  	_ = 	snop  }
0xb7: {  	s25 =	simm.s32 $0x0;
	s31 =	simm.s32 @!p2 $0x1;
	s2 =	smin.u32 @!p2 s0, $0x7CF8  }
0xb8: {  	s29 =	sadd.s32 $0x1, s22;
	s31 =	smov.u32 @p2 s25;
	s8 =	sand.u32 @!p2 $0x7FF8, s2  }
0xb9: {  	s0 =	simm.s32 @!p2 $0xCC8;
	s2 =	sand.u32 @!p2 $0x7, s2;
	s8 =	sadd.s32 @!p2 s1, s8  }
.LBB2_16:
0xba: {  	s9 =	smov.u32 s31  }
0xbb: {  	[tilespmem:s0], [sflag:$0x2] =	stream.linear.gather @!p2 [hbm4b:s8+s2], $0x40, $0x38;
	[tilespmem:$0x5228] =	vst v63  }
0xbc: {  	s28 =	sadd.s32 $0xFFFFFFFF, s28;
	s2 =	smov.u32 s30;
	v1 =	vld.msk [tilespmem:s29+$0x0], $0x1  }
0xbd: {  	p3 =	sne.s32 s28, $0x0;
	_ =	sdelay $0x3  }
0xbe: {  	(v2sf) =	vpush v1, $0x0;
	_ =	sdelay $0xe  }
0xbf: {  	s30 =	spop (v2sf)  }
0xc0: {  	p2 =	seq.s32 s2, s30  }
0xc1: {  	p4 =	sgt.s32 @!p2 s2, $0x0;
	s0 =	sshll.u32 @!p2 s31, $0x8;
	s31 =	sadd.s32 @!p2 $0x1, s31  }
.Ltmp15:
0xc2: {  	p4 =	por !p4, p2;
	s0 =	sshra.s32 @!p2 s0, $0x2;
	(pc) =	sbr.rel @p3 .LBB2_16-.Ltmp15, $4  }
0xc3: {  	s31 =	smov.u32 @p2 s9;
	s2 =	simm.s32 @p4 $0x0;
	s0 =	sadd.s32 @!p2 $0xCC8, s0  }
0xc4: {  	s2 =	smin.u32 @!p2 s2, $0x7CF8  }
0xc5: {  	s8 =	sand.u32 @!p2 $0x7FF8, s2;
	s2 =	sand.u32 @!p2 $0x7, s2  }
0xc6: {  	s29 =	sadd.s32 $0x1, s29;
	s8 =	sadd.s32 @!p2 s1, s8  }
.LBB2_17:
0xc7: {  	[tilespmem:s0], [sflag:$0x2] =	stream.linear.gather @!p2 [hbm4b:s8+s2], $0x40, $0x38;
	[tilespmem:$0x5228] =	vst v63  }
.Ltmp16:
0xc8: {  	s30 =	sshll.u32 s31, $0x6;
	(pc) =	sbr.rel .LBB2_18-.Ltmp16, $4  }
0xc9: {  	s31 =	simm.s32 $0x2;
	s0 =	sand.u32 $0x3FFFFFC0, s30  }
0xca: {  	_ =	swait.ge [sflag:s31], s0  }
0xcb: {  	s0 =	ssub.s32 $0x0, s0;
	[sflag:s31] =	ssyncset.done $0x0  }
0xcc: {  	s29 =	simm.s32 $0x0;
	[sflag:s31] =	ssyncadd.s32 s0  }
.LBB2_19:
0xcd: {  	v1 =	vld [tilespmem:s24+$0xFFFFFFE0];
	_ =	sdelay $0x4  }
0xce: {  	[tilespmem:s30+$0x88] =	vst.add.f32.msk $0xffff, v1  }
0xcf: {  	v1 =	vld [tilespmem:s24+$0xFFFFFFF0];
	_ =	sdelay $0x4  }
0xd0: {  	[tilespmem:s30+$0x98] =	vst.add.f32.msk $0xffff, v1  }
0xd1: {  	v1 =	vld [tilespmem:s24+$0x0];
	_ =	sdelay $0x4  }
0xd2: {  	[tilespmem:s30+$0xA8] =	vst.add.f32.msk $0xffff, v1  }
0xd3: {  	v1 =	vld [tilespmem:s24+$0x10];
	_ =	sdelay $0x4  }
0xd4: {  	[tilespmem:s30+$0xB8] =	vst.add.f32.msk $0xffff, v1  }
.LBB2_23:
0xd5: {  	s21 =	sadd.s32 $0xFFFFFFFF, s21  }
0xd6: {  	p2 =	sne.s32 s21, $0x0  }
.Ltmp17:
0xd7: {  	_ = 	snop;
	(pc) =	sbr.rel @!p2 .LBB2_24-.Ltmp17, $2  }
0xd8: {  	_ =	sdelay $0x2  }
0xd9: {  	s24 =	sadd.s32 $0x80, s24;
	s22 =	sadd.s32 $0x1, s22;
	s26 =	smov.u32 s28  }
.LBB2_18:
0xda: {  	v1 =	vld.msk [tilespmem:s22+$0x0], $0x1;
	_ =	sdelay $0x4  }
0xdb: {  	(v2sf) =	vpush v1, $0x0;
	_ =	sdelay $0xe  }
0xdc: {  	s28 =	spop (v2sf)  }
0xdd: {  	p2 =	sne.s32 s26, s28  }
.Ltmp18:
0xde: {  	_ = 	snop;
	(pc) =	sbr.rel @!p2 .LBB2_19-.Ltmp18, $3  }
0xdf: {  	_ =	sdelay $0x1  }
0xe0: {  	s0 =	sshll.u32 s20, $0x8  }
0xe1: {  	s30 =	sshra.s32 s0, $0x2  }
0xe2: {  	p2 =	seq.s32 s26, s23  }
.Ltmp19:
0xe3: {  	_ = 	snop;
	(pc) =	sbr.rel @!p2 .LBB2_21-.Ltmp19, $1  }
0xe4: {  	_ =	sdelay $0x3  }
.Ltmp20:
0xe5: {  	s0 =	sadd.s32 $0x88, s30;
	(pc) =	sbr.rel .LBB2_22-.Ltmp20, $4  }
0xe6: {  	[spmem:s13] =	stream.linear.scatter [tilespmem:s0], [sflag:$0x1], $0x40, $0x38;
	[tilespmem:$0x5228] =	vst v63  }
0xe7: {  	_ =	swait.ge [sflag:s11], $0x40  }
0xe8: {  	[sflag:s11] =	ssyncset.done $0x0  }
0xe9: {  	[sflag:s11] =	ssyncadd.s32 $0xFFFFFFC0  }
.LBB2_21:
0xea: {  	s0 =	sshll.u32 s25, $0x8  }
0xeb: {  	s0 =	sshra.s32 s0, $0x2  }
0xec: {  	v1 =	vld [tilespmem:s0+$0xCC8];
	_ =	sdelay $0x4  }
0xed: {  	[tilespmem:s30+$0x88] =	vst.add.f32.msk $0xffff, v1  }
0xee: {  	v1 =	vld [tilespmem:s0+$0xCD8];
	_ =	sdelay $0x4  }
0xef: {  	[tilespmem:s30+$0x98] =	vst.add.f32.msk $0xffff, v1  }
0xf0: {  	v1 =	vld [tilespmem:s0+$0xCE8];
	_ =	sdelay $0x4  }
0xf1: {  	[tilespmem:s30+$0xA8] =	vst.add.f32.msk $0xffff, v1  }
0xf2: {  	v1 =	vld [tilespmem:s0+$0xCF8];
	_ =	sdelay $0x2  }
0xf3: {  	p2 =	sgt.u32 s26, $0x7CF8  }
0xf4: {  	s0 =	sand.u32 @!p2 $0x7FF8, s26  }
0xf5: {  	s2 =	sadd.s32 $0x88, s30;
	s8 =	sand.u32 @!p2 $0x7, s26;
	s0 =	sadd.s32 @!p2 s1, s0;
	[tilespmem:s30+$0xB8] =	vst.add.f32.msk $0xffff, v1  }
0xf6: {  	[hbm4b:s0+s8] =	stream.linear.scatter @!p2 [tilespmem:s2], [sflag:$0xA], $0x40, $0x38;
	[tilespmem:$0x5228] =	vst v63  }
0xf7: {  	s0 =	simm.s32 $0x0  }
0xf8: {  	s0 =	simm.s32 @!p2 $0x100  }
0xf9: {  	s29 =	sadd.s32 s0, s29  }
.LBB2_22:
0xfa: {  	s0 =	sadd.s32 $0x1, s20  }
0xfb: {  	s2 =	smulhi.u32 $0xAAAAAAAB, s0;
	_ =	sdelay $0x1  }
0xfc: {  	v1 =	vld [tilespmem:s24+$0xFFFFFFE0];
	s2 =	sshrl.u32 s2, $0x5  }
0xfd: {  	s2 =	smul.u32 $0x30, s2;
	_ =	sdelay $0x1  }
0xfe: {  	s20 =	ssub.s32 s0, s2  }
0xff: {  	s0 =	sshll.u32 s20, $0x6  }
0x100: {  	[tilespmem:s0+$0x88] =	vst v1  }
0x101: {  	v1 =	vld [tilespmem:s24+$0xFFFFFFF0];
	_ =	sdelay $0x4  }
0x102: {  	[tilespmem:s0+$0x98] =	vst v1  }
0x103: {  	v1 =	vld [tilespmem:s24+$0x0];
	_ =	sdelay $0x4  }
0x104: {  	[tilespmem:s0+$0xA8] =	vst v1  }
0x105: {  	v1 =	vld [tilespmem:s24+$0x10]  }
.Ltmp21:
0x106: {  	_ = 	snop;
	(pc) =	sbr.rel .LBB2_23-.Ltmp21, $2  }
0x107: {  	_ =	sdelay $0x2  }
0x108: {  	s25 =	sadd.s32 $0x1, s25;
	[tilespmem:s0+$0xB8] =	vst v1  }
.LBB2_25:
.Ltmp22:
0x109: {  	(pc) =	sbr.rel .LBB2_26-.Ltmp22, $4  }
0x10a: {  	_ = 	snop  }
0x10b: {  	s0 =	simm.s32 $0x2  }
0x10c: {  	_ =	swait.ge [sflag:s0], $0x0  }
0x10d: {  	s28 =	smov.u32 s26;
	[sflag:s0] =	ssyncset.done $0x0;
	s0 =	simm.s32 $0x0  }
.LBB2_28:
0x10e: {  	_ =	sfence.sel $0x180000  }
0x10f: {  	s0 =	simm.s32 $0x7;
	[bflag:$0x0] =	sbarrier.arrive $0xFFFF  }
0x110: {  	s25 =	simm.s32 $0x8;
	[sflag:s0] =	ssyncpa.u1 $0x1  }
0x111: {  	s26 =	simm.s32 $0x9;
	[sflag:s25] =	ssyncpa.u1 $0x1  }
0x112: {  	s28 =	simm.s32 $0x2;
	[sflag:s26] =	ssyncpa.u1 $0x1  }
0x113: {  	[sflag:s28] =	ssyncpa.u1 $0x1  }
0x114: {  	v0 =	vld [tilespmem:$0x1908];
	_ =	sdelay $0x4  }
0x115: {  	(v2sf) =	vpush v0, $0x0  }
0x116: {  	(v2sf) =	vpush v0, $0x1;
	_ =	sdelay $0x1  }
0x117: {  	(v2sf) =	vpush v0, $0x2;
	_ =	sdelay $0xb  }
0x118: {  	s0 =	spop (v2sf)  }
0x119: {  	s2 =	spop (v2sf)  }
0x11a: {  	s3 =	smov.u32 s0;
	p0 =	sne.s32 s0, s2  }
0x11b: {  	s4 =	spop (v2sf);
	s3 =	simm.s32 @!p0 $0xFFFFFFFF  }
0x11c: {  	v2 =	vimm.s32 $0x1;
	v3 =	vlaneseq.u32;
	p0 =	seq.s32 s4, $0xFFFFFFFF;
	v1 =	vmov s3  }
0x11d: {  	s7 =	stileid.u32;
	v0 =	vperm.xlane v0, v2;
	p1 =	sne.s32 @!p0 s0, s2;
	v1 =	vperm.xlane v1, v3  }
0x11e: {  	vm0 =	vcmask $0x3F04;
	s6 =	simm.s32 $0x1908;
	s0 =	simm.s32 @!p0 $0x1;
	p1 =	por !p1, p0  }
0x11f: {  	s3 =	sshll.u32 s7, $0x1;
	s2 =	sshll.u32 @!p0 s4, $0x8;
	s0 =	simm.s32 @p1 $0x0;
	v0 =	vsel vm0, v1, v0  }
0x120: {  	s5 =	sor.u32 $0x800, s3;
	s2 =	sshra.s32 @!p0 s2, $0x2;
	s0 =	sor.u32 @!p0 s0, s3;
	[tilespmem:$0x1908] =	vst v0  }
0x121: {  	[spmem:s5] =	stream.linear.scatter [tilespmem:s6], [sflag:$0x1], $0x2, $0x38;
	[tilespmem:$0x5228] =	vst v63  }
0x122: {  	s2 =	sadd.s32 @!p0 $0x88, s2;
	s0 =	sshll.u32 @!p0 s0, $0x6  }
0x123: {  	[spmem:s0] =	stream.linear.scatter @!p0 [tilespmem:s2], [sflag:$0x1], $0x40, $0x38;
	[tilespmem:$0x5228] =	vst v63  }
0x124: {  	s2 =	simm.s32 @!p0 $0x42  }
0x125: {  	s0 =	simm.s32 $0x1;
	s2 =	simm.s32 @p0 $0x2  }
0x126: {  	_ =	swait.ge [sflag:s0], s2  }
0x127: {  	s2 =	ssub.s32 $0x0, s2;
	[sflag:s0] =	ssyncset.done $0x0  }
0x128: {  	[sflag:s0] =	ssyncadd.s32 s2  }
0x129: {  	_ =	sfence.stream.spmem  }
0x12a: {  	s29 =	simm.s32 $0x3;
	[bflag:$0x0] =	sbarrier.arrive $0xFFFF  }
0x12b: {  	s30 =	simm.s32 $0x4;
	[sflag:s29] =	ssyncpa.u1 $0x1  }
0x12c: {  	s31 =	simm.s32 $0x3C;
	[sflag:s30] =	ssyncpa.u1 $0x1  }
0x12d: {  	p0 =	sne.s32 s7, $0x0;
	[sflag:s31] =	ssyncpa.u1 $0x1  }
0x12e: {  	_ =	sfence @p0  }
0x12f: {  	[sflag:s0] =	ssyncpa.u1 @p0 $0x1  }
0x130: {  	_ =	strace @p0 $0x90000062  }
0x131: {  	[bflag:$0x2] =	sbarrier.arrive @p0 $0xFFFF  }
0x132: {  	_ =	shalt @p0  }
.LBB2_29:
0x133: {  	_ =	sfence.stream.spmem;
	s0 =	simm.s32 $0x5  }
0x134: {  	s2 =	simm.s32 $0x800;
	s3 =	simm.s32 $0x1918;
	[sflag:s0] =	ssyncpa.u1 $0x0  }
0x135: {  	[tilespmem:s3], [sflag:$0x5] =	stream.linear.gather [spmem:s2], $0x20, $0x38;
	[tilespmem:$0x5228] =	vst v63  }
0x136: {  	s30 =	simm.s32 $0x1938;
	s2 =	simm.s32 $0x0  }
0x137: {  	[tilespmem:s30], [sflag:$0x5] =	stream.linear.gather [spmem:s2], $0x800, $0x38;
	[tilespmem:$0x5228] =	vst v63  }
.Ltmp23:
0x138: {  	_ = 	snop;
	(pc) =	sbr.rel .LBB2_30-.Ltmp23, $4  }
0x139: {  	_ =	swait.ge [sflag:s0], $0x820  }
0x13a: {  	[sflag:s0] =	ssyncset.done $0x0  }
0x13b: {  	s31 =	simm.s32 $0x6;
	[sflag:s0] =	ssyncadd.s32 $0xFFFFF7E0  }
0x13c: {  	s3 =	simm.s32 $0x0;
	[sflag:s31] =	ssyncpa.u1 $0x0  }
.LBB2_36:
0x13d: {  	p0 =	slt.u32 s4, $0x7CF9  }
0x13e: {  	s0 =	sand.u32 @p0 $0x7FF8, s4  }
0x13f: {  	s4 =	sand.u32 @p0 $0x7, s4;
	s5 =	simm.s32 @p0 $0x18C8;
	s0 =	sadd.s32 @p0 s1, s0  }
0x140: {  	[tilespmem:s5], [sflag:$0x6] =	stream.linear.gather @p0 [hbm4b:s0+s4], $0x40, $0x38;
	[tilespmem:$0x5228] =	vst v63  }
0x141: {  	s0 =	simm.s32 @p0 $0x6  }
0x142: {  	_ =	swait.ge @p0 [sflag:s0], $0x40  }
0x143: {  	[sflag:s0] =	ssyncset.done @p0 $0x0  }
0x144: {  	[sflag:s0] =	ssyncadd.s32 @p0 $0xFFFFFFC0  }
0x145: {  	v1 =	vld @p0 [tilespmem:$0x18C8];
	_ =	sdelay $0x2  }
0x146: {  	s0 =	sshll.u32 @p0 s3, $0x8  }
0x147: {  	s4 =	sshrl.u32 @p0 s0, $0x2  }
0x148: {  	[tilespmem:s4+$0x1938] =	vst.add.f32.msk @p0 $0xffff, v1  }
0x149: {  	v1 =	vld @p0 [tilespmem:$0x18D8];
	_ =	sdelay $0x4  }
0x14a: {  	[tilespmem:s4+$0x1948] =	vst.add.f32.msk @p0 $0xffff, v1  }
0x14b: {  	v1 =	vld @p0 [tilespmem:$0x18E8];
	_ =	sdelay $0x4  }
0x14c: {  	[tilespmem:s4+$0x1958] =	vst.add.f32.msk @p0 $0xffff, v1  }
0x14d: {  	v1 =	vld @p0 [tilespmem:$0x18F8];
	_ =	sdelay $0x3  }
0x14e: {  	s5 =	sshll.u32 @!p0 s3, $0x8  }
0x14f: {  	s5 =	smov.u32 @p0 s0;
	[tilespmem:s4+$0x1968] =	vst.add.f32.msk @p0 $0xffff, v1  }
0x150: {  	s0 =	sshrl.u32 s5, $0x2;
	[tilespmem:s2+$0x1918] =	vst.msk $0x1, v0  }
0x151: {  	v0 =	vld [tilespmem:s0+$0x1938];
	_ =	sdelay $0x2  }
0x152: {  	s31 =	sshll.u32 s2, $0x8  }
0x153: {  	s4 =	sshra.s32 s31, $0x2  }
0x154: {  	[tilespmem:s4+$0x1938] =	vst v0  }
0x155: {  	v0 =	vld [tilespmem:s0+$0x1948];
	_ =	sdelay $0x4  }
0x156: {  	[tilespmem:s4+$0x1948] =	vst v0  }
0x157: {  	v0 =	vld [tilespmem:s0+$0x1958];
	_ =	sdelay $0x4  }
0x158: {  	[tilespmem:s4+$0x1958] =	vst v0  }
0x159: {  	v0 =	vld [tilespmem:s0+$0x1968];
	_ =	sdelay $0x4  }
0x15a: {  	s2 =	sadd.s32 $0x1, s2;
	[tilespmem:s4+$0x1968] =	vst v0  }
.LBB2_37:
0x15b: {  	s3 =	sadd.s32 $0x1, s3  }
0x15c: {  	p0 =	sne.s32 s3, $0x20  }
.Ltmp24:
0x15d: {  	_ = 	snop;
	(pc) =	sbr.rel @!p0 .LBB2_38-.Ltmp24, $1  }
0x15e: {  	_ =	sdelay $0x3  }
.LBB2_30:
0x15f: {  	v0 =	vld.msk [tilespmem:s3+$0x1918], $0x1;
	_ =	sdelay $0x4  }
0x160: {  	(v2sf) =	vpush v0, $0x0;
	_ =	sdelay $0xe  }
0x161: {  	s4 =	spop (v2sf)  }
0x162: {  	p0 =	seq.s32 s4, $0xFFFFFFFF  }
.Ltmp25:
0x163: {  	_ = 	snop;
	(pc) =	sbr.rel @p0 .LBB2_37-.Ltmp25, $1  }
0x164: {  	_ =	sdelay $0x3  }
0x165: {  	p0 =	slt.s32 s2, $0x1  }
.Ltmp26:
0x166: {  	_ = 	snop;
	(pc) =	sbr.rel @p0 .LBB2_36-.Ltmp26, $1  }
0x167: {  	_ =	sdelay $0x3  }
0x168: {  	s5 =	simm.s32 $0x1918;
	p0 =	por $0x0, $0x0  }
0x169: {  	v1 =	vld.msk @!p0 [tilespmem:s5+$0x0], $0x1;
	_ =	sdelay $0x4  }
0x16a: {  	(v2sf) =	vpush @!p0 v1, $0x0;
	_ =	sdelay $0xd  }
0x16b: {  	p2 =	sne.s32 s2, $0x1  }
.Ltmp27:
0x16c: {  	s0 =	spop @!p0 (v2sf);
	(pc) =	sbr.rel @!p2 .LBB2_34-.Ltmp27, $4  }
0x16d: {  	p1 =	seq.s32 @!p0 s4, s0  }
0x16e: {  	s6 =	simm.s32 $0x0;
	p1 =	por !p1, p0  }
0x16f: {  	s0 =	simm.s32 $0xFFFFFFFF;
	s6 =	simm.s32 @p1 $0xFFFFFFFF  }
0x170: {  	s7 =	simm.s32 $0x1;
	s6 =	smov.u32 @p0 s0  }
.LBB2_33:
0x171: {  	s0 =	smov.u32 s6;
	p0 =	sne.s32 s6, $0xFFFFFFFF  }
0x172: {  	s5 =	sadd.s32 $0x1, s5;
	s6 =	smov.u32 s7;
	s7 =	sadd.s32 $0x1, s7  }
0x173: {  	p1 =	sne.s32 s2, s7;
	v1 =	vld.msk @!p0 [tilespmem:s5+$0x0], $0x1;
	_ =	sdelay $0x4  }
0x174: {  	(v2sf) =	vpush @!p0 v1, $0x0;
	_ =	sdelay $0xe  }
.Ltmp28:
0x175: {  	s8 =	spop @!p0 (v2sf);
	(pc) =	sbr.rel @p1 .LBB2_33-.Ltmp28, $4  }
0x176: {  	p2 =	seq.s32 @!p0 s4, s8  }
0x177: {  	p2 =	por !p2, p0  }
0x178: {  	s6 =	simm.s32 @p2 $0xFFFFFFFF  }
0x179: {  	s6 =	smov.u32 @p0 s0  }
.LBB2_34:
0x17a: {  	p0 =	seq.s32 s6, $0xFFFFFFFF  }
.Ltmp29:
0x17b: {  	_ = 	snop;
	(pc) =	sbr.rel @p0 .LBB2_36-.Ltmp29, $1  }
0x17c: {  	_ =	sdelay $0x3  }
0x17d: {  	s0 =	sshll.u32 s3, $0x6  }
0x17e: {  	s0 =	sand.u32 $0x3FFFFFC0, s0  }
0x17f: {  	v0 =	vld [tilespmem:s0+$0x1938];
	_ =	sdelay $0x2  }
0x180: {  	s4 =	sshll.u32 s6, $0x8  }
0x181: {  	s4 =	sshra.s32 s4, $0x2  }
0x182: {  	[tilespmem:s4+$0x1938] =	vst.add.f32.msk $0xffff, v0  }
0x183: {  	v0 =	vld [tilespmem:s0+$0x1948];
	_ =	sdelay $0x4  }
0x184: {  	[tilespmem:s4+$0x1948] =	vst.add.f32.msk $0xffff, v0  }
0x185: {  	v0 =	vld [tilespmem:s0+$0x1958];
	_ =	sdelay $0x4  }
0x186: {  	[tilespmem:s4+$0x1958] =	vst.add.f32.msk $0xffff, v0  }
0x187: {  	v0 =	vld [tilespmem:s0+$0x1968]  }
.Ltmp30:
0x188: {  	_ = 	snop;
	(pc) =	sbr.rel .LBB2_37-.Ltmp30, $2  }
0x189: {  	_ =	sdelay $0x2  }
0x18a: {  	[tilespmem:s4+$0x1968] =	vst.add.f32.msk $0xffff, v0  }
.LBB2_38:
0x18b: {  	p0 =	slt.s32 s2, $0x1  }
.Ltmp31:
0x18c: {  	_ = 	snop;
	(pc) =	sbr.rel @p0 .LBB2_42-.Ltmp31, $3  }
0x18d: {  	_ =	sdelay $0x1  }
0x18e: {  	s0 =	simm.s32 $0x6  }
0x18f: {  	s3 =	simm.s32 $0x0;
	[sflag:s0] =	ssyncpa.u1 $0x1  }
0x190: {  	s0 =	simm.s32 $0x1918  }
0x191: {  	v0 =	vld.msk [tilespmem:s0+$0x0], $0x1;
	_ =	sdelay $0x4  }
0x192: {  	(v2sf) =	vpush v0, $0x0;
	_ =	sdelay $0xe  }
0x193: {  	s2 =	sadd.s32 $0xFFFFFFFF, s2;
	s0 =	spop (v2sf)  }
0x194: {  	p1 =	sne.s32 s2, $0x0;
	p0 =	sgt.u32 s0, $0x7CF8  }
.Ltmp32:
0x195: {  	s5 =	sand.u32 @!p0 $0x7FF8, s0;
	(pc) =	sbr.rel @!p1 .LBB2_41-.Ltmp32, $4  }
0x196: {  	s4 =	simm.s32 $0x1938;
	s0 =	sand.u32 @!p0 $0x7, s0;
	s5 =	sadd.s32 @!p0 s1, s5  }
0x197: {  	[hbm4b:s5+s0] =	stream.linear.scatter @!p0 [tilespmem:s4], [sflag:$0x5], $0x40, $0x38;
	[tilespmem:$0x5228] =	vst v63  }
0x198: {  	s0 =	simm.s32 $0x0  }
0x199: {  	s5 =	simm.s32 $0x1919;
	s0 =	simm.s32 @!p0 $0x100  }
.LBB2_40:
0x19a: {  	v0 =	vld.msk [tilespmem:s5+$0x0], $0x1;
	s2 =	sadd.s32 $0xFFFFFFFF, s2;
	s3 =	sadd.s32 s3, s0  }
0x19b: {  	p0 =	sne.s32 s2, $0x0;
	_ =	sdelay $0x3  }
0x19c: {  	(v2sf) =	vpush v0, $0x0;
	_ =	sdelay $0xe  }
.Ltmp33:
0x19d: {  	s6 =	spop (v2sf);
	(pc) =	sbr.rel @p0 .LBB2_40-.Ltmp33, $4  }
0x19e: {  	s0 =	simm.s32 $0x0;
	p1 =	sgt.u32 s6, $0x7CF8  }
0x19f: {  	s4 =	sadd.s32 $0x40, s4;
	s0 =	simm.s32 @!p1 $0x100;
	s7 =	sand.u32 @!p1 $0x7FF8, s6  }
0x1a0: {  	s5 =	sadd.s32 $0x1, s5;
	s6 =	sand.u32 @!p1 $0x7, s6;
	s7 =	sadd.s32 @!p1 s1, s7  }
0x1a1: {  	[hbm4b:s7+s6] =	stream.linear.scatter @!p1 [tilespmem:s4], [sflag:$0x5], $0x40, $0x38;
	[tilespmem:$0x5228] =	vst v63  }
.LBB2_41:
0x1a2: {  	s0 =	sadd.s32 s3, s0  }
0x1a3: {  	s3 =	sshrl.u32 s0, $0x2  }
.LBB2_42:
0x1a4: {  	s0 =	simm.s32 $0x5  }
0x1a5: {  	_ =	swait.ge [sflag:s0], s3  }
0x1a6: {  	s1 =	ssub.s32 $0x0, s3;
	[sflag:s0] =	ssyncset.done $0x0  }
0x1a7: {  	[sflag:s0] =	ssyncadd.s32 s1  }
0x1a8: {  	[sflag:s0] =	ssyncpa.u1 $0x1  }
0x1a9: {  	s30 =	simm.s32 $0x1;
	_ =	sfence  }
0x1aa: {  	[sflag:s30] =	ssyncpa.u1 $0x1  }
0x1ab: {  	_ =	strace $0x90000062  }
0x1ac: {  	[bflag:$0x2] =	sbarrier.arrive $0xFFFF  }
0x1ad: {  	s31 =	rddreg [dreg:$0x2]  }
0x1ae: {  	s0 =	sadd.s32 $0x100000, s31  }
0x1af: {  	[sflag:s0] =	ssyncadd.tile.s32 $0x1;
	_ =	shalt  }
.Lfunc_end2:
_tile_overlayer_lowered:
.L_overlay_start_2:
0x1b0: {  	(tag) =	ssettag $0x2  }
0x1b1: {  	s0 =	rddreg [dreg:$0x0];
	s2 =	stileid.u32  }
0x1b2: {  	s1 =	rddreg [dreg:$0x1];
	p0 =	sne.s32 s2, $0x0  }
0x1b3: {  	s3 =	rddreg [dreg:$0x2];
	[bflag:$0x3] =	sbarrier.arrive $0xFFFF;
	s2 =	simm.s32 @!p0 $0x1C01  }
0x1b4: {  	[timem:s3], [sflag:s2] =	dma.local @!p0 [hbm:s0], s1  }
0x1b5: {  	s0 =	simm.s32 @!p0 $0x1  }
0x1b6: {  	_ =	swait.ge @!p0 [sflag:s0], s1  }
0x1b7: {  	s1 =	ssub.s32 @!p0 $0x0, s1;
	[sflag:s0] =	ssyncset.done @!p0 $0x0  }
0x1b8: {  	[sflag:s0] =	ssyncadd.s32 @!p0 s1  }
0x1b9: {  	[bflag:$0x3] =	sbarrier.arrive $0xFFFF  }
0x1ba: {  	_ =	shalt  }

// kernel: scatter_offload_async_start.2
scs
__scs_entry_jumppad:
0x0: {  	(pc) =	sbr.rel $0x88, $3  }
0x1: {  	(tag) =	ssettag $0x0;
	lr =	simm.s32 $0x1  }
0x2: {  	[smem:$0x3F8E] =	sst lr;
	_ =	strace $0xD0000000  }
0x3: {  	_ = 	snop  }
0x4: {  	_ = 	snop  }
0x5: {  	_ = 	snop  }
0x6: {  	_ = 	snop  }
0x7: {  	_ = 	snop  }
__scs_overlays_trampoline_lowered:
0x8: {  	[smem:$0x3F9D] =	sst s0  }
0x9: {  	[smem:$0x3F9E] =	sst s1  }
0xa: {  	[smem:$0x3F9F] =	sst s2  }
0xb: {  	[smem:$0x3FA0] =	sst s3  }
0xc: {  	[smem:$0x3FA1] =	sst s4  }
0xd: {  	[smem:$0x3FA2] =	sst s5  }
0xe: {  	[smem:$0x3FA3] =	sst s6  }
0xf: {  	[smem:$0x3FA4] =	sst s7  }
0x10: {  	[smem:$0x3FA5] =	sst s8  }
0x11: {  	[smem:$0x3FA6] =	sst s9;
	s0 =	simm.s32 @!p0 $0x0  }
0x12: {  	s1 =	sld [smem:$0x3F8C];
	s0 =	simm.s32 @p0 $0x1  }
0x13: {  	[smem:$0x3FA7] =	sst s0;
	s0 =	simm.s32 @!p1 $0x0  }
0x14: {  	s2 =	sld [smem:$0x3F8B];
	s0 =	simm.s32 @p1 $0x1  }
0x15: {  	[smem:$0x3FA8] =	sst s0;
	s0 =	simm.s32 @!p2 $0x0  }
0x16: {  	s3 =	sld [smem:$0x3FDB];
	s0 =	simm.s32 @p2 $0x1  }
0x17: {  	s4 =	simm.s32 $0x1BF5;
	[smem:$0x3FAA] =	sst s0  }
0x18: {  	s0 =	sld [smem:$0x3F8D];
	_ =	swait.ge [sflag:s4], $0x0  }
0x19: {  	s7 =	sld [smem:$0x3F8E]  }
0x1a: {  	s8 =	sadd.s32 $0xFFFFE003, lr  }
0x1b: {  	s9 =	sadd.s32 $0xFFFFFEF7, lr;
	s5 =	simm.s32 $0xFFFFFFFF;
	p2 =	slt.u32 s8, $0xFFFFF086  }
0x1c: {  	p1 =	slt.u32 s9, $0xF7A;
	s5 =	simm.s32 @!p2 $0x0  }
0x1d: {  	s5 =	simm.s32 @p1 $0x1;
	p0 =	seq.s32 s7, s2  }
0x1e: {  	s7 =	smul.u32 @!p0 $0xF7A, s2;
	p2 =	seq.s32 @!p0 s5, $0x0  }
0x1f: {  	s9 =	smul.u32 $0xF7A, s1;
	s8 =	simm.s32 @!p0 $0x1BF5;
	p2 =	por !p2, p0  }
0x20: {  	[sflag:s8] =	ssyncset.s32 @!p0 $0xFFFFF086;
	s6 =	sadd.s32 @!p0 s3, s7;
	s7 =	simm.s32 @!p0 $0x108  }
0x21: {  	s3 =	sadd.s32 s3, s9;
	s6 =	sadd.s32 @!p0 $0x88, s6;
	s7 =	simm.s32 @p2 $0x1082  }
0x22: {  	[simem:s7], [sflag:s8] =	dma.local @!p0 [hbm:s6], $0xF7A  }
0x23: {  	s9 =	sor.u32 $0xD0000000, s2;
	s6 =	simm.s32 $0x108;
	_ =	swait.ge @!p0 [sflag:s8], $0x0  }
0x24: {  	s3 =	sadd.s32 $0x88, s3;
	s6 =	simm.s32 @!p1 $0x1082;
	[sflag:s4] =	ssyncset.s32 $0xFFFFF086  }
0x25: {  	[simem:s6], [sflag:s4] =	dma.local [hbm:s3], $0xF7A  }
0x26: {  	[smem:$0x3F8E] =	sst s1;
	(tag) =	ssettag s2;
	_ =	strace s9  }
0x27: {  	s1 =	sld [smem:$0x3F9E]  }
0x28: {  	s2 =	sld [smem:$0x3F9F]  }
0x29: {  	s4 =	sld [smem:$0x3FA1]  }
0x2a: {  	p0 =	seq.s32 s5, $0x0;
	s5 =	sld [smem:$0x3FA2]  }
0x2b: {  	s6 =	sld [smem:$0x3FA3]  }
0x2c: {  	s7 =	sld [smem:$0x3FA4]  }
0x2d: {  	s3 =	simm.s32 $0x108;
	s8 =	sld [smem:$0x3FA5]  }
0x2e: {  	s3 =	simm.s32 @!p0 $0x1082;
	s9 =	sld [smem:$0x3FA6]  }
0x2f: {  	lr =	sadd.s32 s0, s3;
	s0 =	sld [smem:$0x3F9D]  }
0x30: {  	s3 =	sld [smem:$0x3FA0]  }
0x31: {  	[smem:$0x3FA9] =	sst s10  }
0x32: {  	s10 =	sld [smem:$0x3FA7];
	_ =	sdelay $0x3  }
0x33: {  	p0 =	seq.s32 s10, $0x1;
	s10 =	sld [smem:$0x3FA9];
	_ =	sdelay $0x3  }
0x34: {  	[smem:$0x3FA9] =	sst s10  }
0x35: {  	s10 =	sld [smem:$0x3FA8];
	_ =	sdelay $0x3  }
0x36: {  	p1 =	seq.s32 s10, $0x1;
	s10 =	sld [smem:$0x3FA9];
	_ =	sdelay $0x3  }
0x37: {  	[smem:$0x3FA9] =	sst s10  }
0x38: {  	s10 =	sld [smem:$0x3FAA]  }
0x39: {  	_ = 	snop;
	(pc) =	sbr.ind lr, $3  }
0x3a: {  	_ = 	snop  }
0x3b: {  	_ = 	snop  }
0x3c: {  	p2 =	seq.s32 s10, $0x1;
	s10 =	sld [smem:$0x3FA9]  }
0x3d: {  	_ =	shalt  }
0x3e: {  	_ =	shalt  }
0x3f: {  	_ =	shalt  }
0x40: {  	_ =	shalt  }
0x41: {  	_ =	shalt  }
0x42: {  	_ =	shalt  }
0x43: {  	_ =	shalt  }
0x44: {  	_ =	shalt  }
0x45: {  	_ =	shalt  }
0x46: {  	_ =	shalt  }
0x47: {  	_ =	shalt  }
0x48: {  	_ =	shalt  }
0x49: {  	_ =	shalt  }
0x4a: {  	_ =	shalt  }
0x4b: {  	_ =	shalt  }
0x4c: {  	_ =	shalt  }
0x4d: {  	_ =	shalt  }
0x4e: {  	_ =	shalt  }
0x4f: {  	_ =	shalt  }
0x50: {  	_ =	shalt  }
0x51: {  	_ =	shalt  }
0x52: {  	_ =	shalt  }
0x53: {  	_ =	shalt  }
0x54: {  	_ =	shalt  }
0x55: {  	_ =	shalt  }
0x56: {  	_ =	shalt  }
0x57: {  	_ =	shalt  }
0x58: {  	_ =	shalt  }
0x59: {  	_ =	shalt  }
0x5a: {  	_ =	shalt  }
0x5b: {  	_ =	shalt  }
0x5c: {  	_ =	shalt  }
0x5d: {  	_ =	shalt  }
0x5e: {  	_ =	shalt  }
0x5f: {  	_ =	shalt  }
0x60: {  	_ =	shalt  }
0x61: {  	_ =	shalt  }
0x62: {  	_ =	shalt  }
0x63: {  	_ =	shalt  }
0x64: {  	_ =	shalt  }
0x65: {  	_ =	shalt  }
0x66: {  	_ =	shalt  }
0x67: {  	_ =	shalt  }
0x68: {  	_ =	shalt  }
0x69: {  	_ =	shalt  }
0x6a: {  	_ =	shalt  }
0x6b: {  	_ =	shalt  }
0x6c: {  	_ =	shalt  }
0x6d: {  	_ =	shalt  }
0x6e: {  	_ =	shalt  }
0x6f: {  	_ =	shalt  }
0x70: {  	_ =	shalt  }
0x71: {  	_ =	shalt  }
0x72: {  	_ =	shalt  }
0x73: {  	_ =	shalt  }
0x74: {  	_ =	shalt  }
0x75: {  	_ =	shalt  }
0x76: {  	_ =	shalt  }
0x77: {  	_ =	shalt  }
0x78: {  	_ =	shalt  }
0x79: {  	_ =	shalt  }
0x7a: {  	_ =	shalt  }
0x7b: {  	_ =	shalt  }
0x7c: {  	_ =	shalt  }
0x7d: {  	_ =	shalt  }
0x7e: {  	_ =	shalt  }
0x7f: {  	_ =	shalt  }
0x80: {  	_ =	shalt  }
0x81: {  	_ =	shalt  }
0x82: {  	_ =	shalt  }
0x83: {  	_ =	shalt  }
0x84: {  	_ =	shalt  }
0x85: {  	_ =	shalt  }
0x86: {  	_ =	shalt  }
0x87: {  	_ =	shalt  }
.Lfunc_end0:
.L_simem_size_0:
called_computation.2_lowered:
.L_overlay_start_0:
0x88: {  	s0 =	sld [smem:$0x3FD9]  }
0x89: {  	s1 =	sld [smem:$0x3FFE];
	_ =	sdelay $0x3  }
0x8a: {  	s0 =	sadd.s32 s1, s0  }
0x8b: {  	[smem:$0x3FB5] =	sst s0  }
0x8c: {  	_ = 	snop  }
0x8d: {  	s0 =	sld [smem:$0x3FD0];
	(tm) =	ssettm $0x1  }
0x8e: {  	s16 =	sld [smem:$0x3FFB];
	_ =	sdelay $0x3  }
0x8f: {  	_ =	strace s16  }
0x90: {  	s1 =	sld [smem:$0x3FFC];
	_ =	sdelay $0x3  }
0x91: {  	_ =	strace s1  }
0x92: {  	s1 =	sld [smem:$0x3FFD];
	_ =	sdelay $0x3  }
0x93: {  	_ =	strace s1  }
0x94: {  	_ =	strace $0x8FFFFFFF  }
0x95: {  	s17 =	sld [smem:$0x3FDB];
	_ =	sdelay $0x1  }
0x96: {  	s2 =	simm.s32 $_scs_section_size  }
0x97: {  	s3 =	simm.s32 $_size__tile_overlayer_lowered;
	s4 =	simm.s32 $_tile_overlayer_lowered  }
0x98: {  	s20 =	simm.s32 $0x1BFF;
	s19 =	sshll.u32 s4, $0x1;
	s1 =	sadd.s32 s2, s17  }
0x99: {  	s5 =	simm.s32 $0x0;
	s18 =	sshll.u32 s3, $0x1;
	s3 =	sadd.s32 s19, s1  }
0x9a: {  	[timem:s5], [sflag:s20] =	dma.local [hbm:s3], s18  }
0x9b: {  	_ =	swait.ge [sflag:s20], s18  }
0x9c: {  	s2 =	ssub.s32 $0x0, s18;
	[sflag:s20] =	ssyncset.done $0x0  }
0x9d: {  	[sflag:s20] =	ssyncadd.s32 s2;
	_ =	sdelay $0x1  }
0x9e: {  	s21 =	simm.s32 $0x1B8B  }
0x9f: {  	_ =	swait.ge [sflag:s21], $0x1  }
0xa0: {  	[sflag:s21] =	ssyncset.done $0x0  }
0xa1: {  	s23 =	simm.s32 $0x1B8E;
	s22 =	sld [smem:$0x3FFE];
	[sflag:s21] =	ssyncadd.s32 $0xFFFFFFFF  }
0xa2: {  	s24 =	simm.s32 $execute0_lowered;
	[smem:$0x3FD2] =	sst s23  }
0xa3: {  	s3 =	sshll.u32 s24, $0x1;
	_ =	strace $0x80000064;
	[dreg:$0x1] =	wrdreg $0xFFFFFFFF  }
0xa4: {  	s25 =	simm.s32 $_size_execute0_lowered;
	s1 =	sadd.s32 s1, s3;
	[dreg:$0x0] =	wrdreg $0x0  }
0xa5: {  	s3 =	sshll.u32 s25, $0x1;
	[dreg:$0x2] =	wrdreg s1  }
0xa6: {  	[dreg:$0x3] =	wrdreg s3  }
0xa7: {  	[dreg:$0x4] =	wrdreg $0xC0  }
0xa8: {  	_ =	task [dreg:s5], $0x5FFFF  }
0xa9: {  	[dreg:$0x1] =	wrdreg $0xFFFFFFFF  }
0xaa: {  	[dreg:$0x0] =	wrdreg $0x60  }
0xab: {  	[dreg:$0x2] =	wrdreg s22  }
0xac: {  	[dreg:$0x3] =	wrdreg s0  }
0xad: {  	[dreg:$0x4] =	wrdreg $0x9  }
0xae: {  	_ =	task.clear_ibuf [dreg:s5], $0x5FFFF;
	_ =	strace $0x90000064  }
0xaf: {  	s26 =	simm.s32 $0x9;
	_ =	strace $0x80000066  }
0xb0: {  	_ =	swait.ge [sflag:s26], $0x1  }
0xb1: {  	[sflag:s26] =	ssyncadd.s32 $0xFFFFFFFF  }
0xb2: {  	_ =	strace $0x90000066  }
0xb3: {  	_ =	sfence  }
0xb4: {  	s28 =	sld [smem:$0x0];
	_ =	sdelay $0x1  }
0xb5: {  	s29 =	srdreg.scid  }
0xb6: {  	s30 =	sshll.u32 s29, $0xD;
	s31 =	sshrl.u32 s29, $0x2  }
0xb7: {  	s2 =	sand.u32 $0x4000, s30;
	s1 =	sand.u32 $0x1, s29;
	s0 =	sadd.s32 s31, s28  }
0xb8: {  	s1 =	sor.u32 s2, s1;
	s0 =	sshll.u32 s0, $0x11  }
0xb9: {  	s0 =	sor.u32 s0, s1  }
0xba: {  	s0 =	sadd.s32 $0x8F2B, s0  }
0xbb: {  	[sflag:s0] =	ssyncadd.remote.s32 $0x1  }
0xbc: {  	_ =	sfence.sel $0xFFFF  }
0xbd: {  	[dreg:$0x0] =	wrdreg $0xFFFFFFFF;
	(pc) =	sbr.abs _section_cstart, $3  }
0xbe: {  	[dreg:$0x1] =	wrdreg $0xFFFFFFFF  }
0xbf: {  	_ =	task.clear_ibuf [dreg:s5], $0x2FFFF;
	_ =	strace $0x9FFFFFFF  }
0xc0: {  	(tm) =	ssettm $0x7FFFFFFF  }
0xc1: {  	_ =	shalt  }
tec
execute0_lowered:
.L_overlay_start_1:
0x0: {  	(tag) =	ssettag $0x1  }
0x1: {  	s0 =	rddreg [dreg:$0x0]  }
0x2: {  	s3 =	rddreg [dreg:$0x1];
	_ =	strace $0x80000065;
	s1 =	simm.s32 $0x1  }
0x3: {  	s8 =	simm.s32 $0x88;
	v0 =	vimm.s32 $0x0;
	[sflag:s1] =	ssyncpa.u1 $0x0  }
0x4: {  	[tilespmem:s8+$0x30] =	vst v0  }
0x5: {  	s1 =	sadd.s32 $0x75800, s0;
	[tilespmem:s8+$0x20] =	vst v0  }
0x6: {  	s4 =	sadd.s32 $0x9D000, s0;
	s5 =	sadd.s32 $0x9CA00, s0;
	s0 =	simm.s32 $0x40;
	[tilespmem:s8+$0x10] =	vst v0  }
.LBB2_1:
0x7: {  	s0 =	sadd.s32 $0x40, s0  }
0x8: {  	[tilespmem:s8+$0x0] =	vst v0;
	s8 =	sadd.s32 $0x40, s8;
	p0 =	slt.u32 s0, $0x1C40  }
.Ltmp0:
0x9: {  	(pc) =	sbr.rel @p0 .LBB2_1-.Ltmp0, $4  }
0xa: {  	_ = 	snop  }
0xb: {  	[tilespmem:s8+$0x30] =	vst v0  }
0xc: {  	[tilespmem:s8+$0x20] =	vst v0  }
0xd: {  	[tilespmem:s8+$0x10] =	vst v0  }
0xe: {  	s9 =	stileid.u32  }
0xf: {  	s0 =	smin.u32 s9, $0x2  }
0x10: {  	s0 =	sadd.s32 s9, s0  }
0x11: {  	p0 =	slt.u32 s9, $0x2;
	s6 =	smul.u32 $0x70, s0;
	s0 =	simm.s32 $0xE0  }
0x12: {  	s0 =	simm.s32 @!p0 $0x70  }
0x13: {  	s0 =	sadd.s32 s0, s6  }
0x14: {  	s7 =	smin.u32 s0, $0x7D0  }
0x15: {  	s0 =	ssub.s32 s7, s6  }
0x16: {  	p0 =	sgt.s32 s0, $0x0  }
0x17: {  	s0 =	simm.s32 @!p0 $0x0  }
0x18: {  	s2 =	sand.u32 $0xFFF0, s0  }
0x19: {  	s2 =	sshrl.u32 s2, $0x4  }
0x1a: {  	s29 =	simm.s32 $0x2;
	s10 =	simm.s32 $0x7;
	s2 =	smul.u32 $0x2493, s2  }
0x1b: {  	s31 =	simm.s32 $0x8;
	s11 =	simm.s32 $0x1;
	s15 =	simm.s32 $0x0  }
0x1c: {  	p1 =	por $0x0, $0x0;
	s16 =	simm.s32 $0xA;
	s2 =	sshrl.u32 s2, $0x10  }
0x1d: {  	s20 =	simm.s32 $0x0;
	s17 =	simm.s32 $0x0;
	s30 =	smul.u32 $0x70, s2  }
.Ltmp1:
0x1e: {  	[tilespmem:s8+$0x0] =	vst v0;
	v0 =	vimm.s32 $0xFFFFFFFF;
	s19 =	simm.s32 $0x0;
	[sflag:s29] =	ssyncpa.u1 $0x0;
	(pc) =	sbr.rel .LBB2_3-.Ltmp1, $4  }
0x1f: {  	[tilespmem:$0x3908] =	vst v0;
	[sflag:s10] =	ssyncpa.u1 $0x0;
	p0 =	sne.s32 s0, s30;
	s0 =	simm.s32 $0x1  }
0x20: {  	s10 =	simm.s32 $0x9;
	[sflag:s31] =	ssyncpa.u1 $0x0;
	s0 =	simm.s32 @!p0 $0x0  }
0x21: {  	s13 =	sshll.u32 s9, $0x7;
	[sflag:s10] =	ssyncpa.u1 $0x0;
	s12 =	sadd.s32 s2, s0  }
0x22: {  	v0 =	vlaneseq.u32;
	s18 =	smov.u32 s6;
	p0 =	por $0x1, $0x1;
	s14 =	sadd.s32 $0x1, s12  }
.LBB2_24:
0x23: {  	s0 =	sshrl.u32 s29, $0x2  }
.LBB2_26:
0x24: {  	_ =	swait.ge [sflag:s16], s0  }
0x25: {  	s31 =	ssub.s32 $0x0, s0;
	v1 =	vmov s23;
	vm0 =	veq.s32 v0, $0x0;
	[sflag:s16] =	ssyncset.done $0x0  }
0x26: {  	vm15 =	veq.s32 v0, $0x2;
	v1 =	vsel vm0, s28, v1;
	[sflag:s16] =	ssyncadd.s32 s31  }
0x27: {  	v1 =	vsel vm15, s20, v1;
	[sflag:s16] =	ssyncpa.u1 $0x1  }
0x28: {  	[tilespmem:$0x3908] =	vst v1  }
.LBB2_27:
0x29: {  	s0 =	sadd.s32 $0x70, s18  }
0x2a: {  	s2 =	smov.u32 s6;
	p2 =	slt.s32 s0, s7  }
0x2b: {  	s2 =	smov.u32 @p2 s0;
	p2 =	sne.s32 s19, s14  }
.Ltmp2:
0x2c: {  	_ = 	snop;
	(pc) =	sbr.rel @!p2 .LBB2_28-.Ltmp2, $4  }
0x2d: {  	_ = 	snop  }
0x2e: {  	s20 =	smov.u32 s17  }
0x2f: {  	s31 =	sadd.s32 $0x1, s19;
	s17 =	smov.u32 s18;
	p0 =	por !p0, !p0  }
0x30: {  	p1 =	por !p1, !p1;
	s19 =	smov.u32 s31;
	s18 =	smov.u32 s2  }
.LBB2_3:
0x31: {  	p2 =	sge.u32 s19, s12  }
0x32: {  	s0 =	smulhi.u32 @!p2 $0xAAAAAAAB, s19  }
0x33: {  	s2 =	smov.u32 s18;
	p3 =	sgt.s32 @!p2 s18, $0x760  }
0x34: {  	s8 =	sshra.s32 @!p2 s18, $0x1F;
	p3 =	por !p3, p2;
	s0 =	sshrl.u32 @!p2 s0, $0x1  }
0x35: {  	s8 =	sand.u32 @!p2 s8, s18;
	s2 =	simm.s32 @p3 $0x760;
	s0 =	smul.u32 @!p2 $0x3, s0  }
0x36: {  	s2 =	ssub.s32 @!p2 s2, s8  }
0x37: {  	s22 =	sadd.s32 $0xFFFFFFFF, s19;
	s2 =	sadd.s32 @!p2 $0xFFFFF8A0, s2;
	s0 =	ssub.s32 @!p2 s19, s0  }
0x38: {  	s8 =	sshll.u32 @!p2 s2, $0x2;
	p3 =	sgt.s32 @!p2 s2, $0x6F;
	s0 =	smul.u32 @!p2 $0x1C0, s0  }
0x39: {  	s21 =	sand.u32 @!p2 $0x7, s18;
	s2 =	ssub.s32 @!p2 $0x1C0, s8;
	p3 =	por !p3, p2  }
0x3a: {  	s8 =	sshrl.u32 @!p2 s18, $0x3;
	s2 =	sshrl.u32 @!p2 s2, $0x2;
	s0 =	sshrl.u32 @!p2 s0, $0x2  }
0x3b: {  	s8 =	sadd.s32 @!p2 s5, s8;
	s2 =	simm.s32 @!p3 $0x0;
	s0 =	sadd.s32 @!p2 $0x4138, s0  }
0x3c: {  	[tilespmem:s0], [sflag:$0x8] =	stream.linear.gather @!p2 [hbm4b:s8+s21], s2, $0x38;
	[tilespmem:$0xB368] =	vst v63  }
0x3d: {  	p2 =	sge.u32 s22, s12  }
0x3e: {  	p3 =	sgt.s32 @!p2 s17, $0x760  }
0x3f: {  	s0 =	smov.u32 s17;
	s2 =	sshra.s32 @!p2 s17, $0x1F;
	p3 =	por !p3, p2  }
0x40: {  	s2 =	sand.u32 @!p2 s2, s17;
	s0 =	simm.s32 @p3 $0x760  }
0x41: {  	s0 =	ssub.s32 @!p2 s0, s2  }
0x42: {  	s0 =	sadd.s32 @!p2 $0xFFFFF8A0, s0  }
0x43: {  	s2 =	sshll.u32 @!p2 s0, $0x2  }
0x44: {  	p3 =	sgt.s32 @!p2 s0, $0x6F;
	s0 =	ssub.s32 @!p2 $0x1C0, s2  }
0x45: {  	p3 =	por !p3, p2;
	s0 =	sshrl.u32 @!p2 s0, $0x2  }
0x46: {  	s8 =	simm.s32 @!p2 $0x8;
	s2 =	sand.u32 @!p2 $0x1, s22;
	s0 =	simm.s32 @!p3 $0x0  }
0x47: {  	s2 =	smul.u32 @!p2 $0x1C0, s2;
	_ =	swait.ge @!p2 [sflag:s8], s0  }
0x48: {  	s21 =	ssub.s32 @!p2 $0x0, s0;
	[sflag:s8] =	ssyncset.done @!p2 $0x0  }
0x49: {  	s2 =	sshrl.u32 @!p2 s2, $0x2;
	[sflag:s8] =	ssyncadd.s32 @!p2 s21;
	s8 =	sshrl.u32 @!p2 s17, $0x3  }
0x4a: {  	s2 =	sor.u32 @!p2 $0x4288, s2;
	s21 =	sand.u32 @!p2 $0x7, s17;
	s8 =	sadd.s32 @!p2 s4, s8  }
0x4b: {  	[tilespmem:s2], [sflag:$0x9] =	stream.linear.gather @!p2 [hbm4b:s8+s21], s0, $0x38;
	[tilespmem:$0xB368] =	vst v63  }
0x4c: {  	s21 =	ssub.s32 @!p2 $0x7D0, s17  }
0x4d: {  	p3 =	slt.s32 @!p2 s21, $0x1  }
0x4e: {  	p3 =	por p2, p3  }
.Ltmp3:
0x4f: {  	_ = 	snop;
	(pc) =	sbr.rel @p3 .LBB2_9-.Ltmp3, $1  }
0x50: {  	_ =	sdelay $0x3  }
0x51: {  	s0 =	smulhi.u32 $0xAAAAAAAB, s22;
	_ =	sdelay $0x1  }
0x52: {  	s0 =	sshrl.u32 s0, $0x1  }
0x53: {  	s0 =	smul.u32 $0x3, s0;
	_ =	sdelay $0x1  }
0x54: {  	s0 =	ssub.s32 s22, s0  }
0x55: {  	s2 =	simm.s32 $0x1;
	s0 =	smul.u32 $0x1C0, s0  }
.Ltmp4:
0x56: {  	s2 =	simm.s32 @!p0 $0x0;
	(pc) =	sbr.rel .LBB2_6-.Ltmp4, $4  }
0x57: {  	s2 =	smul.u32 $0xE000, s2  }
0x58: {  	p3 =	slt.s32 @!p2 s21, $0x70;
	s0 =	sshrl.u32 s0, $0x2  }
0x59: {  	p2 =	por !p3, p2;
	s2 =	sshrl.u32 s2, $0x2;
	s0 =	sadd.s32 $0x4138, s0  }
0x5a: {  	s23 =	simm.s32 $0x0;
	s21 =	simm.s32 @p2 $0x70;
	s22 =	sor.u32 $0x4368, s2;
	v1 =	vmov s0  }
.LBB2_5:
0x5b: {  	p2 =	sge.s32 s23, s21  }
.Ltmp5:
0x5c: {  	_ = 	snop;
	(pc) =	sbr.rel @p2 .LBB2_9-.Ltmp5, $2  }
0x5d: {  	_ =	sdelay $0x2  }
0x5e: {  	s22 =	sadd.s32 $0x800, s22  }
.LBB2_6:
0x5f: {  	p2 =	sle.s32 s21, s23  }
.Ltmp6:
0x60: {  	_ = 	snop;
	(pc) =	sbr.rel @p2 .LBB2_5-.Ltmp6, $2  }
0x61: {  	_ =	sdelay $0x2  }
0x62: {  	s24 =	smov.u32 s23;
	s23 =	sadd.s32 $0x10, s23  }
0x63: {  	s0 =	ssub.s32 s21, s24  }
0x64: {  	p2 =	slt.s32 s0, $0x10  }
0x65: {  	s0 =	simm.s32 @!p2 $0x10  }
0x66: {  	v2 =	vmov s0  }
0x67: {  	vm0 =	vgt.s32 v2, v0;
	_ =	sdelay $0x5  }
0x68: {  	v2 =	vld.idx.msk [tilespmem:v1+s24+$0x0 ss:$0x1], vm0;
	_ =	sdelay $0x2  }
0x69: {  	p2 =	slt.s32 s23, s21;
	s0 =	smov.u32 s21  }
0x6a: {  	s2 =	smov.u32 s22;
	s25 =	simm.s32 $0x0;
	s0 =	smov.u32 @p2 s23  }
.LBB2_8:
0x6b: {  	(v2sf) =	vpush v2, s25;
	_ =	sdelay $0xc  }
0x6c: {  	s25 =	sadd.s32 $0x1, s25  }
0x6d: {  	s31 =	sadd.s32 s25, s24  }
0x6e: {  	p2 =	slt.s32 s31, s0;
	s8 =	spop (v2sf)  }
.Ltmp7:
0x6f: {  	s8 =	sshll.u32 s8, $0x4;
	(pc) =	sbr.rel @p2 .LBB2_8-.Ltmp7, $4  }
0x70: {  	s8 =	sand.u32 $0x1FFFFFF0, s8  }
0x71: {  	s8 =	sadd.s32 s3, s8  }
0x72: {  	[tilespmem:s2], [sflag:$0x7] =	stream.linear.gather [hbm4b:s8+s15], $0x40, $0x38;
	[tilespmem:$0xB368] =	vst v63  }
0x73: {  	s2 =	sadd.s32 $0x80, s2  }
.Ltmp8:
0x74: {  	_ = 	snop;
	(pc) =	sbr.rel .LBB2_5-.Ltmp8, $1  }
0x75: {  	_ =	sdelay $0x3  }
.LBB2_9:
0x76: {  	p2 =	slt.u32 s19, $0x2  }
.Ltmp9:
0x77: {  	_ = 	snop;
	(pc) =	sbr.rel @p2 .LBB2_27-.Ltmp9, $1  }
0x78: {  	_ =	sdelay $0x3  }
0x79: {  	p2 =	sgt.s32 s20, $0x760;
	s0 =	smov.u32 s20  }
0x7a: {  	s2 =	sshra.s32 s20, $0x1F;
	s8 =	ssub.s32 $0x7D0, s20;
	s0 =	simm.s32 @!p2 $0x760  }
0x7b: {  	s2 =	sand.u32 s2, s20;
	p2 =	slt.s32 s8, $0x70;
	s21 =	smov.u32 s8  }
0x7c: {  	s0 =	ssub.s32 s0, s2;
	s21 =	simm.s32 @!p2 $0x70  }
0x7d: {  	s0 =	sadd.s32 $0xFFFFF8A0, s0;
	s26 =	sshll.u32 s21, $0x6  }
0x7e: {  	s9 =	simm.s32 $0x7;
	s29 =	sshll.u32 s0, $0x2;
	s2 =	sand.u32 $0x3FFFFFC0, s26  }
0x7f: {  	p2 =	sgt.s32 s0, $0x6F;
	s30 =	ssub.s32 $0x1C0, s29;
	_ =	swait.ge [sflag:s9], s2  }
0x80: {  	s2 =	ssub.s32 $0x0, s2;
	[sflag:s9] =	ssyncset.done $0x0;
	s0 =	sshrl.u32 s30, $0x2  }
0x81: {  	[sflag:s9] =	ssyncadd.s32 s2;
	s0 =	simm.s32 @p2 $0x0  }
0x82: {  	_ =	swait.ge [sflag:s10], s0  }
0x83: {  	s0 =	ssub.s32 $0x0, s0;
	[sflag:s10] =	ssyncset.done $0x0  }
0x84: {  	[sflag:s10] =	ssyncadd.s32 s0  }
0x85: {  	v1 =	vld [tilespmem:$0x3908];
	_ =	sdelay $0x4  }
0x86: {  	(v2sf) =	vpush v1, $0x0  }
0x87: {  	(v2sf) =	vpush v1, $0x1  }
0x88: {  	(v2sf) =	vpush v1, $0x2;
	_ =	sdelay $0x3  }
0x89: {  	s0 =	sadd.s32 $0x70, s20  }
0x8a: {  	p2 =	slt.s32 s7, s0  }
0x8b: {  	s0 =	smov.u32 @p2 s7;
	p2 =	sgt.s32 s8, $0x0  }
0x8c: {  	s21 =	ssub.s32 s0, s20;
	s8 =	simm.s32 @!p2 $0x0  }
0x8d: {  	p2 =	slt.s32 s8, s21  }
0x8e: {  	s21 =	smov.u32 @p2 s8  }
0x8f: {  	s24 =	simm.s32 $0x1;
	p2 =	slt.s32 s21, $0x1  }
.Ltmp10:
0x90: {  	s24 =	simm.s32 @!p1 $0x0;
	(pc) =	sbr.rel @p2 .LBB2_14-.Ltmp10, $4  }
0x91: {  	s31 =	smul.u32 $0x1C0, s24  }
0x92: {  	s25 =	spop (v2sf)  }
0x93: {  	s0 =	sshrl.u32 s31, $0x2;
	s28 =	spop (v2sf)  }
0x94: {  	s22 =	sor.u32 $0x4288, s0;
	s20 =	spop (v2sf)  }
0x95: {  	s0 =	smin.u32 s21, $0x10  }
0x96: {  	v1 =	vmov s0  }
0x97: {  	p3 =	sgt.s32 s21, $0x10;
	vm1 =	vgt.u32 v1, v0  }
.Ltmp11:
0x98: {  	_ = 	snop;
	(pc) =	sbr.rel @!p3 .LBB2_13-.Ltmp11, $2  }
0x99: {  	_ =	sdelay $0x2  }
0x9a: {  	s26 =	simm.s32 $0x10;
	s29 =	sadd.s32 $0xFFFFFFF0, s21;
	s23 =	smov.u32 s22;
	vm0 =	vmmov vm1  }
.LBB2_12:
0x9b: {  	s0 =	smin.u32 s29, $0x10;
	s26 =	sadd.s32 $0x10, s26;
	v1 =	vld.msk [tilespmem:s23+$0x0 ss:$0x1], vm1  }
0x9c: {  	v2 =	vmov s0;
	p3 =	slt.s32 s26, s21  }
0x9d: {  	vm1 =	vgt.u32 v2, v0  }
.Ltmp12:
0x9e: {  	(pc) =	sbr.rel @p3 .LBB2_12-.Ltmp12, $3  }
0x9f: {  	_ =	sdelay $0x1  }
0xa0: {  	v1 =	vshll.u32 v1, $0x4  }
0xa1: {  	s29 =	sadd.s32 $0xFFFFFFF0, s29;
	[tilespmem:s23+$0x0] =	vst.msk vm0, v1;
	s23 =	sadd.s32 $0x10, s23;
	vm0 =	vmmov vm1  }
.LBB2_13:
0xa2: {  	_ =	sdelay $0x4  }
0xa3: {  	v1 =	vld.msk [tilespmem:s23+$0x0 ss:$0x1], vm1;
	_ =	sdelay $0x4  }
0xa4: {  	v1 =	vshll.u32 v1, $0x4  }
0xa5: {  	[tilespmem:s23+$0x0] =	vst.msk vm0, v1  }
.LBB2_14:
0xa6: {  	s0 =	sand.u32 $0x1, s19  }
0xa7: {  	s0 =	smul.u32 $0x70, s0  }
0xa8: {  	p3 =	sne.s32 s28, $0xFFFFFFFF  }
0xa9: {  	v1 =	vld.msk @!p3 [tilespmem:s0+$0x4288], $0x1;
	_ =	sdelay $0x4  }
0xaa: {  	(v2sf) =	vpush @!p3 v1, $0x0;
	_ =	sdelay $0xc  }
.Ltmp13:
0xab: {  	_ = 	snop;
	(pc) =	sbr.rel @p2 .LBB2_25-.Ltmp13, $4  }
0xac: {  	_ = 	snop  }
0xad: {  	s26 =	spop @!p3 (v2sf)  }
0xae: {  	s20 =	simm.s32 @!p3 $0x0;
	s23 =	smov.u32 s26  }
0xaf: {  	[sflag:s16] =	ssyncpa.u1 $0x0;
	s26 =	smov.u32 @p3 s25;
	s23 =	smov.u32 @p3 s28  }
0xb0: {  	v1 =	vld.msk [tilespmem:s22+$0x0], $0x1;
	_ =	sdelay $0x4  }
0xb1: {  	(v2sf) =	vpush v1, $0x0;
	_ =	sdelay $0xe  }
0xb2: {  	s0 =	smul.u32 $0xE000, s24;
	s30 =	spop (v2sf)  }
0xb3: {  	p2 =	seq.s32 s26, s30  }
0xb4: {  	s28 =	sadd.s32 $0xFFFFFFFF, s21;
	s0 =	sshrl.u32 s0, $0x2;
	p3 =	sgt.s32 @!p2 s26, $0x0  }
0xb5: {  	s24 =	sor.u32 $0x4388, s0;
	s0 =	smov.u32 s26;
	p3 =	por !p3, p2  }
0xb6: {  	s0 =	simm.s32 @p3 $0x0;
	p3 =	sne.s32 s28, $0x0  }
.Ltmp14:
0xb7: {  	_ = 	snop;
	(pc) =	sbr.rel @!p3 .LBB2_17-.Ltmp14, $4  }
0xb8: {  	_ = 	snop  }
0xb9: {  	s25 =	simm.s32 $0x0;
	s31 =	simm.s32 @!p2 $0x1;
	s2 =	smin.u32 @!p2 s0, $0x270F8  }
0xba: {  	s29 =	sadd.s32 $0x1, s22;
	s31 =	smov.u32 @p2 s25;
	s8 =	sand.u32 @!p2 $0x3FFF8, s2  }
0xbb: {  	s0 =	simm.s32 @!p2 $0x1CC8;
	s2 =	sand.u32 @!p2 $0x7, s2;
	s8 =	sadd.s32 @!p2 s1, s8  }
.LBB2_16:
0xbc: {  	s9 =	smov.u32 s31  }
0xbd: {  	[tilespmem:s0], [sflag:$0x2] =	stream.linear.gather @!p2 [hbm4b:s8+s2], $0x40, $0x38;
	[tilespmem:$0xB368] =	vst v63  }
0xbe: {  	s28 =	sadd.s32 $0xFFFFFFFF, s28;
	s2 =	smov.u32 s30;
	v1 =	vld.msk [tilespmem:s29+$0x0], $0x1  }
0xbf: {  	p3 =	sne.s32 s28, $0x0;
	_ =	sdelay $0x3  }
0xc0: {  	(v2sf) =	vpush v1, $0x0;
	_ =	sdelay $0xe  }
0xc1: {  	s30 =	spop (v2sf)  }
0xc2: {  	p2 =	seq.s32 s2, s30  }
0xc3: {  	p4 =	sgt.s32 @!p2 s2, $0x0;
	s0 =	sshll.u32 @!p2 s31, $0x8;
	s31 =	sadd.s32 @!p2 $0x1, s31  }
.Ltmp15:
0xc4: {  	p4 =	por !p4, p2;
	s0 =	sshra.s32 @!p2 s0, $0x2;
	(pc) =	sbr.rel @p3 .LBB2_16-.Ltmp15, $4  }
0xc5: {  	s31 =	smov.u32 @p2 s9;
	s2 =	simm.s32 @p4 $0x0;
	s0 =	sadd.s32 @!p2 $0x1CC8, s0  }
0xc6: {  	s2 =	smin.u32 @!p2 s2, $0x270F8  }
0xc7: {  	s8 =	sand.u32 @!p2 $0x3FFF8, s2;
	s2 =	sand.u32 @!p2 $0x7, s2  }
0xc8: {  	s29 =	sadd.s32 $0x1, s29;
	s8 =	sadd.s32 @!p2 s1, s8  }
.LBB2_17:
0xc9: {  	[tilespmem:s0], [sflag:$0x2] =	stream.linear.gather @!p2 [hbm4b:s8+s2], $0x40, $0x38;
	[tilespmem:$0xB368] =	vst v63  }
.Ltmp16:
0xca: {  	s30 =	sshll.u32 s31, $0x6;
	(pc) =	sbr.rel .LBB2_18-.Ltmp16, $4  }
0xcb: {  	s31 =	simm.s32 $0x2;
	s0 =	sand.u32 $0x3FFFFFC0, s30  }
0xcc: {  	_ =	swait.ge [sflag:s31], s0  }
0xcd: {  	s0 =	ssub.s32 $0x0, s0;
	[sflag:s31] =	ssyncset.done $0x0  }
0xce: {  	s29 =	simm.s32 $0x0;
	[sflag:s31] =	ssyncadd.s32 s0  }
.LBB2_19:
0xcf: {  	v1 =	vld [tilespmem:s24+$0xFFFFFFE0];
	_ =	sdelay $0x4  }
0xd0: {  	[tilespmem:s30+$0x88] =	vst.add.f32.msk $0xffff, v1  }
0xd1: {  	v1 =	vld [tilespmem:s24+$0xFFFFFFF0];
	_ =	sdelay $0x4  }
0xd2: {  	[tilespmem:s30+$0x98] =	vst.add.f32.msk $0xffff, v1  }
0xd3: {  	v1 =	vld [tilespmem:s24+$0x0];
	_ =	sdelay $0x4  }
0xd4: {  	[tilespmem:s30+$0xA8] =	vst.add.f32.msk $0xffff, v1  }
0xd5: {  	v1 =	vld [tilespmem:s24+$0x10];
	_ =	sdelay $0x4  }
0xd6: {  	[tilespmem:s30+$0xB8] =	vst.add.f32.msk $0xffff, v1  }
.LBB2_23:
0xd7: {  	s21 =	sadd.s32 $0xFFFFFFFF, s21  }
0xd8: {  	p2 =	sne.s32 s21, $0x0  }
.Ltmp17:
0xd9: {  	_ = 	snop;
	(pc) =	sbr.rel @!p2 .LBB2_24-.Ltmp17, $2  }
0xda: {  	_ =	sdelay $0x2  }
0xdb: {  	s24 =	sadd.s32 $0x80, s24;
	s22 =	sadd.s32 $0x1, s22;
	s26 =	smov.u32 s28  }
.LBB2_18:
0xdc: {  	v1 =	vld.msk [tilespmem:s22+$0x0], $0x1;
	_ =	sdelay $0x4  }
0xdd: {  	(v2sf) =	vpush v1, $0x0;
	_ =	sdelay $0xe  }
0xde: {  	s28 =	spop (v2sf)  }
0xdf: {  	p2 =	sne.s32 s26, s28  }
.Ltmp18:
0xe0: {  	_ = 	snop;
	(pc) =	sbr.rel @!p2 .LBB2_19-.Ltmp18, $3  }
0xe1: {  	_ =	sdelay $0x1  }
0xe2: {  	s0 =	sshll.u32 s20, $0x8  }
0xe3: {  	s30 =	sshra.s32 s0, $0x2  }
0xe4: {  	p2 =	seq.s32 s26, s23  }
.Ltmp19:
0xe5: {  	_ = 	snop;
	(pc) =	sbr.rel @!p2 .LBB2_21-.Ltmp19, $1  }
0xe6: {  	_ =	sdelay $0x3  }
.Ltmp20:
0xe7: {  	s0 =	sadd.s32 $0x88, s30;
	(pc) =	sbr.rel .LBB2_22-.Ltmp20, $4  }
0xe8: {  	[spmem:s13] =	stream.linear.scatter [tilespmem:s0], [sflag:$0x1], $0x40, $0x38;
	[tilespmem:$0xB368] =	vst v63  }
0xe9: {  	_ =	swait.ge [sflag:s11], $0x40  }
0xea: {  	[sflag:s11] =	ssyncset.done $0x0  }
0xeb: {  	[sflag:s11] =	ssyncadd.s32 $0xFFFFFFC0  }
.LBB2_21:
0xec: {  	s0 =	sshll.u32 s25, $0x8  }
0xed: {  	s0 =	sshra.s32 s0, $0x2  }
0xee: {  	v1 =	vld [tilespmem:s0+$0x1CC8];
	_ =	sdelay $0x4  }
0xef: {  	[tilespmem:s30+$0x88] =	vst.add.f32.msk $0xffff, v1  }
0xf0: {  	v1 =	vld [tilespmem:s0+$0x1CD8];
	_ =	sdelay $0x4  }
0xf1: {  	[tilespmem:s30+$0x98] =	vst.add.f32.msk $0xffff, v1  }
0xf2: {  	v1 =	vld [tilespmem:s0+$0x1CE8];
	_ =	sdelay $0x4  }
0xf3: {  	[tilespmem:s30+$0xA8] =	vst.add.f32.msk $0xffff, v1  }
0xf4: {  	v1 =	vld [tilespmem:s0+$0x1CF8];
	_ =	sdelay $0x2  }
0xf5: {  	p2 =	sgt.u32 s26, $0x270F8  }
0xf6: {  	s0 =	sand.u32 @!p2 $0x3FFF8, s26  }
0xf7: {  	s2 =	sadd.s32 $0x88, s30;
	s8 =	sand.u32 @!p2 $0x7, s26;
	s0 =	sadd.s32 @!p2 s1, s0;
	[tilespmem:s30+$0xB8] =	vst.add.f32.msk $0xffff, v1  }
0xf8: {  	[hbm4b:s0+s8] =	stream.linear.scatter @!p2 [tilespmem:s2], [sflag:$0xA], $0x40, $0x38;
	[tilespmem:$0xB368] =	vst v63  }
0xf9: {  	s0 =	simm.s32 $0x0  }
0xfa: {  	s0 =	simm.s32 @!p2 $0x100  }
0xfb: {  	s29 =	sadd.s32 s0, s29  }
.LBB2_22:
0xfc: {  	s0 =	sadd.s32 $0x1, s20  }
0xfd: {  	s2 =	sshrl.u32 s0, $0x4  }
0xfe: {  	s2 =	smulhi.u32 $0x24924925, s2  }
0xff: {  	v1 =	vld [tilespmem:s24+$0xFFFFFFE0]  }
0x100: {  	s2 =	smul.u32 $0x70, s2;
	_ =	sdelay $0x1  }
0x101: {  	s20 =	ssub.s32 s0, s2  }
0x102: {  	s0 =	sshll.u32 s20, $0x6  }
0x103: {  	[tilespmem:s0+$0x88] =	vst v1  }
0x104: {  	v1 =	vld [tilespmem:s24+$0xFFFFFFF0];
	_ =	sdelay $0x4  }
0x105: {  	[tilespmem:s0+$0x98] =	vst v1  }
0x106: {  	v1 =	vld [tilespmem:s24+$0x0];
	_ =	sdelay $0x4  }
0x107: {  	[tilespmem:s0+$0xA8] =	vst v1  }
0x108: {  	v1 =	vld [tilespmem:s24+$0x10]  }
.Ltmp21:
0x109: {  	_ = 	snop;
	(pc) =	sbr.rel .LBB2_23-.Ltmp21, $2  }
0x10a: {  	_ =	sdelay $0x2  }
0x10b: {  	s25 =	sadd.s32 $0x1, s25;
	[tilespmem:s0+$0xB8] =	vst v1  }
.LBB2_25:
.Ltmp22:
0x10c: {  	(pc) =	sbr.rel .LBB2_26-.Ltmp22, $4  }
0x10d: {  	_ = 	snop  }
0x10e: {  	s0 =	simm.s32 $0x2  }
0x10f: {  	_ =	swait.ge [sflag:s0], $0x0  }
0x110: {  	s28 =	smov.u32 s26;
	[sflag:s0] =	ssyncset.done $0x0;
	s0 =	simm.s32 $0x0  }
.LBB2_28:
0x111: {  	_ =	sfence.sel $0x180000  }
0x112: {  	s0 =	simm.s32 $0x7;
	[bflag:$0x0] =	sbarrier.arrive $0xFFFF  }
0x113: {  	s25 =	simm.s32 $0x8;
	[sflag:s0] =	ssyncpa.u1 $0x1  }
0x114: {  	s26 =	simm.s32 $0x9;
	[sflag:s25] =	ssyncpa.u1 $0x1  }
0x115: {  	s28 =	simm.s32 $0x2;
	[sflag:s26] =	ssyncpa.u1 $0x1  }
0x116: {  	[sflag:s28] =	ssyncpa.u1 $0x1  }
0x117: {  	v0 =	vld [tilespmem:$0x3908];
	_ =	sdelay $0x4  }
0x118: {  	(v2sf) =	vpush v0, $0x0  }
0x119: {  	(v2sf) =	vpush v0, $0x1;
	_ =	sdelay $0x1  }
0x11a: {  	(v2sf) =	vpush v0, $0x2;
	_ =	sdelay $0xb  }
0x11b: {  	s0 =	spop (v2sf)  }
0x11c: {  	s2 =	spop (v2sf)  }
0x11d: {  	s3 =	smov.u32 s0;
	p0 =	sne.s32 s0, s2  }
0x11e: {  	s4 =	spop (v2sf);
	s3 =	simm.s32 @!p0 $0xFFFFFFFF  }
0x11f: {  	v2 =	vimm.s32 $0x1;
	v3 =	vlaneseq.u32;
	p0 =	seq.s32 s4, $0xFFFFFFFF;
	v1 =	vmov s3  }
0x120: {  	s7 =	stileid.u32;
	v0 =	vperm.xlane v0, v2;
	p1 =	sne.s32 @!p0 s0, s2;
	v1 =	vperm.xlane v1, v3  }
0x121: {  	vm0 =	vcmask $0x3F04;
	s6 =	simm.s32 $0x3908;
	s0 =	simm.s32 @!p0 $0x1;
	p1 =	por !p1, p0  }
0x122: {  	s3 =	sshll.u32 s7, $0x1;
	s2 =	sshll.u32 @!p0 s4, $0x8;
	s0 =	simm.s32 @p1 $0x0;
	v0 =	vsel vm0, v1, v0  }
0x123: {  	s5 =	sor.u32 $0x800, s3;
	s2 =	sshra.s32 @!p0 s2, $0x2;
	s0 =	sor.u32 @!p0 s0, s3;
	[tilespmem:$0x3908] =	vst v0  }
0x124: {  	[spmem:s5] =	stream.linear.scatter [tilespmem:s6], [sflag:$0x1], $0x2, $0x38;
	[tilespmem:$0xB368] =	vst v63  }
0x125: {  	s2 =	sadd.s32 @!p0 $0x88, s2;
	s0 =	sshll.u32 @!p0 s0, $0x6  }
0x126: {  	[spmem:s0] =	stream.linear.scatter @!p0 [tilespmem:s2], [sflag:$0x1], $0x40, $0x38;
	[tilespmem:$0xB368] =	vst v63  }
0x127: {  	s2 =	simm.s32 @!p0 $0x42  }
0x128: {  	s0 =	simm.s32 $0x1;
	s2 =	simm.s32 @p0 $0x2  }
0x129: {  	_ =	swait.ge [sflag:s0], s2  }
0x12a: {  	s2 =	ssub.s32 $0x0, s2;
	[sflag:s0] =	ssyncset.done $0x0  }
0x12b: {  	[sflag:s0] =	ssyncadd.s32 s2  }
0x12c: {  	_ =	sfence.stream.spmem  }
0x12d: {  	s29 =	simm.s32 $0x3;
	[bflag:$0x0] =	sbarrier.arrive $0xFFFF  }
0x12e: {  	s30 =	simm.s32 $0x4;
	[sflag:s29] =	ssyncpa.u1 $0x1  }
0x12f: {  	s31 =	simm.s32 $0x3C;
	[sflag:s30] =	ssyncpa.u1 $0x1  }
0x130: {  	p0 =	sne.s32 s7, $0x0;
	[sflag:s31] =	ssyncpa.u1 $0x1  }
0x131: {  	_ =	sfence @p0  }
0x132: {  	[sflag:s0] =	ssyncpa.u1 @p0 $0x1  }
0x133: {  	_ =	strace @p0 $0x90000065  }
0x134: {  	[bflag:$0x2] =	sbarrier.arrive @p0 $0xFFFF  }
0x135: {  	_ =	shalt @p0  }
.LBB2_29:
0x136: {  	_ =	sfence.stream.spmem;
	s0 =	simm.s32 $0x5  }
0x137: {  	s2 =	simm.s32 $0x800;
	s3 =	simm.s32 $0x3918;
	[sflag:s0] =	ssyncpa.u1 $0x0  }
0x138: {  	[tilespmem:s3], [sflag:$0x5] =	stream.linear.gather [spmem:s2], $0x20, $0x38;
	[tilespmem:$0xB368] =	vst v63  }
0x139: {  	s30 =	simm.s32 $0x3938;
	s2 =	simm.s32 $0x0  }
0x13a: {  	[tilespmem:s30], [sflag:$0x5] =	stream.linear.gather [spmem:s2], $0x800, $0x38;
	[tilespmem:$0xB368] =	vst v63  }
.Ltmp23:
0x13b: {  	_ = 	snop;
	(pc) =	sbr.rel .LBB2_30-.Ltmp23, $4  }
0x13c: {  	_ =	swait.ge [sflag:s0], $0x820  }
0x13d: {  	[sflag:s0] =	ssyncset.done $0x0  }
0x13e: {  	s31 =	simm.s32 $0x6;
	[sflag:s0] =	ssyncadd.s32 $0xFFFFF7E0  }
0x13f: {  	s3 =	simm.s32 $0x0;
	[sflag:s31] =	ssyncpa.u1 $0x0  }
.LBB2_36:
0x140: {  	p0 =	slt.u32 s4, $0x270F9  }
0x141: {  	s0 =	sand.u32 @p0 $0x3FFF8, s4  }
0x142: {  	s4 =	sand.u32 @p0 $0x7, s4;
	s5 =	simm.s32 @p0 $0x38C8;
	s0 =	sadd.s32 @p0 s1, s0  }
0x143: {  	[tilespmem:s5], [sflag:$0x6] =	stream.linear.gather @p0 [hbm4b:s0+s4], $0x40, $0x38;
	[tilespmem:$0xB368] =	vst v63  }
0x144: {  	s0 =	simm.s32 @p0 $0x6  }
0x145: {  	_ =	swait.ge @p0 [sflag:s0], $0x40  }
0x146: {  	[sflag:s0] =	ssyncset.done @p0 $0x0  }
0x147: {  	[sflag:s0] =	ssyncadd.s32 @p0 $0xFFFFFFC0  }
0x148: {  	v1 =	vld @p0 [tilespmem:$0x38C8];
	_ =	sdelay $0x2  }
0x149: {  	s0 =	sshll.u32 @p0 s3, $0x8  }
0x14a: {  	s4 =	sshrl.u32 @p0 s0, $0x2  }
0x14b: {  	[tilespmem:s4+$0x3938] =	vst.add.f32.msk @p0 $0xffff, v1  }
0x14c: {  	v1 =	vld @p0 [tilespmem:$0x38D8];
	_ =	sdelay $0x4  }
0x14d: {  	[tilespmem:s4+$0x3948] =	vst.add.f32.msk @p0 $0xffff, v1  }
0x14e: {  	v1 =	vld @p0 [tilespmem:$0x38E8];
	_ =	sdelay $0x4  }
0x14f: {  	[tilespmem:s4+$0x3958] =	vst.add.f32.msk @p0 $0xffff, v1  }
0x150: {  	v1 =	vld @p0 [tilespmem:$0x38F8];
	_ =	sdelay $0x3  }
0x151: {  	s5 =	sshll.u32 @!p0 s3, $0x8  }
0x152: {  	s5 =	smov.u32 @p0 s0;
	[tilespmem:s4+$0x3968] =	vst.add.f32.msk @p0 $0xffff, v1  }
0x153: {  	s0 =	sshrl.u32 s5, $0x2;
	[tilespmem:s2+$0x3918] =	vst.msk $0x1, v0  }
0x154: {  	v0 =	vld [tilespmem:s0+$0x3938];
	_ =	sdelay $0x2  }
0x155: {  	s31 =	sshll.u32 s2, $0x8  }
0x156: {  	s4 =	sshra.s32 s31, $0x2  }
0x157: {  	[tilespmem:s4+$0x3938] =	vst v0  }
0x158: {  	v0 =	vld [tilespmem:s0+$0x3948];
	_ =	sdelay $0x4  }
0x159: {  	[tilespmem:s4+$0x3948] =	vst v0  }
0x15a: {  	v0 =	vld [tilespmem:s0+$0x3958];
	_ =	sdelay $0x4  }
0x15b: {  	[tilespmem:s4+$0x3958] =	vst v0  }
0x15c: {  	v0 =	vld [tilespmem:s0+$0x3968];
	_ =	sdelay $0x4  }
0x15d: {  	s2 =	sadd.s32 $0x1, s2;
	[tilespmem:s4+$0x3968] =	vst v0  }
.LBB2_37:
0x15e: {  	s3 =	sadd.s32 $0x1, s3  }
0x15f: {  	p0 =	sne.s32 s3, $0x20  }
.Ltmp24:
0x160: {  	_ = 	snop;
	(pc) =	sbr.rel @!p0 .LBB2_38-.Ltmp24, $1  }
0x161: {  	_ =	sdelay $0x3  }
.LBB2_30:
0x162: {  	v0 =	vld.msk [tilespmem:s3+$0x3918], $0x1;
	_ =	sdelay $0x4  }
0x163: {  	(v2sf) =	vpush v0, $0x0;
	_ =	sdelay $0xe  }
0x164: {  	s4 =	spop (v2sf)  }
0x165: {  	p0 =	seq.s32 s4, $0xFFFFFFFF  }
.Ltmp25:
0x166: {  	_ = 	snop;
	(pc) =	sbr.rel @p0 .LBB2_37-.Ltmp25, $1  }
0x167: {  	_ =	sdelay $0x3  }
0x168: {  	p0 =	slt.s32 s2, $0x1  }
.Ltmp26:
0x169: {  	_ = 	snop;
	(pc) =	sbr.rel @p0 .LBB2_36-.Ltmp26, $1  }
0x16a: {  	_ =	sdelay $0x3  }
0x16b: {  	s5 =	simm.s32 $0x3918;
	p0 =	por $0x0, $0x0  }
0x16c: {  	v1 =	vld.msk @!p0 [tilespmem:s5+$0x0], $0x1;
	_ =	sdelay $0x4  }
0x16d: {  	(v2sf) =	vpush @!p0 v1, $0x0;
	_ =	sdelay $0xd  }
0x16e: {  	p2 =	sne.s32 s2, $0x1  }
.Ltmp27:
0x16f: {  	s0 =	spop @!p0 (v2sf);
	(pc) =	sbr.rel @!p2 .LBB2_34-.Ltmp27, $4  }
0x170: {  	p1 =	seq.s32 @!p0 s4, s0  }
0x171: {  	s6 =	simm.s32 $0x0;
	p1 =	por !p1, p0  }
0x172: {  	s0 =	simm.s32 $0xFFFFFFFF;
	s6 =	simm.s32 @p1 $0xFFFFFFFF  }
0x173: {  	s7 =	simm.s32 $0x1;
	s6 =	smov.u32 @p0 s0  }
.LBB2_33:
0x174: {  	s0 =	smov.u32 s6;
	p0 =	sne.s32 s6, $0xFFFFFFFF  }
0x175: {  	s5 =	sadd.s32 $0x1, s5;
	s6 =	smov.u32 s7;
	s7 =	sadd.s32 $0x1, s7  }
0x176: {  	p1 =	sne.s32 s2, s7;
	v1 =	vld.msk @!p0 [tilespmem:s5+$0x0], $0x1;
	_ =	sdelay $0x4  }
0x177: {  	(v2sf) =	vpush @!p0 v1, $0x0;
	_ =	sdelay $0xe  }
.Ltmp28:
0x178: {  	s8 =	spop @!p0 (v2sf);
	(pc) =	sbr.rel @p1 .LBB2_33-.Ltmp28, $4  }
0x179: {  	p2 =	seq.s32 @!p0 s4, s8  }
0x17a: {  	p2 =	por !p2, p0  }
0x17b: {  	s6 =	simm.s32 @p2 $0xFFFFFFFF  }
0x17c: {  	s6 =	smov.u32 @p0 s0  }
.LBB2_34:
0x17d: {  	p0 =	seq.s32 s6, $0xFFFFFFFF  }
.Ltmp29:
0x17e: {  	_ = 	snop;
	(pc) =	sbr.rel @p0 .LBB2_36-.Ltmp29, $1  }
0x17f: {  	_ =	sdelay $0x3  }
0x180: {  	s0 =	sshll.u32 s3, $0x6  }
0x181: {  	s0 =	sand.u32 $0x3FFFFFC0, s0  }
0x182: {  	v0 =	vld [tilespmem:s0+$0x3938];
	_ =	sdelay $0x2  }
0x183: {  	s4 =	sshll.u32 s6, $0x8  }
0x184: {  	s4 =	sshra.s32 s4, $0x2  }
0x185: {  	[tilespmem:s4+$0x3938] =	vst.add.f32.msk $0xffff, v0  }
0x186: {  	v0 =	vld [tilespmem:s0+$0x3948];
	_ =	sdelay $0x4  }
0x187: {  	[tilespmem:s4+$0x3948] =	vst.add.f32.msk $0xffff, v0  }
0x188: {  	v0 =	vld [tilespmem:s0+$0x3958];
	_ =	sdelay $0x4  }
0x189: {  	[tilespmem:s4+$0x3958] =	vst.add.f32.msk $0xffff, v0  }
0x18a: {  	v0 =	vld [tilespmem:s0+$0x3968]  }
.Ltmp30:
0x18b: {  	_ = 	snop;
	(pc) =	sbr.rel .LBB2_37-.Ltmp30, $2  }
0x18c: {  	_ =	sdelay $0x2  }
0x18d: {  	[tilespmem:s4+$0x3968] =	vst.add.f32.msk $0xffff, v0  }
.LBB2_38:
0x18e: {  	p0 =	slt.s32 s2, $0x1  }
.Ltmp31:
0x18f: {  	_ = 	snop;
	(pc) =	sbr.rel @p0 .LBB2_42-.Ltmp31, $3  }
0x190: {  	_ =	sdelay $0x1  }
0x191: {  	s0 =	simm.s32 $0x6  }
0x192: {  	s3 =	simm.s32 $0x0;
	[sflag:s0] =	ssyncpa.u1 $0x1  }
0x193: {  	s0 =	simm.s32 $0x3918  }
0x194: {  	v0 =	vld.msk [tilespmem:s0+$0x0], $0x1;
	_ =	sdelay $0x4  }
0x195: {  	(v2sf) =	vpush v0, $0x0;
	_ =	sdelay $0xe  }
0x196: {  	s2 =	sadd.s32 $0xFFFFFFFF, s2;
	s0 =	spop (v2sf)  }
0x197: {  	p1 =	sne.s32 s2, $0x0;
	p0 =	sgt.u32 s0, $0x270F8  }
.Ltmp32:
0x198: {  	s5 =	sand.u32 @!p0 $0x3FFF8, s0;
	(pc) =	sbr.rel @!p1 .LBB2_41-.Ltmp32, $4  }
0x199: {  	s4 =	simm.s32 $0x3938;
	s0 =	sand.u32 @!p0 $0x7, s0;
	s5 =	sadd.s32 @!p0 s1, s5  }
0x19a: {  	[hbm4b:s5+s0] =	stream.linear.scatter @!p0 [tilespmem:s4], [sflag:$0x5], $0x40, $0x38;
	[tilespmem:$0xB368] =	vst v63  }
0x19b: {  	s0 =	simm.s32 $0x0  }
0x19c: {  	s5 =	simm.s32 $0x3919;
	s0 =	simm.s32 @!p0 $0x100  }
.LBB2_40:
0x19d: {  	v0 =	vld.msk [tilespmem:s5+$0x0], $0x1;
	s2 =	sadd.s32 $0xFFFFFFFF, s2;
	s3 =	sadd.s32 s3, s0  }
0x19e: {  	p0 =	sne.s32 s2, $0x0;
	_ =	sdelay $0x3  }
0x19f: {  	(v2sf) =	vpush v0, $0x0;
	_ =	sdelay $0xe  }
.Ltmp33:
0x1a0: {  	s6 =	spop (v2sf);
	(pc) =	sbr.rel @p0 .LBB2_40-.Ltmp33, $4  }
0x1a1: {  	s0 =	simm.s32 $0x0;
	p1 =	sgt.u32 s6, $0x270F8  }
0x1a2: {  	s4 =	sadd.s32 $0x40, s4;
	s0 =	simm.s32 @!p1 $0x100;
	s7 =	sand.u32 @!p1 $0x3FFF8, s6  }
0x1a3: {  	s5 =	sadd.s32 $0x1, s5;
	s6 =	sand.u32 @!p1 $0x7, s6;
	s7 =	sadd.s32 @!p1 s1, s7  }
0x1a4: {  	[hbm4b:s7+s6] =	stream.linear.scatter @!p1 [tilespmem:s4], [sflag:$0x5], $0x40, $0x38;
	[tilespmem:$0xB368] =	vst v63  }
.LBB2_41:
0x1a5: {  	s0 =	sadd.s32 s3, s0  }
0x1a6: {  	s3 =	sshrl.u32 s0, $0x2  }
.LBB2_42:
0x1a7: {  	s0 =	simm.s32 $0x5  }
0x1a8: {  	_ =	swait.ge [sflag:s0], s3  }
0x1a9: {  	s1 =	ssub.s32 $0x0, s3;
	[sflag:s0] =	ssyncset.done $0x0  }
0x1aa: {  	[sflag:s0] =	ssyncadd.s32 s1  }
0x1ab: {  	[sflag:s0] =	ssyncpa.u1 $0x1  }
0x1ac: {  	s30 =	simm.s32 $0x1;
	_ =	sfence  }
0x1ad: {  	[sflag:s30] =	ssyncpa.u1 $0x1  }
0x1ae: {  	_ =	strace $0x90000065  }
0x1af: {  	[bflag:$0x2] =	sbarrier.arrive $0xFFFF  }
0x1b0: {  	s31 =	rddreg [dreg:$0x2]  }
0x1b1: {  	s0 =	sadd.s32 $0x100000, s31  }
0x1b2: {  	[sflag:s0] =	ssyncadd.tile.s32 $0x1;
	_ =	shalt  }
.Lfunc_end2:
_tile_overlayer_lowered:
.L_overlay_start_2:
0x1b3: {  	(tag) =	ssettag $0x2  }
0x1b4: {  	s0 =	rddreg [dreg:$0x0];
	s2 =	stileid.u32  }
0x1b5: {  	s1 =	rddreg [dreg:$0x1];
	p0 =	sne.s32 s2, $0x0  }
0x1b6: {  	s3 =	rddreg [dreg:$0x2];
	[bflag:$0x3] =	sbarrier.arrive $0xFFFF;
	s2 =	simm.s32 @!p0 $0x1C01  }
0x1b7: {  	[timem:s3], [sflag:s2] =	dma.local @!p0 [hbm:s0], s1  }
0x1b8: {  	s0 =	simm.s32 @!p0 $0x1  }
0x1b9: {  	_ =	swait.ge @!p0 [sflag:s0], s1  }
0x1ba: {  	s1 =	ssub.s32 @!p0 $0x0, s1;
	[sflag:s0] =	ssyncset.done @!p0 $0x0  }
0x1bb: {  	[sflag:s0] =	ssyncadd.s32 @!p0 s1  }
0x1bc: {  	[bflag:$0x3] =	sbarrier.arrive $0xFFFF  }
0x1bd: {  	_ =	shalt  }

// kernel: scatter_offload_async_start.3
scs
__scs_entry_jumppad:
0x0: {  	(pc) =	sbr.rel $0x88, $3  }
0x1: {  	(tag) =	ssettag $0x0;
	lr =	simm.s32 $0x1  }
0x2: {  	[smem:$0x3F8E] =	sst lr;
	_ =	strace $0xD0000000  }
0x3: {  	_ = 	snop  }
0x4: {  	_ = 	snop  }
0x5: {  	_ = 	snop  }
0x6: {  	_ = 	snop  }
0x7: {  	_ = 	snop  }
__scs_overlays_trampoline_lowered:
0x8: {  	[smem:$0x3F9D] =	sst s0  }
0x9: {  	[smem:$0x3F9E] =	sst s1  }
0xa: {  	[smem:$0x3F9F] =	sst s2  }
0xb: {  	[smem:$0x3FA0] =	sst s3  }
0xc: {  	[smem:$0x3FA1] =	sst s4  }
0xd: {  	[smem:$0x3FA2] =	sst s5  }
0xe: {  	[smem:$0x3FA3] =	sst s6  }
0xf: {  	[smem:$0x3FA4] =	sst s7  }
0x10: {  	[smem:$0x3FA5] =	sst s8  }
0x11: {  	[smem:$0x3FA6] =	sst s9;
	s0 =	simm.s32 @!p0 $0x0  }
0x12: {  	s1 =	sld [smem:$0x3F8C];
	s0 =	simm.s32 @p0 $0x1  }
0x13: {  	[smem:$0x3FA7] =	sst s0;
	s0 =	simm.s32 @!p1 $0x0  }
0x14: {  	s2 =	sld [smem:$0x3F8B];
	s0 =	simm.s32 @p1 $0x1  }
0x15: {  	[smem:$0x3FA8] =	sst s0;
	s0 =	simm.s32 @!p2 $0x0  }
0x16: {  	s3 =	sld [smem:$0x3FDB];
	s0 =	simm.s32 @p2 $0x1  }
0x17: {  	s4 =	simm.s32 $0x1BF5;
	[smem:$0x3FAA] =	sst s0  }
0x18: {  	s0 =	sld [smem:$0x3F8D];
	_ =	swait.ge [sflag:s4], $0x0  }
0x19: {  	s7 =	sld [smem:$0x3F8E]  }
0x1a: {  	s8 =	sadd.s32 $0xFFFFE003, lr  }
0x1b: {  	s9 =	sadd.s32 $0xFFFFFEF7, lr;
	s5 =	simm.s32 $0xFFFFFFFF;
	p2 =	slt.u32 s8, $0xFFFFF086  }
0x1c: {  	p1 =	slt.u32 s9, $0xF7A;
	s5 =	simm.s32 @!p2 $0x0  }
0x1d: {  	s5 =	simm.s32 @p1 $0x1;
	p0 =	seq.s32 s7, s2  }
0x1e: {  	s7 =	smul.u32 @!p0 $0xF7A, s2;
	p2 =	seq.s32 @!p0 s5, $0x0  }
0x1f: {  	s9 =	smul.u32 $0xF7A, s1;
	s8 =	simm.s32 @!p0 $0x1BF5;
	p2 =	por !p2, p0  }
0x20: {  	[sflag:s8] =	ssyncset.s32 @!p0 $0xFFFFF086;
	s6 =	sadd.s32 @!p0 s3, s7;
	s7 =	simm.s32 @!p0 $0x108  }
0x21: {  	s3 =	sadd.s32 s3, s9;
	s6 =	sadd.s32 @!p0 $0x88, s6;
	s7 =	simm.s32 @p2 $0x1082  }
0x22: {  	[simem:s7], [sflag:s8] =	dma.local @!p0 [hbm:s6], $0xF7A  }
0x23: {  	s9 =	sor.u32 $0xD0000000, s2;
	s6 =	simm.s32 $0x108;
	_ =	swait.ge @!p0 [sflag:s8], $0x0  }
0x24: {  	s3 =	sadd.s32 $0x88, s3;
	s6 =	simm.s32 @!p1 $0x1082;
	[sflag:s4] =	ssyncset.s32 $0xFFFFF086  }
0x25: {  	[simem:s6], [sflag:s4] =	dma.local [hbm:s3], $0xF7A  }
0x26: {  	[smem:$0x3F8E] =	sst s1;
	(tag) =	ssettag s2;
	_ =	strace s9  }
0x27: {  	s1 =	sld [smem:$0x3F9E]  }
0x28: {  	s2 =	sld [smem:$0x3F9F]  }
0x29: {  	s4 =	sld [smem:$0x3FA1]  }
0x2a: {  	p0 =	seq.s32 s5, $0x0;
	s5 =	sld [smem:$0x3FA2]  }
0x2b: {  	s6 =	sld [smem:$0x3FA3]  }
0x2c: {  	s7 =	sld [smem:$0x3FA4]  }
0x2d: {  	s3 =	simm.s32 $0x108;
	s8 =	sld [smem:$0x3FA5]  }
0x2e: {  	s3 =	simm.s32 @!p0 $0x1082;
	s9 =	sld [smem:$0x3FA6]  }
0x2f: {  	lr =	sadd.s32 s0, s3;
	s0 =	sld [smem:$0x3F9D]  }
0x30: {  	s3 =	sld [smem:$0x3FA0]  }
0x31: {  	[smem:$0x3FA9] =	sst s10  }
0x32: {  	s10 =	sld [smem:$0x3FA7];
	_ =	sdelay $0x3  }
0x33: {  	p0 =	seq.s32 s10, $0x1;
	s10 =	sld [smem:$0x3FA9];
	_ =	sdelay $0x3  }
0x34: {  	[smem:$0x3FA9] =	sst s10  }
0x35: {  	s10 =	sld [smem:$0x3FA8];
	_ =	sdelay $0x3  }
0x36: {  	p1 =	seq.s32 s10, $0x1;
	s10 =	sld [smem:$0x3FA9];
	_ =	sdelay $0x3  }
0x37: {  	[smem:$0x3FA9] =	sst s10  }
0x38: {  	s10 =	sld [smem:$0x3FAA]  }
0x39: {  	_ = 	snop;
	(pc) =	sbr.ind lr, $3  }
0x3a: {  	_ = 	snop  }
0x3b: {  	_ = 	snop  }
0x3c: {  	p2 =	seq.s32 s10, $0x1;
	s10 =	sld [smem:$0x3FA9]  }
0x3d: {  	_ =	shalt  }
0x3e: {  	_ =	shalt  }
0x3f: {  	_ =	shalt  }
0x40: {  	_ =	shalt  }
0x41: {  	_ =	shalt  }
0x42: {  	_ =	shalt  }
0x43: {  	_ =	shalt  }
0x44: {  	_ =	shalt  }
0x45: {  	_ =	shalt  }
0x46: {  	_ =	shalt  }
0x47: {  	_ =	shalt  }
0x48: {  	_ =	shalt  }
0x49: {  	_ =	shalt  }
0x4a: {  	_ =	shalt  }
0x4b: {  	_ =	shalt  }
0x4c: {  	_ =	shalt  }
0x4d: {  	_ =	shalt  }
0x4e: {  	_ =	shalt  }
0x4f: {  	_ =	shalt  }
0x50: {  	_ =	shalt  }
0x51: {  	_ =	shalt  }
0x52: {  	_ =	shalt  }
0x53: {  	_ =	shalt  }
0x54: {  	_ =	shalt  }
0x55: {  	_ =	shalt  }
0x56: {  	_ =	shalt  }
0x57: {  	_ =	shalt  }
0x58: {  	_ =	shalt  }
0x59: {  	_ =	shalt  }
0x5a: {  	_ =	shalt  }
0x5b: {  	_ =	shalt  }
0x5c: {  	_ =	shalt  }
0x5d: {  	_ =	shalt  }
0x5e: {  	_ =	shalt  }
0x5f: {  	_ =	shalt  }
0x60: {  	_ =	shalt  }
0x61: {  	_ =	shalt  }
0x62: {  	_ =	shalt  }
0x63: {  	_ =	shalt  }
0x64: {  	_ =	shalt  }
0x65: {  	_ =	shalt  }
0x66: {  	_ =	shalt  }
0x67: {  	_ =	shalt  }
0x68: {  	_ =	shalt  }
0x69: {  	_ =	shalt  }
0x6a: {  	_ =	shalt  }
0x6b: {  	_ =	shalt  }
0x6c: {  	_ =	shalt  }
0x6d: {  	_ =	shalt  }
0x6e: {  	_ =	shalt  }
0x6f: {  	_ =	shalt  }
0x70: {  	_ =	shalt  }
0x71: {  	_ =	shalt  }
0x72: {  	_ =	shalt  }
0x73: {  	_ =	shalt  }
0x74: {  	_ =	shalt  }
0x75: {  	_ =	shalt  }
0x76: {  	_ =	shalt  }
0x77: {  	_ =	shalt  }
0x78: {  	_ =	shalt  }
0x79: {  	_ =	shalt  }
0x7a: {  	_ =	shalt  }
0x7b: {  	_ =	shalt  }
0x7c: {  	_ =	shalt  }
0x7d: {  	_ =	shalt  }
0x7e: {  	_ =	shalt  }
0x7f: {  	_ =	shalt  }
0x80: {  	_ =	shalt  }
0x81: {  	_ =	shalt  }
0x82: {  	_ =	shalt  }
0x83: {  	_ =	shalt  }
0x84: {  	_ =	shalt  }
0x85: {  	_ =	shalt  }
0x86: {  	_ =	shalt  }
0x87: {  	_ =	shalt  }
.Lfunc_end0:
.L_simem_size_0:
called_computation.3_lowered:
.L_overlay_start_0:
0x88: {  	s0 =	sld [smem:$0x3FD9]  }
0x89: {  	s1 =	sld [smem:$0x3FFE];
	_ =	sdelay $0x3  }
0x8a: {  	s0 =	sadd.s32 s1, s0  }
0x8b: {  	[smem:$0x3FB5] =	sst s0  }
0x8c: {  	_ = 	snop  }
0x8d: {  	s14 =	sld [smem:$0x3FD0];
	(tm) =	ssettm $0x1  }
0x8e: {  	s15 =	sld [smem:$0x3FFB];
	_ =	sdelay $0x3  }
0x8f: {  	_ =	strace s15  }
0x90: {  	s0 =	sld [smem:$0x3FFC];
	_ =	sdelay $0x3  }
0x91: {  	_ =	strace s0  }
0x92: {  	s0 =	sld [smem:$0x3FFD];
	_ =	sdelay $0x3  }
0x93: {  	_ =	strace s0  }
0x94: {  	_ =	strace $0x8FFFFFFF  }
0x95: {  	s16 =	sld [smem:$0x3FDB];
	_ =	sdelay $0x1  }
0x96: {  	s2 =	simm.s32 $_scs_section_size  }
0x97: {  	s3 =	simm.s32 $_size__tile_overlayer_lowered;
	s4 =	simm.s32 $_tile_overlayer_lowered  }
0x98: {  	s5 =	simm.s32 $0x1BFF;
	s17 =	sshll.u32 s4, $0x1;
	s2 =	sadd.s32 s2, s16  }
0x99: {  	s18 =	simm.s32 $0x0;
	s3 =	sshll.u32 s3, $0x1;
	s4 =	sadd.s32 s17, s2  }
0x9a: {  	[timem:s18], [sflag:s5] =	dma.local [hbm:s4], s3  }
0x9b: {  	_ =	swait.ge [sflag:s5], s3  }
0x9c: {  	s3 =	ssub.s32 $0x0, s3;
	[sflag:s5] =	ssyncset.done $0x0  }
0x9d: {  	[sflag:s5] =	ssyncadd.s32 s3;
	_ =	sdelay $0x1  }
0x9e: {  	s19 =	simm.s32 $0x1B8B  }
0x9f: {  	_ =	swait.ge [sflag:s19], $0x1  }
0xa0: {  	[sflag:s19] =	ssyncset.done $0x0  }
0xa1: {  	s21 =	simm.s32 $0x1B8E;
	s20 =	sld [smem:$0x3FFE];
	[sflag:s19] =	ssyncadd.s32 $0xFFFFFFFF  }
0xa2: {  	s22 =	simm.s32 $execute0_lowered;
	[smem:$0x3FD2] =	sst s21  }
0xa3: {  	s4 =	sshll.u32 s22, $0x1;
	_ =	strace $0x80000052;
	[dreg:$0x1] =	wrdreg $0xFFFFFFFF  }
0xa4: {  	s23 =	simm.s32 $_size_execute0_lowered;
	s4 =	sadd.s32 s2, s4;
	[dreg:$0x0] =	wrdreg $0x0  }
0xa5: {  	s5 =	sshll.u32 s23, $0x1;
	[dreg:$0x2] =	wrdreg s4  }
0xa6: {  	[dreg:$0x3] =	wrdreg s5  }
0xa7: {  	[dreg:$0x4] =	wrdreg $0xC0  }
0xa8: {  	s24 =	simm.s32 $execute1_lowered;
	_ =	task [dreg:s18], $0x5FFFF  }
0xa9: {  	s4 =	sshll.u32 s24, $0x1;
	[dreg:$0x1] =	wrdreg $0xFFFFFFFF  }
0xaa: {  	s2 =	sadd.s32 s2, s4;
	[dreg:$0x0] =	wrdreg $0x60  }
0xab: {  	[dreg:$0x2] =	wrdreg s2  }
0xac: {  	[dreg:$0x3] =	wrdreg s20  }
0xad: {  	[dreg:$0x4] =	wrdreg $0x9  }
0xae: {  	_ =	task.clear_ibuf [dreg:s18], $0x5FFFF;
	_ =	strace $0x90000052  }
0xaf: {  	s25 =	simm.s32 $0x9;
	_ =	strace $0x80000054  }
0xb0: {  	_ =	swait.ge [sflag:s25], $0x1  }
0xb1: {  	[sflag:s25] =	ssyncadd.s32 $0xFFFFFFFF  }
0xb2: {  	_ =	strace $0x90000054  }
0xb3: {  	_ =	strace $0x80000055;
	[dreg:$0x1] =	wrdreg $0xFFFFFFFF  }
0xb4: {  	[dreg:$0x0] =	wrdreg $0x2030  }
0xb5: {  	[dreg:$0x2] =	wrdreg s20  }
0xb6: {  	[dreg:$0x3] =	wrdreg s14  }
0xb7: {  	[dreg:$0x4] =	wrdreg $0xA  }
0xb8: {  	_ =	task.clear_ibuf [dreg:s18], $0x5FFFF;
	_ =	strace $0x90000055  }
0xb9: {  	s26 =	simm.s32 $0xA;
	_ =	strace $0x80000057  }
0xba: {  	_ =	swait.ge [sflag:s26], $0x1  }
0xbb: {  	[sflag:s26] =	ssyncadd.s32 $0xFFFFFFFF  }
0xbc: {  	_ =	strace $0x90000057  }
0xbd: {  	_ =	sfence  }
0xbe: {  	s28 =	sld [smem:$0x0];
	_ =	sdelay $0x1  }
0xbf: {  	s29 =	srdreg.scid  }
0xc0: {  	s30 =	sshll.u32 s29, $0xD;
	s31 =	sshrl.u32 s29, $0x2  }
0xc1: {  	s3 =	sand.u32 $0x4000, s30;
	s2 =	sand.u32 $0x1, s29;
	s1 =	sadd.s32 s31, s28  }
0xc2: {  	s2 =	sor.u32 s3, s2;
	s1 =	sshll.u32 s1, $0x11  }
0xc3: {  	s1 =	sor.u32 s1, s2  }
0xc4: {  	s1 =	sadd.s32 $0x8F2B, s1  }
0xc5: {  	[sflag:s1] =	ssyncadd.remote.s32 $0x1  }
0xc6: {  	_ =	sfence.sel $0xFFFF  }
0xc7: {  	[dreg:$0x0] =	wrdreg $0xFFFFFFFF;
	(pc) =	sbr.abs _section_cstart, $3  }
0xc8: {  	[dreg:$0x1] =	wrdreg $0xFFFFFFFF  }
0xc9: {  	_ =	task.clear_ibuf [dreg:s18], $0x2FFFF;
	_ =	strace $0x9FFFFFFF  }
0xca: {  	(tm) =	ssettm $0x7FFFFFFF  }
0xcb: {  	_ =	shalt  }
tec
execute0_lowered:
.L_overlay_start_1:
0x0: {  	(tag) =	ssettag $0x1  }
0x1: {  	s3 =	rddreg [dreg:$0x0];
	s4 =	stileid.u32  }
0x2: {  	s5 =	rddreg [dreg:$0x1];
	s2 =	smul.u32 $0x3E80, s4  }
0x3: {  	s0 =	rddreg [dreg:$0x2];
	[bflag:$0x3] =	sbarrier.arrive $0xFFFF;
	s1 =	simm.s32 $_size_execute1_lowered  }
0x4: {  	s1 =	sshll.u32 s1, $0x1;
	p0 =	sne.s32 s4, $0x0;
	s6 =	ssub.s32 $0x1388000, s2  }
0x5: {  	s4 =	simm.s32 @!p0 $0x1C3F;
	s7 =	simm.s32 @!p0 $0x4060;
	s8 =	smulhi.u32 $0x20C49BB, s6  }
0x6: {  	[timem:s7], [sflag:s4] =	dma.local @!p0 [hbm:s3], s1  }
0x7: {  	s30 =	sshrl.u32 s8, $0xB  }
0x8: {  	s31 =	simm.s32 $0x2;
	s8 =	smul.u32 $0x3E800, s30  }
.Ltmp0:
0x9: {  	s10 =	simm.s32 $0x0;
	s9 =	simm.s32 $0x0;
	(pc) =	sbr.rel .LBB2_1-.Ltmp0, $4  }
0xa: {  	s3 =	sadd.s32 $0xBD400, s5;
	p1 =	sne.s32 s6, s8;
	s6 =	simm.s32 $0x1  }
0xb: {  	s4 =	simm.s32 $0x1;
	_ =	strace $0x80000053;
	s6 =	simm.s32 @!p1 $0x0  }
0xc: {  	s5 =	sadd.s32 $0x5A7400, s5;
	[sflag:s4] =	ssyncpa.u1 $0x0;
	s6 =	sadd.s32 s6, s30  }
0xd: {  	[sflag:s31] =	ssyncpa.u1 $0x0;
	s8 =	smov.u32 s2;
	s7 =	sadd.s32 $0x1, s6  }
.LBB2_7:
0xe: {  	s12 =	sadd.s32 $0x3E800, s8  }
0xf: {  	p2 =	sgt.s32 s12, $0x1387FFF  }
0x10: {  	s12 =	smov.u32 @p2 s2;
	p2 =	sne.s32 s9, s7  }
.Ltmp1:
0x11: {  	p1 =	slt.u32 s9, $0x2;
	(pc) =	sbr.rel @!p2 .LBB2_8-.Ltmp1, $4  }
0x12: {  	s11 =	simm.s32 @!p1 $0x2  }
0x13: {  	_ =	swait.ge @!p1 [sflag:s11], $0x3E80  }
0x14: {  	s13 =	sadd.s32 $0x1, s9;
	s10 =	smov.u32 s8;
	[sflag:s11] =	ssyncset.done @!p1 $0x0  }
0x15: {  	s9 =	smov.u32 s13;
	s8 =	smov.u32 s12;
	[sflag:s11] =	ssyncadd.s32 @!p1 $0xFFFFC180  }
.LBB2_1:
0x16: {  	p1 =	sge.u32 s9, s6  }
0x17: {  	s11 =	sxor.u32 @!p1 $0xFFFFFFFF, s9  }
0x18: {  	s11 =	sand.u32 @!p1 $0x1, s11  }
0x19: {  	s11 =	smul.u32 @!p1 $0xFA00, s11  }
0x1a: {  	s31 =	sadd.s32 $0xFFFFFFFF, s9;
	s12 =	sshrl.u32 @!p1 s8, $0x3  }
0x1b: {  	s13 =	sand.u32 @!p1 $0x7, s8;
	s12 =	sadd.s32 @!p1 s3, s12;
	s11 =	sshrl.u32 @!p1 s11, $0x2  }
0x1c: {  	[tilespmem:s11], [sflag:$0x1] =	stream.linear.gather @!p1 [hbm4b:s12+s13], $0x3E80, $0x38;
	[tilespmem:$0xFA00] =	vst v63  }
0x1d: {  	p1 =	sge.u32 s31, s6  }
.Ltmp2:
0x1e: {  	_ = 	snop;
	(pc) =	sbr.rel @p1 .LBB2_7-.Ltmp2, $1  }
0x1f: {  	_ =	sdelay $0x3  }
0x20: {  	s11 =	sand.u32 $0x1, s9  }
0x21: {  	_ =	swait.ge [sflag:s4], $0x3E80;
	s13 =	simm.s32 $0x3E80;
	p1 =	seq.s32 s11, $0x1  }
0x22: {  	[sflag:s4] =	ssyncset.done $0x0;
	s13 =	simm.s32 @!p1 $0x0  }
0x23: {  	[sflag:s4] =	ssyncadd.s32 $0xFFFFC180;
	s15 =	sadd.s32 $0x80, s13  }
0x24: {  	v0 =	vld [tilespmem:s15+$0x70]  }
0x25: {  	v1 =	vld [tilespmem:s15+$0xFFFFFF90]  }
0x26: {  	v2 =	vld [tilespmem:s15+$0xFFFFFFA0]  }
0x27: {  	v3 =	vld [tilespmem:s15+$0xFFFFFFB0]  }
0x28: {  	s11 =	sadd.s32 $0x7D80, s13;
	v4 =	vld [tilespmem:s15+$0xFFFFFFC0]  }
0x29: {  	v5 =	vld [tilespmem:s15+$0xFFFFFFD0];
	[tilespmem:s11+$0x70] =	vst v0  }
0x2a: {  	[tilespmem:s11+$0xFFFFFF90] =	vst v1;
	v0 =	vld [tilespmem:s15+$0xFFFFFFE0]  }
0x2b: {  	[tilespmem:s11+$0xFFFFFFA0] =	vst v2;
	v1 =	vld [tilespmem:s15+$0xFFFFFFF0]  }
0x2c: {  	[tilespmem:s11+$0xFFFFFFB0] =	vst v3;
	v2 =	vld [tilespmem:s15+$0x0]  }
0x2d: {  	[tilespmem:s11+$0xFFFFFFC0] =	vst v4;
	v3 =	vld [tilespmem:s15+$0x10]  }
0x2e: {  	[tilespmem:s11+$0xFFFFFFD0] =	vst v5;
	v5 =	vld [tilespmem:s15+$0x20]  }
0x2f: {  	[tilespmem:s11+$0xFFFFFFE0] =	vst v0;
	v0 =	vld [tilespmem:s15+$0x30]  }
0x30: {  	[tilespmem:s11+$0xFFFFFFF0] =	vst v1;
	v1 =	vld [tilespmem:s15+$0x40]  }
0x31: {  	[tilespmem:s11+$0x0] =	vst v2;
	v2 =	vld [tilespmem:s15+$0x50]  }
0x32: {  	s14 =	simm.s32 $0x0;
	[tilespmem:s11+$0x10] =	vst v3;
	v3 =	vld [tilespmem:s15+$0x60]  }
0x33: {  	s12 =	sadd.s32 $0x7D00, s13;
	s13 =	sshll.u32 s13, $0x2;
	v4 =	vld [tilespmem:s15+$0xFFFFFF80];
	[tilespmem:s11+$0x20] =	vst v5;
	s15 =	sadd.s32 $0x100, s15  }
.LBB2_3:
0x34: {  	v5 =	vld [tilespmem:s15+$0x70];
	s14 =	sadd.s32 $0x100, s14;
	[tilespmem:s11+$0x30] =	vst v0  }
0x35: {  	v0 =	vld [tilespmem:s15+$0xFFFFFF90];
	p1 =	slt.u32 s14, $0x3D00;
	[tilespmem:s11+$0x40] =	vst v1  }
0x36: {  	v1 =	vld [tilespmem:s15+$0xFFFFFFA0];
	[tilespmem:s11+$0x50] =	vst v2  }
0x37: {  	v2 =	vld [tilespmem:s15+$0xFFFFFFB0];
	[tilespmem:s11+$0x60] =	vst v3  }
0x38: {  	v3 =	vld [tilespmem:s15+$0xFFFFFFC0];
	[tilespmem:s11+$0xFFFFFF80] =	vst v4;
	s11 =	sadd.s32 $0x100, s11  }
0x39: {  	v4 =	vld [tilespmem:s15+$0xFFFFFFD0];
	[tilespmem:s11+$0x70] =	vst v5  }
0x3a: {  	[tilespmem:s11+$0xFFFFFF90] =	vst v0;
	v0 =	vld [tilespmem:s15+$0xFFFFFFE0]  }
0x3b: {  	[tilespmem:s11+$0xFFFFFFA0] =	vst v1;
	v1 =	vld [tilespmem:s15+$0xFFFFFFF0]  }
0x3c: {  	[tilespmem:s11+$0xFFFFFFB0] =	vst v2;
	v2 =	vld [tilespmem:s15+$0x0]  }
0x3d: {  	[tilespmem:s11+$0xFFFFFFC0] =	vst v3;
	v3 =	vld [tilespmem:s15+$0x10]  }
0x3e: {  	[tilespmem:s11+$0xFFFFFFD0] =	vst v4;
	v5 =	vld [tilespmem:s15+$0x20]  }
.Ltmp3:
0x3f: {  	[tilespmem:s11+$0xFFFFFFE0] =	vst v0;
	v0 =	vld [tilespmem:s15+$0x30];
	(pc) =	sbr.rel @p1 .LBB2_3-.Ltmp3, $4  }
0x40: {  	[tilespmem:s11+$0xFFFFFFF0] =	vst v1;
	v1 =	vld [tilespmem:s15+$0x40]  }
0x41: {  	[tilespmem:s11+$0x0] =	vst v2;
	v2 =	vld [tilespmem:s15+$0x50]  }
0x42: {  	[tilespmem:s11+$0x10] =	vst v3;
	v3 =	vld [tilespmem:s15+$0x60]  }
0x43: {  	v4 =	vld [tilespmem:s15+$0xFFFFFF80];
	[tilespmem:s11+$0x20] =	vst v5;
	s15 =	sadd.s32 $0x100, s15  }
0x44: {  	[tilespmem:s11+$0x30] =	vst v0  }
0x45: {  	[tilespmem:s11+$0x40] =	vst v1  }
0x46: {  	[tilespmem:s11+$0x50] =	vst v2  }
0x47: {  	s13 =	sshrl.u32 s13, $0x2;
	[tilespmem:s11+$0x60] =	vst v3  }
0x48: {  	s14 =	simm.s32 $0x3DF0;
	[tilespmem:s11+$0xFFFFFF80] =	vst v4;
	s11 =	sadd.s32 $0xBB00, s13;
	s13 =	sadd.s32 $0x3E00, s13  }
.LBB2_5:
0x49: {  	s14 =	sadd.s32 $0x10, s14  }
0x4a: {  	v0 =	vld [tilespmem:s13+$0x0];
	p1 =	slt.u32 s14, $0x3E70  }
.Ltmp4:
0x4b: {  	_ = 	snop;
	(pc) =	sbr.rel @p1 .LBB2_5-.Ltmp4, $2  }
0x4c: {  	_ =	sdelay $0x2  }
0x4d: {  	s13 =	sadd.s32 $0x10, s13;
	[tilespmem:s11+$0x0] =	vst v0;
	s11 =	sadd.s32 $0x10, s11  }
.Ltmp5:
0x4e: {  	(pc) =	sbr.rel .LBB2_7-.Ltmp5, $4  }
0x4f: {  	_ = 	snop  }
0x50: {  	s11 =	sshrl.u32 s10, $0x3  }
0x51: {  	s31 =	sand.u32 $0x7, s10;
	s11 =	sadd.s32 s5, s11  }
0x52: {  	[hbm4b:s11+s31] =	stream.linear.scatter [tilespmem:s12], [sflag:$0x2], $0x3E80, $0x38;
	[tilespmem:$0xFA00] =	vst v63  }
.LBB2_8:
0x53: {  	_ =	sfence.sel $0x180000  }
0x54: {  	s2 =	simm.s32 $0x1;
	[bflag:$0x0] =	sbarrier.arrive $0xFFFF  }
0x55: {  	s31 =	simm.s32 $0x2;
	[sflag:s2] =	ssyncpa.u1 $0x1  }
0x56: {  	[sflag:s31] =	ssyncpa.u1 $0x1  }
0x57: {  	_ =	strace $0x90000053  }
0x58: {  	s0 =	sadd.s32 @!p0 $0x100000, s0;
	[bflag:$0x2] =	sbarrier.arrive $0xFFFF  }
0x59: {  	[sflag:s0] =	ssyncadd.tile.s32 @!p0 $0x1;
	s0 =	simm.s32 @!p0 $0x3F  }
0x5a: {  	_ =	swait.ge @!p0 [sflag:s0], s1  }
0x5b: {  	s1 =	ssub.s32 @!p0 $0x0, s1;
	[sflag:s0] =	ssyncset.done @!p0 $0x0  }
0x5c: {  	[sflag:s0] =	ssyncadd.s32 @!p0 s1  }
0x5d: {  	[bflag:$0x3] =	sbarrier.arrive $0xFFFF  }
0x5e: {  	_ =	shalt  }
.Lfunc_end2:
execute1_lowered:
.L_overlay_start_2:
0x5f: {  	(tag) =	ssettag $0x2  }
0x60: {  	s3 =	stileid.u32  }
0x61: {  	s0 =	rddreg [dreg:$0x0];
	s1 =	smul.u32 $0x7, s3  }
0x62: {  	_ =	strace $0x80000056;
	s2 =	simm.s32 $0x1;
	s4 =	smin.u32 s3, $0x3  }
0x63: {  	v1 =	vimm.s32 $0xFFFFFFFF;
	[sflag:s2] =	ssyncpa.u1 $0x0;
	s1 =	sadd.s32 s4, s1  }
0x64: {  	p0 =	slt.u32 s3, $0x3;
	[tilespmem:$0x10] =	vst v1;
	s4 =	smul.u32 $0xAF0, s1;
	s1 =	simm.s32 $0x5780  }
0x65: {  	v0 =	vimm.f32 $0.0e+00;
	[tilespmem:$0x20] =	vst v1;
	s1 =	simm.s32 @!p0 $0x4C90  }
0x66: {  	[tilespmem:$0x30] =	vst v0;
	s1 =	sadd.s32 s1, s4  }
0x67: {  	[tilespmem:$0x40] =	vst v0;
	s5 =	smin.u32 s1, $0x4E9D0  }
0x68: {  	[tilespmem:$0x50] =	vst v0;
	s9 =	ssub.s32 s5, s4  }
0x69: {  	s7 =	simm.s32 $0x2;
	[tilespmem:$0x60] =	vst v1;
	p0 =	sgt.s32 s9, $0x0  }
0x6a: {  	s8 =	simm.s32 $0x8;
	s31 =	simm.s32 $0x9;
	[tilespmem:$0x70] =	vst v1;
	s9 =	simm.s32 @!p0 $0x0  }
0x6b: {  	s16 =	simm.s32 $0x0;
	s17 =	simm.s32 $0xF0;
	[tilespmem:$0x80] =	vst v1;
	s30 =	smulhi.u32 $0x5D9F7391, s9  }
0x6c: {  	s18 =	simm.s32 $0xFFFFFFFF;
	s19 =	simm.s32 $0xFFFFEB20;
	s20 =	simm.s32 $0xFFFFFFFE;
	v1 =	vimm.s32 $0x0;
	[tilespmem:$0xB0] =	vst v0  }
0x6d: {  	s21 =	simm.s32 $0xF;
	s25 =	simm.s32 $0x0;
	[tilespmem:$0x90] =	vst v1;
	s10 =	sshrl.u32 s30, $0xA  }
0x6e: {  	[tilespmem:$0xA0] =	vst v1;
	[sflag:s7] =	ssyncpa.u1 $0x0;
	s7 =	simm.s32 $0x7;
	s11 =	smul.u32 $0xAF0, s10  }
0x6f: {  	s24 =	simm.s32 $0x0;
	s6 =	sadd.s32 $0x9D200, s0;
	[sflag:s7] =	ssyncpa.u1 $0x0  }
.Ltmp6:
0x70: {  	[sflag:s8] =	ssyncpa.u1 $0x0;
	p0 =	sne.s32 s9, s11;
	(pc) =	sbr.rel .LBB3_1-.Ltmp6, $4  }
0x71: {  	s14 =	sshllo.u32 s3, $0x1;
	[sflag:s31] =	ssyncpa.u1 $0x0;
	s2 =	simm.s32 @!p0 $0x0  }
0x72: {  	s23 =	smov.u32 s4;
	s1 =	sadd.s32 $0x5A7400, s0;
	s9 =	sadd.s32 s2, s10  }
0x73: {  	vm0 =	vmmov $0xffff;
	v2 =	vlaneseq.u32;
	p0 =	por $0x0, $0x0;
	s10 =	sshll.u32 s3, $0x1;
	s11 =	sadd.s32 $0x1, s9  }
0x74: {  	vm1 =	vmxor vm1, vm1;
	vm2 =	vmmov $0x1;
	vm3 =	vcmask $0x3F3C;
	s12 =	sadd.s32 $0x2, s9;
	s13 =	sor.u32 $0x81, s10;
	s15 =	sor.u32 $0x80, s10  }
.LBB3_9:
0x75: {  	p1 =	slt.u32 s24, $0x3  }
0x76: {  	s0 =	simm.s32 @!p1 $0x2  }
0x77: {  	_ =	swait.ge @!p1 [sflag:s0], $0xAF0  }
0x78: {  	[sflag:s0] =	ssyncset.done @!p1 $0x0  }
0x79: {  	[sflag:s0] =	ssyncadd.s32 @!p1 $0xFFFFF510;
	s0 =	simm.s32 @!p1 $0x9  }
0x7a: {  	_ =	swait.ge @!p1 [sflag:s0], $0x10  }
0x7b: {  	[sflag:s0] =	ssyncset.done @!p1 $0x0  }
0x7c: {  	[sflag:s0] =	ssyncadd.s32 @!p1 $0xFFFFFFF0;
	p1 =	sne.s32 s24, s12  }
.Ltmp7:
0x7d: {  	s2 =	sadd.s32 $0xAF0, s23;
	(pc) =	sbr.rel @!p1 .LBB3_10-.Ltmp7, $4  }
0x7e: {  	s3 =	smov.u32 s4;
	s31 =	sadd.s32 $0x1, s24;
	s17 =	sadd.s32 $0xAF0, s17  }
0x7f: {  	s18 =	sadd.s32 $0x1, s18;
	s25 =	smov.u32 s23;
	p2 =	slt.s32 s2, s5  }
0x80: {  	p0 =	por !p0, !p0;
	s19 =	sadd.s32 $0xAF0, s19;
	s3 =	smov.u32 @p2 s2  }
0x81: {  	s20 =	sadd.s32 $0x1, s20;
	s23 =	smov.u32 s3;
	s24 =	smov.u32 s31  }
.LBB3_1:
0x82: {  	p1 =	sge.u32 s24, s9  }
0x83: {  	s0 =	smulhi.u32 @!p1 $0xAAAAAAAB, s24;
	_ =	sdelay $0x1  }
0x84: {  	s0 =	sshrl.u32 @!p1 s0, $0x1  }
0x85: {  	s0 =	smul.u32 @!p1 $0x3, s0;
	_ =	sdelay $0x1  }
0x86: {  	s0 =	ssub.s32 @!p1 s24, s0  }
0x87: {  	s0 =	smul.u32 @!p1 $0x2BC0, s0;
	_ =	sdelay $0x1  }
0x88: {  	s3 =	rddreg [dreg:$0x1];
	s2 =	sshrl.u32 @!p1 s23, $0x3;
	s0 =	sshrl.u32 @!p1 s0, $0x2  }
0x89: {  	s22 =	sand.u32 @!p1 $0x7, s23;
	s2 =	sadd.s32 @!p1 s3, s2;
	s0 =	sadd.s32 @!p1 $0x100, s0  }
0x8a: {  	[tilespmem:s0], [sflag:$0x7] =	stream.linear.gather @!p1 [hbm4b:s2+s22], $0xAF0, $0x38;
	[tilespmem:$0x6390] =	vst v63  }
0x8b: {  	s0 =	sadd.s32 $0xFFFFFFFF, s24  }
0x8c: {  	p1 =	sge.u32 s0, s9  }
.Ltmp8:
0x8d: {  	_ = 	snop;
	(pc) =	sbr.rel @p1 .LBB3_5-.Ltmp8, $1  }
0x8e: {  	_ =	sdelay $0x3  }
0x8f: {  	s2 =	smulhi.u32 $0xAAAAAAAB, s0;
	_ =	sdelay $0x1  }
0x90: {  	s2 =	sshrl.u32 s2, $0x1  }
0x91: {  	s2 =	smul.u32 $0x3, s2;
	_ =	sdelay $0x1  }
0x92: {  	s2 =	ssub.s32 s0, s2  }
0x93: {  	s2 =	smul.u32 $0x2BC0, s2  }
0x94: {  	_ =	swait.ge [sflag:s7], $0xAF0  }
0x95: {  	[sflag:s7] =	ssyncset.done $0x0;
	s2 =	sshrl.u32 s2, $0x2  }
0x96: {  	[sflag:s7] =	ssyncadd.s32 $0xFFFFF510;
	(ifvalue) =	ssetifvalue $0xFFFFFFFF;
	v3 =	vld.msk [tilespmem:s2+$0x100 ss:$0x1], $0xffff;
	_ =	sdelay $0x2  }
0x97: {  	s30 =	smulhi.u32 $0xAAAAAAAB, s18;
	p1 =	sne.s32 s24, $0x1  }
0x98: {  	v4 =	vimm.s32 @!p1 $0x0  }
0x99: {  	s2 =	sshrl.u32 s30, $0x1;
	v4 =	vperm.xlane @!p1 v3, v4  }
0x9a: {  	s22 =	sshll.u32 s24, $0x4;
	s2 =	smul.u32 $0xFFFF7CC0, s2;
	vm4 =	vlt.u32 v3, $0x1388000  }
0x9b: {  	s22 =	sand.u32 $0x10, s22;
	v3 =	vnsel vm4, $0xFFFFFFFE, v3;
	vm4 =	vlt.u32 @!p1 v4, $0x1388000  }
0x9c: {  	s2 =	sshra.s32 s2, $0x2;
	[tilespmem:s22+$0x60] =	vst v3;
	v3 =	vnsel @!p1 vm4, $0xFFFFFFFE, v4  }
0x9d: {  	s28 =	sadd.s32 s2, s17;
	[tilespmem:$0x80] =	vst @!p1 v3  }
0x9e: {  	v3 =	vld.msk [tilespmem:s28+$0x0 ss:$0x1], $0xffff;
	_ =	sdelay $0x4  }
0x9f: {  	(xrf1) =	vunique.msk.u32 $0xffff, v3;
	_ =	sdelay $0xd  }
0xa0: {  	v4 =	vimm.s32 $0xFFFFFFFF;
	v5, _, _ =	vpop (xrf1)  }
0xa1: {  	vm5 =	vne.s32 v3, v4;
	vm4 =	veq.s32 v5, v2  }
0xa2: {  	vm6 =	vlt.u32 v3, $0x1388000;
	vm4 =	vmand vm5, vm4  }
0xa3: {  	vm4 =	vmand vm6, vm4  }
0xa4: {  	v4 =	vnsel vm4, $0xFFFFFFFF, v3  }
0xa5: {  	s31 =	sand.u32 $0x1, s0  }
0xa6: {  	s0 =	simm.s32 $0xAF0;
	p1 =	seq.s32 s31, $0x1  }
0xa7: {  	s0 =	simm.s32 @!p1 $0x0  }
0xa8: {  	s26 =	sadd.s32 $0x2CB0, s0;
	(ifvalue) =	ssetifvalue $0xFFFFFFFF  }
0xa9: {  	v3 =	vperm.xlane v3, v1;
	[tilespmem:s26], [sflag:$0x8] =	stream.indirect_vreg.gather [hbm4b:s1+s16], $0x1, v4, vm0, $0x4038;
	v4 =	vnsel vm6, $0xFFFFFFFE, v4;
	[tilespmem:$0x6390] =	vst v63  }
0xaa: {  	s2 =	simm.s32 $0x0;
	s22 =	sadd.s32 $0xFFFFFFF0, s28;
	[tilespmem:s28+$0x0] =	vst v4  }
.LBB3_3:
0xab: {  	v4 =	vld.msk [tilespmem:s22+$0x0 ss:$0x1], $0xffff;
	s2 =	sadd.s32 $0x10, s2;
	v5 =	vmov v3;
	s28 =	smov.u32 s22  }
0xac: {  	p1 =	slt.u32 s2, $0xAE0;
	_ =	sdelay $0x4  }
0xad: {  	v3 =	vperm.xlane v4, v1;
	(xrf1) =	vunique.msk.u32 $0xffff, v4;
	_ =	sdelay $0xd  }
0xae: {  	v6, _, _ =	vpop (xrf1)  }
0xaf: {  	vm5 =	vne.s32 v4, v5;
	vm4 =	veq.s32 v6, v2  }
0xb0: {  	vm6 =	vlt.u32 v4, $0x1388000;
	vm4 =	vmand vm5, vm4  }
0xb1: {  	vm4 =	vmand vm6, vm4  }
0xb2: {  	v4 =	vnsel vm4, $0xFFFFFFFF, v4  }
.Ltmp9:
0xb3: {  	v5 =	vnsel vm6, $0xFFFFFFFE, v4;
	(pc) =	sbr.rel @p1 .LBB3_3-.Ltmp9, $3  }
0xb4: {  	_ =	sdelay $0x1  }
0xb5: {  	s22 =	sadd.s32 $0xFFFFFFF0, s22;
	s26 =	sadd.s32 $0xFFFFFFF0, s26;
	(ifvalue) =	ssetifvalue $0xFFFFFFFF  }
0xb6: {  	[tilespmem:s26], [sflag:$0x8] =	stream.indirect_vreg.gather [hbm4b:s1+s16], $0x1, v4, vm0, $0x4038;
	[tilespmem:s28+$0x0] =	vst v5  }
0xb7: {  	s2 =	sshrl.u32 s25, $0x3  }
0xb8: {  	s0 =	sadd.s32 $0x37B0, s0;
	s2 =	sadd.s32 s6, s2  }
0xb9: {  	[tilespmem:s0], [sflag:$0x8] =	stream.linear.gather [hbm:s2], $0xAF0, $0x38;
	[tilespmem:$0x6390] =	vst v63  }
.LBB3_5:
0xba: {  	p1 =	slt.u32 s24, $0x2  }
0xbb: {  	p2 =	sge.u32 @!p1 s24, s12  }
0xbc: {  	p1 =	por p1, p2  }
.Ltmp10:
0xbd: {  	_ = 	snop;
	(pc) =	sbr.rel @p1 .LBB3_9-.Ltmp10, $1  }
0xbe: {  	_ =	sdelay $0x3  }
0xbf: {  	s0 =	sadd.s32 $0xFFFFFFFE, s24  }
0xc0: {  	s2 =	smulhi.u32 $0xAAAAAAAB, s0;
	_ =	sdelay $0x1  }
0xc1: {  	s2 =	sshrl.u32 s2, $0x1  }
0xc2: {  	s2 =	smul.u32 $0x3, s2;
	_ =	sdelay $0x1  }
0xc3: {  	s0 =	ssub.s32 s0, s2  }
0xc4: {  	_ =	swait.ge [sflag:s8], $0x15E0;
	s0 =	smul.u32 $0xAF0, s0  }
0xc5: {  	p1 =	sne.s32 s24, s11;
	[sflag:s8] =	ssyncset.done $0x0  }
0xc6: {  	[sflag:s8] =	ssyncadd.s32 $0xFFFFEA20;
	s2 =	sadd.s32 @!p1 $0xBEF, s0  }
0xc7: {  	[spmem:s13] =	stream.linear.scatter @!p1 [tilespmem:s2], [sflag:$0x1], $0x1, $0x38;
	[tilespmem:$0x6390] =	vst v63  }
0xc8: {  	s2 =	simm.s32 @!p1 $0x1  }
0xc9: {  	_ =	swait.ge @!p1 [sflag:s2], $0x1  }
0xca: {  	s22 =	sshll.u32 s24, $0x4;
	[sflag:s2] =	ssyncset.done @!p1 $0x0  }
0xcb: {  	s25 =	sand.u32 $0x10, s22;
	[sflag:s2] =	ssyncadd.s32 @!p1 $0xFFFFFFFF  }
0xcc: {  	s2 =	sxor.u32 $0x10, s25;
	v4 =	vld [tilespmem:s25+$0x10]  }
0xcd: {  	v5 =	vld [tilespmem:s2+$0x60]  }
0xce: {  	v3 =	vld [tilespmem:$0x80];
	_ =	sdelay $0x2  }
0xcf: {  	(v2sf) =	vpush v4, $0x0  }
0xd0: {  	(v2sf) =	vpush v5, $0x0  }
0xd1: {  	(v2sf) =	vpush v3, $0x0;
	_ =	sdelay $0xc  }
0xd2: {  	s3 =	spop (v2sf)  }
0xd3: {  	s28 =	spop (v2sf)  }
0xd4: {  	s26 =	spop (v2sf)  }
0xd5: {  	p2 =	seq.s32 s3, s28;
	p3 =	seq.s32 s26, s3  }
0xd6: {  	p3 =	por p2, p3  }
0xd7: {  	s3 =	sand.u32 $0x1, s24;
	v4 =	vpsel p3, $0xFFFFFFFF, v4  }
0xd8: {  	s28 =	smul.u32 $0xAF0, s3;
	[tilespmem:s25+$0x10] =	vst.msk $0x1, v4  }
0xd9: {  	v4 =	vld [tilespmem:$0x30]  }
0xda: {  	v5 =	vld [tilespmem:s28+$0x37B0]  }
0xdb: {  	v6 =	vld [tilespmem:s25+$0x40];
	_ =	sdelay $0x3  }
0xdc: {  	vm4 =	vmmov vm1;
	v5 =	vadd.f32 v5, v4  }
0xdd: {  	vm5 =	vmmov vm2;
	vm4 =	vmmov @p2 vm2;
	v4 =	vadd.f32 v6, v4  }
0xde: {  	s22 =	sshll.u32 s3, $0x4;
	vm5 =	vmmov @p3 vm1;
	[tilespmem:s28+$0x37B0] =	vst.msk vm4, v5  }
0xdf: {  	[tilespmem:s22+$0x6370] =	vst.msk vm5, v4  }
0xe0: {  	v4 =	vld [tilespmem:s28+$0x2CB0];
	_ =	sdelay $0x3  }
0xe1: {  	v5 =	vimm.f32 $0.0e+00  }
0xe2: {  	v4 =	vshift.insert v4, v5, s21  }
0xe3: {  	s29 =	sor.u32 $0x40, s2  }
0xe4: {  	[tilespmem:s29+$0x0] =	vst.msk $0x1, v4  }
0xe5: {  	[tilespmem:s28+$0x2CBF] =	vst.msk $0x1, v5  }
0xe6: {  	v4 =	vld [tilespmem:s0+$0xBE0];
	_ =	sdelay $0x1  }
0xe7: {  	s29 =	smulhi.u32 $0xAAAAAAAB, s20;
	s0 =	simm.s32 $0x1  }
0xe8: {  	s0 =	simm.s32 @!p0 $0x0  }
0xe9: {  	s29 =	sshrl.u32 s29, $0x1;
	s0 =	smul.u32 $0x2BC0, s0  }
0xea: {  	s29 =	smul.u32 $0xFFFF7CC0, s29;
	v4 =	vshift.insert v4, v1, s21  }
0xeb: {  	s0 =	sshrl.u32 s0, $0x2  }
0xec: {  	s29 =	sshra.s32 s29, $0x2;
	s30 =	sadd.s32 $0x37B0, s0;
	[tilespmem:s2+$0x10] =	vst.msk $0x1, v4  }
0xed: {  	s3 =	sadd.s32 s29, s19;
	v6 =	vld [tilespmem:s30+$0x0]  }
0xee: {  	v7 =	vld [tilespmem:s3+$0x0];
	_ =	sdelay $0x3  }
0xef: {  	v5 =	vadd.f32 v6, v5  }
0xf0: {  	vm4 =	vne.s32 v7, $0xFFFFFFFF  }
0xf1: {  	(xrf2) =	vadd.seg.scan.f32 vm4, v5;
	_ =	sdelay $0x3  }
0xf2: {  	s31 =	sadd.s32 $0x21D0, s0;
	v5 =	vperm.xlane v4, v1  }
0xf3: {  	v6 =	vld [tilespmem:s31+$0x0]  }
0xf4: {  	vm5 =	veq.s32 v7, v3;
	vm6 =	veq.s32 v7, v5  }
0xf5: {  	vm7 =	vgt.u32 v7, $0xFFFFFFFD;
	vm6 =	vmor vm6, vm5  }
0xf6: {  	vm6 =	vmor vm6, vm7  }
0xf7: {  	v9 =	vld [tilespmem:$0xA0];
	v7 =	vsel vm6, $0xFFFFFFFF, v7  }
0xf8: {  	v10 =	vld [tilespmem:$0x90];
	v6 =	vsel vm5, $0x0, v6;
	v8, _, _ =	vpop (xrf2)  }
0xf9: {  	v6 =	vadd.f32 v8, v6  }
0xfa: {  	s0 =	sadd.s32 $0x4D90, s0  }
0xfb: {  	vm4 =	vmand vm4, vm3;
	[tilespmem:s0+$0x0] =	vst v6;
	(ifvalue) =	ssetifvalue $0xFFFFFFFF  }
0xfc: {  	vm6 =	veq.s32 v9, $0x1;
	[hbm4b:s1+s16] =	stream.indirect_vreg.scatter [tilespmem:s0], [sflag:$0x2], $0x1, v7, vm0, $0x4038;
	v7 =	vsel vm4, $0x0, v8;
	[tilespmem:$0x6390] =	vst v63  }
0xfd: {  	s29 =	sadd.s32 $0x6370, s22;
	s22 =	sadd.s32 $0x10, s3;
	s2 =	simm.s32 $0x0;
	vm4 =	vmor vm6, vm5;
	v6 =	vsel vm5, v8, v10;
	v7 =	vshift.insert v7, v0, s21  }
.LBB3_7:
0xfe: {  	v8 =	vld [tilespmem:s22+$0x0];
	s30 =	sadd.s32 $0x10, s30  }
0xff: {  	s31 =	sadd.s32 $0x10, s31;
	v9 =	vld [tilespmem:s30+$0x0]  }
0x100: {  	s2 =	sadd.s32 $0x10, s2;
	v10 =	vld [tilespmem:s31+$0x0]  }
0x101: {  	p2 =	slt.u32 s2, $0xAE0;
	_ =	sdelay $0x2  }
0x102: {  	v7 =	vadd.f32 v9, v7  }
0x103: {  	vm5 =	vne.s32 v8, $0xFFFFFFFF  }
0x104: {  	vm6 =	vmand vm5, vm3;
	(xrf2) =	vadd.seg.scan.f32 vm5, v7;
	_ =	sdelay $0x5  }
0x105: {  	vm7 =	veq.s32 v8, v5;
	vm5 =	veq.s32 v8, v3  }
0x106: {  	vm8 =	vgt.u32 v8, $0xFFFFFFFD;
	vm4 =	vmor vm4, vm5;
	vm7 =	vmor vm7, vm5  }
0x107: {  	vm7 =	vmor vm7, vm8  }
0x108: {  	v8 =	vsel vm7, $0xFFFFFFFF, v8  }
.Ltmp11:
0x109: {  	v7 =	vsel vm5, $0x0, v10;
	v9, _, _ =	vpop (xrf2);
	(pc) =	sbr.rel @p2 .LBB3_7-.Ltmp11, $4  }
0x10a: {  	v6 =	vsel vm5, v9, v6;
	v10 =	vadd.f32 v9, v7;
	v7 =	vsel vm6, $0x0, v9  }
0x10b: {  	s0 =	sadd.s32 $0x10, s0;
	v7 =	vshift.insert v7, v0, s21  }
0x10c: {  	s22 =	sadd.s32 $0x10, s22;
	[tilespmem:s0+$0x0] =	vst v10;
	(ifvalue) =	ssetifvalue $0xFFFFFFFF  }
0x10d: {  	[hbm4b:s1+s16] =	stream.indirect_vreg.scatter [tilespmem:s0], [sflag:$0x2], $0x1, v8, vm0, $0x4038;
	[tilespmem:$0x6390] =	vst v63  }
0x10e: {  	v3 =	vld [tilespmem:s28+$0x5870];
	_ =	sdelay $0x4  }
0x10f: {  	v3 =	vshift.insert v3, v0, s21  }
0x110: {  	s0 =	simm.s32 $0x30  }
0x111: {  	[tilespmem:s0+$0x0] =	vst.msk $0x1, v3  }
0x112: {  	v3 =	vsel vm4, $0x1, v1;
	[tilespmem:$0x90] =	vst v6  }
0x113: {  	s0 =	sadd.s32 @!p1 $0x587F, s28;
	[tilespmem:$0xA0] =	vst v3  }
0x114: {  	[spmem:s14] =	stream.linear.scatter @!p1 [tilespmem:s0], [sflag:$0x1], $0x1, $0x38;
	[tilespmem:$0x6390] =	vst v63  }
0x115: {  	s0 =	simm.s32 @!p1 $0x1  }
0x116: {  	v3 =	vmctz.xlane @!p1 vm4;
	_ =	swait.ge @!p1 [sflag:s0], $0x1  }
0x117: {  	(v2sf) =	vpush @!p1 v4, $0x0  }
0x118: {  	(v2sf) =	vpush @!p1 v3, $0x0;
	_ =	sdelay $0xd  }
0x119: {  	s2 =	spop @!p1 (v2sf)  }
0x11a: {  	s3 =	spop @!p1 (v2sf)  }
0x11b: {  	p2 =	sne.s32 @!p1 s26, s2;
	p3 =	slt.s32 @!p1 s3, $0xF  }
0x11c: {  	[sflag:s0] =	ssyncset.done @!p1 $0x0;
	p2 =	por p2, p1;
	p3 =	por !p3, p1  }
0x11d: {  	[sflag:s0] =	ssyncadd.s32 @!p1 $0xFFFFFFFF;
	v3 =	vimm.s32 @!p2 $0xFFFFFFFF;
	s3 =	simm.s32 @p3 $0xF  }
0x11e: {  	[tilespmem:$0x80] =	vst @!p2 v3;
	s2 =	sadd.s32 @!p1 $0x90, s3  }
0x11f: {  	[spmem:s10] =	stream.linear.scatter @!p1 [tilespmem:s2], [sflag:$0x1], $0x1, $0x38;
	[tilespmem:$0x6390] =	vst v63  }
0x120: {  	_ =	swait.ge @!p1 [sflag:s0], $0x1  }
0x121: {  	[sflag:s0] =	ssyncset.done @!p1 $0x0  }
0x122: {  	s2 =	simm.s32 @!p1 $0x80;
	[sflag:s0] =	ssyncadd.s32 @!p1 $0xFFFFFFFF  }
0x123: {  	[spmem:s15] =	stream.linear.scatter @!p1 [tilespmem:s2], [sflag:$0x1], $0x1, $0x38;
	[tilespmem:$0x6390] =	vst v63  }
0x124: {  	_ =	swait.ge @!p1 [sflag:s0], $0x1  }
0x125: {  	[sflag:s0] =	ssyncset.done @!p1 $0x0  }
0x126: {  	[sflag:s0] =	ssyncadd.s32 @!p1 $0xFFFFFFFF;
	(ifvalue) =	ssetifvalue $0xFFFFFFFF;
	v3 =	vld [tilespmem:s25+$0x10];
	_ =	sdelay $0x3  }
.Ltmp12:
0x127: {  	_ = 	snop;
	(pc) =	sbr.rel .LBB3_9-.Ltmp12, $3  }
0x128: {  	_ =	sdelay $0x1  }
0x129: {  	(ifvalue) =	ssetifvalue $0xFFFFFFFF  }
0x12a: {  	[hbm4b:s1+s16] =	stream.indirect_vreg.scatter [tilespmem:s29], [sflag:$0x9], $0x1, v3, vm0, $0x4038;
	[tilespmem:$0x6390] =	vst v63  }
.LBB3_10:
0x12b: {  	_ =	sfence.sel $0x180000  }
0x12c: {  	s0 =	simm.s32 $0x7;
	[bflag:$0x0] =	sbarrier.arrive $0xFFFF  }
0x12d: {  	s26 =	simm.s32 $0x8;
	[sflag:s0] =	ssyncpa.u1 $0x1  }
0x12e: {  	s28 =	simm.s32 $0x9;
	[sflag:s26] =	ssyncpa.u1 $0x1  }
0x12f: {  	[sflag:s28] =	ssyncpa.u1 $0x1  }
0x130: {  	_ =	sfence.stream.spmem  }
0x131: {  	s29 =	simm.s32 $0x3;
	[bflag:$0x0] =	sbarrier.arrive $0xFFFF  }
0x132: {  	s30 =	simm.s32 $0x4;
	[sflag:s29] =	ssyncpa.u1 $0x1  }
0x133: {  	s31 =	simm.s32 $0x3C;
	s2 =	stileid.u32;
	[sflag:s30] =	ssyncpa.u1 $0x1  }
0x134: {  	p0 =	sne.s32 s2, $0x0;
	[sflag:s31] =	ssyncpa.u1 $0x1  }
0x135: {  	s0 =	simm.s32 @p0 $0x1;
	_ =	sfence @p0  }
0x136: {  	[sflag:s0] =	ssyncpa.u1 @p0 $0x1;
	s0 =	simm.s32 @p0 $0x2  }
0x137: {  	[sflag:s0] =	ssyncpa.u1 @p0 $0x1  }
0x138: {  	_ =	strace @p0 $0x90000056  }
0x139: {  	[bflag:$0x2] =	sbarrier.arrive @p0 $0xFFFF  }
0x13a: {  	_ =	shalt @p0  }
.LBB3_11:
0x13b: {  	_ =	sfence.stream.spmem;
	s0 =	simm.s32 $0x5  }
0x13c: {  	s2 =	simm.s32 $0x80;
	s3 =	simm.s32 $0xC0;
	[sflag:s0] =	ssyncpa.u1 $0x0  }
0x13d: {  	[tilespmem:s3], [sflag:$0x5] =	stream.linear.gather [spmem:s2], $0x20, $0x38;
	[tilespmem:$0x6390] =	vst v63  }
0x13e: {  	s2 =	simm.s32 $0x0;
	s3 =	simm.s32 $0xE0  }
0x13f: {  	[tilespmem:s3], [sflag:$0x5] =	stream.linear.gather [spmem:s2], $0x20, $0x38;
	[tilespmem:$0x6390] =	vst v63  }
.Ltmp13:
0x140: {  	_ = 	snop;
	(pc) =	sbr.rel .LBB3_12-.Ltmp13, $4  }
0x141: {  	_ =	swait.ge [sflag:s0], $0x40  }
0x142: {  	[sflag:s0] =	ssyncset.done $0x0  }
0x143: {  	s31 =	simm.s32 $0x6;
	[sflag:s0] =	ssyncadd.s32 $0xFFFFFFC0  }
0x144: {  	s4 =	simm.s32 $0x0;
	[sflag:s31] =	ssyncpa.u1 $0x0  }
.LBB3_17:
0x145: {  	p0 =	sgt.u32 s5, $0x1387FFF  }
0x146: {  	s0 =	sshrl.u32 @!p0 s5, $0x3  }
0x147: {  	s5 =	sand.u32 @!p0 $0x7, s5;
	s6 =	simm.s32 @!p0 $0xB0;
	s0 =	sadd.s32 @!p0 s1, s0  }
0x148: {  	[tilespmem:s6], [sflag:$0x6] =	stream.linear.gather @!p0 [hbm4b:s0+s5], $0x1, $0x38;
	[tilespmem:$0x6390] =	vst v63  }
0x149: {  	s0 =	simm.s32 @!p0 $0x6  }
0x14a: {  	_ =	swait.ge @!p0 [sflag:s0], $0x1  }
0x14b: {  	[sflag:s0] =	ssyncset.done @!p0 $0x0  }
0x14c: {  	[sflag:s0] =	ssyncadd.s32 @!p0 $0xFFFFFFFF  }
0x14d: {  	v2 =	vmov @!p0 s4;
	v1 =	vld.msk @!p0 [tilespmem:$0xB0], $0x1;
	_ =	sdelay $0x3  }
0x14e: {  	s0 =	simm.s32 @!p0 $0xE0  }
0x14f: {  	[tilespmem:v2+s0+$0x0], v1 =	vst.idx.ret.add.f32.msk @!p0 $0x1, v1  }
0x150: {  	[tilespmem:s2+$0xC0] =	vst.msk $0x1, v0  }
0x151: {  	v0 =	vld.msk [tilespmem:s4+$0xE0], $0x1;
	_ =	sdelay $0x4  }
0x152: {  	[tilespmem:s2+$0xE0] =	vst.msk $0x1, v0;
	s2 =	sadd.s32 $0x1, s2  }
.LBB3_19:
0x153: {  	s4 =	sadd.s32 $0x1, s4  }
0x154: {  	p0 =	sne.s32 s4, $0x20  }
.Ltmp14:
0x155: {  	_ = 	snop;
	(pc) =	sbr.rel @!p0 .LBB3_20-.Ltmp14, $1  }
0x156: {  	_ =	sdelay $0x3  }
.LBB3_12:
0x157: {  	v0 =	vld.msk [tilespmem:s4+$0xC0], $0x1;
	_ =	sdelay $0x4  }
0x158: {  	(v2sf) =	vpush v0, $0x0;
	_ =	sdelay $0xe  }
0x159: {  	s5 =	spop (v2sf)  }
0x15a: {  	p0 =	seq.s32 s5, $0xFFFFFFFF  }
.Ltmp15:
0x15b: {  	_ = 	snop;
	(pc) =	sbr.rel @p0 .LBB3_19-.Ltmp15, $1  }
0x15c: {  	_ =	sdelay $0x3  }
0x15d: {  	p0 =	slt.s32 s2, $0x1  }
.Ltmp16:
0x15e: {  	_ = 	snop;
	(pc) =	sbr.rel @p0 .LBB3_17-.Ltmp16, $1  }
0x15f: {  	_ =	sdelay $0x3  }
0x160: {  	s0 =	simm.s32 $0xC0;
	p0 =	por $0x0, $0x0  }
0x161: {  	v1 =	vld.msk @!p0 [tilespmem:s0+$0x0], $0x1;
	_ =	sdelay $0x4  }
0x162: {  	(v2sf) =	vpush @!p0 v1, $0x0;
	_ =	sdelay $0xd  }
0x163: {  	p2 =	sne.s32 s2, $0x1  }
.Ltmp17:
0x164: {  	s6 =	spop @!p0 (v2sf);
	(pc) =	sbr.rel @!p2 .LBB3_16-.Ltmp17, $4  }
0x165: {  	p1 =	seq.s32 @!p0 s5, s6  }
0x166: {  	s6 =	simm.s32 $0x0;
	p1 =	por !p1, p0  }
0x167: {  	s8 =	simm.s32 $0xFFFFFFFF;
	s6 =	simm.s32 @p1 $0xFFFFFFFF  }
0x168: {  	s7 =	simm.s32 $0x1;
	s6 =	smov.u32 @p0 s8  }
.LBB3_15:
0x169: {  	s8 =	smov.u32 s6;
	p0 =	sne.s32 s6, $0xFFFFFFFF  }
0x16a: {  	s0 =	sadd.s32 $0x1, s0;
	s6 =	smov.u32 s7;
	s7 =	sadd.s32 $0x1, s7  }
0x16b: {  	p1 =	sne.s32 s2, s7;
	v1 =	vld.msk @!p0 [tilespmem:s0+$0x0], $0x1;
	_ =	sdelay $0x4  }
0x16c: {  	(v2sf) =	vpush @!p0 v1, $0x0;
	_ =	sdelay $0xe  }
.Ltmp18:
0x16d: {  	s9 =	spop @!p0 (v2sf);
	(pc) =	sbr.rel @p1 .LBB3_15-.Ltmp18, $4  }
0x16e: {  	p2 =	seq.s32 @!p0 s5, s9  }
0x16f: {  	p2 =	por !p2, p0  }
0x170: {  	s6 =	simm.s32 @p2 $0xFFFFFFFF  }
0x171: {  	s6 =	smov.u32 @p0 s8  }
.LBB3_16:
0x172: {  	p0 =	sne.s32 s6, $0xFFFFFFFF  }
.Ltmp19:
0x173: {  	_ = 	snop;
	(pc) =	sbr.rel @!p0 .LBB3_17-.Ltmp19, $1  }
0x174: {  	_ =	sdelay $0x3  }
0x175: {  	v0 =	vld.msk [tilespmem:s4+$0xE0], $0x1;
	v1 =	vmov s6  }
.Ltmp20:
0x176: {  	_ = 	snop;
	(pc) =	sbr.rel .LBB3_19-.Ltmp20, $2  }
0x177: {  	_ =	sdelay $0x2  }
0x178: {  	[tilespmem:v1+s3+$0x0], v0 =	vst.idx.ret.add.f32.msk $0x1, v0  }
.LBB3_20:
0x179: {  	p0 =	slt.s32 s2, $0x1  }
.Ltmp21:
0x17a: {  	_ = 	snop;
	(pc) =	sbr.rel @p0 .LBB3_24-.Ltmp21, $3  }
0x17b: {  	_ =	sdelay $0x1  }
0x17c: {  	s0 =	simm.s32 $0x6  }
0x17d: {  	s3 =	simm.s32 $0x0;
	[sflag:s0] =	ssyncpa.u1 $0x1  }
0x17e: {  	s0 =	simm.s32 $0xC0  }
0x17f: {  	v0 =	vld.msk [tilespmem:s0+$0x0], $0x1;
	_ =	sdelay $0x4  }
0x180: {  	(v2sf) =	vpush v0, $0x0;
	_ =	sdelay $0xe  }
0x181: {  	s2 =	sadd.s32 $0xFFFFFFFF, s2;
	s4 =	spop (v2sf)  }
0x182: {  	p1 =	sne.s32 s2, $0x0;
	p0 =	sgt.u32 s4, $0x1387FFF  }
.Ltmp22:
0x183: {  	s5 =	sshrl.u32 @!p0 s4, $0x3;
	(pc) =	sbr.rel @!p1 .LBB3_23-.Ltmp22, $4  }
0x184: {  	s0 =	simm.s32 $0xE0;
	s4 =	sand.u32 @!p0 $0x7, s4;
	s5 =	sadd.s32 @!p0 s1, s5  }
0x185: {  	[hbm4b:s5+s4] =	stream.linear.scatter @!p0 [tilespmem:s0], [sflag:$0x5], $0x1, $0x38;
	[tilespmem:$0x6390] =	vst v63  }
0x186: {  	s5 =	simm.s32 $0x0  }
0x187: {  	s4 =	simm.s32 $0xC1;
	s5 =	simm.s32 @!p0 $0x4  }
.LBB3_22:
0x188: {  	v0 =	vld.msk [tilespmem:s4+$0x0], $0x1;
	s2 =	sadd.s32 $0xFFFFFFFF, s2;
	s3 =	sadd.s32 s3, s5  }
0x189: {  	p0 =	sne.s32 s2, $0x0;
	_ =	sdelay $0x3  }
0x18a: {  	(v2sf) =	vpush v0, $0x0;
	_ =	sdelay $0xe  }
.Ltmp23:
0x18b: {  	s6 =	spop (v2sf);
	(pc) =	sbr.rel @p0 .LBB3_22-.Ltmp23, $4  }
0x18c: {  	s5 =	simm.s32 $0x0;
	p1 =	sgt.u32 s6, $0x1387FFF  }
0x18d: {  	s0 =	sadd.s32 $0x1, s0;
	s5 =	simm.s32 @!p1 $0x4;
	s7 =	sshrl.u32 @!p1 s6, $0x3  }
0x18e: {  	s4 =	sadd.s32 $0x1, s4;
	s6 =	sand.u32 @!p1 $0x7, s6;
	s7 =	sadd.s32 @!p1 s1, s7  }
0x18f: {  	[hbm4b:s7+s6] =	stream.linear.scatter @!p1 [tilespmem:s0], [sflag:$0x5], $0x1, $0x38;
	[tilespmem:$0x6390] =	vst v63  }
.LBB3_23:
0x190: {  	s0 =	sadd.s32 s3, s5  }
0x191: {  	s3 =	sshrl.u32 s0, $0x2  }
.LBB3_24:
0x192: {  	s0 =	simm.s32 $0x5  }
0x193: {  	_ =	swait.ge [sflag:s0], s3  }
0x194: {  	s1 =	ssub.s32 $0x0, s3;
	[sflag:s0] =	ssyncset.done $0x0  }
0x195: {  	[sflag:s0] =	ssyncadd.s32 s1  }
0x196: {  	[sflag:s0] =	ssyncpa.u1 $0x1  }
0x197: {  	s29 =	simm.s32 $0x1;
	_ =	sfence  }
0x198: {  	s30 =	simm.s32 $0x2;
	[sflag:s29] =	ssyncpa.u1 $0x1  }
0x199: {  	[sflag:s30] =	ssyncpa.u1 $0x1  }
0x19a: {  	_ =	strace $0x90000056  }
0x19b: {  	[bflag:$0x2] =	sbarrier.arrive $0xFFFF  }
0x19c: {  	s31 =	rddreg [dreg:$0x2]  }
0x19d: {  	s0 =	sadd.s32 $0x100000, s31  }
0x19e: {  	[sflag:s0] =	ssyncadd.tile.s32 $0x1;
	_ =	shalt  }
.Lfunc_end3:
_tile_overlayer_lowered:
.L_overlay_start_3:
0x19f: {  	(tag) =	ssettag $0x3  }
0x1a0: {  	s0 =	rddreg [dreg:$0x0];
	s2 =	stileid.u32  }
0x1a1: {  	s1 =	rddreg [dreg:$0x1];
	p0 =	sne.s32 s2, $0x0  }
0x1a2: {  	s3 =	rddreg [dreg:$0x2];
	[bflag:$0x3] =	sbarrier.arrive $0xFFFF;
	s2 =	simm.s32 @!p0 $0x1C01  }
0x1a3: {  	[timem:s3], [sflag:s2] =	dma.local @!p0 [hbm:s0], s1  }
0x1a4: {  	s0 =	simm.s32 @!p0 $0x1  }
0x1a5: {  	_ =	swait.ge @!p0 [sflag:s0], s1  }
0x1a6: {  	s1 =	ssub.s32 @!p0 $0x0, s1;
	[sflag:s0] =	ssyncset.done @!p0 $0x0  }
0x1a7: {  	[sflag:s0] =	ssyncadd.s32 @!p0 s1  }
0x1a8: {  	[bflag:$0x3] =	sbarrier.arrive $0xFFFF  }
0x1a9: {  	_ =	shalt  }

// kernel: scatter_offload_async_start.4
scs
__scs_entry_jumppad:
0x0: {  	(pc) =	sbr.rel $0x88, $3  }
0x1: {  	(tag) =	ssettag $0x0;
	lr =	simm.s32 $0x1  }
0x2: {  	[smem:$0x3F8E] =	sst lr;
	_ =	strace $0xD0000000  }
0x3: {  	_ = 	snop  }
0x4: {  	_ = 	snop  }
0x5: {  	_ = 	snop  }
0x6: {  	_ = 	snop  }
0x7: {  	_ = 	snop  }
__scs_overlays_trampoline_lowered:
0x8: {  	[smem:$0x3F9D] =	sst s0  }
0x9: {  	[smem:$0x3F9E] =	sst s1  }
0xa: {  	[smem:$0x3F9F] =	sst s2  }
0xb: {  	[smem:$0x3FA0] =	sst s3  }
0xc: {  	[smem:$0x3FA1] =	sst s4  }
0xd: {  	[smem:$0x3FA2] =	sst s5  }
0xe: {  	[smem:$0x3FA3] =	sst s6  }
0xf: {  	[smem:$0x3FA4] =	sst s7  }
0x10: {  	[smem:$0x3FA5] =	sst s8  }
0x11: {  	[smem:$0x3FA6] =	sst s9;
	s0 =	simm.s32 @!p0 $0x0  }
0x12: {  	s1 =	sld [smem:$0x3F8C];
	s0 =	simm.s32 @p0 $0x1  }
0x13: {  	[smem:$0x3FA7] =	sst s0;
	s0 =	simm.s32 @!p1 $0x0  }
0x14: {  	s2 =	sld [smem:$0x3F8B];
	s0 =	simm.s32 @p1 $0x1  }
0x15: {  	[smem:$0x3FA8] =	sst s0;
	s0 =	simm.s32 @!p2 $0x0  }
0x16: {  	s3 =	sld [smem:$0x3FDB];
	s0 =	simm.s32 @p2 $0x1  }
0x17: {  	s4 =	simm.s32 $0x1BF5;
	[smem:$0x3FAA] =	sst s0  }
0x18: {  	s0 =	sld [smem:$0x3F8D];
	_ =	swait.ge [sflag:s4], $0x0  }
0x19: {  	s7 =	sld [smem:$0x3F8E]  }
0x1a: {  	s8 =	sadd.s32 $0xFFFFE003, lr  }
0x1b: {  	s9 =	sadd.s32 $0xFFFFFEF7, lr;
	s5 =	simm.s32 $0xFFFFFFFF;
	p2 =	slt.u32 s8, $0xFFFFF086  }
0x1c: {  	p1 =	slt.u32 s9, $0xF7A;
	s5 =	simm.s32 @!p2 $0x0  }
0x1d: {  	s5 =	simm.s32 @p1 $0x1;
	p0 =	seq.s32 s7, s2  }
0x1e: {  	s7 =	smul.u32 @!p0 $0xF7A, s2;
	p2 =	seq.s32 @!p0 s5, $0x0  }
0x1f: {  	s9 =	smul.u32 $0xF7A, s1;
	s8 =	simm.s32 @!p0 $0x1BF5;
	p2 =	por !p2, p0  }
0x20: {  	[sflag:s8] =	ssyncset.s32 @!p0 $0xFFFFF086;
	s6 =	sadd.s32 @!p0 s3, s7;
	s7 =	simm.s32 @!p0 $0x108  }
0x21: {  	s3 =	sadd.s32 s3, s9;
	s6 =	sadd.s32 @!p0 $0x88, s6;
	s7 =	simm.s32 @p2 $0x1082  }
0x22: {  	[simem:s7], [sflag:s8] =	dma.local @!p0 [hbm:s6], $0xF7A  }
0x23: {  	s9 =	sor.u32 $0xD0000000, s2;
	s6 =	simm.s32 $0x108;
	_ =	swait.ge @!p0 [sflag:s8], $0x0  }
0x24: {  	s3 =	sadd.s32 $0x88, s3;
	s6 =	simm.s32 @!p1 $0x1082;
	[sflag:s4] =	ssyncset.s32 $0xFFFFF086  }
0x25: {  	[simem:s6], [sflag:s4] =	dma.local [hbm:s3], $0xF7A  }
0x26: {  	[smem:$0x3F8E] =	sst s1;
	(tag) =	ssettag s2;
	_ =	strace s9  }
0x27: {  	s1 =	sld [smem:$0x3F9E]  }
0x28: {  	s2 =	sld [smem:$0x3F9F]  }
0x29: {  	s4 =	sld [smem:$0x3FA1]  }
0x2a: {  	p0 =	seq.s32 s5, $0x0;
	s5 =	sld [smem:$0x3FA2]  }
0x2b: {  	s6 =	sld [smem:$0x3FA3]  }
0x2c: {  	s7 =	sld [smem:$0x3FA4]  }
0x2d: {  	s3 =	simm.s32 $0x108;
	s8 =	sld [smem:$0x3FA5]  }
0x2e: {  	s3 =	simm.s32 @!p0 $0x1082;
	s9 =	sld [smem:$0x3FA6]  }
0x2f: {  	lr =	sadd.s32 s0, s3;
	s0 =	sld [smem:$0x3F9D]  }
0x30: {  	s3 =	sld [smem:$0x3FA0]  }
0x31: {  	[smem:$0x3FA9] =	sst s10  }
0x32: {  	s10 =	sld [smem:$0x3FA7];
	_ =	sdelay $0x3  }
0x33: {  	p0 =	seq.s32 s10, $0x1;
	s10 =	sld [smem:$0x3FA9];
	_ =	sdelay $0x3  }
0x34: {  	[smem:$0x3FA9] =	sst s10  }
0x35: {  	s10 =	sld [smem:$0x3FA8];
	_ =	sdelay $0x3  }
0x36: {  	p1 =	seq.s32 s10, $0x1;
	s10 =	sld [smem:$0x3FA9];
	_ =	sdelay $0x3  }
0x37: {  	[smem:$0x3FA9] =	sst s10  }
0x38: {  	s10 =	sld [smem:$0x3FAA]  }
0x39: {  	_ = 	snop;
	(pc) =	sbr.ind lr, $3  }
0x3a: {  	_ = 	snop  }
0x3b: {  	_ = 	snop  }
0x3c: {  	p2 =	seq.s32 s10, $0x1;
	s10 =	sld [smem:$0x3FA9]  }
0x3d: {  	_ =	shalt  }
0x3e: {  	_ =	shalt  }
0x3f: {  	_ =	shalt  }
0x40: {  	_ =	shalt  }
0x41: {  	_ =	shalt  }
0x42: {  	_ =	shalt  }
0x43: {  	_ =	shalt  }
0x44: {  	_ =	shalt  }
0x45: {  	_ =	shalt  }
0x46: {  	_ =	shalt  }
0x47: {  	_ =	shalt  }
0x48: {  	_ =	shalt  }
0x49: {  	_ =	shalt  }
0x4a: {  	_ =	shalt  }
0x4b: {  	_ =	shalt  }
0x4c: {  	_ =	shalt  }
0x4d: {  	_ =	shalt  }
0x4e: {  	_ =	shalt  }
0x4f: {  	_ =	shalt  }
0x50: {  	_ =	shalt  }
0x51: {  	_ =	shalt  }
0x52: {  	_ =	shalt  }
0x53: {  	_ =	shalt  }
0x54: {  	_ =	shalt  }
0x55: {  	_ =	shalt  }
0x56: {  	_ =	shalt  }
0x57: {  	_ =	shalt  }
0x58: {  	_ =	shalt  }
0x59: {  	_ =	shalt  }
0x5a: {  	_ =	shalt  }
0x5b: {  	_ =	shalt  }
0x5c: {  	_ =	shalt  }
0x5d: {  	_ =	shalt  }
0x5e: {  	_ =	shalt  }
0x5f: {  	_ =	shalt  }
0x60: {  	_ =	shalt  }
0x61: {  	_ =	shalt  }
0x62: {  	_ =	shalt  }
0x63: {  	_ =	shalt  }
0x64: {  	_ =	shalt  }
0x65: {  	_ =	shalt  }
0x66: {  	_ =	shalt  }
0x67: {  	_ =	shalt  }
0x68: {  	_ =	shalt  }
0x69: {  	_ =	shalt  }
0x6a: {  	_ =	shalt  }
0x6b: {  	_ =	shalt  }
0x6c: {  	_ =	shalt  }
0x6d: {  	_ =	shalt  }
0x6e: {  	_ =	shalt  }
0x6f: {  	_ =	shalt  }
0x70: {  	_ =	shalt  }
0x71: {  	_ =	shalt  }
0x72: {  	_ =	shalt  }
0x73: {  	_ =	shalt  }
0x74: {  	_ =	shalt  }
0x75: {  	_ =	shalt  }
0x76: {  	_ =	shalt  }
0x77: {  	_ =	shalt  }
0x78: {  	_ =	shalt  }
0x79: {  	_ =	shalt  }
0x7a: {  	_ =	shalt  }
0x7b: {  	_ =	shalt  }
0x7c: {  	_ =	shalt  }
0x7d: {  	_ =	shalt  }
0x7e: {  	_ =	shalt  }
0x7f: {  	_ =	shalt  }
0x80: {  	_ =	shalt  }
0x81: {  	_ =	shalt  }
0x82: {  	_ =	shalt  }
0x83: {  	_ =	shalt  }
0x84: {  	_ =	shalt  }
0x85: {  	_ =	shalt  }
0x86: {  	_ =	shalt  }
0x87: {  	_ =	shalt  }
.Lfunc_end0:
.L_simem_size_0:
called_computation.4_lowered:
.L_overlay_start_0:
0x88: {  	s0 =	sld [smem:$0x3FD9]  }
0x89: {  	s1 =	sld [smem:$0x3FFE];
	_ =	sdelay $0x3  }
0x8a: {  	s0 =	sadd.s32 s1, s0  }
0x8b: {  	[smem:$0x3FB5] =	sst s0  }
0x8c: {  	_ = 	snop  }
0x8d: {  	(tm) =	ssettm $0x1  }
0x8e: {  	s14 =	sld [smem:$0x3FFB];
	_ =	sdelay $0x3  }
0x8f: {  	_ =	strace s14  }
0x90: {  	s0 =	sld [smem:$0x3FFC];
	_ =	sdelay $0x3  }
0x91: {  	_ =	strace s0  }
0x92: {  	s0 =	sld [smem:$0x3FFD];
	_ =	sdelay $0x3  }
0x93: {  	_ =	strace s0  }
0x94: {  	_ =	strace $0x8FFFFFFF  }
0x95: {  	s15 =	sld [smem:$0x3FDB];
	_ =	sdelay $0x1  }
0x96: {  	s16 =	simm.s32 $_scs_section_size  }
0x97: {  	s2 =	simm.s32 $_size__tile_overlayer_lowered;
	s3 =	simm.s32 $_tile_overlayer_lowered  }
0x98: {  	s4 =	simm.s32 $0x1BFF;
	s17 =	sshll.u32 s3, $0x1;
	s1 =	sadd.s32 s16, s15  }
0x99: {  	s18 =	simm.s32 $0x0;
	s2 =	sshll.u32 s2, $0x1;
	s3 =	sadd.s32 s17, s1  }
0x9a: {  	[timem:s18], [sflag:s4] =	dma.local [hbm:s3], s2  }
0x9b: {  	_ =	swait.ge [sflag:s4], s2  }
0x9c: {  	s2 =	ssub.s32 $0x0, s2;
	[sflag:s4] =	ssyncset.done $0x0  }
0x9d: {  	[sflag:s4] =	ssyncadd.s32 s2;
	_ =	sdelay $0x1  }
0x9e: {  	s19 =	simm.s32 $0x1B8B  }
0x9f: {  	_ =	swait.ge [sflag:s19], $0x1  }
0xa0: {  	[sflag:s19] =	ssyncset.done $0x0  }
0xa1: {  	s21 =	simm.s32 $0x1B8E;
	s20 =	sld [smem:$0x3FFE];
	[sflag:s19] =	ssyncadd.s32 $0xFFFFFFFF  }
0xa2: {  	s22 =	simm.s32 $execute0_lowered;
	[smem:$0x3FD2] =	sst s21  }
0xa3: {  	s3 =	sshll.u32 s22, $0x1;
	_ =	strace $0x8000004C;
	[dreg:$0x1] =	wrdreg $0xFFFFFFFF  }
0xa4: {  	s23 =	simm.s32 $_size_execute0_lowered;
	s3 =	sadd.s32 s1, s3;
	[dreg:$0x0] =	wrdreg $0x0  }
0xa5: {  	s4 =	sshll.u32 s23, $0x1;
	[dreg:$0x2] =	wrdreg s3  }
0xa6: {  	[dreg:$0x3] =	wrdreg s4  }
0xa7: {  	[dreg:$0x4] =	wrdreg $0xC0  }
0xa8: {  	s24 =	simm.s32 $execute1_lowered;
	_ =	task [dreg:s18], $0x5FFFF  }
0xa9: {  	s3 =	sshll.u32 s24, $0x1;
	[dreg:$0x1] =	wrdreg $0xFFFFFFFF  }
0xaa: {  	s1 =	sadd.s32 s1, s3;
	[dreg:$0x0] =	wrdreg $0x60  }
0xab: {  	[dreg:$0x2] =	wrdreg s1  }
0xac: {  	[dreg:$0x3] =	wrdreg s20  }
0xad: {  	[dreg:$0x4] =	wrdreg $0xC  }
0xae: {  	_ =	task.clear_ibuf [dreg:s18], $0x5FFFF;
	_ =	strace $0x9000004C  }
0xaf: {  	s25 =	simm.s32 $0xC;
	_ =	strace $0x8000004E  }
0xb0: {  	_ =	swait.ge [sflag:s25], $0x1  }
0xb1: {  	[sflag:s25] =	ssyncadd.s32 $0xFFFFFFFF  }
0xb2: {  	_ =	strace $0x9000004E  }
0xb3: {  	_ =	strace $0x8000004F;
	[dreg:$0x1] =	wrdreg $0xFFFFFFFF  }
0xb4: {  	[dreg:$0x0] =	wrdreg $0x2030  }
0xb5: {  	[dreg:$0x2] =	wrdreg s20  }
0xb6: {  	[dreg:$0x3] =	wrdreg $0xD  }
0xb7: {  	_ =	task.clear_ibuf [dreg:s18], $0x4FFFF;
	_ =	strace $0x9000004F  }
0xb8: {  	s26 =	simm.s32 $0xD;
	_ =	strace $0x80000051  }
0xb9: {  	_ =	swait.ge [sflag:s26], $0x1  }
0xba: {  	[sflag:s26] =	ssyncadd.s32 $0xFFFFFFFF  }
0xbb: {  	_ =	strace $0x90000051  }
0xbc: {  	_ =	sfence  }
0xbd: {  	s28 =	sld [smem:$0x0];
	_ =	sdelay $0x1  }
0xbe: {  	s29 =	srdreg.scid  }
0xbf: {  	s30 =	sshll.u32 s29, $0xD;
	s31 =	sshrl.u32 s29, $0x2  }
0xc0: {  	s2 =	sand.u32 $0x1, s29;
	s3 =	sand.u32 $0x4000, s30;
	s1 =	sadd.s32 s31, s28  }
0xc1: {  	s2 =	sor.u32 s3, s2;
	s1 =	sshll.u32 s1, $0x11  }
0xc2: {  	s1 =	sor.u32 s1, s2  }
0xc3: {  	s1 =	sadd.s32 $0x8F2B, s1  }
0xc4: {  	[sflag:s1] =	ssyncadd.remote.s32 $0x1  }
0xc5: {  	_ =	sfence.sel $0xFFFF  }
0xc6: {  	[dreg:$0x0] =	wrdreg $0xFFFFFFFF;
	(pc) =	sbr.abs _section_cstart, $3  }
0xc7: {  	[dreg:$0x1] =	wrdreg $0xFFFFFFFF  }
0xc8: {  	_ =	task.clear_ibuf [dreg:s18], $0x2FFFF;
	_ =	strace $0x9FFFFFFF  }
0xc9: {  	(tm) =	ssettm $0x7FFFFFFF  }
tec
execute0_lowered:
.L_overlay_start_1:
0x0: {  	(tag) =	ssettag $0x1  }
0x1: {  	s3 =	rddreg [dreg:$0x0];
	s4 =	stileid.u32  }
0x2: {  	s5 =	rddreg [dreg:$0x1];
	s2 =	smul.u32 $0x3E80, s4  }
0x3: {  	s0 =	rddreg [dreg:$0x2];
	[bflag:$0x3] =	sbarrier.arrive $0xFFFF;
	s1 =	simm.s32 $_size_execute1_lowered  }
0x4: {  	s1 =	sshll.u32 s1, $0x1;
	p0 =	sne.s32 s4, $0x0;
	s6 =	ssub.s32 $0x1388000, s2  }
0x5: {  	s4 =	simm.s32 @!p0 $0x1C3F;
	s7 =	simm.s32 @!p0 $0x4060;
	s8 =	smulhi.u32 $0x20C49BB, s6  }
0x6: {  	[timem:s7], [sflag:s4] =	dma.local @!p0 [hbm:s3], s1  }
0x7: {  	s30 =	sshrl.u32 s8, $0xB  }
0x8: {  	s31 =	simm.s32 $0x2;
	s8 =	smul.u32 $0x3E800, s30  }
.Ltmp0:
0x9: {  	s10 =	simm.s32 $0x0;
	s9 =	simm.s32 $0x0;
	(pc) =	sbr.rel .LBB2_1-.Ltmp0, $4  }
0xa: {  	s3 =	sadd.s32 $0xBD400, s5;
	p1 =	sne.s32 s6, s8;
	s6 =	simm.s32 $0x1  }
0xb: {  	s4 =	simm.s32 $0x1;
	_ =	strace $0x8000004D;
	s6 =	simm.s32 @!p1 $0x0  }
0xc: {  	s5 =	sadd.s32 $0x32E400, s5;
	[sflag:s4] =	ssyncpa.u1 $0x0;
	s6 =	sadd.s32 s6, s30  }
0xd: {  	[sflag:s31] =	ssyncpa.u1 $0x0;
	s8 =	smov.u32 s2;
	s7 =	sadd.s32 $0x1, s6  }
.LBB2_7:
0xe: {  	s12 =	sadd.s32 $0x3E800, s8  }
0xf: {  	p2 =	sgt.s32 s12, $0x1387FFF  }
0x10: {  	s12 =	smov.u32 @p2 s2;
	p2 =	sne.s32 s9, s7  }
.Ltmp1:
0x11: {  	p1 =	slt.u32 s9, $0x2;
	(pc) =	sbr.rel @!p2 .LBB2_8-.Ltmp1, $4  }
0x12: {  	s11 =	simm.s32 @!p1 $0x2  }
0x13: {  	_ =	swait.ge @!p1 [sflag:s11], $0x3E80  }
0x14: {  	s13 =	sadd.s32 $0x1, s9;
	s10 =	smov.u32 s8;
	[sflag:s11] =	ssyncset.done @!p1 $0x0  }
0x15: {  	s9 =	smov.u32 s13;
	s8 =	smov.u32 s12;
	[sflag:s11] =	ssyncadd.s32 @!p1 $0xFFFFC180  }
.LBB2_1:
0x16: {  	p1 =	sge.u32 s9, s6  }
0x17: {  	s11 =	sxor.u32 @!p1 $0xFFFFFFFF, s9  }
0x18: {  	s11 =	sand.u32 @!p1 $0x1, s11  }
0x19: {  	s11 =	smul.u32 @!p1 $0xFA00, s11  }
0x1a: {  	s31 =	sadd.s32 $0xFFFFFFFF, s9;
	s12 =	sshrl.u32 @!p1 s8, $0x3  }
0x1b: {  	s13 =	sand.u32 @!p1 $0x7, s8;
	s12 =	sadd.s32 @!p1 s3, s12;
	s11 =	sshrl.u32 @!p1 s11, $0x2  }
0x1c: {  	[tilespmem:s11], [sflag:$0x1] =	stream.linear.gather @!p1 [hbm4b:s12+s13], $0x3E80, $0x38;
	[tilespmem:$0xFA00] =	vst v63  }
0x1d: {  	p1 =	sge.u32 s31, s6  }
.Ltmp2:
0x1e: {  	_ = 	snop;
	(pc) =	sbr.rel @p1 .LBB2_7-.Ltmp2, $1  }
0x1f: {  	_ =	sdelay $0x3  }
0x20: {  	s11 =	sand.u32 $0x1, s9  }
0x21: {  	_ =	swait.ge [sflag:s4], $0x3E80;
	s13 =	simm.s32 $0x3E80;
	p1 =	seq.s32 s11, $0x1  }
0x22: {  	[sflag:s4] =	ssyncset.done $0x0;
	s13 =	simm.s32 @!p1 $0x0  }
0x23: {  	[sflag:s4] =	ssyncadd.s32 $0xFFFFC180;
	s15 =	sadd.s32 $0x80, s13  }
0x24: {  	v0 =	vld [tilespmem:s15+$0x70]  }
0x25: {  	v1 =	vld [tilespmem:s15+$0xFFFFFF90]  }
0x26: {  	v2 =	vld [tilespmem:s15+$0xFFFFFFA0]  }
0x27: {  	v3 =	vld [tilespmem:s15+$0xFFFFFFB0]  }
0x28: {  	s11 =	sadd.s32 $0x7D80, s13;
	v4 =	vld [tilespmem:s15+$0xFFFFFFC0]  }
0x29: {  	v5 =	vld [tilespmem:s15+$0xFFFFFFD0];
	[tilespmem:s11+$0x70] =	vst v0  }
0x2a: {  	[tilespmem:s11+$0xFFFFFF90] =	vst v1;
	v0 =	vld [tilespmem:s15+$0xFFFFFFE0]  }
0x2b: {  	[tilespmem:s11+$0xFFFFFFA0] =	vst v2;
	v1 =	vld [tilespmem:s15+$0xFFFFFFF0]  }
0x2c: {  	[tilespmem:s11+$0xFFFFFFB0] =	vst v3;
	v2 =	vld [tilespmem:s15+$0x0]  }
0x2d: {  	[tilespmem:s11+$0xFFFFFFC0] =	vst v4;
	v3 =	vld [tilespmem:s15+$0x10]  }
0x2e: {  	[tilespmem:s11+$0xFFFFFFD0] =	vst v5;
	v5 =	vld [tilespmem:s15+$0x20]  }
0x2f: {  	[tilespmem:s11+$0xFFFFFFE0] =	vst v0;
	v0 =	vld [tilespmem:s15+$0x30]  }
0x30: {  	[tilespmem:s11+$0xFFFFFFF0] =	vst v1;
	v1 =	vld [tilespmem:s15+$0x40]  }
0x31: {  	[tilespmem:s11+$0x0] =	vst v2;
	v2 =	vld [tilespmem:s15+$0x50]  }
0x32: {  	s14 =	simm.s32 $0x0;
	[tilespmem:s11+$0x10] =	vst v3;
	v3 =	vld [tilespmem:s15+$0x60]  }
0x33: {  	s12 =	sadd.s32 $0x7D00, s13;
	s13 =	sshll.u32 s13, $0x2;
	v4 =	vld [tilespmem:s15+$0xFFFFFF80];
	[tilespmem:s11+$0x20] =	vst v5;
	s15 =	sadd.s32 $0x100, s15  }
.LBB2_3:
0x34: {  	v5 =	vld [tilespmem:s15+$0x70];
	s14 =	sadd.s32 $0x100, s14;
	[tilespmem:s11+$0x30] =	vst v0  }
0x35: {  	v0 =	vld [tilespmem:s15+$0xFFFFFF90];
	p1 =	slt.u32 s14, $0x3D00;
	[tilespmem:s11+$0x40] =	vst v1  }
0x36: {  	v1 =	vld [tilespmem:s15+$0xFFFFFFA0];
	[tilespmem:s11+$0x50] =	vst v2  }
0x37: {  	v2 =	vld [tilespmem:s15+$0xFFFFFFB0];
	[tilespmem:s11+$0x60] =	vst v3  }
0x38: {  	v3 =	vld [tilespmem:s15+$0xFFFFFFC0];
	[tilespmem:s11+$0xFFFFFF80] =	vst v4;
	s11 =	sadd.s32 $0x100, s11  }
0x39: {  	v4 =	vld [tilespmem:s15+$0xFFFFFFD0];
	[tilespmem:s11+$0x70] =	vst v5  }
0x3a: {  	[tilespmem:s11+$0xFFFFFF90] =	vst v0;
	v0 =	vld [tilespmem:s15+$0xFFFFFFE0]  }
0x3b: {  	[tilespmem:s11+$0xFFFFFFA0] =	vst v1;
	v1 =	vld [tilespmem:s15+$0xFFFFFFF0]  }
0x3c: {  	[tilespmem:s11+$0xFFFFFFB0] =	vst v2;
	v2 =	vld [tilespmem:s15+$0x0]  }
0x3d: {  	[tilespmem:s11+$0xFFFFFFC0] =	vst v3;
	v3 =	vld [tilespmem:s15+$0x10]  }
0x3e: {  	[tilespmem:s11+$0xFFFFFFD0] =	vst v4;
	v5 =	vld [tilespmem:s15+$0x20]  }
.Ltmp3:
0x3f: {  	[tilespmem:s11+$0xFFFFFFE0] =	vst v0;
	v0 =	vld [tilespmem:s15+$0x30];
	(pc) =	sbr.rel @p1 .LBB2_3-.Ltmp3, $4  }
0x40: {  	[tilespmem:s11+$0xFFFFFFF0] =	vst v1;
	v1 =	vld [tilespmem:s15+$0x40]  }
0x41: {  	[tilespmem:s11+$0x0] =	vst v2;
	v2 =	vld [tilespmem:s15+$0x50]  }
0x42: {  	[tilespmem:s11+$0x10] =	vst v3;
	v3 =	vld [tilespmem:s15+$0x60]  }
0x43: {  	v4 =	vld [tilespmem:s15+$0xFFFFFF80];
	[tilespmem:s11+$0x20] =	vst v5;
	s15 =	sadd.s32 $0x100, s15  }
0x44: {  	[tilespmem:s11+$0x30] =	vst v0  }
0x45: {  	[tilespmem:s11+$0x40] =	vst v1  }
0x46: {  	[tilespmem:s11+$0x50] =	vst v2  }
0x47: {  	s13 =	sshrl.u32 s13, $0x2;
	[tilespmem:s11+$0x60] =	vst v3  }
0x48: {  	s14 =	simm.s32 $0x3DF0;
	[tilespmem:s11+$0xFFFFFF80] =	vst v4;
	s11 =	sadd.s32 $0xBB00, s13;
	s13 =	sadd.s32 $0x3E00, s13  }
.LBB2_5:
0x49: {  	s14 =	sadd.s32 $0x10, s14  }
0x4a: {  	v0 =	vld [tilespmem:s13+$0x0];
	p1 =	slt.u32 s14, $0x3E70  }
.Ltmp4:
0x4b: {  	_ = 	snop;
	(pc) =	sbr.rel @p1 .LBB2_5-.Ltmp4, $2  }
0x4c: {  	_ =	sdelay $0x2  }
0x4d: {  	s13 =	sadd.s32 $0x10, s13;
	[tilespmem:s11+$0x0] =	vst v0;
	s11 =	sadd.s32 $0x10, s11  }
.Ltmp5:
0x4e: {  	(pc) =	sbr.rel .LBB2_7-.Ltmp5, $4  }
0x4f: {  	_ = 	snop  }
0x50: {  	s11 =	sshrl.u32 s10, $0x3  }
0x51: {  	s31 =	sand.u32 $0x7, s10;
	s11 =	sadd.s32 s5, s11  }
0x52: {  	[hbm4b:s11+s31] =	stream.linear.scatter [tilespmem:s12], [sflag:$0x2], $0x3E80, $0x38;
	[tilespmem:$0xFA00] =	vst v63  }
.LBB2_8:
0x53: {  	_ =	sfence.sel $0x180000  }
0x54: {  	s2 =	simm.s32 $0x1;
	[bflag:$0x0] =	sbarrier.arrive $0xFFFF  }
0x55: {  	s31 =	simm.s32 $0x2;
	[sflag:s2] =	ssyncpa.u1 $0x1  }
0x56: {  	[sflag:s31] =	ssyncpa.u1 $0x1  }
0x57: {  	_ =	strace $0x9000004D  }
0x58: {  	s0 =	sadd.s32 @!p0 $0x100000, s0;
	[bflag:$0x2] =	sbarrier.arrive $0xFFFF  }
0x59: {  	[sflag:s0] =	ssyncadd.tile.s32 @!p0 $0x1;
	s0 =	simm.s32 @!p0 $0x3F  }
0x5a: {  	_ =	swait.ge @!p0 [sflag:s0], s1  }
0x5b: {  	s1 =	ssub.s32 @!p0 $0x0, s1;
	[sflag:s0] =	ssyncset.done @!p0 $0x0  }
0x5c: {  	[sflag:s0] =	ssyncadd.s32 @!p0 s1  }
0x5d: {  	[bflag:$0x3] =	sbarrier.arrive $0xFFFF  }
0x5e: {  	_ =	shalt  }
.Lfunc_end2:
execute1_lowered:
.L_overlay_start_2:
0x5f: {  	(tag) =	ssettag $0x2  }
0x60: {  	s0 =	rddreg [dreg:$0x0]  }
0x61: {  	s6 =	stileid.u32;
	_ =	strace $0x80000050;
	s2 =	simm.s32 $0x1  }
0x62: {  	v1 =	vimm.s32 $0xFFFFFFFF;
	s1 =	smul.u32 $0x7, s6;
	[sflag:s2] =	ssyncpa.u1 $0x0  }
0x63: {  	s3 =	smin.u32 s6, $0x3;
	[tilespmem:$0x10] =	vst v1  }
0x64: {  	v0 =	vimm.f32 $0.0e+00;
	[tilespmem:$0x20] =	vst v1;
	s1 =	sadd.s32 s3, s1  }
0x65: {  	p0 =	slt.u32 s6, $0x3;
	[tilespmem:$0x30] =	vst v0;
	s3 =	smul.u32 $0xAF0, s1;
	s1 =	simm.s32 $0x5780  }
0x66: {  	[tilespmem:$0x40] =	vst v0;
	s1 =	simm.s32 @!p0 $0x4C90  }
0x67: {  	[tilespmem:$0x50] =	vst v0;
	s1 =	sadd.s32 s1, s3  }
0x68: {  	[tilespmem:$0x60] =	vst v1;
	s4 =	smin.u32 s1, $0x4E9D0  }
0x69: {  	s7 =	simm.s32 $0x2;
	[tilespmem:$0x70] =	vst v1;
	s9 =	ssub.s32 s4, s3  }
0x6a: {  	s8 =	simm.s32 $0x8;
	s31 =	simm.s32 $0x9;
	[tilespmem:$0x80] =	vst v1;
	p0 =	sgt.s32 s9, $0x0  }
0x6b: {  	s16 =	simm.s32 $0x0;
	s17 =	simm.s32 $0xF0;
	v1 =	vimm.s32 $0x0;
	[tilespmem:$0xB0] =	vst v0;
	s9 =	simm.s32 @!p0 $0x0  }
0x6c: {  	s18 =	simm.s32 $0xFFFFFFFF;
	s19 =	simm.s32 $0xFFFFEB20;
	[tilespmem:$0x90] =	vst v1;
	s5 =	smulhi.u32 $0x5D9F7391, s9  }
0x6d: {  	s20 =	simm.s32 $0xFFFFFFFE;
	[tilespmem:$0xA0] =	vst v1;
	[sflag:s7] =	ssyncpa.u1 $0x0;
	s7 =	simm.s32 $0x7  }
0x6e: {  	s21 =	simm.s32 $0xF;
	[sflag:s7] =	ssyncpa.u1 $0x0;
	s10 =	sshrl.u32 s5, $0xA  }
0x6f: {  	s25 =	simm.s32 $0x0;
	[sflag:s8] =	ssyncpa.u1 $0x0;
	s11 =	smul.u32 $0xAF0, s10  }
0x70: {  	s24 =	simm.s32 $0x0;
	s14 =	sshllo.u32 s6, $0x1;
	[sflag:s31] =	ssyncpa.u1 $0x0  }
.Ltmp6:
0x71: {  	s1 =	sadd.s32 $0x32E400, s0;
	p0 =	sne.s32 s9, s11;
	(pc) =	sbr.rel .LBB3_1-.Ltmp6, $4  }
0x72: {  	s5 =	sadd.s32 $0xA9800, s0;
	s0 =	sadd.s32 $0xB3600, s0;
	s2 =	simm.s32 @!p0 $0x0  }
0x73: {  	s23 =	smov.u32 s3;
	[dreg:$0x2] =	wrdreg s0;
	s9 =	sadd.s32 s2, s10  }
0x74: {  	vm0 =	vmmov $0xffff;
	v2 =	vlaneseq.u32;
	p0 =	por $0x0, $0x0;
	s10 =	sshll.u32 s6, $0x1;
	s11 =	sadd.s32 $0x1, s9  }
0x75: {  	vm1 =	vmxor vm1, vm1;
	vm2 =	vmmov $0x1;
	vm3 =	vcmask $0x3F3C;
	s12 =	sadd.s32 $0x2, s9;
	s13 =	sor.u32 $0x81, s10;
	s15 =	sor.u32 $0x80, s10  }
.LBB3_9:
0x76: {  	p1 =	slt.u32 s24, $0x3  }
0x77: {  	s0 =	simm.s32 @!p1 $0x2  }
0x78: {  	_ =	swait.ge @!p1 [sflag:s0], $0xAF0  }
0x79: {  	[sflag:s0] =	ssyncset.done @!p1 $0x0  }
0x7a: {  	[sflag:s0] =	ssyncadd.s32 @!p1 $0xFFFFF510;
	s0 =	simm.s32 @!p1 $0x9  }
0x7b: {  	_ =	swait.ge @!p1 [sflag:s0], $0x10  }
0x7c: {  	[sflag:s0] =	ssyncset.done @!p1 $0x0  }
0x7d: {  	[sflag:s0] =	ssyncadd.s32 @!p1 $0xFFFFFFF0;
	p1 =	sne.s32 s24, s12  }
.Ltmp7:
0x7e: {  	s2 =	sadd.s32 $0xAF0, s23;
	(pc) =	sbr.rel @!p1 .LBB3_10-.Ltmp7, $4  }
0x7f: {  	s6 =	smov.u32 s3;
	s31 =	sadd.s32 $0x1, s24;
	s17 =	sadd.s32 $0xAF0, s17  }
0x80: {  	s18 =	sadd.s32 $0x1, s18;
	s25 =	smov.u32 s23;
	p2 =	slt.s32 s2, s4  }
0x81: {  	p0 =	por !p0, !p0;
	s19 =	sadd.s32 $0xAF0, s19;
	s6 =	smov.u32 @p2 s2  }
0x82: {  	s20 =	sadd.s32 $0x1, s20;
	s23 =	smov.u32 s6;
	s24 =	smov.u32 s31  }
.LBB3_1:
0x83: {  	p1 =	sge.u32 s24, s9  }
0x84: {  	s0 =	smulhi.u32 @!p1 $0xAAAAAAAB, s24;
	_ =	sdelay $0x1  }
0x85: {  	s0 =	sshrl.u32 @!p1 s0, $0x1  }
0x86: {  	s0 =	smul.u32 @!p1 $0x3, s0;
	_ =	sdelay $0x1  }
0x87: {  	s0 =	ssub.s32 @!p1 s24, s0  }
0x88: {  	s0 =	smul.u32 @!p1 $0x2BC0, s0;
	_ =	sdelay $0x1  }
0x89: {  	s2 =	sshrl.u32 @!p1 s23, $0x3;
	s0 =	sshrl.u32 @!p1 s0, $0x2  }
0x8a: {  	s22 =	sand.u32 @!p1 $0x7, s23;
	s2 =	sadd.s32 @!p1 s5, s2;
	s0 =	sadd.s32 @!p1 $0x100, s0  }
0x8b: {  	[tilespmem:s0], [sflag:$0x7] =	stream.linear.gather @!p1 [hbm4b:s2+s22], $0xAF0, $0x38;
	[tilespmem:$0x6390] =	vst v63  }
0x8c: {  	s0 =	sadd.s32 $0xFFFFFFFF, s24  }
0x8d: {  	p1 =	sge.u32 s0, s9  }
.Ltmp8:
0x8e: {  	_ = 	snop;
	(pc) =	sbr.rel @p1 .LBB3_5-.Ltmp8, $1  }
0x8f: {  	_ =	sdelay $0x3  }
0x90: {  	s2 =	smulhi.u32 $0xAAAAAAAB, s0;
	_ =	sdelay $0x1  }
0x91: {  	s2 =	sshrl.u32 s2, $0x1  }
0x92: {  	s2 =	smul.u32 $0x3, s2;
	_ =	sdelay $0x1  }
0x93: {  	s2 =	ssub.s32 s0, s2  }
0x94: {  	s2 =	smul.u32 $0x2BC0, s2  }
0x95: {  	_ =	swait.ge [sflag:s7], $0xAF0  }
0x96: {  	[sflag:s7] =	ssyncset.done $0x0;
	s2 =	sshrl.u32 s2, $0x2  }
0x97: {  	[sflag:s7] =	ssyncadd.s32 $0xFFFFF510;
	(ifvalue) =	ssetifvalue $0xFFFFFFFF;
	v3 =	vld.msk [tilespmem:s2+$0x100 ss:$0x1], $0xffff;
	_ =	sdelay $0x2  }
0x98: {  	s30 =	smulhi.u32 $0xAAAAAAAB, s18;
	p1 =	sne.s32 s24, $0x1  }
0x99: {  	v4 =	vimm.s32 @!p1 $0x0  }
0x9a: {  	s2 =	sshrl.u32 s30, $0x1;
	v4 =	vperm.xlane @!p1 v3, v4  }
0x9b: {  	s22 =	sshll.u32 s24, $0x4;
	s2 =	smul.u32 $0xFFFF7CC0, s2;
	vm4 =	vlt.u32 v3, $0x1388000  }
0x9c: {  	s22 =	sand.u32 $0x10, s22;
	v3 =	vnsel vm4, $0xFFFFFFFE, v3;
	vm4 =	vlt.u32 @!p1 v4, $0x1388000  }
0x9d: {  	s2 =	sshra.s32 s2, $0x2;
	[tilespmem:s22+$0x60] =	vst v3;
	v3 =	vnsel @!p1 vm4, $0xFFFFFFFE, v4  }
0x9e: {  	s28 =	sadd.s32 s2, s17;
	[tilespmem:$0x80] =	vst @!p1 v3  }
0x9f: {  	v3 =	vld.msk [tilespmem:s28+$0x0 ss:$0x1], $0xffff;
	_ =	sdelay $0x4  }
0xa0: {  	(xrf1) =	vunique.msk.u32 $0xffff, v3;
	_ =	sdelay $0xd  }
0xa1: {  	v4 =	vimm.s32 $0xFFFFFFFF;
	v5, _, _ =	vpop (xrf1)  }
0xa2: {  	vm5 =	vne.s32 v3, v4;
	vm4 =	veq.s32 v5, v2  }
0xa3: {  	vm6 =	vlt.u32 v3, $0x1388000;
	vm4 =	vmand vm5, vm4  }
0xa4: {  	vm4 =	vmand vm6, vm4  }
0xa5: {  	v4 =	vnsel vm4, $0xFFFFFFFF, v3  }
0xa6: {  	s31 =	sand.u32 $0x1, s0  }
0xa7: {  	s0 =	simm.s32 $0xAF0;
	p1 =	seq.s32 s31, $0x1  }
0xa8: {  	s0 =	simm.s32 @!p1 $0x0  }
0xa9: {  	s26 =	sadd.s32 $0x2CB0, s0;
	(ifvalue) =	ssetifvalue $0xFFFFFFFF  }
0xaa: {  	v3 =	vperm.xlane v3, v1;
	[tilespmem:s26], [sflag:$0x8] =	stream.indirect_vreg.gather [hbm4b:s1+s16], $0x1, v4, vm0, $0x4038;
	v4 =	vnsel vm6, $0xFFFFFFFE, v4;
	[tilespmem:$0x6390] =	vst v63  }
0xab: {  	s2 =	simm.s32 $0x0;
	s22 =	sadd.s32 $0xFFFFFFF0, s28;
	[tilespmem:s28+$0x0] =	vst v4  }
.LBB3_3:
0xac: {  	v4 =	vld.msk [tilespmem:s22+$0x0 ss:$0x1], $0xffff;
	s2 =	sadd.s32 $0x10, s2;
	v5 =	vmov v3;
	s28 =	smov.u32 s22  }
0xad: {  	p1 =	slt.u32 s2, $0xAE0;
	_ =	sdelay $0x4  }
0xae: {  	v3 =	vperm.xlane v4, v1;
	(xrf1) =	vunique.msk.u32 $0xffff, v4;
	_ =	sdelay $0xd  }
0xaf: {  	v6, _, _ =	vpop (xrf1)  }
0xb0: {  	vm5 =	vne.s32 v4, v5;
	vm4 =	veq.s32 v6, v2  }
0xb1: {  	vm6 =	vlt.u32 v4, $0x1388000;
	vm4 =	vmand vm5, vm4  }
0xb2: {  	vm4 =	vmand vm6, vm4  }
0xb3: {  	v4 =	vnsel vm4, $0xFFFFFFFF, v4  }
.Ltmp9:
0xb4: {  	v5 =	vnsel vm6, $0xFFFFFFFE, v4;
	(pc) =	sbr.rel @p1 .LBB3_3-.Ltmp9, $3  }
0xb5: {  	_ =	sdelay $0x1  }
0xb6: {  	s22 =	sadd.s32 $0xFFFFFFF0, s22;
	s26 =	sadd.s32 $0xFFFFFFF0, s26;
	(ifvalue) =	ssetifvalue $0xFFFFFFFF  }
0xb7: {  	[tilespmem:s26], [sflag:$0x8] =	stream.indirect_vreg.gather [hbm4b:s1+s16], $0x1, v4, vm0, $0x4038;
	[tilespmem:s28+$0x0] =	vst v5  }
0xb8: {  	s2 =	sshrl.u32 s25, $0x3;
	s6 =	rddreg [dreg:$0x2]  }
0xb9: {  	s0 =	sadd.s32 $0x37B0, s0;
	s2 =	sadd.s32 s6, s2  }
0xba: {  	[tilespmem:s0], [sflag:$0x8] =	stream.linear.gather [hbm:s2], $0xAF0, $0x38;
	[tilespmem:$0x6390] =	vst v63  }
.LBB3_5:
0xbb: {  	p1 =	slt.u32 s24, $0x2  }
0xbc: {  	p2 =	sge.u32 @!p1 s24, s12  }
0xbd: {  	p1 =	por p1, p2  }
.Ltmp10:
0xbe: {  	_ = 	snop;
	(pc) =	sbr.rel @p1 .LBB3_9-.Ltmp10, $1  }
0xbf: {  	_ =	sdelay $0x3  }
0xc0: {  	s0 =	sadd.s32 $0xFFFFFFFE, s24  }
0xc1: {  	s2 =	smulhi.u32 $0xAAAAAAAB, s0;
	_ =	sdelay $0x1  }
0xc2: {  	s2 =	sshrl.u32 s2, $0x1  }
0xc3: {  	s2 =	smul.u32 $0x3, s2;
	_ =	sdelay $0x1  }
0xc4: {  	s0 =	ssub.s32 s0, s2  }
0xc5: {  	_ =	swait.ge [sflag:s8], $0x15E0;
	s0 =	smul.u32 $0xAF0, s0  }
0xc6: {  	p1 =	sne.s32 s24, s11;
	[sflag:s8] =	ssyncset.done $0x0  }
0xc7: {  	[sflag:s8] =	ssyncadd.s32 $0xFFFFEA20;
	s2 =	sadd.s32 @!p1 $0xBEF, s0  }
0xc8: {  	[spmem:s13] =	stream.linear.scatter @!p1 [tilespmem:s2], [sflag:$0x1], $0x1, $0x38;
	[tilespmem:$0x6390] =	vst v63  }
0xc9: {  	s2 =	simm.s32 @!p1 $0x1  }
0xca: {  	_ =	swait.ge @!p1 [sflag:s2], $0x1  }
0xcb: {  	s22 =	sshll.u32 s24, $0x4;
	[sflag:s2] =	ssyncset.done @!p1 $0x0  }
0xcc: {  	s25 =	sand.u32 $0x10, s22;
	[sflag:s2] =	ssyncadd.s32 @!p1 $0xFFFFFFFF  }
0xcd: {  	s2 =	sxor.u32 $0x10, s25;
	v4 =	vld [tilespmem:s25+$0x10]  }
0xce: {  	v5 =	vld [tilespmem:s2+$0x60]  }
0xcf: {  	v3 =	vld [tilespmem:$0x80];
	_ =	sdelay $0x2  }
0xd0: {  	(v2sf) =	vpush v4, $0x0  }
0xd1: {  	(v2sf) =	vpush v5, $0x0  }
0xd2: {  	(v2sf) =	vpush v3, $0x0;
	_ =	sdelay $0xc  }
0xd3: {  	s6 =	spop (v2sf)  }
0xd4: {  	s28 =	spop (v2sf)  }
0xd5: {  	s26 =	spop (v2sf)  }
0xd6: {  	p2 =	seq.s32 s6, s28;
	p3 =	seq.s32 s26, s6  }
0xd7: {  	p3 =	por p2, p3  }
0xd8: {  	s6 =	sand.u32 $0x1, s24;
	v4 =	vpsel p3, $0xFFFFFFFF, v4  }
0xd9: {  	s28 =	smul.u32 $0xAF0, s6;
	[tilespmem:s25+$0x10] =	vst.msk $0x1, v4  }
0xda: {  	v4 =	vld [tilespmem:$0x30]  }
0xdb: {  	v5 =	vld [tilespmem:s28+$0x37B0]  }
0xdc: {  	v6 =	vld [tilespmem:s25+$0x40];
	_ =	sdelay $0x3  }
0xdd: {  	vm4 =	vmmov vm1;
	v5 =	vadd.f32 v5, v4  }
0xde: {  	vm5 =	vmmov vm2;
	vm4 =	vmmov @p2 vm2;
	v4 =	vadd.f32 v6, v4  }
0xdf: {  	s22 =	sshll.u32 s6, $0x4;
	vm5 =	vmmov @p3 vm1;
	[tilespmem:s28+$0x37B0] =	vst.msk vm4, v5  }
0xe0: {  	[tilespmem:s22+$0x6370] =	vst.msk vm5, v4  }
0xe1: {  	v4 =	vld [tilespmem:s28+$0x2CB0];
	_ =	sdelay $0x3  }
0xe2: {  	v5 =	vimm.f32 $0.0e+00  }
0xe3: {  	v4 =	vshift.insert v4, v5, s21  }
0xe4: {  	s29 =	sor.u32 $0x40, s2  }
0xe5: {  	[tilespmem:s29+$0x0] =	vst.msk $0x1, v4  }
0xe6: {  	[tilespmem:s28+$0x2CBF] =	vst.msk $0x1, v5  }
0xe7: {  	v4 =	vld [tilespmem:s0+$0xBE0];
	_ =	sdelay $0x1  }
0xe8: {  	s29 =	smulhi.u32 $0xAAAAAAAB, s20;
	s0 =	simm.s32 $0x1  }
0xe9: {  	s0 =	simm.s32 @!p0 $0x0  }
0xea: {  	s29 =	sshrl.u32 s29, $0x1;
	s0 =	smul.u32 $0x2BC0, s0  }
0xeb: {  	s29 =	smul.u32 $0xFFFF7CC0, s29;
	v4 =	vshift.insert v4, v1, s21  }
0xec: {  	s0 =	sshrl.u32 s0, $0x2  }
0xed: {  	s29 =	sshra.s32 s29, $0x2;
	s30 =	sadd.s32 $0x37B0, s0;
	[tilespmem:s2+$0x10] =	vst.msk $0x1, v4  }
0xee: {  	s6 =	sadd.s32 s29, s19;
	v6 =	vld [tilespmem:s30+$0x0]  }
0xef: {  	v7 =	vld [tilespmem:s6+$0x0];
	_ =	sdelay $0x3  }
0xf0: {  	v5 =	vadd.f32 v6, v5  }
0xf1: {  	vm4 =	vne.s32 v7, $0xFFFFFFFF  }
0xf2: {  	(xrf2) =	vadd.seg.scan.f32 vm4, v5;
	_ =	sdelay $0x3  }
0xf3: {  	s31 =	sadd.s32 $0x21D0, s0;
	v5 =	vperm.xlane v4, v1  }
0xf4: {  	v6 =	vld [tilespmem:s31+$0x0]  }
0xf5: {  	vm5 =	veq.s32 v7, v3;
	vm6 =	veq.s32 v7, v5  }
0xf6: {  	vm7 =	vgt.u32 v7, $0xFFFFFFFD;
	vm6 =	vmor vm6, vm5  }
0xf7: {  	vm6 =	vmor vm6, vm7  }
0xf8: {  	v9 =	vld [tilespmem:$0xA0];
	v7 =	vsel vm6, $0xFFFFFFFF, v7  }
0xf9: {  	v10 =	vld [tilespmem:$0x90];
	v6 =	vsel vm5, $0x0, v6;
	v8, _, _ =	vpop (xrf2)  }
0xfa: {  	v6 =	vadd.f32 v8, v6  }
0xfb: {  	s0 =	sadd.s32 $0x4D90, s0  }
0xfc: {  	vm4 =	vmand vm4, vm3;
	[tilespmem:s0+$0x0] =	vst v6;
	(ifvalue) =	ssetifvalue $0xFFFFFFFF  }
0xfd: {  	vm6 =	veq.s32 v9, $0x1;
	[hbm4b:s1+s16] =	stream.indirect_vreg.scatter [tilespmem:s0], [sflag:$0x2], $0x1, v7, vm0, $0x4038;
	v7 =	vsel vm4, $0x0, v8;
	[tilespmem:$0x6390] =	vst v63  }
0xfe: {  	s29 =	sadd.s32 $0x6370, s22;
	s22 =	sadd.s32 $0x10, s6;
	s2 =	simm.s32 $0x0;
	vm4 =	vmor vm6, vm5;
	v6 =	vsel vm5, v8, v10;
	v7 =	vshift.insert v7, v0, s21  }
.LBB3_7:
0xff: {  	v8 =	vld [tilespmem:s22+$0x0];
	s30 =	sadd.s32 $0x10, s30  }
0x100: {  	s31 =	sadd.s32 $0x10, s31;
	v9 =	vld [tilespmem:s30+$0x0]  }
0x101: {  	s2 =	sadd.s32 $0x10, s2;
	v10 =	vld [tilespmem:s31+$0x0]  }
0x102: {  	p2 =	slt.u32 s2, $0xAE0;
	_ =	sdelay $0x2  }
0x103: {  	v7 =	vadd.f32 v9, v7  }
0x104: {  	vm5 =	vne.s32 v8, $0xFFFFFFFF  }
0x105: {  	vm6 =	vmand vm5, vm3;
	(xrf2) =	vadd.seg.scan.f32 vm5, v7;
	_ =	sdelay $0x5  }
0x106: {  	vm7 =	veq.s32 v8, v5;
	vm5 =	veq.s32 v8, v3  }
0x107: {  	vm8 =	vgt.u32 v8, $0xFFFFFFFD;
	vm4 =	vmor vm4, vm5;
	vm7 =	vmor vm7, vm5  }
0x108: {  	vm7 =	vmor vm7, vm8  }
0x109: {  	v8 =	vsel vm7, $0xFFFFFFFF, v8  }
.Ltmp11:
0x10a: {  	v7 =	vsel vm5, $0x0, v10;
	v9, _, _ =	vpop (xrf2);
	(pc) =	sbr.rel @p2 .LBB3_7-.Ltmp11, $4  }
0x10b: {  	v6 =	vsel vm5, v9, v6;
	v10 =	vadd.f32 v9, v7;
	v7 =	vsel vm6, $0x0, v9  }
0x10c: {  	s0 =	sadd.s32 $0x10, s0;
	v7 =	vshift.insert v7, v0, s21  }
0x10d: {  	s22 =	sadd.s32 $0x10, s22;
	[tilespmem:s0+$0x0] =	vst v10;
	(ifvalue) =	ssetifvalue $0xFFFFFFFF  }
0x10e: {  	[hbm4b:s1+s16] =	stream.indirect_vreg.scatter [tilespmem:s0], [sflag:$0x2], $0x1, v8, vm0, $0x4038;
	[tilespmem:$0x6390] =	vst v63  }
0x10f: {  	v3 =	vld [tilespmem:s28+$0x5870];
	_ =	sdelay $0x4  }
0x110: {  	v3 =	vshift.insert v3, v0, s21  }
0x111: {  	s0 =	simm.s32 $0x30  }
0x112: {  	[tilespmem:s0+$0x0] =	vst.msk $0x1, v3  }
0x113: {  	v3 =	vsel vm4, $0x1, v1;
	[tilespmem:$0x90] =	vst v6  }
0x114: {  	s0 =	sadd.s32 @!p1 $0x587F, s28;
	[tilespmem:$0xA0] =	vst v3  }
0x115: {  	[spmem:s14] =	stream.linear.scatter @!p1 [tilespmem:s0], [sflag:$0x1], $0x1, $0x38;
	[tilespmem:$0x6390] =	vst v63  }
0x116: {  	s0 =	simm.s32 @!p1 $0x1  }
0x117: {  	v3 =	vmctz.xlane @!p1 vm4;
	_ =	swait.ge @!p1 [sflag:s0], $0x1  }
0x118: {  	(v2sf) =	vpush @!p1 v4, $0x0  }
0x119: {  	(v2sf) =	vpush @!p1 v3, $0x0;
	_ =	sdelay $0xd  }
0x11a: {  	s2 =	spop @!p1 (v2sf)  }
0x11b: {  	s6 =	spop @!p1 (v2sf)  }
0x11c: {  	p2 =	sne.s32 @!p1 s26, s2;
	p3 =	slt.s32 @!p1 s6, $0xF  }
0x11d: {  	[sflag:s0] =	ssyncset.done @!p1 $0x0;
	p2 =	por p2, p1;
	p3 =	por !p3, p1  }
0x11e: {  	[sflag:s0] =	ssyncadd.s32 @!p1 $0xFFFFFFFF;
	v3 =	vimm.s32 @!p2 $0xFFFFFFFF;
	s6 =	simm.s32 @p3 $0xF  }
0x11f: {  	[tilespmem:$0x80] =	vst @!p2 v3;
	s2 =	sadd.s32 @!p1 $0x90, s6  }
0x120: {  	[spmem:s10] =	stream.linear.scatter @!p1 [tilespmem:s2], [sflag:$0x1], $0x1, $0x38;
	[tilespmem:$0x6390] =	vst v63  }
0x121: {  	_ =	swait.ge @!p1 [sflag:s0], $0x1  }
0x122: {  	[sflag:s0] =	ssyncset.done @!p1 $0x0  }
0x123: {  	s2 =	simm.s32 @!p1 $0x80;
	[sflag:s0] =	ssyncadd.s32 @!p1 $0xFFFFFFFF  }
0x124: {  	[spmem:s15] =	stream.linear.scatter @!p1 [tilespmem:s2], [sflag:$0x1], $0x1, $0x38;
	[tilespmem:$0x6390] =	vst v63  }
0x125: {  	_ =	swait.ge @!p1 [sflag:s0], $0x1  }
0x126: {  	[sflag:s0] =	ssyncset.done @!p1 $0x0  }
0x127: {  	[sflag:s0] =	ssyncadd.s32 @!p1 $0xFFFFFFFF;
	(ifvalue) =	ssetifvalue $0xFFFFFFFF;
	v3 =	vld [tilespmem:s25+$0x10];
	_ =	sdelay $0x3  }
.Ltmp12:
0x128: {  	_ = 	snop;
	(pc) =	sbr.rel .LBB3_9-.Ltmp12, $3  }
0x129: {  	_ =	sdelay $0x1  }
0x12a: {  	(ifvalue) =	ssetifvalue $0xFFFFFFFF  }
0x12b: {  	[hbm4b:s1+s16] =	stream.indirect_vreg.scatter [tilespmem:s29], [sflag:$0x9], $0x1, v3, vm0, $0x4038;
	[tilespmem:$0x6390] =	vst v63  }
.LBB3_10:
0x12c: {  	_ =	sfence.sel $0x180000  }
0x12d: {  	s0 =	simm.s32 $0x7;
	[bflag:$0x0] =	sbarrier.arrive $0xFFFF  }
0x12e: {  	s26 =	simm.s32 $0x8;
	[sflag:s0] =	ssyncpa.u1 $0x1  }
0x12f: {  	s28 =	simm.s32 $0x9;
	[sflag:s26] =	ssyncpa.u1 $0x1  }
0x130: {  	[sflag:s28] =	ssyncpa.u1 $0x1  }
0x131: {  	_ =	sfence.stream.spmem  }
0x132: {  	s29 =	simm.s32 $0x3;
	[bflag:$0x0] =	sbarrier.arrive $0xFFFF  }
0x133: {  	s30 =	simm.s32 $0x4;
	[sflag:s29] =	ssyncpa.u1 $0x1  }
0x134: {  	s31 =	simm.s32 $0x3C;
	s2 =	stileid.u32;
	[sflag:s30] =	ssyncpa.u1 $0x1  }
0x135: {  	p0 =	sne.s32 s2, $0x0;
	[sflag:s31] =	ssyncpa.u1 $0x1  }
0x136: {  	s0 =	simm.s32 @p0 $0x1;
	_ =	sfence @p0  }
0x137: {  	[sflag:s0] =	ssyncpa.u1 @p0 $0x1;
	s0 =	simm.s32 @p0 $0x2  }
0x138: {  	[sflag:s0] =	ssyncpa.u1 @p0 $0x1  }
0x139: {  	_ =	strace @p0 $0x90000050  }
0x13a: {  	[bflag:$0x2] =	sbarrier.arrive @p0 $0xFFFF  }
0x13b: {  	_ =	shalt @p0  }
.LBB3_11:
0x13c: {  	_ =	sfence.stream.spmem;
	s0 =	simm.s32 $0x5  }
0x13d: {  	s2 =	simm.s32 $0x80;
	s3 =	simm.s32 $0xC0;
	[sflag:s0] =	ssyncpa.u1 $0x0  }
0x13e: {  	[tilespmem:s3], [sflag:$0x5] =	stream.linear.gather [spmem:s2], $0x20, $0x38;
	[tilespmem:$0x6390] =	vst v63  }
0x13f: {  	s2 =	simm.s32 $0x0;
	s3 =	simm.s32 $0xE0  }
0x140: {  	[tilespmem:s3], [sflag:$0x5] =	stream.linear.gather [spmem:s2], $0x20, $0x38;
	[tilespmem:$0x6390] =	vst v63  }
.Ltmp13:
0x141: {  	_ = 	snop;
	(pc) =	sbr.rel .LBB3_12-.Ltmp13, $4  }
0x142: {  	_ =	swait.ge [sflag:s0], $0x40  }
0x143: {  	[sflag:s0] =	ssyncset.done $0x0  }
0x144: {  	s31 =	simm.s32 $0x6;
	[sflag:s0] =	ssyncadd.s32 $0xFFFFFFC0  }
0x145: {  	s4 =	simm.s32 $0x0;
	[sflag:s31] =	ssyncpa.u1 $0x0  }
.LBB3_17:
0x146: {  	p0 =	sgt.u32 s5, $0x1387FFF  }
0x147: {  	s0 =	sshrl.u32 @!p0 s5, $0x3  }
0x148: {  	s5 =	sand.u32 @!p0 $0x7, s5;
	s6 =	simm.s32 @!p0 $0xB0;
	s0 =	sadd.s32 @!p0 s1, s0  }
0x149: {  	[tilespmem:s6], [sflag:$0x6] =	stream.linear.gather @!p0 [hbm4b:s0+s5], $0x1, $0x38;
	[tilespmem:$0x6390] =	vst v63  }
0x14a: {  	s0 =	simm.s32 @!p0 $0x6  }
0x14b: {  	_ =	swait.ge @!p0 [sflag:s0], $0x1  }
0x14c: {  	[sflag:s0] =	ssyncset.done @!p0 $0x0  }
0x14d: {  	[sflag:s0] =	ssyncadd.s32 @!p0 $0xFFFFFFFF  }
0x14e: {  	v2 =	vmov @!p0 s4;
	v1 =	vld.msk @!p0 [tilespmem:$0xB0], $0x1;
	_ =	sdelay $0x3  }
0x14f: {  	s0 =	simm.s32 @!p0 $0xE0  }
0x150: {  	[tilespmem:v2+s0+$0x0], v1 =	vst.idx.ret.add.f32.msk @!p0 $0x1, v1  }
0x151: {  	[tilespmem:s2+$0xC0] =	vst.msk $0x1, v0  }
0x152: {  	v0 =	vld.msk [tilespmem:s4+$0xE0], $0x1;
	_ =	sdelay $0x4  }
0x153: {  	[tilespmem:s2+$0xE0] =	vst.msk $0x1, v0;
	s2 =	sadd.s32 $0x1, s2  }
.LBB3_19:
0x154: {  	s4 =	sadd.s32 $0x1, s4  }
0x155: {  	p0 =	sne.s32 s4, $0x20  }
.Ltmp14:
0x156: {  	_ = 	snop;
	(pc) =	sbr.rel @!p0 .LBB3_20-.Ltmp14, $1  }
0x157: {  	_ =	sdelay $0x3  }
.LBB3_12:
0x158: {  	v0 =	vld.msk [tilespmem:s4+$0xC0], $0x1;
	_ =	sdelay $0x4  }
0x159: {  	(v2sf) =	vpush v0, $0x0;
	_ =	sdelay $0xe  }
0x15a: {  	s5 =	spop (v2sf)  }
0x15b: {  	p0 =	seq.s32 s5, $0xFFFFFFFF  }
.Ltmp15:
0x15c: {  	_ = 	snop;
	(pc) =	sbr.rel @p0 .LBB3_19-.Ltmp15, $1  }
0x15d: {  	_ =	sdelay $0x3  }
0x15e: {  	p0 =	slt.s32 s2, $0x1  }
.Ltmp16:
0x15f: {  	_ = 	snop;
	(pc) =	sbr.rel @p0 .LBB3_17-.Ltmp16, $1  }
0x160: {  	_ =	sdelay $0x3  }
0x161: {  	s0 =	simm.s32 $0xC0;
	p0 =	por $0x0, $0x0  }
0x162: {  	v1 =	vld.msk @!p0 [tilespmem:s0+$0x0], $0x1;
	_ =	sdelay $0x4  }
0x163: {  	(v2sf) =	vpush @!p0 v1, $0x0;
	_ =	sdelay $0xd  }
0x164: {  	p2 =	sne.s32 s2, $0x1  }
.Ltmp17:
0x165: {  	s6 =	spop @!p0 (v2sf);
	(pc) =	sbr.rel @!p2 .LBB3_16-.Ltmp17, $4  }
0x166: {  	p1 =	seq.s32 @!p0 s5, s6  }
0x167: {  	s6 =	simm.s32 $0x0;
	p1 =	por !p1, p0  }
0x168: {  	s8 =	simm.s32 $0xFFFFFFFF;
	s6 =	simm.s32 @p1 $0xFFFFFFFF  }
0x169: {  	s7 =	simm.s32 $0x1;
	s6 =	smov.u32 @p0 s8  }
.LBB3_15:
0x16a: {  	s8 =	smov.u32 s6;
	p0 =	sne.s32 s6, $0xFFFFFFFF  }
0x16b: {  	s0 =	sadd.s32 $0x1, s0;
	s6 =	smov.u32 s7;
	s7 =	sadd.s32 $0x1, s7  }
0x16c: {  	p1 =	sne.s32 s2, s7;
	v1 =	vld.msk @!p0 [tilespmem:s0+$0x0], $0x1;
	_ =	sdelay $0x4  }
0x16d: {  	(v2sf) =	vpush @!p0 v1, $0x0;
	_ =	sdelay $0xe  }
.Ltmp18:
0x16e: {  	s9 =	spop @!p0 (v2sf);
	(pc) =	sbr.rel @p1 .LBB3_15-.Ltmp18, $4  }
0x16f: {  	p2 =	seq.s32 @!p0 s5, s9  }
0x170: {  	p2 =	por !p2, p0  }
0x171: {  	s6 =	simm.s32 @p2 $0xFFFFFFFF  }
0x172: {  	s6 =	smov.u32 @p0 s8  }
.LBB3_16:
0x173: {  	p0 =	sne.s32 s6, $0xFFFFFFFF  }
.Ltmp19:
0x174: {  	_ = 	snop;
	(pc) =	sbr.rel @!p0 .LBB3_17-.Ltmp19, $1  }
0x175: {  	_ =	sdelay $0x3  }
0x176: {  	v0 =	vld.msk [tilespmem:s4+$0xE0], $0x1;
	v1 =	vmov s6  }
.Ltmp20:
0x177: {  	_ = 	snop;
	(pc) =	sbr.rel .LBB3_19-.Ltmp20, $2  }
0x178: {  	_ =	sdelay $0x2  }
0x179: {  	[tilespmem:v1+s3+$0x0], v0 =	vst.idx.ret.add.f32.msk $0x1, v0  }
.LBB3_20:
0x17a: {  	p0 =	slt.s32 s2, $0x1  }
.Ltmp21:
0x17b: {  	_ = 	snop;
	(pc) =	sbr.rel @p0 .LBB3_24-.Ltmp21, $3  }
0x17c: {  	_ =	sdelay $0x1  }
0x17d: {  	s0 =	simm.s32 $0x6  }
0x17e: {  	s3 =	simm.s32 $0x0;
	[sflag:s0] =	ssyncpa.u1 $0x1  }
0x17f: {  	s0 =	simm.s32 $0xC0  }
0x180: {  	v0 =	vld.msk [tilespmem:s0+$0x0], $0x1;
	_ =	sdelay $0x4  }
0x181: {  	(v2sf) =	vpush v0, $0x0;
	_ =	sdelay $0xe  }
0x182: {  	s2 =	sadd.s32 $0xFFFFFFFF, s2;
	s4 =	spop (v2sf)  }
0x183: {  	p1 =	sne.s32 s2, $0x0;
	p0 =	sgt.u32 s4, $0x1387FFF  }
.Ltmp22:
0x184: {  	s5 =	sshrl.u32 @!p0 s4, $0x3;
	(pc) =	sbr.rel @!p1 .LBB3_23-.Ltmp22, $4  }
0x185: {  	s0 =	simm.s32 $0xE0;
	s4 =	sand.u32 @!p0 $0x7, s4;
	s5 =	sadd.s32 @!p0 s1, s5  }
0x186: {  	[hbm4b:s5+s4] =	stream.linear.scatter @!p0 [tilespmem:s0], [sflag:$0x5], $0x1, $0x38;
	[tilespmem:$0x6390] =	vst v63  }
0x187: {  	s5 =	simm.s32 $0x0  }
0x188: {  	s4 =	simm.s32 $0xC1;
	s5 =	simm.s32 @!p0 $0x4  }
.LBB3_22:
0x189: {  	v0 =	vld.msk [tilespmem:s4+$0x0], $0x1;
	s2 =	sadd.s32 $0xFFFFFFFF, s2;
	s3 =	sadd.s32 s3, s5  }
0x18a: {  	p0 =	sne.s32 s2, $0x0;
	_ =	sdelay $0x3  }
0x18b: {  	(v2sf) =	vpush v0, $0x0;
	_ =	sdelay $0xe  }
.Ltmp23:
0x18c: {  	s6 =	spop (v2sf);
	(pc) =	sbr.rel @p0 .LBB3_22-.Ltmp23, $4  }
0x18d: {  	s5 =	simm.s32 $0x0;
	p1 =	sgt.u32 s6, $0x1387FFF  }
0x18e: {  	s0 =	sadd.s32 $0x1, s0;
	s5 =	simm.s32 @!p1 $0x4;
	s7 =	sshrl.u32 @!p1 s6, $0x3  }
0x18f: {  	s4 =	sadd.s32 $0x1, s4;
	s6 =	sand.u32 @!p1 $0x7, s6;
	s7 =	sadd.s32 @!p1 s1, s7  }
0x190: {  	[hbm4b:s7+s6] =	stream.linear.scatter @!p1 [tilespmem:s0], [sflag:$0x5], $0x1, $0x38;
	[tilespmem:$0x6390] =	vst v63  }
.LBB3_23:
0x191: {  	s0 =	sadd.s32 s3, s5  }
0x192: {  	s3 =	sshrl.u32 s0, $0x2  }
.LBB3_24:
0x193: {  	s0 =	simm.s32 $0x5  }
0x194: {  	_ =	swait.ge [sflag:s0], s3  }
0x195: {  	s1 =	ssub.s32 $0x0, s3;
	[sflag:s0] =	ssyncset.done $0x0  }
0x196: {  	[sflag:s0] =	ssyncadd.s32 s1  }
0x197: {  	[sflag:s0] =	ssyncpa.u1 $0x1  }
0x198: {  	s29 =	simm.s32 $0x1;
	_ =	sfence  }
0x199: {  	s30 =	simm.s32 $0x2;
	[sflag:s29] =	ssyncpa.u1 $0x1  }
0x19a: {  	[sflag:s30] =	ssyncpa.u1 $0x1  }
0x19b: {  	_ =	strace $0x90000050  }
0x19c: {  	[bflag:$0x2] =	sbarrier.arrive $0xFFFF  }
0x19d: {  	s31 =	rddreg [dreg:$0x1]  }
0x19e: {  	s0 =	sadd.s32 $0x100000, s31  }
0x19f: {  	[sflag:s0] =	ssyncadd.tile.s32 $0x1;
	_ =	shalt  }
.Lfunc_end3:
_tile_overlayer_lowered:
.L_overlay_start_3:
0x1a0: {  	(tag) =	ssettag $0x3  }
0x1a1: {  	s0 =	rddreg [dreg:$0x0];
	s2 =	stileid.u32  }
0x1a2: {  	s1 =	rddreg [dreg:$0x1];
	p0 =	sne.s32 s2, $0x0  }
0x1a3: {  	s3 =	rddreg [dreg:$0x2];
	[bflag:$0x3] =	sbarrier.arrive $0xFFFF;
	s2 =	simm.s32 @!p0 $0x1C01  }
0x1a4: {  	[timem:s3], [sflag:s2] =	dma.local @!p0 [hbm:s0], s1  }
0x1a5: {  	s0 =	simm.s32 @!p0 $0x1  }
0x1a6: {  	_ =	swait.ge @!p0 [sflag:s0], s1  }
0x1a7: {  	s1 =	ssub.s32 @!p0 $0x0, s1;
	[sflag:s0] =	ssyncset.done @!p0 $0x0  }
0x1a8: {  	[sflag:s0] =	ssyncadd.s32 @!p0 s1  }
0x1a9: {  	[bflag:$0x3] =	sbarrier.arrive $0xFFFF  }
0x1aa: {  	_ =	shalt  }

// kernel: scatter_offload_async_start
scs
__scs_entry_jumppad:
0x0: {  	(pc) =	sbr.rel $0x88, $3  }
0x1: {  	(tag) =	ssettag $0x0;
	lr =	simm.s32 $0x1  }
0x2: {  	[smem:$0x3F8E] =	sst lr;
	_ =	strace $0xD0000000  }
0x3: {  	_ = 	snop  }
0x4: {  	_ = 	snop  }
0x5: {  	_ = 	snop  }
0x6: {  	_ = 	snop  }
0x7: {  	_ = 	snop  }
__scs_overlays_trampoline_lowered:
0x8: {  	[smem:$0x3F9D] =	sst s0  }
0x9: {  	[smem:$0x3F9E] =	sst s1  }
0xa: {  	[smem:$0x3F9F] =	sst s2  }
0xb: {  	[smem:$0x3FA0] =	sst s3  }
0xc: {  	[smem:$0x3FA1] =	sst s4  }
0xd: {  	[smem:$0x3FA2] =	sst s5  }
0xe: {  	[smem:$0x3FA3] =	sst s6  }
0xf: {  	[smem:$0x3FA4] =	sst s7  }
0x10: {  	[smem:$0x3FA5] =	sst s8  }
0x11: {  	[smem:$0x3FA6] =	sst s9;
	s0 =	simm.s32 @!p0 $0x0  }
0x12: {  	s1 =	sld [smem:$0x3F8C];
	s0 =	simm.s32 @p0 $0x1  }
0x13: {  	[smem:$0x3FA7] =	sst s0;
	s0 =	simm.s32 @!p1 $0x0  }
0x14: {  	s2 =	sld [smem:$0x3F8B];
	s0 =	simm.s32 @p1 $0x1  }
0x15: {  	[smem:$0x3FA8] =	sst s0;
	s0 =	simm.s32 @!p2 $0x0  }
0x16: {  	s3 =	sld [smem:$0x3FDB];
	s0 =	simm.s32 @p2 $0x1  }
0x17: {  	s4 =	simm.s32 $0x1BF5;
	[smem:$0x3FAA] =	sst s0  }
0x18: {  	s0 =	sld [smem:$0x3F8D];
	_ =	swait.ge [sflag:s4], $0x0  }
0x19: {  	s7 =	sld [smem:$0x3F8E]  }
0x1a: {  	s8 =	sadd.s32 $0xFFFFE003, lr  }
0x1b: {  	s9 =	sadd.s32 $0xFFFFFEF7, lr;
	s5 =	simm.s32 $0xFFFFFFFF;
	p2 =	slt.u32 s8, $0xFFFFF086  }
0x1c: {  	p1 =	slt.u32 s9, $0xF7A;
	s5 =	simm.s32 @!p2 $0x0  }
0x1d: {  	s5 =	simm.s32 @p1 $0x1;
	p0 =	seq.s32 s7, s2  }
0x1e: {  	s7 =	smul.u32 @!p0 $0xF7A, s2;
	p2 =	seq.s32 @!p0 s5, $0x0  }
0x1f: {  	s9 =	smul.u32 $0xF7A, s1;
	s8 =	simm.s32 @!p0 $0x1BF5;
	p2 =	por !p2, p0  }
0x20: {  	[sflag:s8] =	ssyncset.s32 @!p0 $0xFFFFF086;
	s6 =	sadd.s32 @!p0 s3, s7;
	s7 =	simm.s32 @!p0 $0x108  }
0x21: {  	s3 =	sadd.s32 s3, s9;
	s6 =	sadd.s32 @!p0 $0x88, s6;
	s7 =	simm.s32 @p2 $0x1082  }
0x22: {  	[simem:s7], [sflag:s8] =	dma.local @!p0 [hbm:s6], $0xF7A  }
0x23: {  	s9 =	sor.u32 $0xD0000000, s2;
	s6 =	simm.s32 $0x108;
	_ =	swait.ge @!p0 [sflag:s8], $0x0  }
0x24: {  	s3 =	sadd.s32 $0x88, s3;
	s6 =	simm.s32 @!p1 $0x1082;
	[sflag:s4] =	ssyncset.s32 $0xFFFFF086  }
0x25: {  	[simem:s6], [sflag:s4] =	dma.local [hbm:s3], $0xF7A  }
0x26: {  	[smem:$0x3F8E] =	sst s1;
	(tag) =	ssettag s2;
	_ =	strace s9  }
0x27: {  	s1 =	sld [smem:$0x3F9E]  }
0x28: {  	s2 =	sld [smem:$0x3F9F]  }
0x29: {  	s4 =	sld [smem:$0x3FA1]  }
0x2a: {  	p0 =	seq.s32 s5, $0x0;
	s5 =	sld [smem:$0x3FA2]  }
0x2b: {  	s6 =	sld [smem:$0x3FA3]  }
0x2c: {  	s7 =	sld [smem:$0x3FA4]  }
0x2d: {  	s3 =	simm.s32 $0x108;
	s8 =	sld [smem:$0x3FA5]  }
0x2e: {  	s3 =	simm.s32 @!p0 $0x1082;
	s9 =	sld [smem:$0x3FA6]  }
0x2f: {  	lr =	sadd.s32 s0, s3;
	s0 =	sld [smem:$0x3F9D]  }
0x30: {  	s3 =	sld [smem:$0x3FA0]  }
0x31: {  	[smem:$0x3FA9] =	sst s10  }
0x32: {  	s10 =	sld [smem:$0x3FA7];
	_ =	sdelay $0x3  }
0x33: {  	p0 =	seq.s32 s10, $0x1;
	s10 =	sld [smem:$0x3FA9];
	_ =	sdelay $0x3  }
0x34: {  	[smem:$0x3FA9] =	sst s10  }
0x35: {  	s10 =	sld [smem:$0x3FA8];
	_ =	sdelay $0x3  }
0x36: {  	p1 =	seq.s32 s10, $0x1;
	s10 =	sld [smem:$0x3FA9];
	_ =	sdelay $0x3  }
0x37: {  	[smem:$0x3FA9] =	sst s10  }
0x38: {  	s10 =	sld [smem:$0x3FAA]  }
0x39: {  	_ = 	snop;
	(pc) =	sbr.ind lr, $3  }
0x3a: {  	_ = 	snop  }
0x3b: {  	_ = 	snop  }
0x3c: {  	p2 =	seq.s32 s10, $0x1;
	s10 =	sld [smem:$0x3FA9]  }
0x3d: {  	_ =	shalt  }
0x3e: {  	_ =	shalt  }
0x3f: {  	_ =	shalt  }
0x40: {  	_ =	shalt  }
0x41: {  	_ =	shalt  }
0x42: {  	_ =	shalt  }
0x43: {  	_ =	shalt  }
0x44: {  	_ =	shalt  }
0x45: {  	_ =	shalt  }
0x46: {  	_ =	shalt  }
0x47: {  	_ =	shalt  }
0x48: {  	_ =	shalt  }
0x49: {  	_ =	shalt  }
0x4a: {  	_ =	shalt  }
0x4b: {  	_ =	shalt  }
0x4c: {  	_ =	shalt  }
0x4d: {  	_ =	shalt  }
0x4e: {  	_ =	shalt  }
0x4f: {  	_ =	shalt  }
0x50: {  	_ =	shalt  }
0x51: {  	_ =	shalt  }
0x52: {  	_ =	shalt  }
0x53: {  	_ =	shalt  }
0x54: {  	_ =	shalt  }
0x55: {  	_ =	shalt  }
0x56: {  	_ =	shalt  }
0x57: {  	_ =	shalt  }
0x58: {  	_ =	shalt  }
0x59: {  	_ =	shalt  }
0x5a: {  	_ =	shalt  }
0x5b: {  	_ =	shalt  }
0x5c: {  	_ =	shalt  }
0x5d: {  	_ =	shalt  }
0x5e: {  	_ =	shalt  }
0x5f: {  	_ =	shalt  }
0x60: {  	_ =	shalt  }
0x61: {  	_ =	shalt  }
0x62: {  	_ =	shalt  }
0x63: {  	_ =	shalt  }
0x64: {  	_ =	shalt  }
0x65: {  	_ =	shalt  }
0x66: {  	_ =	shalt  }
0x67: {  	_ =	shalt  }
0x68: {  	_ =	shalt  }
0x69: {  	_ =	shalt  }
0x6a: {  	_ =	shalt  }
0x6b: {  	_ =	shalt  }
0x6c: {  	_ =	shalt  }
0x6d: {  	_ =	shalt  }
0x6e: {  	_ =	shalt  }
0x6f: {  	_ =	shalt  }
0x70: {  	_ =	shalt  }
0x71: {  	_ =	shalt  }
0x72: {  	_ =	shalt  }
0x73: {  	_ =	shalt  }
0x74: {  	_ =	shalt  }
0x75: {  	_ =	shalt  }
0x76: {  	_ =	shalt  }
0x77: {  	_ =	shalt  }
0x78: {  	_ =	shalt  }
0x79: {  	_ =	shalt  }
0x7a: {  	_ =	shalt  }
0x7b: {  	_ =	shalt  }
0x7c: {  	_ =	shalt  }
0x7d: {  	_ =	shalt  }
0x7e: {  	_ =	shalt  }
0x7f: {  	_ =	shalt  }
0x80: {  	_ =	shalt  }
0x81: {  	_ =	shalt  }
0x82: {  	_ =	shalt  }
0x83: {  	_ =	shalt  }
0x84: {  	_ =	shalt  }
0x85: {  	_ =	shalt  }
0x86: {  	_ =	shalt  }
0x87: {  	_ =	shalt  }
.Lfunc_end0:
.L_simem_size_0:
called_computation_lowered:
.L_overlay_start_0:
0x88: {  	s0 =	sld [smem:$0x3FD9]  }
0x89: {  	s1 =	sld [smem:$0x3FFE];
	_ =	sdelay $0x3  }
0x8a: {  	s0 =	sadd.s32 s1, s0  }
0x8b: {  	[smem:$0x3FB5] =	sst s0  }
0x8c: {  	_ = 	snop  }
0x8d: {  	(tm) =	ssettm $0x1  }
0x8e: {  	s15 =	sld [smem:$0x3FFB];
	_ =	sdelay $0x3  }
0x8f: {  	_ =	strace s15  }
0x90: {  	s0 =	sld [smem:$0x3FFC];
	_ =	sdelay $0x3  }
0x91: {  	_ =	strace s0  }
0x92: {  	s0 =	sld [smem:$0x3FFD];
	_ =	sdelay $0x3  }
0x93: {  	_ =	strace s0  }
0x94: {  	_ =	strace $0x8FFFFFFF  }
0x95: {  	s16 =	sld [smem:$0x3FDB];
	_ =	sdelay $0x1  }
0x96: {  	s17 =	simm.s32 $_scs_section_size  }
0x97: {  	s2 =	simm.s32 $_size__tile_overlayer_lowered;
	s3 =	simm.s32 $_tile_overlayer_lowered  }
0x98: {  	s20 =	simm.s32 $0x1BFF;
	s19 =	sshll.u32 s3, $0x1;
	s0 =	sadd.s32 s17, s16  }
0x99: {  	s4 =	simm.s32 $0x0;
	s18 =	sshll.u32 s2, $0x1;
	s2 =	sadd.s32 s19, s0  }
0x9a: {  	[timem:s4], [sflag:s20] =	dma.local [hbm:s2], s18  }
0x9b: {  	_ =	swait.ge [sflag:s20], s18  }
0x9c: {  	s1 =	ssub.s32 $0x0, s18;
	[sflag:s20] =	ssyncset.done $0x0  }
0x9d: {  	[sflag:s20] =	ssyncadd.s32 s1;
	_ =	sdelay $0x1  }
0x9e: {  	s21 =	simm.s32 $0x1B8B  }
0x9f: {  	_ =	swait.ge [sflag:s21], $0x1  }
0xa0: {  	[sflag:s21] =	ssyncset.done $0x0  }
0xa1: {  	s23 =	simm.s32 $0x1B8E;
	s22 =	sld [smem:$0x3FFE];
	[sflag:s21] =	ssyncadd.s32 $0xFFFFFFFF  }
0xa2: {  	s24 =	simm.s32 $execute0_lowered;
	[smem:$0x3FD2] =	sst s23  }
0xa3: {  	s2 =	sshll.u32 s24, $0x1;
	_ =	strace $0x8000005E;
	[dreg:$0x1] =	wrdreg $0xFFFFFFFF  }
0xa4: {  	s25 =	simm.s32 $_size_execute0_lowered;
	s0 =	sadd.s32 s0, s2;
	[dreg:$0x0] =	wrdreg $0x0  }
0xa5: {  	s2 =	sshll.u32 s25, $0x1;
	[dreg:$0x2] =	wrdreg s0  }
0xa6: {  	[dreg:$0x3] =	wrdreg s2  }
0xa7: {  	[dreg:$0x4] =	wrdreg $0xC0  }
0xa8: {  	_ =	task [dreg:s4], $0x5FFFF  }
0xa9: {  	[dreg:$0x1] =	wrdreg $0xFFFFFFFF  }
0xaa: {  	[dreg:$0x0] =	wrdreg $0x60  }
0xab: {  	[dreg:$0x2] =	wrdreg s22  }
0xac: {  	[dreg:$0x3] =	wrdreg $0x9  }
0xad: {  	_ =	task.clear_ibuf [dreg:s4], $0x4FFFF;
	_ =	strace $0x9000005E  }
0xae: {  	s26 =	simm.s32 $0x9;
	_ =	strace $0x80000060  }
0xaf: {  	_ =	swait.ge [sflag:s26], $0x1  }
0xb0: {  	[sflag:s26] =	ssyncadd.s32 $0xFFFFFFFF  }
0xb1: {  	_ =	strace $0x90000060  }
0xb2: {  	_ =	sfence  }
0xb3: {  	s28 =	sld [smem:$0x0];
	_ =	sdelay $0x1  }
0xb4: {  	s29 =	srdreg.scid  }
0xb5: {  	s30 =	sshll.u32 s29, $0xD;
	s31 =	sshrl.u32 s29, $0x2  }
0xb6: {  	s1 =	sand.u32 $0x1, s29;
	s2 =	sand.u32 $0x4000, s30;
	s0 =	sadd.s32 s31, s28  }
0xb7: {  	s1 =	sor.u32 s2, s1;
	s0 =	sshll.u32 s0, $0x11  }
0xb8: {  	s0 =	sor.u32 s0, s1  }
0xb9: {  	s0 =	sadd.s32 $0x8F2B, s0  }
0xba: {  	[sflag:s0] =	ssyncadd.remote.s32 $0x1  }
0xbb: {  	_ =	sfence.sel $0xFFFF  }
0xbc: {  	[dreg:$0x0] =	wrdreg $0xFFFFFFFF;
	(pc) =	sbr.abs _section_cstart, $3  }
0xbd: {  	[dreg:$0x1] =	wrdreg $0xFFFFFFFF  }
0xbe: {  	_ =	task.clear_ibuf [dreg:s4], $0x2FFFF;
	_ =	strace $0x9FFFFFFF  }
0xbf: {  	(tm) =	ssettm $0x7FFFFFFF  }
tec
execute0_lowered:
.L_overlay_start_1:
0x0: {  	(tag) =	ssettag $0x1  }
0x1: {  	s0 =	rddreg [dreg:$0x0];
	_ =	strace $0x8000005F;
	s1 =	simm.s32 $0x1  }
0x2: {  	s7 =	simm.s32 $0x88;
	v0 =	vimm.s32 $0x0;
	[sflag:s1] =	ssyncpa.u1 $0x0  }
0x3: {  	[tilespmem:s7+$0x30] =	vst v0  }
0x4: {  	s1 =	sadd.s32 $0x11A200, s0;
	s3 =	sadd.s32 $0x9CA00, s0;
	[tilespmem:s7+$0x20] =	vst v0  }
0x5: {  	s4 =	sadd.s32 $0x11E200, s0;
	s5 =	sadd.s32 $0x9CC00, s0;
	s0 =	simm.s32 $0x40;
	[tilespmem:s7+$0x10] =	vst v0  }
.LBB2_1:
0x6: {  	s0 =	sadd.s32 $0x40, s0  }
0x7: {  	[tilespmem:s7+$0x0] =	vst v0;
	s7 =	sadd.s32 $0x40, s7;
	p0 =	slt.u32 s0, $0x440  }
.Ltmp0:
0x8: {  	(pc) =	sbr.rel @p0 .LBB2_1-.Ltmp0, $4  }
0x9: {  	_ = 	snop  }
0xa: {  	[tilespmem:s7+$0x30] =	vst v0  }
0xb: {  	[tilespmem:s7+$0x20] =	vst v0  }
0xc: {  	[tilespmem:s7+$0x10] =	vst v0  }
0xd: {  	s9 =	stileid.u32  }
0xe: {  	s2 =	simm.s32 $0x2;
	s29 =	simm.s32 $0x7;
	s6 =	sshll.u32 s9, $0x5  }
0xf: {  	s30 =	simm.s32 $0x8;
	s10 =	simm.s32 $0x9;
	s0 =	smin.u32 s6, $0x1D4  }
0x10: {  	s14 =	simm.s32 $0x0;
	p1 =	por $0x0, $0x0;
	s8 =	sadd.s32 $0x20, s0  }
0x11: {  	s15 =	simm.s32 $0x1;
	s16 =	simm.s32 $0xA;
	s0 =	ssub.s32 s8, s6  }
0x12: {  	s20 =	simm.s32 $0x0;
	s17 =	simm.s32 $0x0;
	p0 =	sgt.s32 s0, $0x0  }
.Ltmp1:
0x13: {  	s19 =	simm.s32 $0x0;
	s0 =	simm.s32 @!p0 $0x0;
	(pc) =	sbr.rel .LBB2_3-.Ltmp1, $4  }
0x14: {  	[tilespmem:s7+$0x0] =	vst v0;
	v0 =	vimm.s32 $0xFFFFFFFF;
	[sflag:s2] =	ssyncpa.u1 $0x0;
	s12 =	sshll.u32 s9, $0x7;
	s31 =	sshrl.u32 s0, $0x2  }
0x15: {  	[tilespmem:$0x908] =	vst v0;
	[sflag:s29] =	ssyncpa.u1 $0x0;
	s0 =	sshrl.u32 s0, $0x4;
	s2 =	sand.u32 $0x1, s31  }
0x16: {  	s18 =	smov.u32 s6;
	[sflag:s30] =	ssyncpa.u1 $0x0;
	s11 =	sadd.s32 s0, s2  }
0x17: {  	v0 =	vlaneseq.u32;
	[sflag:s10] =	ssyncpa.u1 $0x0;
	p0 =	por $0x1, $0x1;
	s13 =	sadd.s32 $0x1, s11  }
.LBB2_30:
0x18: {  	s0 =	sshrl.u32 s29, $0x2  }
.LBB2_32:
0x19: {  	_ =	swait.ge [sflag:s16], s0  }
0x1a: {  	s31 =	ssub.s32 $0x0, s0;
	v1 =	vmov s22;
	vm0 =	veq.s32 v0, $0x0;
	[sflag:s16] =	ssyncset.done $0x0  }
0x1b: {  	vm15 =	veq.s32 v0, $0x2;
	v1 =	vsel vm0, s28, v1;
	[sflag:s16] =	ssyncadd.s32 s31  }
0x1c: {  	v1 =	vsel vm15, s20, v1;
	[sflag:s16] =	ssyncpa.u1 $0x1  }
0x1d: {  	[tilespmem:$0x908] =	vst v1  }
.LBB2_33:
0x1e: {  	s0 =	sadd.s32 $0x10, s18  }
0x1f: {  	s2 =	smov.u32 s6;
	p2 =	slt.s32 s0, s8  }
0x20: {  	s2 =	smov.u32 @p2 s0;
	p2 =	sne.s32 s19, s13  }
.Ltmp2:
0x21: {  	_ = 	snop;
	(pc) =	sbr.rel @!p2 .LBB2_34-.Ltmp2, $4  }
0x22: {  	_ = 	snop  }
0x23: {  	s20 =	smov.u32 s17  }
0x24: {  	s31 =	sadd.s32 $0x1, s19;
	s17 =	smov.u32 s18;
	p0 =	por !p0, !p0  }
0x25: {  	p1 =	por !p1, !p1;
	s19 =	smov.u32 s31;
	s18 =	smov.u32 s2  }
.LBB2_3:
0x26: {  	p2 =	sge.u32 s19, s11  }
0x27: {  	s0 =	smov.u32 s18;
	p3 =	sgt.s32 @!p2 s18, $0x1E4  }
0x28: {  	s2 =	sshra.s32 @!p2 s18, $0x1F;
	s7 =	smulhi.u32 @!p2 $0xAAAAAAAB, s19;
	p3 =	por !p3, p2  }
0x29: {  	s2 =	sand.u32 @!p2 s2, s18;
	s0 =	simm.s32 @p3 $0x1E4  }
0x2a: {  	s0 =	ssub.s32 @!p2 s0, s2;
	s2 =	sshrl.u32 @!p2 s7, $0x1  }
0x2b: {  	s0 =	sadd.s32 @!p2 $0xFFFFFE1C, s0;
	s2 =	smul.u32 @!p2 $0x3, s2  }
0x2c: {  	s21 =	sand.u32 @!p2 $0x7, s18;
	s7 =	sshll.u32 @!p2 s0, $0x2;
	p3 =	sgt.s32 @!p2 s0, $0xF  }
0x2d: {  	s0 =	ssub.s32 @!p2 $0x40, s7;
	s2 =	ssub.s32 @!p2 s19, s2;
	p3 =	por !p3, p2  }
0x2e: {  	s7 =	sshrl.u32 @!p2 s18, $0x3;
	s0 =	sshrl.u32 @!p2 s0, $0x2;
	s2 =	sshll.u32 @!p2 s2, $0x4  }
0x2f: {  	s7 =	sadd.s32 @!p2 s5, s7;
	s0 =	simm.s32 @!p3 $0x0;
	s2 =	sadd.s32 @!p2 $0x1138, s2  }
0x30: {  	[tilespmem:s2], [sflag:$0x8] =	stream.linear.gather @!p2 [hbm4b:s7+s21], s0, $0x38;
	[tilespmem:$0x2188] =	vst v63  }
0x31: {  	s21 =	sadd.s32 $0xFFFFFFFF, s19  }
0x32: {  	p2 =	sge.u32 s21, s11  }
0x33: {  	p3 =	sgt.s32 @!p2 s17, $0x1E4  }
0x34: {  	s0 =	smov.u32 s17;
	s2 =	sshra.s32 @!p2 s17, $0x1F;
	p3 =	por !p3, p2  }
0x35: {  	s2 =	sand.u32 @!p2 s2, s17;
	s0 =	simm.s32 @p3 $0x1E4  }
0x36: {  	s0 =	ssub.s32 @!p2 s0, s2  }
0x37: {  	s0 =	sadd.s32 @!p2 $0xFFFFFE1C, s0  }
0x38: {  	s2 =	sshll.u32 @!p2 s0, $0x2  }
0x39: {  	p3 =	sgt.s32 @!p2 s0, $0xF;
	s0 =	ssub.s32 @!p2 $0x40, s2  }
0x3a: {  	p3 =	por !p3, p2;
	s0 =	sshrl.u32 @!p2 s0, $0x2  }
0x3b: {  	s2 =	simm.s32 @!p2 $0x8;
	s0 =	simm.s32 @!p3 $0x0  }
0x3c: {  	_ =	swait.ge @!p2 [sflag:s2], s0  }
0x3d: {  	s7 =	sand.u32 @!p2 $0x1, s21;
	s22 =	ssub.s32 @!p2 $0x0, s0;
	[sflag:s2] =	ssyncset.done @!p2 $0x0  }
0x3e: {  	s7 =	sshll.u32 @!p2 s7, $0x4;
	[sflag:s2] =	ssyncadd.s32 @!p2 s22;
	s2 =	sshrl.u32 @!p2 s17, $0x3  }
0x3f: {  	s7 =	sor.u32 @!p2 $0x1168, s7;
	s22 =	sand.u32 @!p2 $0x7, s17;
	s2 =	sadd.s32 @!p2 s3, s2  }
0x40: {  	[tilespmem:s7], [sflag:$0x9] =	stream.linear.gather @!p2 [hbm4b:s2+s22], s0, $0x38;
	[tilespmem:$0x2188] =	vst v63  }
0x41: {  	s0 =	ssub.s32 @!p2 $0x1F4, s17  }
0x42: {  	p3 =	slt.s32 @!p2 s0, $0x1  }
0x43: {  	p2 =	por p2, p3  }
.Ltmp3:
0x44: {  	_ = 	snop;
	(pc) =	sbr.rel @p2 .LBB2_15-.Ltmp3, $1  }
0x45: {  	_ =	sdelay $0x3  }
0x46: {  	s2 =	smulhi.u32 $0xAAAAAAAB, s21;
	_ =	sdelay $0x1  }
0x47: {  	s2 =	sshrl.u32 s2, $0x1  }
0x48: {  	s2 =	smul.u32 $0x3, s2  }
0x49: {  	s22 =	smin.u32 s0, $0x10  }
0x4a: {  	v1 =	vmov s22;
	s29 =	ssub.s32 s21, s2  }
0x4b: {  	vm0 =	vgt.u32 v1, v0;
	s0 =	sshll.u32 s29, $0x4  }
0x4c: {  	p5 =	sne.s32 s22, $0x1;
	v1 =	vld.msk [tilespmem:s0+$0x1138], vm0  }
.Ltmp4:
0x4d: {  	_ = 	snop;
	(pc) =	sbr.rel @!p5 .LBB2_5-.Ltmp4, $4  }
0x4e: {  	s2 =	simm.s32 $0x1  }
0x4f: {  	s31 =	simm.s32 $0x0;
	s2 =	simm.s32 @!p0 $0x0  }
0x50: {  	p2 =	por $0x0, $0x0;
	p3 =	por $0x0, $0x0;
	s30 =	sshll.u32 s2, $0xB  }
0x51: {  	p4 =	por $0x0, $0x0;
	s0 =	simm.s32 $0x1;
	s21 =	sor.u32 $0x1188, s30;
	(v2sf) =	vpush v1, s31  }
0x52: {  	(v2sf) =	vpush v1, s0;
	_ =	sdelay $0x4  }
0x53: {  	p5 =	sne.s32 s22, $0x2  }
.Ltmp5:
0x54: {  	_ = 	snop;
	(pc) =	sbr.rel @!p5 .LBB2_7-.Ltmp5, $2  }
0x55: {  	_ =	sdelay $0x2  }
0x56: {  	s2 =	simm.s32 $0x2;
	p2 =	por $0x1, $0x1  }
0x57: {  	(v2sf) =	vpush v1, s2;
	_ =	sdelay $0x1  }
0x58: {  	p5 =	sne.s32 s22, $0x3  }
.Ltmp6:
0x59: {  	_ = 	snop;
	(pc) =	sbr.rel @!p5 .LBB2_9-.Ltmp6, $2  }
0x5a: {  	_ =	sdelay $0x2  }
0x5b: {  	s0 =	simm.s32 $0x3;
	p3 =	por $0x1, $0x1  }
0x5c: {  	(v2sf) =	vpush v1, s0;
	_ =	sdelay $0x1  }
0x5d: {  	p5 =	sne.s32 s22, $0x4  }
.Ltmp7:
0x5e: {  	_ = 	snop;
	(pc) =	sbr.rel @!p5 .LBB2_11-.Ltmp7, $4  }
0x5f: {  	s2 =	spop (v2sf)  }
0x60: {  	s2 =	sshll.u32 s2, $0x4  }
0x61: {  	s26 =	simm.s32 $0x4;
	s23 =	sadd.s32 $0x80, s21;
	s2 =	sand.u32 $0x1FFFFFF0, s2  }
0x62: {  	p4 =	por $0x1, $0x1;
	s24 =	smov.u32 s21;
	s25 =	sadd.s32 s4, s2  }
.LBB2_12:
0x63: {  	[tilespmem:s24], [sflag:$0x7] =	stream.linear.gather [hbm4b:s25+s14], $0x40, $0x38;
	[tilespmem:$0x2188] =	vst v63  }
0x64: {  	s0 =	smov.u32 s26;
	s26 =	sadd.s32 $0x1, s26  }
0x65: {  	p5 =	sne.s32 s22, s26  }
.Ltmp8:
0x66: {  	(pc) =	sbr.rel @p5 .LBB2_12-.Ltmp8, $4  }
0x67: {  	s24 =	smov.u32 s23;
	s2 =	spop (v2sf)  }
0x68: {  	s2 =	sshll.u32 s2, $0x4  }
0x69: {  	s2 =	sand.u32 $0x1FFFFFF0, s2  }
0x6a: {  	s23 =	sadd.s32 $0x80, s23;
	(v2sf) =	vpush v1, s0;
	s25 =	sadd.s32 s4, s2  }
0x6b: {  	_ = 	snop  }
.LBB2_14:
0x6c: {  	[tilespmem:s24], [sflag:$0x7] =	stream.linear.gather @p4 [hbm4b:s25+s14], $0x40, $0x38;
	[tilespmem:$0x2188] =	vst v63  }
0x6d: {  	s0 =	spop @p3 (v2sf)  }
0x6e: {  	s0 =	sshll.u32 @p3 s0, $0x4  }
0x6f: {  	s0 =	sand.u32 @p3 $0x1FFFFFF0, s0  }
0x70: {  	s2 =	smov.u32 @p3 s23;
	s0 =	sadd.s32 @p3 s4, s0  }
0x71: {  	s2 =	smov.u32 @p3 s2;
	s0 =	smov.u32 @p3 s0  }
0x72: {  	[tilespmem:s2], [sflag:$0x7] =	stream.linear.gather @p3 [hbm4b:s0+s14], $0x40, $0x38;
	[tilespmem:$0x2188] =	vst v63  }
0x73: {  	s0 =	spop @p2 (v2sf)  }
0x74: {  	s7 =	smov.u32 s21;
	s2 =	sadd.s32 @p3 $0x80, s23;
	s0 =	sshll.u32 @p2 s0, $0x4  }
0x75: {  	s7 =	smov.u32 @p3 s2;
	s0 =	sand.u32 @p2 $0x1FFFFFF0, s0  }
0x76: {  	s2 =	smov.u32 @p2 s7;
	s0 =	sadd.s32 @p2 s4, s0  }
0x77: {  	s2 =	smov.u32 @p2 s2;
	s0 =	smov.u32 @p2 s0  }
0x78: {  	[tilespmem:s2], [sflag:$0x7] =	stream.linear.gather @p2 [hbm4b:s0+s14], $0x40, $0x38;
	[tilespmem:$0x2188] =	vst v63  }
0x79: {  	s31 =	spop (v2sf)  }
0x7a: {  	s0 =	sshll.u32 s31, $0x4  }
0x7b: {  	s2 =	sadd.s32 @p2 $0x80, s7;
	s0 =	sand.u32 $0x1FFFFFF0, s0  }
0x7c: {  	s21 =	smov.u32 @p2 s2;
	s0 =	sadd.s32 s4, s0  }
0x7d: {  	[tilespmem:s21], [sflag:$0x7] =	stream.linear.gather [hbm4b:s0+s14], $0x40, $0x38;
	[tilespmem:$0x2188] =	vst v63  }
.LBB2_15:
0x7e: {  	p2 =	slt.u32 s19, $0x2  }
.Ltmp9:
0x7f: {  	_ = 	snop;
	(pc) =	sbr.rel @p2 .LBB2_33-.Ltmp9, $1  }
0x80: {  	_ =	sdelay $0x3  }
0x81: {  	p2 =	sgt.s32 s20, $0x1E4;
	s0 =	smov.u32 s20  }
0x82: {  	s2 =	sshra.s32 s20, $0x1F;
	s7 =	ssub.s32 $0x1F4, s20;
	s0 =	simm.s32 @!p2 $0x1E4  }
0x83: {  	s2 =	sand.u32 s2, s20;
	p2 =	slt.s32 s7, $0x10;
	s21 =	smov.u32 s7  }
0x84: {  	s0 =	ssub.s32 s0, s2;
	s21 =	simm.s32 @!p2 $0x10  }
0x85: {  	s0 =	sadd.s32 $0xFFFFFE1C, s0;
	s26 =	sshll.u32 s21, $0x6  }
0x86: {  	s9 =	simm.s32 $0x7;
	s29 =	sshll.u32 s0, $0x2;
	s2 =	sand.u32 $0x3FFFFFC0, s26  }
0x87: {  	p2 =	sgt.s32 s0, $0xF;
	s30 =	ssub.s32 $0x40, s29;
	_ =	swait.ge [sflag:s9], s2  }
0x88: {  	s2 =	ssub.s32 $0x0, s2;
	[sflag:s9] =	ssyncset.done $0x0;
	s0 =	sshrl.u32 s30, $0x2  }
0x89: {  	[sflag:s9] =	ssyncadd.s32 s2;
	s0 =	simm.s32 @p2 $0x0  }
0x8a: {  	_ =	swait.ge [sflag:s10], s0  }
0x8b: {  	s0 =	ssub.s32 $0x0, s0;
	[sflag:s10] =	ssyncset.done $0x0  }
0x8c: {  	[sflag:s10] =	ssyncadd.s32 s0  }
0x8d: {  	v1 =	vld [tilespmem:$0x908];
	_ =	sdelay $0x4  }
0x8e: {  	(v2sf) =	vpush v1, $0x0  }
0x8f: {  	(v2sf) =	vpush v1, $0x1  }
0x90: {  	(v2sf) =	vpush v1, $0x2;
	_ =	sdelay $0x3  }
0x91: {  	s0 =	sadd.s32 $0x10, s20  }
0x92: {  	p2 =	slt.s32 s8, s0  }
0x93: {  	s0 =	smov.u32 @p2 s8;
	p2 =	sgt.s32 s7, $0x0  }
0x94: {  	s24 =	ssub.s32 s0, s20;
	s7 =	simm.s32 @!p2 $0x0  }
0x95: {  	p2 =	slt.s32 s7, s24  }
0x96: {  	s24 =	smov.u32 @p2 s7  }
0x97: {  	p2 =	slt.s32 s24, $0x1  }
.Ltmp10:
0x98: {  	_ = 	snop;
	(pc) =	sbr.rel @p2 .LBB2_20-.Ltmp10, $4  }
0x99: {  	s23 =	simm.s32 $0x1  }
0x9a: {  	s23 =	simm.s32 @!p1 $0x0;
	s25 =	spop (v2sf)  }
0x9b: {  	s31 =	sshll.u32 s23, $0x4;
	s28 =	spop (v2sf)  }
0x9c: {  	s21 =	sor.u32 $0x1168, s31;
	s20 =	spop (v2sf)  }
0x9d: {  	s0 =	smin.u32 s24, $0x10  }
0x9e: {  	v1 =	vmov s0  }
0x9f: {  	p3 =	sgt.s32 s24, $0x10;
	vm1 =	vgt.u32 v1, v0  }
.Ltmp11:
0xa0: {  	_ = 	snop;
	(pc) =	sbr.rel @!p3 .LBB2_19-.Ltmp11, $2  }
0xa1: {  	_ =	sdelay $0x2  }
0xa2: {  	s26 =	simm.s32 $0x10;
	s29 =	sadd.s32 $0xFFFFFFF0, s24;
	s22 =	smov.u32 s21;
	vm0 =	vmmov vm1  }
.LBB2_18:
0xa3: {  	s0 =	smin.u32 s29, $0x10;
	s26 =	sadd.s32 $0x10, s26;
	v1 =	vld.msk [tilespmem:s22+$0x0 ss:$0x1], vm1  }
0xa4: {  	v2 =	vmov s0;
	p3 =	slt.s32 s26, s24  }
0xa5: {  	vm1 =	vgt.u32 v2, v0  }
.Ltmp12:
0xa6: {  	(pc) =	sbr.rel @p3 .LBB2_18-.Ltmp12, $3  }
0xa7: {  	_ =	sdelay $0x1  }
0xa8: {  	v1 =	vshll.u32 v1, $0x4  }
0xa9: {  	s29 =	sadd.s32 $0xFFFFFFF0, s29;
	[tilespmem:s22+$0x0] =	vst.msk vm0, v1;
	s22 =	sadd.s32 $0x10, s22;
	vm0 =	vmmov vm1  }
.LBB2_19:
0xaa: {  	_ =	sdelay $0x4  }
0xab: {  	v1 =	vld.msk [tilespmem:s22+$0x0 ss:$0x1], vm1;
	_ =	sdelay $0x4  }
0xac: {  	v1 =	vshll.u32 v1, $0x4  }
0xad: {  	[tilespmem:s22+$0x0] =	vst.msk vm0, v1  }
.LBB2_20:
0xae: {  	s0 =	sand.u32 $0x1, s19  }
0xaf: {  	p3 =	sne.s32 s28, $0xFFFFFFFF;
	s0 =	sshll.u32 s0, $0x4  }
0xb0: {  	v1 =	vld.msk @!p3 [tilespmem:s0+$0x1168], $0x1;
	_ =	sdelay $0x4  }
0xb1: {  	(v2sf) =	vpush @!p3 v1, $0x0;
	_ =	sdelay $0xc  }
.Ltmp13:
0xb2: {  	_ = 	snop;
	(pc) =	sbr.rel @p2 .LBB2_31-.Ltmp13, $4  }
0xb3: {  	_ = 	snop  }
0xb4: {  	s26 =	spop @!p3 (v2sf)  }
0xb5: {  	s20 =	simm.s32 @!p3 $0x0;
	s22 =	smov.u32 s26  }
0xb6: {  	[sflag:s16] =	ssyncpa.u1 $0x0;
	s26 =	smov.u32 @p3 s25;
	s22 =	smov.u32 @p3 s28  }
0xb7: {  	v1 =	vld.msk [tilespmem:s21+$0x0], $0x1;
	_ =	sdelay $0x4  }
0xb8: {  	(v2sf) =	vpush v1, $0x0;
	_ =	sdelay $0xe  }
0xb9: {  	s30 =	spop (v2sf)  }
0xba: {  	s0 =	sshll.u32 s23, $0xB;
	p2 =	seq.s32 s26, s30  }
0xbb: {  	s24 =	ssub.s32 $0x0, s24;
	s23 =	sor.u32 $0x11A8, s0;
	p3 =	sgt.s32 @!p2 s26, $0x0  }
0xbc: {  	s0 =	smov.u32 s26;
	s28 =	sadd.s32 $0x1, s24;
	p3 =	por !p3, p2  }
0xbd: {  	s0 =	simm.s32 @p3 $0x0;
	p3 =	seq.s32 s28, $0x0  }
.Ltmp14:
0xbe: {  	_ = 	snop;
	(pc) =	sbr.rel @p3 .LBB2_23-.Ltmp14, $4  }
0xbf: {  	_ = 	snop  }
0xc0: {  	s25 =	simm.s32 $0x0;
	s31 =	simm.s32 @!p2 $0x1;
	s2 =	smin.u32 @!p2 s0, $0x3E78  }
0xc1: {  	s29 =	sadd.s32 $0x1, s21;
	s31 =	smov.u32 @p2 s25;
	s7 =	sand.u32 @!p2 $0x3FF8, s2  }
0xc2: {  	s0 =	simm.s32 @!p2 $0x4C8;
	s2 =	sand.u32 @!p2 $0x7, s2;
	s7 =	sadd.s32 @!p2 s1, s7  }
.LBB2_22:
0xc3: {  	s9 =	smov.u32 s31  }
0xc4: {  	[tilespmem:s0], [sflag:$0x2] =	stream.linear.gather @!p2 [hbm4b:s7+s2], $0x40, $0x38;
	[tilespmem:$0x2188] =	vst v63  }
0xc5: {  	s28 =	sadd.s32 $0x1, s28;
	s2 =	smov.u32 s30;
	v1 =	vld.msk [tilespmem:s29+$0x0], $0x1  }
0xc6: {  	p3 =	seq.s32 s28, $0x0;
	_ =	sdelay $0x3  }
0xc7: {  	(v2sf) =	vpush v1, $0x0;
	_ =	sdelay $0xe  }
0xc8: {  	s30 =	spop (v2sf)  }
0xc9: {  	p2 =	seq.s32 s2, s30  }
0xca: {  	p4 =	sgt.s32 @!p2 s2, $0x0;
	s0 =	sshll.u32 @!p2 s31, $0x8;
	s31 =	sadd.s32 @!p2 $0x1, s31  }
.Ltmp15:
0xcb: {  	p4 =	por !p4, p2;
	s0 =	sshra.s32 @!p2 s0, $0x2;
	(pc) =	sbr.rel @!p3 .LBB2_22-.Ltmp15, $4  }
0xcc: {  	s31 =	smov.u32 @p2 s9;
	s2 =	simm.s32 @p4 $0x0;
	s0 =	sadd.s32 @!p2 $0x4C8, s0  }
0xcd: {  	s2 =	smin.u32 @!p2 s2, $0x3E78  }
0xce: {  	s7 =	sand.u32 @!p2 $0x3FF8, s2;
	s2 =	sand.u32 @!p2 $0x7, s2  }
0xcf: {  	s29 =	sadd.s32 $0x1, s29;
	s7 =	sadd.s32 @!p2 s1, s7  }
.LBB2_23:
0xd0: {  	[tilespmem:s0], [sflag:$0x2] =	stream.linear.gather @!p2 [hbm4b:s7+s2], $0x40, $0x38;
	[tilespmem:$0x2188] =	vst v63  }
.Ltmp16:
0xd1: {  	s30 =	sshll.u32 s31, $0x6;
	(pc) =	sbr.rel .LBB2_24-.Ltmp16, $4  }
0xd2: {  	s31 =	simm.s32 $0x2;
	s0 =	sand.u32 $0x3FFFFFC0, s30  }
0xd3: {  	_ =	swait.ge [sflag:s31], s0  }
0xd4: {  	s0 =	ssub.s32 $0x0, s0;
	[sflag:s31] =	ssyncset.done $0x0  }
0xd5: {  	s29 =	simm.s32 $0x0;
	[sflag:s31] =	ssyncadd.s32 s0  }
.LBB2_25:
0xd6: {  	v1 =	vld [tilespmem:s23+$0xFFFFFFE0];
	_ =	sdelay $0x3  }
0xd7: {  	s0 =	sshra.s32 s0, $0x2  }
0xd8: {  	[tilespmem:s0+$0x88] =	vst.add.f32.msk $0xffff, v1  }
0xd9: {  	v1 =	vld [tilespmem:s23+$0xFFFFFFF0];
	_ =	sdelay $0x4  }
0xda: {  	[tilespmem:s0+$0x98] =	vst.add.f32.msk $0xffff, v1  }
0xdb: {  	v1 =	vld [tilespmem:s23+$0x0];
	_ =	sdelay $0x4  }
0xdc: {  	[tilespmem:s0+$0xA8] =	vst.add.f32.msk $0xffff, v1  }
0xdd: {  	v1 =	vld [tilespmem:s23+$0x10];
	_ =	sdelay $0x4  }
0xde: {  	[tilespmem:s0+$0xB8] =	vst.add.f32.msk $0xffff, v1  }
.LBB2_29:
0xdf: {  	s24 =	sadd.s32 $0x1, s24  }
0xe0: {  	p2 =	seq.s32 s24, $0x0  }
.Ltmp17:
0xe1: {  	_ = 	snop;
	(pc) =	sbr.rel @p2 .LBB2_30-.Ltmp17, $2  }
0xe2: {  	_ =	sdelay $0x2  }
0xe3: {  	s23 =	sadd.s32 $0x80, s23;
	s21 =	sadd.s32 $0x1, s21;
	s26 =	smov.u32 s28  }
.LBB2_24:
0xe4: {  	v1 =	vld.msk [tilespmem:s21+$0x0], $0x1;
	_ =	sdelay $0x4  }
0xe5: {  	(v2sf) =	vpush v1, $0x0;
	_ =	sdelay $0xe  }
0xe6: {  	s28 =	spop (v2sf)  }
0xe7: {  	p2 =	sne.s32 s26, s28  }
.Ltmp18:
0xe8: {  	_ = 	snop;
	(pc) =	sbr.rel @!p2 .LBB2_25-.Ltmp18, $2  }
0xe9: {  	_ =	sdelay $0x2  }
0xea: {  	s0 =	sshll.u32 s20, $0x8  }
0xeb: {  	p2 =	seq.s32 s26, s22  }
.Ltmp19:
0xec: {  	_ = 	snop;
	(pc) =	sbr.rel @!p2 .LBB2_27-.Ltmp19, $1  }
0xed: {  	_ =	sdelay $0x3  }
0xee: {  	s0 =	sshra.s32 s0, $0x2  }
.Ltmp20:
0xef: {  	s0 =	sadd.s32 $0x88, s0;
	(pc) =	sbr.rel .LBB2_28-.Ltmp20, $4  }
0xf0: {  	[spmem:s12] =	stream.linear.scatter [tilespmem:s0], [sflag:$0x1], $0x40, $0x38;
	[tilespmem:$0x2188] =	vst v63  }
0xf1: {  	_ =	swait.ge [sflag:s15], $0x40  }
0xf2: {  	[sflag:s15] =	ssyncset.done $0x0  }
0xf3: {  	[sflag:s15] =	ssyncadd.s32 $0xFFFFFFC0  }
.LBB2_27:
0xf4: {  	s2 =	sshll.u32 s25, $0x8  }
0xf5: {  	s2 =	sshra.s32 s2, $0x2  }
0xf6: {  	v1 =	vld [tilespmem:s2+$0x4C8];
	_ =	sdelay $0x3  }
0xf7: {  	s0 =	sshra.s32 s0, $0x2  }
0xf8: {  	[tilespmem:s0+$0x88] =	vst.add.f32.msk $0xffff, v1  }
0xf9: {  	v1 =	vld [tilespmem:s2+$0x4D8];
	_ =	sdelay $0x4  }
0xfa: {  	[tilespmem:s0+$0x98] =	vst.add.f32.msk $0xffff, v1  }
0xfb: {  	v1 =	vld [tilespmem:s2+$0x4E8];
	_ =	sdelay $0x4  }
0xfc: {  	[tilespmem:s0+$0xA8] =	vst.add.f32.msk $0xffff, v1  }
0xfd: {  	v1 =	vld [tilespmem:s2+$0x4F8];
	_ =	sdelay $0x2  }
0xfe: {  	p2 =	sgt.u32 s26, $0x3E78  }
0xff: {  	s2 =	sand.u32 @!p2 $0x3FF8, s26  }
0x100: {  	s7 =	sadd.s32 $0x88, s0;
	[tilespmem:s0+$0xB8] =	vst.add.f32.msk $0xffff, v1;
	s0 =	sadd.s32 @!p2 s1, s2;
	s2 =	sand.u32 @!p2 $0x7, s26  }
0x101: {  	[hbm4b:s0+s2] =	stream.linear.scatter @!p2 [tilespmem:s7], [sflag:$0xA], $0x40, $0x38;
	[tilespmem:$0x2188] =	vst v63  }
0x102: {  	s0 =	simm.s32 $0x0  }
0x103: {  	s0 =	simm.s32 @!p2 $0x100  }
0x104: {  	s29 =	sadd.s32 s0, s29  }
.LBB2_28:
0x105: {  	v1 =	vld [tilespmem:s23+$0xFFFFFFE0];
	_ =	sdelay $0x1  }
0x106: {  	s0 =	sadd.s32 $0x1, s20  }
0x107: {  	s20 =	sand.u32 $0xF, s0  }
0x108: {  	s0 =	sshll.u32 s20, $0x6  }
0x109: {  	[tilespmem:s0+$0x88] =	vst v1  }
0x10a: {  	v1 =	vld [tilespmem:s23+$0xFFFFFFF0];
	_ =	sdelay $0x4  }
0x10b: {  	[tilespmem:s0+$0x98] =	vst v1  }
0x10c: {  	v1 =	vld [tilespmem:s23+$0x0];
	_ =	sdelay $0x4  }
0x10d: {  	[tilespmem:s0+$0xA8] =	vst v1  }
0x10e: {  	v1 =	vld [tilespmem:s23+$0x10]  }
.Ltmp21:
0x10f: {  	_ = 	snop;
	(pc) =	sbr.rel .LBB2_29-.Ltmp21, $2  }
0x110: {  	_ =	sdelay $0x2  }
0x111: {  	s25 =	sadd.s32 $0x1, s25;
	[tilespmem:s0+$0xB8] =	vst v1  }
.LBB2_31:
.Ltmp22:
0x112: {  	(pc) =	sbr.rel .LBB2_32-.Ltmp22, $4  }
0x113: {  	_ = 	snop  }
0x114: {  	s0 =	simm.s32 $0x2  }
0x115: {  	_ =	swait.ge [sflag:s0], $0x0  }
0x116: {  	s28 =	smov.u32 s26;
	[sflag:s0] =	ssyncset.done $0x0;
	s0 =	simm.s32 $0x0  }
.LBB2_5:
.Ltmp23:
0x117: {  	(pc) =	sbr.rel .LBB2_14-.Ltmp23, $2  }
0x118: {  	_ =	sdelay $0x2  }
0x119: {  	s23 =	smov.u32 s21  }
.LBB2_7:
.Ltmp24:
0x11a: {  	(pc) =	sbr.rel .LBB2_14-.Ltmp24, $2  }
0x11b: {  	_ =	sdelay $0x2  }
0x11c: {  	s23 =	smov.u32 s21  }
.LBB2_9:
.Ltmp25:
0x11d: {  	(pc) =	sbr.rel .LBB2_14-.Ltmp25, $2  }
0x11e: {  	_ =	sdelay $0x3  }
0x11f: {  	s23 =	smov.u32 s21  }
.LBB2_11:
.Ltmp26:
0x120: {  	(pc) =	sbr.rel .LBB2_14-.Ltmp26, $2  }
0x121: {  	_ =	sdelay $0x2  }
0x122: {  	s24 =	smov.u32 s21  }
.LBB2_34:
0x123: {  	_ =	sfence.sel $0x180000  }
0x124: {  	s0 =	simm.s32 $0x7;
	[bflag:$0x0] =	sbarrier.arrive $0xFFFF  }
0x125: {  	s25 =	simm.s32 $0x8;
	[sflag:s0] =	ssyncpa.u1 $0x1  }
0x126: {  	s26 =	simm.s32 $0x9;
	[sflag:s25] =	ssyncpa.u1 $0x1  }
0x127: {  	s28 =	simm.s32 $0x2;
	[sflag:s26] =	ssyncpa.u1 $0x1  }
0x128: {  	[sflag:s28] =	ssyncpa.u1 $0x1  }
0x129: {  	v0 =	vld [tilespmem:$0x908];
	_ =	sdelay $0x4  }
0x12a: {  	(v2sf) =	vpush v0, $0x0  }
0x12b: {  	(v2sf) =	vpush v0, $0x1;
	_ =	sdelay $0x1  }
0x12c: {  	(v2sf) =	vpush v0, $0x2;
	_ =	sdelay $0xb  }
0x12d: {  	s0 =	spop (v2sf)  }
0x12e: {  	s2 =	spop (v2sf)  }
0x12f: {  	s3 =	smov.u32 s0;
	p0 =	sne.s32 s0, s2  }
0x130: {  	s4 =	spop (v2sf);
	s3 =	simm.s32 @!p0 $0xFFFFFFFF  }
0x131: {  	v2 =	vimm.s32 $0x1;
	v3 =	vlaneseq.u32;
	p0 =	seq.s32 s4, $0xFFFFFFFF;
	v1 =	vmov s3  }
0x132: {  	s7 =	stileid.u32;
	v0 =	vperm.xlane v0, v2;
	p1 =	sne.s32 @!p0 s0, s2;
	v1 =	vperm.xlane v1, v3  }
0x133: {  	vm0 =	vcmask $0x3F04;
	s6 =	simm.s32 $0x908;
	s0 =	simm.s32 @!p0 $0x1;
	p1 =	por !p1, p0  }
0x134: {  	s3 =	sshll.u32 s7, $0x1;
	s2 =	sshll.u32 @!p0 s4, $0x8;
	s0 =	simm.s32 @p1 $0x0;
	v0 =	vsel vm0, v1, v0  }
0x135: {  	s5 =	sor.u32 $0x800, s3;
	s2 =	sshra.s32 @!p0 s2, $0x2;
	s0 =	sor.u32 @!p0 s0, s3;
	[tilespmem:$0x908] =	vst v0  }
0x136: {  	[spmem:s5] =	stream.linear.scatter [tilespmem:s6], [sflag:$0x1], $0x2, $0x38;
	[tilespmem:$0x2188] =	vst v63  }
0x137: {  	s2 =	sadd.s32 @!p0 $0x88, s2;
	s0 =	sshll.u32 @!p0 s0, $0x6  }
0x138: {  	[spmem:s0] =	stream.linear.scatter @!p0 [tilespmem:s2], [sflag:$0x1], $0x40, $0x38;
	[tilespmem:$0x2188] =	vst v63  }
0x139: {  	s2 =	simm.s32 @!p0 $0x42  }
0x13a: {  	s0 =	simm.s32 $0x1;
	s2 =	simm.s32 @p0 $0x2  }
0x13b: {  	_ =	swait.ge [sflag:s0], s2  }
0x13c: {  	s2 =	ssub.s32 $0x0, s2;
	[sflag:s0] =	ssyncset.done $0x0  }
0x13d: {  	[sflag:s0] =	ssyncadd.s32 s2  }
0x13e: {  	_ =	sfence.stream.spmem  }
0x13f: {  	s29 =	simm.s32 $0x3;
	[bflag:$0x0] =	sbarrier.arrive $0xFFFF  }
0x140: {  	s30 =	simm.s32 $0x4;
	[sflag:s29] =	ssyncpa.u1 $0x1  }
0x141: {  	s31 =	simm.s32 $0x3C;
	[sflag:s30] =	ssyncpa.u1 $0x1  }
0x142: {  	p0 =	sne.s32 s7, $0x0;
	[sflag:s31] =	ssyncpa.u1 $0x1  }
0x143: {  	_ =	sfence @p0  }
0x144: {  	[sflag:s0] =	ssyncpa.u1 @p0 $0x1  }
0x145: {  	_ =	strace @p0 $0x9000005F  }
0x146: {  	[bflag:$0x2] =	sbarrier.arrive @p0 $0xFFFF  }
0x147: {  	_ =	shalt @p0  }
.LBB2_35:
0x148: {  	_ =	sfence.stream.spmem;
	s0 =	simm.s32 $0x5  }
0x149: {  	s2 =	simm.s32 $0x800;
	s3 =	simm.s32 $0x918;
	[sflag:s0] =	ssyncpa.u1 $0x0  }
0x14a: {  	[tilespmem:s3], [sflag:$0x5] =	stream.linear.gather [spmem:s2], $0x20, $0x38;
	[tilespmem:$0x2188] =	vst v63  }
0x14b: {  	s30 =	simm.s32 $0x938;
	s2 =	simm.s32 $0x0  }
0x14c: {  	[tilespmem:s30], [sflag:$0x5] =	stream.linear.gather [spmem:s2], $0x800, $0x38;
	[tilespmem:$0x2188] =	vst v63  }
.Ltmp27:
0x14d: {  	_ = 	snop;
	(pc) =	sbr.rel .LBB2_36-.Ltmp27, $4  }
0x14e: {  	_ =	swait.ge [sflag:s0], $0x820  }
0x14f: {  	[sflag:s0] =	ssyncset.done $0x0  }
0x150: {  	s31 =	simm.s32 $0x6;
	[sflag:s0] =	ssyncadd.s32 $0xFFFFF7E0  }
0x151: {  	s3 =	simm.s32 $0x0;
	[sflag:s31] =	ssyncpa.u1 $0x0  }
.LBB2_42:
0x152: {  	p0 =	slt.u32 s4, $0x3E79  }
0x153: {  	s0 =	sand.u32 @p0 $0x3FF8, s4  }
0x154: {  	s4 =	sand.u32 @p0 $0x7, s4;
	s5 =	simm.s32 @p0 $0x8C8;
	s0 =	sadd.s32 @p0 s1, s0  }
0x155: {  	[tilespmem:s5], [sflag:$0x6] =	stream.linear.gather @p0 [hbm4b:s0+s4], $0x40, $0x38;
	[tilespmem:$0x2188] =	vst v63  }
0x156: {  	s0 =	simm.s32 @p0 $0x6  }
0x157: {  	_ =	swait.ge @p0 [sflag:s0], $0x40  }
0x158: {  	[sflag:s0] =	ssyncset.done @p0 $0x0  }
0x159: {  	[sflag:s0] =	ssyncadd.s32 @p0 $0xFFFFFFC0  }
0x15a: {  	v1 =	vld @p0 [tilespmem:$0x8C8];
	_ =	sdelay $0x2  }
0x15b: {  	s0 =	sshll.u32 @p0 s3, $0x8  }
0x15c: {  	s4 =	sshrl.u32 @p0 s0, $0x2  }
0x15d: {  	[tilespmem:s4+$0x938] =	vst.add.f32.msk @p0 $0xffff, v1  }
0x15e: {  	v1 =	vld @p0 [tilespmem:$0x8D8];
	_ =	sdelay $0x4  }
0x15f: {  	[tilespmem:s4+$0x948] =	vst.add.f32.msk @p0 $0xffff, v1  }
0x160: {  	v1 =	vld @p0 [tilespmem:$0x8E8];
	_ =	sdelay $0x4  }
0x161: {  	[tilespmem:s4+$0x958] =	vst.add.f32.msk @p0 $0xffff, v1  }
0x162: {  	v1 =	vld @p0 [tilespmem:$0x8F8];
	_ =	sdelay $0x3  }
0x163: {  	s5 =	sshll.u32 @!p0 s3, $0x8  }
0x164: {  	s5 =	smov.u32 @p0 s0;
	[tilespmem:s4+$0x968] =	vst.add.f32.msk @p0 $0xffff, v1  }
0x165: {  	s0 =	sshrl.u32 s5, $0x2;
	[tilespmem:s2+$0x918] =	vst.msk $0x1, v0  }
0x166: {  	v0 =	vld [tilespmem:s0+$0x938];
	_ =	sdelay $0x2  }
0x167: {  	s31 =	sshll.u32 s2, $0x8  }
0x168: {  	s4 =	sshra.s32 s31, $0x2  }
0x169: {  	[tilespmem:s4+$0x938] =	vst v0  }
0x16a: {  	v0 =	vld [tilespmem:s0+$0x948];
	_ =	sdelay $0x4  }
0x16b: {  	[tilespmem:s4+$0x948] =	vst v0  }
0x16c: {  	v0 =	vld [tilespmem:s0+$0x958];
	_ =	sdelay $0x4  }
0x16d: {  	[tilespmem:s4+$0x958] =	vst v0  }
0x16e: {  	v0 =	vld [tilespmem:s0+$0x968];
	_ =	sdelay $0x4  }
0x16f: {  	s2 =	sadd.s32 $0x1, s2;
	[tilespmem:s4+$0x968] =	vst v0  }
.LBB2_43:
0x170: {  	s3 =	sadd.s32 $0x1, s3  }
0x171: {  	p0 =	sne.s32 s3, $0x20  }
.Ltmp28:
0x172: {  	_ = 	snop;
	(pc) =	sbr.rel @!p0 .LBB2_44-.Ltmp28, $1  }
0x173: {  	_ =	sdelay $0x3  }
.LBB2_36:
0x174: {  	v0 =	vld.msk [tilespmem:s3+$0x918], $0x1;
	_ =	sdelay $0x4  }
0x175: {  	(v2sf) =	vpush v0, $0x0;
	_ =	sdelay $0xe  }
0x176: {  	s4 =	spop (v2sf)  }
0x177: {  	p0 =	seq.s32 s4, $0xFFFFFFFF  }
.Ltmp29:
0x178: {  	_ = 	snop;
	(pc) =	sbr.rel @p0 .LBB2_43-.Ltmp29, $1  }
0x179: {  	_ =	sdelay $0x3  }
0x17a: {  	p0 =	slt.s32 s2, $0x1  }
.Ltmp30:
0x17b: {  	_ = 	snop;
	(pc) =	sbr.rel @p0 .LBB2_42-.Ltmp30, $1  }
0x17c: {  	_ =	sdelay $0x3  }
0x17d: {  	s5 =	simm.s32 $0x918;
	p0 =	por $0x0, $0x0  }
0x17e: {  	v1 =	vld.msk @!p0 [tilespmem:s5+$0x0], $0x1;
	_ =	sdelay $0x4  }
0x17f: {  	(v2sf) =	vpush @!p0 v1, $0x0;
	_ =	sdelay $0xd  }
0x180: {  	p2 =	sne.s32 s2, $0x1  }
.Ltmp31:
0x181: {  	s0 =	spop @!p0 (v2sf);
	(pc) =	sbr.rel @!p2 .LBB2_40-.Ltmp31, $4  }
0x182: {  	p1 =	seq.s32 @!p0 s4, s0  }
0x183: {  	s6 =	simm.s32 $0x0;
	p1 =	por !p1, p0  }
0x184: {  	s0 =	simm.s32 $0xFFFFFFFF;
	s6 =	simm.s32 @p1 $0xFFFFFFFF  }
0x185: {  	s7 =	simm.s32 $0x1;
	s6 =	smov.u32 @p0 s0  }
.LBB2_39:
0x186: {  	s0 =	smov.u32 s6;
	p0 =	sne.s32 s6, $0xFFFFFFFF  }
0x187: {  	s5 =	sadd.s32 $0x1, s5;
	s6 =	smov.u32 s7;
	s7 =	sadd.s32 $0x1, s7  }
0x188: {  	p1 =	sne.s32 s2, s7;
	v1 =	vld.msk @!p0 [tilespmem:s5+$0x0], $0x1;
	_ =	sdelay $0x4  }
0x189: {  	(v2sf) =	vpush @!p0 v1, $0x0;
	_ =	sdelay $0xe  }
.Ltmp32:
0x18a: {  	s8 =	spop @!p0 (v2sf);
	(pc) =	sbr.rel @p1 .LBB2_39-.Ltmp32, $4  }
0x18b: {  	p2 =	seq.s32 @!p0 s4, s8  }
0x18c: {  	p2 =	por !p2, p0  }
0x18d: {  	s6 =	simm.s32 @p2 $0xFFFFFFFF  }
0x18e: {  	s6 =	smov.u32 @p0 s0  }
.LBB2_40:
0x18f: {  	p0 =	seq.s32 s6, $0xFFFFFFFF  }
.Ltmp33:
0x190: {  	_ = 	snop;
	(pc) =	sbr.rel @p0 .LBB2_42-.Ltmp33, $1  }
0x191: {  	_ =	sdelay $0x3  }
0x192: {  	s0 =	sshll.u32 s3, $0x6  }
0x193: {  	s0 =	sand.u32 $0x3FFFFFC0, s0  }
0x194: {  	v0 =	vld [tilespmem:s0+$0x938];
	_ =	sdelay $0x2  }
0x195: {  	s4 =	sshll.u32 s6, $0x8  }
0x196: {  	s4 =	sshra.s32 s4, $0x2  }
0x197: {  	[tilespmem:s4+$0x938] =	vst.add.f32.msk $0xffff, v0  }
0x198: {  	v0 =	vld [tilespmem:s0+$0x948];
	_ =	sdelay $0x4  }
0x199: {  	[tilespmem:s4+$0x948] =	vst.add.f32.msk $0xffff, v0  }
0x19a: {  	v0 =	vld [tilespmem:s0+$0x958];
	_ =	sdelay $0x4  }
0x19b: {  	[tilespmem:s4+$0x958] =	vst.add.f32.msk $0xffff, v0  }
0x19c: {  	v0 =	vld [tilespmem:s0+$0x968]  }
.Ltmp34:
0x19d: {  	_ = 	snop;
	(pc) =	sbr.rel .LBB2_43-.Ltmp34, $2  }
0x19e: {  	_ =	sdelay $0x2  }
0x19f: {  	[tilespmem:s4+$0x968] =	vst.add.f32.msk $0xffff, v0  }
.LBB2_44:
0x1a0: {  	p0 =	slt.s32 s2, $0x1  }
.Ltmp35:
0x1a1: {  	_ = 	snop;
	(pc) =	sbr.rel @p0 .LBB2_48-.Ltmp35, $3  }
0x1a2: {  	_ =	sdelay $0x1  }
0x1a3: {  	s0 =	simm.s32 $0x6  }
0x1a4: {  	s3 =	simm.s32 $0x0;
	[sflag:s0] =	ssyncpa.u1 $0x1  }
0x1a5: {  	s0 =	simm.s32 $0x918  }
0x1a6: {  	v0 =	vld.msk [tilespmem:s0+$0x0], $0x1;
	_ =	sdelay $0x4  }
0x1a7: {  	(v2sf) =	vpush v0, $0x0;
	_ =	sdelay $0xe  }
0x1a8: {  	s2 =	sadd.s32 $0xFFFFFFFF, s2;
	s0 =	spop (v2sf)  }
0x1a9: {  	p1 =	sne.s32 s2, $0x0;
	p0 =	sgt.u32 s0, $0x3E78  }
.Ltmp36:
0x1aa: {  	s5 =	sand.u32 @!p0 $0x3FF8, s0;
	(pc) =	sbr.rel @!p1 .LBB2_47-.Ltmp36, $4  }
0x1ab: {  	s4 =	simm.s32 $0x938;
	s0 =	sand.u32 @!p0 $0x7, s0;
	s5 =	sadd.s32 @!p0 s1, s5  }
0x1ac: {  	[hbm4b:s5+s0] =	stream.linear.scatter @!p0 [tilespmem:s4], [sflag:$0x5], $0x40, $0x38;
	[tilespmem:$0x2188] =	vst v63  }
0x1ad: {  	s0 =	simm.s32 $0x0  }
0x1ae: {  	s5 =	simm.s32 $0x919;
	s0 =	simm.s32 @!p0 $0x100  }
.LBB2_46:
0x1af: {  	v0 =	vld.msk [tilespmem:s5+$0x0], $0x1;
	s2 =	sadd.s32 $0xFFFFFFFF, s2;
	s3 =	sadd.s32 s3, s0  }
0x1b0: {  	p0 =	sne.s32 s2, $0x0;
	_ =	sdelay $0x3  }
0x1b1: {  	(v2sf) =	vpush v0, $0x0;
	_ =	sdelay $0xe  }
.Ltmp37:
0x1b2: {  	s6 =	spop (v2sf);
	(pc) =	sbr.rel @p0 .LBB2_46-.Ltmp37, $4  }
0x1b3: {  	s0 =	simm.s32 $0x0;
	p1 =	sgt.u32 s6, $0x3E78  }
0x1b4: {  	s4 =	sadd.s32 $0x40, s4;
	s0 =	simm.s32 @!p1 $0x100;
	s7 =	sand.u32 @!p1 $0x3FF8, s6  }
0x1b5: {  	s5 =	sadd.s32 $0x1, s5;
	s6 =	sand.u32 @!p1 $0x7, s6;
	s7 =	sadd.s32 @!p1 s1, s7  }
0x1b6: {  	[hbm4b:s7+s6] =	stream.linear.scatter @!p1 [tilespmem:s4], [sflag:$0x5], $0x40, $0x38;
	[tilespmem:$0x2188] =	vst v63  }
.LBB2_47:
0x1b7: {  	s0 =	sadd.s32 s3, s0  }
0x1b8: {  	s3 =	sshrl.u32 s0, $0x2  }
.LBB2_48:
0x1b9: {  	s0 =	simm.s32 $0x5  }
0x1ba: {  	_ =	swait.ge [sflag:s0], s3  }
0x1bb: {  	s1 =	ssub.s32 $0x0, s3;
	[sflag:s0] =	ssyncset.done $0x0  }
0x1bc: {  	[sflag:s0] =	ssyncadd.s32 s1  }
0x1bd: {  	[sflag:s0] =	ssyncpa.u1 $0x1  }
0x1be: {  	s30 =	simm.s32 $0x1;
	_ =	sfence  }
0x1bf: {  	[sflag:s30] =	ssyncpa.u1 $0x1  }
0x1c0: {  	_ =	strace $0x9000005F  }
0x1c1: {  	[bflag:$0x2] =	sbarrier.arrive $0xFFFF  }
0x1c2: {  	s31 =	rddreg [dreg:$0x1]  }
0x1c3: {  	s0 =	sadd.s32 $0x100000, s31  }
0x1c4: {  	[sflag:s0] =	ssyncadd.tile.s32 $0x1;
	_ =	shalt  }
.Lfunc_end2:
_tile_overlayer_lowered:
.L_overlay_start_2:
0x1c5: {  	(tag) =	ssettag $0x2  }
0x1c6: {  	s0 =	rddreg [dreg:$0x0];
	s2 =	stileid.u32  }
0x1c7: {  	s1 =	rddreg [dreg:$0x1];
	p0 =	sne.s32 s2, $0x0  }
0x1c8: {  	s3 =	rddreg [dreg:$0x2];
	[bflag:$0x3] =	sbarrier.arrive $0xFFFF;
	s2 =	simm.s32 @!p0 $0x1C01  }
0x1c9: {  	[timem:s3], [sflag:s2] =	dma.local @!p0 [hbm:s0], s1  }
0x1ca: {  	s0 =	simm.s32 @!p0 $0x1  }
0x1cb: {  	_ =	swait.ge @!p0 [sflag:s0], s1  }
0x1cc: {  	s1 =	ssub.s32 @!p0 $0x0, s1;
	[sflag:s0] =	ssyncset.done @!p0 $0x0  }
0x1cd: {  	[sflag:s0] =	ssyncadd.s32 @!p0 s1  }
0x1ce: {  	[bflag:$0x3] =	sbarrier.arrive $0xFFFF  }
0x1cf: {  	_ =	shalt  }

// kernel: sparse-core-data-format-call.cloned.1.call-start
scs
called_computation.5_lowered:
.L_overlay_start_0:
0x0: {  	s2 =	sld [smem:$0x3FD9]  }
0x1: {  	s3 =	sld [smem:$0x3FFE];
	_ =	sdelay $0x1  }
0x2: {  	s1 =	srdreg.scid  }
0x3: {  	s0 =	sand.u32 $0x1, s1  }
0x4: {  	s18 =	sshll.u32 s0, $0xA;
	s2 =	sadd.s32 s3, s2  }
0x5: {  	s2 =	sadd.s32 s2, s18  }
0x6: {  	[smem:$0x3FB5] =	sst s2  }
0x7: {  	_ = 	snop  }
0x8: {  	(tm) =	ssettm $0x1  }
0x9: {  	s19 =	sld [smem:$0x3FFB];
	_ =	sdelay $0x3  }
0xa: {  	_ =	strace s19  }
0xb: {  	s2 =	sld [smem:$0x3FFC];
	_ =	sdelay $0x3  }
0xc: {  	_ =	strace s2  }
0xd: {  	s2 =	sld [smem:$0x3FFD];
	_ =	sdelay $0x3  }
0xe: {  	_ =	strace s2  }
0xf: {  	_ =	strace $0x8FFFFFFF  }
0x10: {  	s20 =	sld [smem:$0x3FDB];
	_ =	sdelay $0x1  }
0x11: {  	s21 =	simm.s32 $_scs_section_size  }
0x12: {  	s4 =	simm.s32 $_size__tile_overlayer_lowered;
	s5 =	simm.s32 $_tile_overlayer_lowered  }
0x13: {  	s6 =	simm.s32 $0x1BFF;
	s22 =	sshll.u32 s5, $0x1;
	s3 =	sadd.s32 s21, s20  }
0x14: {  	s23 =	simm.s32 $0x0;
	s4 =	sshll.u32 s4, $0x1;
	s5 =	sadd.s32 s22, s3  }
0x15: {  	[timem:s23], [sflag:s6] =	dma.local [hbm:s5], s4  }
0x16: {  	_ =	swait.ge [sflag:s6], s4  }
0x17: {  	s4 =	ssub.s32 $0x0, s4;
	[sflag:s6] =	ssyncset.done $0x0  }
0x18: {  	[sflag:s6] =	ssyncadd.s32 s4;
	_ =	sdelay $0x1  }
0x19: {  	s24 =	simm.s32 $0x1B8B  }
0x1a: {  	_ =	swait.ge [sflag:s24], $0x1  }
0x1b: {  	[sflag:s24] =	ssyncset.done $0x0  }
0x1c: {  	[sflag:s24] =	ssyncadd.s32 $0xFFFFFFFF  }
0x1d: {  	s4 =	sld [smem:$0x0]  }
0x1e: {  	s5 =	sand.u32 $0xFFFFFFFE, s1  }
0x1f: {  	p0 =	sne.s32 s1, s5  }
0x20: {  	s5 =	sshll.u32 @p0 s5, $0xE  }
0x21: {  	s5 =	sadd.s32 @p0 $0x11B8D, s5;
	s6 =	sshll.u32 @p0 s4, $0x11  }
0x22: {  	s5 =	sor.u32 @p0 s6, s5  }
0x23: {  	[sflag:s5] =	ssyncadd.remote.s32 @p0 $0x1;
	_ =	sdelay $0x1  }
0x24: {  	s5 =	simm.s32 @p0 $0x1B8D  }
0x25: {  	_ =	swait.eq @p0 [sflag:s5], $0x1  }
0x26: {  	[sflag:s5] =	ssyncadd.s32 @p0 $0xFFFFFFFF  }
0x27: {  	s6 =	sshll.u32 @!p0 s1, $0xE  }
0x28: {  	s6 =	sor.u32 @!p0 $0x4000, s6;
	s5 =	simm.s32 @!p0 $0x1B8D  }
0x29: {  	s4 =	sshll.u32 @!p0 s4, $0x11;
	s6 =	sadd.s32 @!p0 $0x11B8D, s6;
	_ =	swait.eq @!p0 [sflag:s5], $0x1  }
0x2a: {  	s4 =	sor.u32 @!p0 s4, s6;
	[sflag:s5] =	ssyncadd.s32 @!p0 $0xFFFFFFFF  }
0x2b: {  	s26 =	simm.s32 $0x1B8E;
	s25 =	sld [smem:$0x3FFE];
	[sflag:s4] =	ssyncadd.remote.s32 @!p0 $0x1  }
0x2c: {  	s27 =	simm.s32 $execute0_lowered;
	[smem:$0x3FD2] =	sst s26  }
0x2d: {  	s5 =	sshll.u32 s27, $0x1;
	_ =	strace $0x8000005B;
	[dreg:$0x1] =	wrdreg $0xFFFFFFFF  }
0x2e: {  	s28 =	simm.s32 $_size_execute0_lowered;
	s3 =	sadd.s32 s3, s5;
	[dreg:$0x0] =	wrdreg $0x0  }
0x2f: {  	s5 =	sshll.u32 s28, $0x1;
	[dreg:$0x2] =	wrdreg s3  }
0x30: {  	[dreg:$0x3] =	wrdreg s5  }
0x31: {  	[dreg:$0x4] =	wrdreg $0xC0  }
0x32: {  	_ =	task [dreg:s23], $0x5FFFF  }
0x33: {  	[dreg:$0x1] =	wrdreg $0xFFFFFFFF  }
0x34: {  	[dreg:$0x0] =	wrdreg $0x60  }
0x35: {  	[dreg:$0x2] =	wrdreg s25  }
0x36: {  	[dreg:$0x3] =	wrdreg $0xC  }
0x37: {  	_ =	task.clear_ibuf [dreg:s23], $0x4FFFF;
	_ =	strace $0x9000005B  }
0x38: {  	s29 =	simm.s32 $0xC;
	_ =	strace $0x8000005D  }
0x39: {  	_ =	swait.ge [sflag:s29], $0x1  }
0x3a: {  	[sflag:s29] =	ssyncadd.s32 $0xFFFFFFFF  }
0x3b: {  	_ =	strace $0x9000005D  }
0x3c: {  	_ =	sfence  }
0x3d: {  	s30 =	sld [smem:$0x0];
	_ =	sdelay $0x2  }
0x3e: {  	s31 =	sshll.u32 s1, $0xD;
	s1 =	sshrl.u32 s1, $0x2  }
0x3f: {  	s4 =	sand.u32 $0x4000, s31;
	s1 =	sadd.s32 s1, s30  }
0x40: {  	s0 =	sor.u32 s4, s0;
	s1 =	sshll.u32 s1, $0x11  }
0x41: {  	s0 =	sor.u32 s1, s0  }
0x42: {  	s0 =	sadd.s32 $0x8F2B, s0  }
0x43: {  	[sflag:s0] =	ssyncadd.remote.s32 $0x1  }
0x44: {  	_ =	sfence.sel $0xFFFF  }
0x45: {  	[dreg:$0x0] =	wrdreg $0xFFFFFFFF;
	(pc) =	sbr.abs _section_cstart, $3  }
0x46: {  	[dreg:$0x1] =	wrdreg $0xFFFFFFFF  }
0x47: {  	_ =	task.clear_ibuf [dreg:s23], $0x2FFFF;
	_ =	strace $0x9FFFFFFF  }
0x48: {  	(tm) =	ssettm $0x7FFFFFFF  }
0x49: {  	_ =	shalt  }
tec
execute0_lowered:
.L_overlay_start_1:
0x0: {  	(tag) =	ssettag $0x1  }
0x1: {  	s1 =	rddreg [dreg:$0x0]  }
0x2: {  	s2 =	srdreg.scid;
	s0 =	rddreg [dreg:$0x1];
	_ =	strace $0x8000005C  }
0x3: {  	s5 =	simm.s32 $0x1;
	s8 =	simm.s32 $0x2;
	s14 =	simm.s32 $0x0  }
0x4: {  	p0 =	por $0x0, $0x0;
	s13 =	simm.s32 $0x0;
	s3 =	sshll.u32 s2, $0x7  }
0x5: {  	s12 =	simm.s32 $0x0;
	s2 =	sadd.s32 $0x818400, s1;
	s3 =	sand.u32 $0x80, s3  }
.Ltmp0:
0x6: {  	s4 =	sadd.s32 $0xA89400, s1;
	s6 =	ssub.s32 $0x2800, s3;
	(pc) =	sbr.rel .LBB1_1-.Ltmp0, $4  }
0x7: {  	s1 =	stileid.u32;
	[sflag:s5] =	ssyncpa.u1 $0x0;
	s7 =	sshrl.u32 s6, $0x7  }
0x8: {  	[sflag:s8] =	ssyncpa.u1 $0x0;
	s9 =	sshrl.u32 s6, $0x8;
	s7 =	sand.u32 $0x1, s7  }
0x9: {  	s10 =	smov.u32 s3;
	s6 =	sshll.u32 s1, $0x7;
	s7 =	sadd.s32 s9, s7  }
0xa: {  	s11 =	smov.u32 s6;
	s9 =	simm.s32 $0x4000;
	s8 =	sadd.s32 $0x1, s7  }
.LBB1_4:
0xb: {  	v5 =	vld [tilespmem:s18+$0xFFFFFFD0];
	[tilespmem:s17+$0x2040 ss:$0x81] =	vst.msk $0xffff, v4;
	s20 =	sshll.u32 s14, $0xB;
	s21 =	sshll.u32 s13, $0x3  }
0xc: {  	v58 =	vld [tilespmem:s18+$0xFFFFFFE0];
	[tilespmem:s17+$0x2850 ss:$0x81] =	vst.msk $0xffff, v3;
	s20 =	sand.u32 $0xFFFFC000, s20;
	s22 =	sand.u32 $0xFFFFFC00, s21  }
0xd: {  	s19 =	sshra.s32 s19, $0x2;
	v59 =	vld [tilespmem:s18+$0xFFFFFFF0];
	[tilespmem:s17+$0x3060 ss:$0x81] =	vst.msk $0xffff, v2;
	s20 =	sadd.s32 s22, s20  }
0xe: {  	v60 =	vld [tilespmem:s18+$0x0];
	[tilespmem:s17+$0x0 ss:$0x81] =	vst.msk $0xffff, v0;
	s16 =	sadd.s32 s19, s16;
	s26 =	sshrl.u32 s20, $0xB  }
0xf: {  	v61 =	vld [tilespmem:s18+$0x10];
	[tilespmem:s16+$0x3870 ss:$0x81] =	vst.msk $0xffff, v1;
	s27 =	smulhi.u32 $0xCCCCD, s26  }
0x10: {  	v62 =	vld [tilespmem:s18+$0x20];
	s28 =	sand.u32 $0x78, s13;
	[tilespmem:s16+$0x810 ss:$0x81] =	vst.msk $0xffff, v5  }
0x11: {  	v63 =	vld [tilespmem:s18+$0xFFFFFFC0];
	s29 =	sshll.u32 s14, $0x7;
	s30 =	sand.u32 $0x400, s21;
	[tilespmem:s16+$0x1020 ss:$0x81] =	vst.msk $0xffff, v58;
	s19 =	sshrl.u32 s27, $0x1  }
0x12: {  	s14 =	sand.u32 $0x380, s29;
	s18 =	sor.u32 s28, s30;
	[tilespmem:s16+$0x1830 ss:$0x81] =	vst.msk $0xffff, v59;
	s19 =	smul.u32 $0x2800, s19  }
0x13: {  	s14 =	sor.u32 s14, s18;
	[tilespmem:s16+$0x2040 ss:$0x81] =	vst.msk $0xffff, v60  }
0x14: {  	s31 =	sand.u32 $0x7, s13;
	s14 =	sshrl.u32 s14, $0x3;
	[tilespmem:s16+$0x2850 ss:$0x81] =	vst.msk $0xffff, v61;
	s17 =	ssub.s32 s26, s19  }
0x15: {  	s13 =	sshll.u32 s31, $0x12;
	[tilespmem:s16+$0x3060 ss:$0x81] =	vst.msk $0xffff, v62;
	s14 =	sadd.s32 s4, s14;
	s17 =	sshll.u32 s17, $0x8  }
0x16: {  	s13 =	sor.u32 $0x400, s13;
	[tilespmem:s16+$0x0 ss:$0x81] =	vst.msk $0xffff, v63;
	s14 =	sadd.s32 s17, s14  }
0x17: {  	[hbm4b:s14+s13] =	stream.strided.scatter [tilespmem:s15], [sflag:$0x2], $0x4000, s9, s13, $0x20;
	[tilespmem:$0x10100] =	vst v63  }
.LBB1_5:
0x18: {  	s15 =	sadd.s32 $0x100, s10  }
0x19: {  	s13 =	sadd.s32 $0x800, s11;
	s17 =	smov.u32 s11;
	p2 =	sgt.s32 s15, $0x27FF  }
0x1a: {  	s17 =	smov.u32 @p2 s13  }
0x1b: {  	s15 =	smov.u32 @p2 s3;
	p2 =	sgt.s32 s17, $0x7CF  }
0x1c: {  	s17 =	smov.u32 @p2 s6;
	p2 =	sne.s32 s12, s8  }
.Ltmp1:
0x1d: {  	p1 =	slt.u32 s12, $0x2;
	(pc) =	sbr.rel @!p2 .LBB1_6-.Ltmp1, $4  }
0x1e: {  	s16 =	simm.s32 @!p1 $0x2  }
0x1f: {  	s14 =	smov.u32 s10;
	p0 =	por !p0, !p0;
	_ =	swait.ge @!p1 [sflag:s16], $0x4000  }
0x20: {  	s13 =	smov.u32 s11;
	[sflag:s16] =	ssyncset.done @!p1 $0x0;
	s10 =	smov.u32 s15  }
0x21: {  	s12 =	sadd.s32 $0x1, s12;
	[sflag:s16] =	ssyncadd.s32 @!p1 $0xFFFFC000;
	s11 =	smov.u32 s17  }
.LBB1_1:
0x22: {  	p1 =	sge.u32 s12, s7  }
0x23: {  	s20 =	smov.u32 s10;
	s31 =	sadd.s32 $0xFFFFFFFF, s12;
	s15 =	sshrl.u32 @!p1 s11, $0x3  }
0x24: {  	s16 =	sshll.u32 @!p1 s10, $0x3;
	s17 =	sshll.u32 @!p1 s11, $0x7;
	s18 =	sand.u32 @!p1 $0x7F, s10  }
0x25: {  	p2 =	sgt.s32 @!p1 s11, $0x750;
	s19 =	sshra.s32 @!p1 s11, $0x1F;
	s15 =	smul.u32 @!p1 $0x14000, s15  }
0x26: {  	s21 =	sshra.s32 @!p1 s10, $0x1F;
	s16 =	sand.u32 @!p1 $0xFFFFFC00, s16;
	s17 =	sand.u32 @!p1 $0x380, s17  }
0x27: {  	p2 =	por !p2, p1;
	s15 =	sadd.s32 @!p1 s15, s16;
	s16 =	sor.u32 @!p1 s18, s17  }
0x28: {  	s19 =	sand.u32 @!p1 s19, s11;
	s18 =	smov.u32 s11;
	s16 =	sor.u32 @!p1 s15, s16  }
0x29: {  	s15 =	smulhi.u32 @!p1 $0xCCCCCCCD, s15;
	s18 =	simm.s32 @p2 $0x750;
	p2 =	sgt.s32 @!p1 s10, $0x2780  }
0x2a: {  	s21 =	sand.u32 @!p1 s21, s10;
	s17 =	smulhi.u32 @!p1 $0xCCCCCCCD, s16;
	p2 =	por !p2, p1  }
0x2b: {  	s18 =	ssub.s32 @!p1 s18, s19;
	s20 =	simm.s32 @p2 $0x2780;
	s15 =	sshrl.u32 @!p1 s15, $0xD  }
0x2c: {  	s17 =	sshrl.u32 @!p1 s17, $0xD;
	s19 =	ssub.s32 @!p1 s20, s21;
	s20 =	smulhi.u32 @!p1 $0x20C49C, s15  }
0x2d: {  	s21 =	sadd.s32 @!p1 $0xFFFFF8B0, s18;
	s18 =	ssub.s32 @!p1 $0x7D0, s18;
	s17 =	smul.u32 @!p1 $0x2800, s17  }
0x2e: {  	s22 =	sadd.s32 @!p1 $0xFFFFD880, s19;
	p2 =	sgt.s32 @!p1 s21, $0x7F;
	s19 =	ssub.s32 @!p1 $0x2800, s19  }
0x2f: {  	p3 =	sgt.s32 @!p1 s22, $0x7F;
	s20 =	smul.u32 @!p1 $0x7D0, s20;
	p2 =	por !p2, p1  }
0x30: {  	s16 =	ssub.s32 @!p1 s16, s17;
	s17 =	sxor.u32 @!p1 $0xFFFFFFFF, s12;
	p3 =	por !p3, p1  }
0x31: {  	s18 =	simm.s32 @!p2 $0x0;
	s17 =	sshll.u32 @!p1 s17, $0xE;
	s19 =	simm.s32 @!p3 $0x0  }
0x32: {  	s15 =	ssub.s32 @!p1 s15, s20;
	s17 =	sand.u32 @!p1 $0x4000, s17;
	s18 =	smul.u32 @!p1 s18, s19  }
0x33: {  	s15 =	smul.u32 @!p1 $0x500, s15;
	s19 =	sshrl.u32 @!p1 s16, $0x3;
	s16 =	sand.u32 @!p1 $0x7, s16  }
0x34: {  	s19 =	sadd.s32 @!p1 s2, s19;
	s16 =	sshll.u32 @!p1 s16, $0x12;
	s18 =	sand.u32 @!p1 $0x3FFFFFFF, s18  }
0x35: {  	s15 =	sadd.s32 @!p1 s15, s19;
	s16 =	sor.u32 @!p1 $0x400, s16;
	s19 =	simm.s32 @!p1 $0x14000  }
0x36: {  	[tilespmem:s17], [sflag:$0x1] =	stream.strided.gather @!p1 [hbm4b:s15+s16], s18, s19, s16, $0x38;
	[tilespmem:$0x10100] =	vst v63  }
0x37: {  	p1 =	sge.u32 s31, s7  }
.Ltmp2:
0x38: {  	_ = 	snop;
	(pc) =	sbr.rel @p1 .LBB1_5-.Ltmp2, $1  }
0x39: {  	_ =	sdelay $0x3  }
0x3a: {  	p1 =	sgt.s32 s13, $0x750  }
0x3b: {  	s15 =	smov.u32 s13;
	s16 =	sshra.s32 s13, $0x1F;
	s17 =	smov.u32 s14  }
0x3c: {  	s18 =	sshra.s32 s14, $0x1F;
	s15 =	simm.s32 @!p1 $0x750;
	p1 =	sgt.s32 s14, $0x2780  }
0x3d: {  	s16 =	sand.u32 s16, s13;
	s26 =	sand.u32 s18, s14;
	s17 =	simm.s32 @!p1 $0x2780  }
0x3e: {  	s15 =	ssub.s32 s15, s16;
	s16 =	ssub.s32 s17, s26  }
0x3f: {  	s27 =	sadd.s32 $0xFFFFF8B0, s15;
	s15 =	ssub.s32 $0x7D0, s15;
	s17 =	sadd.s32 $0xFFFFD880, s16  }
0x40: {  	p1 =	sgt.s32 s27, $0x7F;
	s16 =	ssub.s32 $0x2800, s16;
	p2 =	sgt.s32 s17, $0x7F  }
0x41: {  	s15 =	simm.s32 @p1 $0x0;
	s16 =	simm.s32 @p2 $0x0  }
0x42: {  	s15 =	smul.u32 s15, s16;
	_ =	sdelay $0x1  }
0x43: {  	s16 =	simm.s32 $0x1;
	s15 =	sand.u32 $0x3FFFFFFF, s15  }
0x44: {  	s16 =	simm.s32 @!p0 $0x0;
	_ =	swait.ge [sflag:s5], s15  }
0x45: {  	s28 =	sshll.u32 s16, $0xE;
	s15 =	ssub.s32 $0x0, s15;
	[sflag:s5] =	ssyncset.done $0x0  }
0x46: {  	s29 =	sor.u32 $0x40, s28;
	[sflag:s5] =	ssyncadd.s32 s15  }
0x47: {  	s30 =	smul.u32 $0x10200, s16;
	v0 =	vld [tilespmem:s29+$0x30]  }
0x48: {  	v1 =	vld [tilespmem:s29+$0xFFFFFFD0]  }
0x49: {  	s15 =	sshrl.u32 s30, $0x2;
	v5 =	vld [tilespmem:s29+$0xFFFFFFE0]  }
0x4a: {  	s16 =	sor.u32 $0x8000, s15;
	v6 =	vld [tilespmem:s29+$0xFFFFFFF0]  }
0x4b: {  	s31 =	sand.u32 $0x1, s12;
	v4 =	vld [tilespmem:s29+$0x0];
	s17 =	sadd.s32 $0x0, s16  }
0x4c: {  	s15 =	smul.u32 $0x10200, s31;
	v3 =	vld [tilespmem:s29+$0x10];
	[tilespmem:s17+$0x3870 ss:$0x81] =	vst.msk $0xffff, v0  }
0x4d: {  	v2 =	vld [tilespmem:s29+$0x20];
	[tilespmem:s17+$0x810 ss:$0x81] =	vst.msk $0xffff, v1  }
0x4e: {  	s18 =	sadd.s32 $0x80, s29;
	s15 =	sshrl.u32 s15, $0x2;
	v0 =	vld [tilespmem:s29+$0xFFFFFFC0];
	[tilespmem:s17+$0x1020 ss:$0x81] =	vst.msk $0xffff, v5  }
0x4f: {  	s19 =	simm.s32 $0x4;
	s20 =	simm.s32 $0x8;
	s15 =	sor.u32 $0x8000, s15;
	v1 =	vld [tilespmem:s18+$0x30];
	[tilespmem:s17+$0x1830 ss:$0x81] =	vst.msk $0xffff, v6  }
.LBB1_3:
0x50: {  	p1 =	sne.s32 s20, $0x1FC;
	v5 =	vld [tilespmem:s18+$0xFFFFFFD0];
	[tilespmem:s17+$0x2040 ss:$0x81] =	vst.msk $0xffff, v4  }
0x51: {  	v6 =	vld [tilespmem:s18+$0xFFFFFFE0];
	[tilespmem:s17+$0x2850 ss:$0x81] =	vst.msk $0xffff, v3  }
0x52: {  	s21 =	sshra.s32 s19, $0x2;
	s19 =	smov.u32 s20;
	v7 =	vld [tilespmem:s18+$0xFFFFFFF0];
	[tilespmem:s17+$0x3060 ss:$0x81] =	vst.msk $0xffff, v2  }
.Ltmp3:
0x53: {  	v4 =	vld [tilespmem:s18+$0x0];
	[tilespmem:s17+$0x0 ss:$0x81] =	vst.msk $0xffff, v0;
	s17 =	sadd.s32 s21, s16;
	(pc) =	sbr.rel @p1 .LBB1_3-.Ltmp3, $4  }
0x54: {  	v3 =	vld [tilespmem:s18+$0x10];
	[tilespmem:s17+$0x3870 ss:$0x81] =	vst.msk $0xffff, v1  }
0x55: {  	[tilespmem:s17+$0x810 ss:$0x81] =	vst.msk $0xffff, v5;
	v2 =	vld [tilespmem:s18+$0x20]  }
0x56: {  	v0 =	vld [tilespmem:s18+$0xFFFFFFC0];
	[tilespmem:s17+$0x1020 ss:$0x81] =	vst.msk $0xffff, v6;
	s18 =	sadd.s32 $0x80, s18  }
0x57: {  	s20 =	sadd.s32 $0x4, s20;
	v1 =	vld [tilespmem:s18+$0x30];
	[tilespmem:s17+$0x1830 ss:$0x81] =	vst.msk $0xffff, v7  }
.Ltmp4:
0x58: {  	_ = 	snop;
	(pc) =	sbr.rel .LBB1_4-.Ltmp4, $1  }
0x59: {  	_ =	sdelay $0x3  }
.LBB1_6:
0x5a: {  	_ =	sfence.sel $0x180000  }
0x5b: {  	s2 =	simm.s32 $0x1;
	[bflag:$0x0] =	sbarrier.arrive $0xFFFF  }
0x5c: {  	s31 =	simm.s32 $0x2;
	[sflag:s2] =	ssyncpa.u1 $0x1  }
0x5d: {  	[sflag:s31] =	ssyncpa.u1 $0x1  }
0x5e: {  	p0 =	sne.s32 s1, $0x0;
	_ =	strace $0x9000005C  }
0x5f: {  	s0 =	sadd.s32 @!p0 $0x100000, s0;
	[bflag:$0x2] =	sbarrier.arrive $0xFFFF  }
0x60: {  	[sflag:s0] =	ssyncadd.tile.s32 @!p0 $0x1;
	_ =	shalt  }
.Lfunc_end1:
_tile_overlayer_lowered:
.L_overlay_start_2:
0x61: {  	(tag) =	ssettag $0x2  }
0x62: {  	s0 =	rddreg [dreg:$0x0];
	s2 =	stileid.u32  }
0x63: {  	s1 =	rddreg [dreg:$0x1];
	p0 =	sne.s32 s2, $0x0  }
0x64: {  	s3 =	rddreg [dreg:$0x2];
	[bflag:$0x3] =	sbarrier.arrive $0xFFFF;
	s2 =	simm.s32 @!p0 $0x1C01  }
0x65: {  	[timem:s3], [sflag:s2] =	dma.local @!p0 [hbm:s0], s1  }
0x66: {  	s0 =	simm.s32 @!p0 $0x1  }
0x67: {  	_ =	swait.ge @!p0 [sflag:s0], s1  }
0x68: {  	s1 =	ssub.s32 @!p0 $0x0, s1;
	[sflag:s0] =	ssyncset.done @!p0 $0x0  }
0x69: {  	[sflag:s0] =	ssyncadd.s32 @!p0 s1  }
0x6a: {  	[bflag:$0x3] =	sbarrier.arrive $0xFFFF  }
0x6b: {  	_ =	shalt  }

</sc_bundles>
